<compile_context>
chip_gen: v7x
topology: tpu7x:2x2x1
jax: 0.10.2.dev20260603
libtpu: 0.0.44.dev20260713+nightly
codegen_flags: <defaults>
</compile_context>

<pallas_src>
import jax
import jax.numpy as jnp
from jax import lax
from jax.experimental import pallas as pl
from jax.experimental.pallas import tpu as pltpu
from jax.experimental.pallas import tpu_sc as plsc

N = 50000
K = 20
NB = 16
L = 16
NWORKERS = 32
R = 392
C = 8192
BCH = 16
GRP = 16
NWARM = 4
NBLK = (N + R - 1) // R
NROWPAD = NBLK * R
NPAD = N + C + BCH * L
GI_MAX = NBLK // NWORKERS
CBUF = BCH * L + 2 * L

_INF = float("inf")


def _sload(ref, idx):
    return ref[pl.ds(idx, L)][0]


def _lane0(vec):
    return lax.squeeze(lax.slice(vec, (0,), (1,)), (0,))


def _broadcast_lane(vec, lane):
    s = lax.squeeze(lax.slice(vec, (lane,), (lane + 1,)), (0,))
    return jnp.full((L,), s, vec.dtype)


def _merge16(d2m, jvec, k0, i0, k1, i1):
    sb, vb = plsc.sort_key_val(d2m, jvec)
    rb = lax.rev(sb, (0,))
    rvb = lax.rev(vb, (0,))
    c1 = k1 <= rb
    lo_k = jnp.where(c1, k1, rb)
    lo_v = jnp.where(c1, i1, rvb)
    ls, lvs = plsc.sort_key_val(lo_k, lo_v)
    rl = lax.rev(ls, (0,))
    rlv = lax.rev(lvs, (0,))
    c2 = k0 <= rl
    m0 = jnp.where(c2, k0, rl)
    m0v = jnp.where(c2, i0, rlv)
    m1 = jnp.where(c2, rl, k0)
    m1v = jnp.where(c2, rlv, i0)
    k0n, i0n = plsc.sort_key_val(m0, m0v)
    k1n, i1n = plsc.sort_key_val(m1, m1v)
    return k0n, i0n, k1n, i1n


def _sc_knn(xq_hbm, xs_hbm, ys_hbm, zs_hbm, srow_hbm, erow_hbm,
            out_hbm, qbuf, sbuf, ebuf, xb, yb, zb, kbuf, ibuf, cdbuf, cibuf):
    wid = lax.axis_index("s") * 2 + lax.axis_index("c")
    iota = lax.iota(jnp.int32, L)

    def chunk_body(t, a0):
        lo = a0 + t * C
        hi = lo + C
        pltpu.sync_copy(xs_hbm.at[pl.ds(lo, C + BCH * L)],
                        xb.at[pl.ds(0, C + BCH * L)])
        pltpu.sync_copy(ys_hbm.at[pl.ds(lo, C + BCH * L)],
                        yb.at[pl.ds(0, C + BCH * L)])
        pltpu.sync_copy(zs_hbm.at[pl.ds(lo, C + BCH * L)],
                        zb.at[pl.ds(0, C + BCH * L)])
        first = jnp.equal(t, 0)
        firstv = jnp.full((L,), first)

        def row_body(r, _):
            q = qbuf[pl.ds(3 * r, L)]
            qxv = _broadcast_lane(q, 0)
            qyv = _broadcast_lane(q, 1)
            qzv = _broadcast_lane(q, 2)
            s = _sload(sbuf, r)
            e = _sload(ebuf, r)
            cs = jnp.maximum(s, lo)
            ce = jnp.minimum(e, hi)
            rel_s = cs - lo
            rel_e = ce - lo
            j0 = (rel_s // L) * L
            jfs = ((rel_s + (L - 1)) // L) * L
            jfe = (rel_e // L) * L
            nb = jnp.maximum(0, (jfe - jfs) // L)
            nwarm = jnp.minimum(nb, NWARM)
            nbf = (nb - nwarm) // BCH
            csv = jnp.full((L,), cs)
            cev = jnp.full((L,), ce)
            k0 = jnp.where(firstv, _INF, kbuf[pl.ds(32 * r, L)])
            k1 = jnp.where(firstv, _INF, kbuf[pl.ds(32 * r + L, L)])
            i0 = jnp.where(firstv, 0, ibuf[pl.ds(32 * r, L)])
            i1 = jnp.where(firstv, 0, ibuf[pl.ds(32 * r + L, L)])
            tau = _broadcast_lane(k1, K - L - 1)

            def append(d2m, jvec, tau, ncv):
                mask = d2m < tau
                mi = jnp.where(mask, 1, 0).astype(jnp.int32)
                sc = plsc.cumsum(mi)
                idx = (ncv + sc) - mi
                plsc.store_scatter(cdbuf, [idx], d2m, mask=mask)
                plsc.store_scatter(cibuf, [idx], jvec, mask=mask)
                return ncv + _broadcast_lane(sc, L - 1)

            def edge_chunk(jl, tau, ncv):
                jvec = (lo + jl) + iota
                dx = xb[pl.ds(jl, L)] - qxv
                dy = yb[pl.ds(jl, L)] - qyv
                dz = zb[pl.ds(jl, L)] - qzv
                d2 = dx * dx + dy * dy + dz * dz
                valid = (jvec >= csv) & (jvec < cev)
                d2m = jnp.where(valid, d2, _INF)
                return append(d2m, jvec, tau, ncv)

            def plain_chunk(jl, tau, ncv):
                jvec = (lo + jl) + iota
                dx = xb[pl.ds(jl, L)] - qxv
                dy = yb[pl.ds(jl, L)] - qyv
                dz = zb[pl.ds(jl, L)] - qzv
                d2 = dx * dx + dy * dy + dz * dz
                return append(d2, jvec, tau, ncv)

            def drain(st):
                k0, i0, k1, i1, tau, ncv = st
                nc = _lane0(ncv)
                nm = nc // L

                def mbody(m, s2):
                    d16 = cdbuf[pl.ds(m * L, L)]
                    i16 = cibuf[pl.ds(m * L, L)]
                    return _merge16(d16, i16, *s2)

                k0, i0, k1, i1 = lax.fori_loop(0, nm, mbody, (k0, i0, k1, i1))
                rem = nc - nm * L
                tmpd = cdbuf[pl.ds(nm * L, L)]
                tmpi = cibuf[pl.ds(nm * L, L)]
                cdbuf[0:16] = tmpd
                cibuf[0:16] = tmpi
                tau = _broadcast_lane(k1, K - L - 1)
                return (k0, i0, k1, i1, tau, jnp.full((L,), rem))

            st = (k0, i0, k1, i1, tau, jnp.zeros((L,), jnp.int32))

            hcond = jnp.logical_and(j0 < jfs, rel_s < rel_e)
            st = lax.cond(
                hcond,
                lambda op: op[:5] + (edge_chunk(j0, op[4], op[5]),),
                lambda op: op, st)
            jt = jnp.maximum(jfe, jfs)
            st = lax.cond(
                rel_e > jt,
                lambda op: op[:5] + (edge_chunk(jt, op[4], op[5]),),
                lambda op: op, st)

            def warm_body(c, carry):
                k0, i0, k1, i1, tau, ncv = carry
                ncv = plain_chunk(jfs + c * L, tau, ncv)
                return (k0, i0, k1, i1, tau, ncv)

            st = lax.fori_loop(0, nwarm, warm_body, st)
            st = drain(st)

            def batch_body(b, carry):
                k0, i0, k1, i1, tau, ncv = carry
                c0 = nwarm + b * BCH
                for g in range(BCH // GRP):
                    d2s = []
                    for u in range(GRP):
                        jl = jfs + (c0 + g * GRP + u) * L
                        dx = xb[pl.ds(jl, L)] - qxv
                        dy = yb[pl.ds(jl, L)] - qyv
                        dz = zb[pl.ds(jl, L)] - qzv
                        d2s.append(dx * dx + dy * dy + dz * dz)
                    for u in range(GRP):
                        jl = jfs + (c0 + g * GRP + u) * L
                        jvec = (lo + jl) + iota
                        mask = d2s[u] < tau
                        mi = jnp.where(mask, 1, 0).astype(jnp.int32)
                        sc = plsc.cumsum(mi)
                        idx = (ncv + sc) - mi
                        plsc.store_scatter(cdbuf, [idx], d2s[u], mask=mask)
                        plsc.store_scatter(cibuf, [idx], jvec, mask=mask)
                        ncv = ncv + _broadcast_lane(sc, L - 1)
                return drain((k0, i0, k1, i1, tau, ncv))

            st = lax.fori_loop(0, nbf, batch_body, st)

            def rem_body(c, carry):
                k0, i0, k1, i1, tau, ncv = carry
                ncv = plain_chunk(jfs + c * L, tau, ncv)
                return (k0, i0, k1, i1, tau, ncv)

            st = lax.fori_loop(nwarm + nbf * BCH, nb, rem_body, st)
            k0, i0, k1, i1, tau, ncv = drain(st)

            rem = _lane0(ncv)
            lm = iota < jnp.full((L,), rem)
            d16 = jnp.where(lm, cdbuf[0:16], _INF)
            i16 = jnp.where(lm, cibuf[0:16], 0)
            k0, i0, k1, i1 = _merge16(d16, i16, k0, i0, k1, i1)

            kbuf[pl.ds(32 * r, L)] = k0
            kbuf[pl.ds(32 * r + L, L)] = k1
            ibuf[pl.ds(32 * r, L)] = i0
            ibuf[pl.ds(32 * r + L, L)] = i1
            return 0

        lax.fori_loop(0, R, row_body, 0)
        return a0

    def block_body(gi, _):
        g = wid + NWORKERS * gi
        base = g * R
        pltpu.sync_copy(xq_hbm.at[pl.ds(3 * base, 3 * R)],
                        qbuf.at[pl.ds(0, 3 * R)])
        pltpu.sync_copy(srow_hbm.at[pl.ds(base, R)],
                        sbuf.at[pl.ds(0, R)])
        pltpu.sync_copy(erow_hbm.at[pl.ds(base, R)],
                        ebuf.at[pl.ds(0, R)])
        count = jnp.minimum(R, N - base)
        s0 = _sload(sbuf, 0)
        e_last = _sload(ebuf, count - 1)
        a0 = (s0 // L) * L
        span = e_last - a0
        nch = (span + C - 1) // C
        lax.fori_loop(0, nch, chunk_body, a0)
        pltpu.sync_copy(ibuf.at[pl.ds(0, 32 * R)],
                        out_hbm.at[pl.ds(32 * base, 32 * R)])
        return 0

    lax.fori_loop(0, GI_MAX, block_body, 0)


def kernel(x, batch):
    x = x.astype(jnp.float32)
    batch = batch.astype(jnp.int32)
    xqf = jnp.pad(x.reshape(-1), (0, 3 * (NROWPAD - N)))
    xs = jnp.pad(x[:, 0], (0, NPAD - N))
    ys = jnp.pad(x[:, 1], (0, NPAD - N))
    zs = jnp.pad(x[:, 2], (0, NPAD - N))
    seg = jnp.arange(NB, dtype=jnp.int32)
    starts = jnp.searchsorted(batch, seg, side="left").astype(jnp.int32)
    ends = jnp.searchsorted(batch, seg, side="right").astype(jnp.int32)
    srow = jnp.pad(starts[batch], (0, NROWPAD - N))
    erow = jnp.pad(ends[batch], (0, NROWPAD - N), constant_values=1)

    mesh = plsc.VectorSubcoreMesh(core_axis_name="c", subcore_axis_name="s")
    f = pl.kernel(
        _sc_knn,
        out_type=jax.ShapeDtypeStruct((NROWPAD * 32,), jnp.int32),
        mesh=mesh,
        compiler_params=pltpu.CompilerParams(needs_layout_passes=False),
        scratch_types=[
            pltpu.VMEM((3 * R + L,), jnp.float32),
            pltpu.VMEM((R + L,), jnp.int32),
            pltpu.VMEM((R + L,), jnp.int32),
            pltpu.VMEM((C + BCH * L,), jnp.float32),
            pltpu.VMEM((C + BCH * L,), jnp.float32),
            pltpu.VMEM((C + BCH * L,), jnp.float32),
            pltpu.VMEM((32 * R,), jnp.float32),
            pltpu.VMEM((32 * R,), jnp.int32),
            pltpu.VMEM((CBUF,), jnp.float32),
            pltpu.VMEM((CBUF,), jnp.int32),
        ],
    )
    out = f(xqf, xs, ys, zs, srow, erow)
    return out.reshape(NROWPAD, 32)[:N, :K]

# --- scband reference (transcript-rebuilt; emitter-appended) ---
"""Pipeline reference for scband-find-nearest-neighbors-32263794328000 (READ-ONLY COPY).

The authoritative reference and input builder live on the scoring server;
editing this copy changes nothing except your own understanding.
"""

import jax, jax.numpy as jnp
import numpy as np

N = 50000
D = 3
B = 16
K = 20


def setup_inputs(seed: int = 0) -> dict:
    key = jax.random.key(seed)
    kx, kb = jax.random.split(key)
    x = jax.random.normal(kx, (N, D), dtype=jnp.float32)
    batch = jnp.sort(jax.random.randint(kb, (N,), 0, B))
    return {"x": x, "batch": batch}


def reference(x, batch):
    # FindNearestNeighbors.forward with d=None: positions = x
    # KeOps variable_n_nearest_k_neighbors: block-diagonal ranges from `batch`,
    # squared-euclidean distances, argKmin(k) per row. With ranges, KeOps
    # returns *global* j indices, reproduced here by masking cross-segment
    # pairs to +inf distance so the per-row top-k indices are the global
    # in-segment indices. Self is included (d_ii = 0), matching KeOps
    # semantics.
    positions = x.astype(jnp.float32)
    n = positions.shape[0]
    ch = 500
    x_chunks = positions.reshape(n // ch, ch, positions.shape[1])
    b_chunks = batch.reshape(n // ch, ch)

    def per_chunk(args):
        p, bc = args
        d2 = jnp.sum((p[:, None, :] - positions[None, :, :]) ** 2, axis=-1)
        scores = jnp.where(bc[:, None] == batch[None, :], -d2, -jnp.inf)
        _, idx = jax.lax.top_k(scores, K)
        return idx

    neighbor_indices = jax.lax.map(per_chunk, (x_chunks, b_chunks)).reshape(n, K)
    return neighbor_indices

if __name__ == "__main__":
    import jax
    _d = setup_inputs()
    print(jax.jit(kernel)(*tuple(_d.values())))

</pallas_src>

<mosaic_0001>
#map = affine_map<(d0, d1) -> (0)>
module attributes {stable_mosaic.version = 14 : i64} {
  func.func @_sc_knn(%arg0: i32, %arg1: i32, %arg2: memref<150528xf32, #tpu.memory_space<hbm>>, %arg3: memref<58448xf32, #tpu.memory_space<hbm>>, %arg4: memref<58448xf32, #tpu.memory_space<hbm>>, %arg5: memref<58448xf32, #tpu.memory_space<hbm>>, %arg6: memref<50176xi32, #tpu.memory_space<hbm>>, %arg7: memref<50176xi32, #tpu.memory_space<hbm>>, %arg8: memref<1605632xi32, #tpu.memory_space<hbm>>, %arg9: memref<1192xf32, #tpu.memory_space<vmem>>, %arg10: memref<408xi32, #tpu.memory_space<vmem>>, %arg11: memref<408xi32, #tpu.memory_space<vmem>>, %arg12: memref<8448xf32, #tpu.memory_space<vmem>>, %arg13: memref<8448xf32, #tpu.memory_space<vmem>>, %arg14: memref<8448xf32, #tpu.memory_space<vmem>>, %arg15: memref<12544xf32, #tpu.memory_space<vmem>>, %arg16: memref<12544xi32, #tpu.memory_space<vmem>>, %arg17: memref<288xf32, #tpu.memory_space<vmem>>, %arg18: memref<288xi32, #tpu.memory_space<vmem>>) attributes {dimension_semantics = [#tpu.dimension_semantics<core_parallel>, #tpu.dimension_semantics<subcore_parallel>], iteration_bounds = array<i64: 2, 16>, scalar_prefetch = 0 : i64, scratch_operands = 10 : i64, tpu.core_type = #tpu.core_type<sc_vector_subcore>, window_params = [{transform_indices = #map}, {transform_indices = #map}, {transform_indices = #map}, {transform_indices = #map}, {transform_indices = #map}, {transform_indices = #map}, {transform_indices = #map}]} {
    %mul3A = arith.constant 2 : i32
    %mul3A_0 = arith.muli %arg1, %mul3A : i32
    %add3A = arith.addi %mul3A_0, %arg0 : i32
    %iota3A = tpu.iota {dimensions = array<i32: 0>} : vector<16xi32>
    %scan3A = arith.constant 0 : i32
    %scan3A_1 = arith.constant 0 : i32
    %scan3A_2 = arith.constant 4 : i32
    %scan3A_3 = arith.addi %scan3A_1, %scan3A_2 : i32
    %scan3A_4 = arith.constant 1 : i32
    %scan3A_5 = scf.for %scan3A_7 = %scan3A_1 to %scan3A_3 step %scan3A_4 iter_args(%scan3A_8 = %scan3A) -> (i32)  : i32 {
      %mul3A_9 = arith.constant 32 : i32
      %mul3A_10 = arith.muli %mul3A_9, %scan3A_7 : i32
      %add3A_11 = arith.addi %add3A, %mul3A_10 : i32
      %mul3A_12 = arith.constant 392 : i32
      %mul3A_13 = arith.muli %add3A_11, %mul3A_12 : i32
      %mul3A_14 = arith.constant 3 : i32
      %mul3A_15 = arith.muli %mul3A_14, %mul3A_13 : i32
      "tpu.region"() ({
        %run_scoped3A = tpu.sem_alloc : memref<!tpu.dma_semaphore, #tpu.memory_space<semaphore_mem>>
        %dma_start3A = arith.constant 0 : i32
        %dma_start3A_84 = tpu.memref_slice %arg9[%dma_start3A] : memref<1192xf32, #tpu.memory_space<vmem>> -> memref<1176xf32, #tpu.memory_space<vmem>>
        %dma_start3A_85 = tpu.memref_slice %arg2[%mul3A_15] : memref<150528xf32, #tpu.memory_space<hbm>> -> memref<1176xf32, #tpu.memory_space<hbm>>
        %dma_start3A_86 = arith.constant 0 : i32
        %dma_start3A_87 = tpu.memref_slice %arg9[%dma_start3A_86] : memref<1192xf32, #tpu.memory_space<vmem>> -> memref<1176xf32, #tpu.memory_space<vmem>>
        %dma_start3A_88 = tpu.memref_slice %arg2[%mul3A_15] : memref<150528xf32, #tpu.memory_space<hbm>> -> memref<1176xf32, #tpu.memory_space<hbm>>
        tpu.enqueue_dma source(%dma_start3A_88 : memref<1176xf32, #tpu.memory_space<hbm>>) target(%dma_start3A_87 : memref<1176xf32, #tpu.memory_space<vmem>>) target_semaphore(%run_scoped3A : memref<!tpu.dma_semaphore, #tpu.memory_space<semaphore_mem>>)
        %dma_wait3A = arith.constant 0 : i32
        %dma_wait3A_89 = tpu.memref_slice %arg9[%dma_wait3A] : memref<1192xf32, #tpu.memory_space<vmem>> -> memref<1176xf32, #tpu.memory_space<vmem>>
        %dma_wait3A_90 = tpu.memref_slice %arg2[%mul3A_15] : memref<150528xf32, #tpu.memory_space<hbm>> -> memref<1176xf32, #tpu.memory_space<hbm>>
        %dma_wait3A_91 = arith.constant 0 : i32
        %dma_wait3A_92 = tpu.memref_slice %arg9[%dma_wait3A_91] : memref<1192xf32, #tpu.memory_space<vmem>> -> memref<1176xf32, #tpu.memory_space<vmem>>
        %dma_wait3A_93 = tpu.memref_slice %arg2[%mul3A_15] : memref<150528xf32, #tpu.memory_space<hbm>> -> memref<1176xf32, #tpu.memory_space<hbm>>
        tpu.wait_dma2 semaphore(%run_scoped3A : memref<!tpu.dma_semaphore, #tpu.memory_space<semaphore_mem>>) src(%dma_wait3A_93 : memref<1176xf32, #tpu.memory_space<hbm>>) dst(%dma_wait3A_92 : memref<1176xf32, #tpu.memory_space<vmem>>)
        tpu.yield
      }) : () -> ()
      "tpu.region"() ({
        %run_scoped3A = tpu.sem_alloc : memref<!tpu.dma_semaphore, #tpu.memory_space<semaphore_mem>>
        %dma_start3A = arith.constant 0 : i32
        %dma_start3A_84 = tpu.memref_slice %arg10[%dma_start3A] : memref<408xi32, #tpu.memory_space<vmem>> -> memref<392xi32, #tpu.memory_space<vmem>>
        %dma_start3A_85 = tpu.memref_slice %arg6[%mul3A_13] : memref<50176xi32, #tpu.memory_space<hbm>> -> memref<392xi32, #tpu.memory_space<hbm>>
        %dma_start3A_86 = arith.constant 0 : i32
        %dma_start3A_87 = tpu.memref_slice %arg10[%dma_start3A_86] : memref<408xi32, #tpu.memory_space<vmem>> -> memref<392xi32, #tpu.memory_space<vmem>>
        %dma_start3A_88 = tpu.memref_slice %arg6[%mul3A_13] : memref<50176xi32, #tpu.memory_space<hbm>> -> memref<392xi32, #tpu.memory_space<hbm>>
        tpu.enqueue_dma source(%dma_start3A_88 : memref<392xi32, #tpu.memory_space<hbm>>) target(%dma_start3A_87 : memref<392xi32, #tpu.memory_space<vmem>>) target_semaphore(%run_scoped3A : memref<!tpu.dma_semaphore, #tpu.memory_space<semaphore_mem>>)
        %dma_wait3A = arith.constant 0 : i32
        %dma_wait3A_89 = tpu.memref_slice %arg10[%dma_wait3A] : memref<408xi32, #tpu.memory_space<vmem>> -> memref<392xi32, #tpu.memory_space<vmem>>
        %dma_wait3A_90 = tpu.memref_slice %arg6[%mul3A_13] : memref<50176xi32, #tpu.memory_space<hbm>> -> memref<392xi32, #tpu.memory_space<hbm>>
        %dma_wait3A_91 = arith.constant 0 : i32
        %dma_wait3A_92 = tpu.memref_slice %arg10[%dma_wait3A_91] : memref<408xi32, #tpu.memory_space<vmem>> -> memref<392xi32, #tpu.memory_space<vmem>>
        %dma_wait3A_93 = tpu.memref_slice %arg6[%mul3A_13] : memref<50176xi32, #tpu.memory_space<hbm>> -> memref<392xi32, #tpu.memory_space<hbm>>
        tpu.wait_dma2 semaphore(%run_scoped3A : memref<!tpu.dma_semaphore, #tpu.memory_space<semaphore_mem>>) src(%dma_wait3A_93 : memref<392xi32, #tpu.memory_space<hbm>>) dst(%dma_wait3A_92 : memref<392xi32, #tpu.memory_space<vmem>>)
        tpu.yield
      }) : () -> ()
      "tpu.region"() ({
        %run_scoped3A = tpu.sem_alloc : memref<!tpu.dma_semaphore, #tpu.memory_space<semaphore_mem>>
        %dma_start3A = arith.constant 0 : i32
        %dma_start3A_84 = tpu.memref_slice %arg11[%dma_start3A] : memref<408xi32, #tpu.memory_space<vmem>> -> memref<392xi32, #tpu.memory_space<vmem>>
        %dma_start3A_85 = tpu.memref_slice %arg7[%mul3A_13] : memref<50176xi32, #tpu.memory_space<hbm>> -> memref<392xi32, #tpu.memory_space<hbm>>
        %dma_start3A_86 = arith.constant 0 : i32
        %dma_start3A_87 = tpu.memref_slice %arg11[%dma_start3A_86] : memref<408xi32, #tpu.memory_space<vmem>> -> memref<392xi32, #tpu.memory_space<vmem>>
        %dma_start3A_88 = tpu.memref_slice %arg7[%mul3A_13] : memref<50176xi32, #tpu.memory_space<hbm>> -> memref<392xi32, #tpu.memory_space<hbm>>
        tpu.enqueue_dma source(%dma_start3A_88 : memref<392xi32, #tpu.memory_space<hbm>>) target(%dma_start3A_87 : memref<392xi32, #tpu.memory_space<vmem>>) target_semaphore(%run_scoped3A : memref<!tpu.dma_semaphore, #tpu.memory_space<semaphore_mem>>)
        %dma_wait3A = arith.constant 0 : i32
        %dma_wait3A_89 = tpu.memref_slice %arg11[%dma_wait3A] : memref<408xi32, #tpu.memory_space<vmem>> -> memref<392xi32, #tpu.memory_space<vmem>>
        %dma_wait3A_90 = tpu.memref_slice %arg7[%mul3A_13] : memref<50176xi32, #tpu.memory_space<hbm>> -> memref<392xi32, #tpu.memory_space<hbm>>
        %dma_wait3A_91 = arith.constant 0 : i32
        %dma_wait3A_92 = tpu.memref_slice %arg11[%dma_wait3A_91] : memref<408xi32, #tpu.memory_space<vmem>> -> memref<392xi32, #tpu.memory_space<vmem>>
        %dma_wait3A_93 = tpu.memref_slice %arg7[%mul3A_13] : memref<50176xi32, #tpu.memory_space<hbm>> -> memref<392xi32, #tpu.memory_space<hbm>>
        tpu.wait_dma2 semaphore(%run_scoped3A : memref<!tpu.dma_semaphore, #tpu.memory_space<semaphore_mem>>) src(%dma_wait3A_93 : memref<392xi32, #tpu.memory_space<hbm>>) dst(%dma_wait3A_92 : memref<392xi32, #tpu.memory_space<vmem>>)
        tpu.yield
      }) : () -> ()
      %sub3A = arith.constant 50000 : i32
      %sub3A_16 = arith.subi %sub3A, %mul3A_13 : i32
      %min3A = arith.constant 392 : i32
      %min3A_17 = arith.minsi %min3A, %sub3A_16 : i32
      %get3A = arith.constant 0 : index
      %get3A_18 = tpu.vector_load %arg10[%get3A] {strides = array<i32>} : memref<408xi32, #tpu.memory_space<vmem>>, vector<16xi32>,
      %slice3A = vector.extract_strided_slice %get3A_18 {offsets = [0], sizes = [1], strides = [1]} : vector<16xi32> to vector<1xi32>
      %squeeze3A = vector.extract %slice3A[0] : i32 from vector<1xi32>
      %sub3A_19 = arith.constant 1 : i32
      %sub3A_20 = arith.subi %min3A_17, %sub3A_19 : i32
      %get3A_21 = arith.index_cast %sub3A_20 : i32 to index
      %get3A_22 = tpu.vector_load %arg11[%get3A_21] {strides = array<i32>} : memref<408xi32, #tpu.memory_space<vmem>>, vector<16xi32>,
      %slice3A_23 = vector.extract_strided_slice %get3A_22 {offsets = [0], sizes = [1], strides = [1]} : vector<16xi32> to vector<1xi32>
      %squeeze3A_24 = vector.extract %slice3A_23[0] : i32 from vector<1xi32>
      %jit3A = arith.constant 16 : i32
      %div3A = arith.divsi %squeeze3A, %jit3A : i32
      %sign3A = arith.constant 0 : i32
      %sign3A_25 = arith.cmpi sgt, %squeeze3A, %sign3A : i32
      %sign3A_26 = arith.extui %sign3A_25 : i1 to i32
      %sign3A_27 = arith.constant 0 : i32
      %sign3A_28 = arith.cmpi slt, %squeeze3A, %sign3A_27 : i32
      %sign3A_29 = arith.extui %sign3A_28 : i1 to i32
      %sign3A_30 = arith.subi %sign3A_26, %sign3A_29 : i32
      %sign3A_31 = arith.constant 0 : i32
      %sign3A_32 = arith.cmpi sgt, %jit3A, %sign3A_31 : i32
      %sign3A_33 = arith.extui %sign3A_32 : i1 to i32
      %sign3A_34 = arith.constant 0 : i32
      %sign3A_35 = arith.cmpi slt, %jit3A, %sign3A_34 : i32
      %sign3A_36 = arith.extui %sign3A_35 : i1 to i32
      %sign3A_37 = arith.subi %sign3A_33, %sign3A_36 : i32
      %ne3A = arith.cmpi ne, %sign3A_30, %sign3A_37 : i32
      %rem3A = arith.remsi %squeeze3A, %jit3A : i32
      %ne3A_38 = arith.constant 0 : i32
      %ne3A_39 = arith.cmpi ne, %rem3A, %ne3A_38 : i32
      %and3A = arith.andi %ne3A, %ne3A_39 : i1
      %sub3A_40 = arith.constant 1 : i32
      %sub3A_41 = arith.subi %div3A, %sub3A_40 : i32
      %select_n3A = arith.select %and3A, %sub3A_41, %div3A : i32
      %mul3A_42 = arith.constant 16 : i32
      %mul3A_43 = arith.muli %select_n3A, %mul3A_42 : i32
      %sub3A_44 = arith.subi %squeeze3A_24, %mul3A_43 : i32
      %add3A_45 = arith.constant 8192 : i32
      %add3A_46 = arith.addi %sub3A_44, %add3A_45 : i32
      %sub3A_47 = arith.constant 1 : i32
      %sub3A_48 = arith.subi %add3A_46, %sub3A_47 : i32
      %jit3A_49 = arith.constant 8192 : i32
      %div3A_50 = arith.divsi %sub3A_48, %jit3A_49 : i32
      %sign3A_51 = arith.constant 0 : i32
      %sign3A_52 = arith.cmpi sgt, %sub3A_48, %sign3A_51 : i32
      %sign3A_53 = arith.extui %sign3A_52 : i1 to i32
      %sign3A_54 = arith.constant 0 : i32
      %sign3A_55 = arith.cmpi slt, %sub3A_48, %sign3A_54 : i32
      %sign3A_56 = arith.extui %sign3A_55 : i1 to i32
      %sign3A_57 = arith.subi %sign3A_53, %sign3A_56 : i32
      %sign3A_58 = arith.constant 0 : i32
      %sign3A_59 = arith.cmpi sgt, %jit3A_49, %sign3A_58 : i32
      %sign3A_60 = arith.extui %sign3A_59 : i1 to i32
      %sign3A_61 = arith.constant 0 : i32
      %sign3A_62 = arith.cmpi slt, %jit3A_49, %sign3A_61 : i32
      %sign3A_63 = arith.extui %sign3A_62 : i1 to i32
      %sign3A_64 = arith.subi %sign3A_60, %sign3A_63 : i32
      %ne3A_65 = arith.cmpi ne, %sign3A_57, %sign3A_64 : i32
      %rem3A_66 = arith.remsi %sub3A_48, %jit3A_49 : i32
      %ne3A_67 = arith.constant 0 : i32
      %ne3A_68 = arith.cmpi ne, %rem3A_66, %ne3A_67 : i32
      %and3A_69 = arith.andi %ne3A_65, %ne3A_68 : i1
      %sub3A_70 = arith.constant 1 : i32
      %sub3A_71 = arith.subi %div3A_50, %sub3A_70 : i32
      %select_n3A_72 = arith.select %and3A_69, %sub3A_71, %div3A_50 : i32
      %while3A = arith.constant 0 : i32
      %while3A_73 = arith.subi %select_n3A_72, %while3A : i32
      %while3A_74 = arith.addi %while3A, %while3A_73 : i32
      %while3A_75 = arith.constant 1 : i32
      %while3A_76 = arith.divsi %while3A_73, %while3A_75 : i32
      %while3A_77 = arith.muli %while3A_76, %while3A_75 : i32
      %while3A_78 = arith.addi %while3A, %while3A_77 : i32
      %while3A_79 = arith.constant 1 : i32
      scf.for %while3A_84 = %while3A to %while3A_78 step %while3A_79  : i32 {
        %mul3A_85 = arith.constant 8192 : i32
        %mul3A_86 = arith.muli %while3A_84, %mul3A_85 : i32
        %add3A_87 = arith.addi %mul3A_43, %mul3A_86 : i32
        %add3A_88 = arith.constant 8192 : i32
        %add3A_89 = arith.addi %add3A_87, %add3A_88 : i32
        "tpu.region"() ({
          %run_scoped3A = tpu.sem_alloc : memref<!tpu.dma_semaphore, #tpu.memory_space<semaphore_mem>>
          %dma_start3A = arith.constant 0 : i32
          %dma_start3A_98 = tpu.memref_slice %arg12[%dma_start3A] : memref<8448xf32, #tpu.memory_space<vmem>> -> memref<8448xf32, #tpu.memory_space<vmem>>
          %dma_start3A_99 = tpu.memref_slice %arg3[%add3A_87] : memref<58448xf32, #tpu.memory_space<hbm>> -> memref<8448xf32, #tpu.memory_space<hbm>>
          %dma_start3A_100 = arith.constant 0 : i32
          %dma_start3A_101 = tpu.memref_slice %arg12[%dma_start3A_100] : memref<8448xf32, #tpu.memory_space<vmem>> -> memref<8448xf32, #tpu.memory_space<vmem>>
          %dma_start3A_102 = tpu.memref_slice %arg3[%add3A_87] : memref<58448xf32, #tpu.memory_space<hbm>> -> memref<8448xf32, #tpu.memory_space<hbm>>
          tpu.enqueue_dma source(%dma_start3A_102 : memref<8448xf32, #tpu.memory_space<hbm>>) target(%dma_start3A_101 : memref<8448xf32, #tpu.memory_space<vmem>>) target_semaphore(%run_scoped3A : memref<!tpu.dma_semaphore, #tpu.memory_space<semaphore_mem>>)
          %dma_wait3A = arith.constant 0 : i32
          %dma_wait3A_103 = tpu.memref_slice %arg12[%dma_wait3A] : memref<8448xf32, #tpu.memory_space<vmem>> -> memref<8448xf32, #tpu.memory_space<vmem>>
          %dma_wait3A_104 = tpu.memref_slice %arg3[%add3A_87] : memref<58448xf32, #tpu.memory_space<hbm>> -> memref<8448xf32, #tpu.memory_space<hbm>>
          %dma_wait3A_105 = arith.constant 0 : i32
          %dma_wait3A_106 = tpu.memref_slice %arg12[%dma_wait3A_105] : memref<8448xf32, #tpu.memory_space<vmem>> -> memref<8448xf32, #tpu.memory_space<vmem>>
          %dma_wait3A_107 = tpu.memref_slice %arg3[%add3A_87] : memref<58448xf32, #tpu.memory_space<hbm>> -> memref<8448xf32, #tpu.memory_space<hbm>>
          tpu.wait_dma2 semaphore(%run_scoped3A : memref<!tpu.dma_semaphore, #tpu.memory_space<semaphore_mem>>) src(%dma_wait3A_107 : memref<8448xf32, #tpu.memory_space<hbm>>) dst(%dma_wait3A_106 : memref<8448xf32, #tpu.memory_space<vmem>>)
          tpu.yield
        }) : () -> ()
        "tpu.region"() ({
          %run_scoped3A = tpu.sem_alloc : memref<!tpu.dma_semaphore, #tpu.memory_space<semaphore_mem>>
          %dma_start3A = arith.constant 0 : i32
          %dma_start3A_98 = tpu.memref_slice %arg13[%dma_start3A] : memref<8448xf32, #tpu.memory_space<vmem>> -> memref<8448xf32, #tpu.memory_space<vmem>>
          %dma_start3A_99 = tpu.memref_slice %arg4[%add3A_87] : memref<58448xf32, #tpu.memory_space<hbm>> -> memref<8448xf32, #tpu.memory_space<hbm>>
          %dma_start3A_100 = arith.constant 0 : i32
          %dma_start3A_101 = tpu.memref_slice %arg13[%dma_start3A_100] : memref<8448xf32, #tpu.memory_space<vmem>> -> memref<8448xf32, #tpu.memory_space<vmem>>
          %dma_start3A_102 = tpu.memref_slice %arg4[%add3A_87] : memref<58448xf32, #tpu.memory_space<hbm>> -> memref<8448xf32, #tpu.memory_space<hbm>>
          tpu.enqueue_dma source(%dma_start3A_102 : memref<8448xf32, #tpu.memory_space<hbm>>) target(%dma_start3A_101 : memref<8448xf32, #tpu.memory_space<vmem>>) target_semaphore(%run_scoped3A : memref<!tpu.dma_semaphore, #tpu.memory_space<semaphore_mem>>)
          %dma_wait3A = arith.constant 0 : i32
          %dma_wait3A_103 = tpu.memref_slice %arg13[%dma_wait3A] : memref<8448xf32, #tpu.memory_space<vmem>> -> memref<8448xf32, #tpu.memory_space<vmem>>
          %dma_wait3A_104 = tpu.memref_slice %arg4[%add3A_87] : memref<58448xf32, #tpu.memory_space<hbm>> -> memref<8448xf32, #tpu.memory_space<hbm>>
          %dma_wait3A_105 = arith.constant 0 : i32
          %dma_wait3A_106 = tpu.memref_slice %arg13[%dma_wait3A_105] : memref<8448xf32, #tpu.memory_space<vmem>> -> memref<8448xf32, #tpu.memory_space<vmem>>
          %dma_wait3A_107 = tpu.memref_slice %arg4[%add3A_87] : memref<58448xf32, #tpu.memory_space<hbm>> -> memref<8448xf32, #tpu.memory_space<hbm>>
          tpu.wait_dma2 semaphore(%run_scoped3A : memref<!tpu.dma_semaphore, #tpu.memory_space<semaphore_mem>>) src(%dma_wait3A_107 : memref<8448xf32, #tpu.memory_space<hbm>>) dst(%dma_wait3A_106 : memref<8448xf32, #tpu.memory_space<vmem>>)
          tpu.yield
        }) : () -> ()
        "tpu.region"() ({
          %run_scoped3A = tpu.sem_alloc : memref<!tpu.dma_semaphore, #tpu.memory_space<semaphore_mem>>
          %dma_start3A = arith.constant 0 : i32
          %dma_start3A_98 = tpu.memref_slice %arg14[%dma_start3A] : memref<8448xf32, #tpu.memory_space<vmem>> -> memref<8448xf32, #tpu.memory_space<vmem>>
          %dma_start3A_99 = tpu.memref_slice %arg5[%add3A_87] : memref<58448xf32, #tpu.memory_space<hbm>> -> memref<8448xf32, #tpu.memory_space<hbm>>
          %dma_start3A_100 = arith.constant 0 : i32
          %dma_start3A_101 = tpu.memref_slice %arg14[%dma_start3A_100] : memref<8448xf32, #tpu.memory_space<vmem>> -> memref<8448xf32, #tpu.memory_space<vmem>>
          %dma_start3A_102 = tpu.memref_slice %arg5[%add3A_87] : memref<58448xf32, #tpu.memory_space<hbm>> -> memref<8448xf32, #tpu.memory_space<hbm>>
          tpu.enqueue_dma source(%dma_start3A_102 : memref<8448xf32, #tpu.memory_space<hbm>>) target(%dma_start3A_101 : memref<8448xf32, #tpu.memory_space<vmem>>) target_semaphore(%run_scoped3A : memref<!tpu.dma_semaphore, #tpu.memory_space<semaphore_mem>>)
          %dma_wait3A = arith.constant 0 : i32
          %dma_wait3A_103 = tpu.memref_slice %arg14[%dma_wait3A] : memref<8448xf32, #tpu.memory_space<vmem>> -> memref<8448xf32, #tpu.memory_space<vmem>>
          %dma_wait3A_104 = tpu.memref_slice %arg5[%add3A_87] : memref<58448xf32, #tpu.memory_space<hbm>> -> memref<8448xf32, #tpu.memory_space<hbm>>
          %dma_wait3A_105 = arith.constant 0 : i32
          %dma_wait3A_106 = tpu.memref_slice %arg14[%dma_wait3A_105] : memref<8448xf32, #tpu.memory_space<vmem>> -> memref<8448xf32, #tpu.memory_space<vmem>>
          %dma_wait3A_107 = tpu.memref_slice %arg5[%add3A_87] : memref<58448xf32, #tpu.memory_space<hbm>> -> memref<8448xf32, #tpu.memory_space<hbm>>
          tpu.wait_dma2 semaphore(%run_scoped3A : memref<!tpu.dma_semaphore, #tpu.memory_space<semaphore_mem>>) src(%dma_wait3A_107 : memref<8448xf32, #tpu.memory_space<hbm>>) dst(%dma_wait3A_106 : memref<8448xf32, #tpu.memory_space<vmem>>)
          tpu.yield
        }) : () -> ()
        %eq3A = arith.constant 0 : i32
        %eq3A_90 = arith.cmpi eq, %while3A_84, %eq3A : i32
        %broadcast_in_dim3A = vector.broadcast %eq3A_90 : i1 to vector<16xi1>
        %scan3A_91 = arith.constant 0 : i32
        %scan3A_92 = arith.constant 0 : i32
        %scan3A_93 = arith.constant 392 : i32
        %scan3A_94 = arith.addi %scan3A_92, %scan3A_93 : i32
        %scan3A_95 = arith.constant 1 : i32
        %scan3A_96 = scf.for %scan3A_98 = %scan3A_92 to %scan3A_94 step %scan3A_95 iter_args(%scan3A_99 = %scan3A_91) -> (i32)  : i32 {
          %mul3A_100 = arith.constant 3 : i32
          %mul3A_101 = arith.muli %mul3A_100, %scan3A_98 : i32
          %get3A_102 = arith.index_cast %mul3A_101 : i32 to index
          %get3A_103 = tpu.vector_load %arg9[%get3A_102] {strides = array<i32>} : memref<1192xf32, #tpu.memory_space<vmem>>, vector<16xf32>,
          %slice3A_104 = vector.extract_strided_slice %get3A_103 {offsets = [0], sizes = [1], strides = [1]} : vector<16xf32> to vector<1xf32>
          %squeeze3A_105 = vector.extract %slice3A_104[0] : f32 from vector<1xf32>
          %broadcast_in_dim3A_106 = vector.broadcast %squeeze3A_105 : f32 to vector<16xf32>
          %slice3A_107 = vector.extract_strided_slice %get3A_103 {offsets = [1], sizes = [1], strides = [1]} : vector<16xf32> to vector<1xf32>
          %squeeze3A_108 = vector.extract %slice3A_107[0] : f32 from vector<1xf32>
          %broadcast_in_dim3A_109 = vector.broadcast %squeeze3A_108 : f32 to vector<16xf32>
          %slice3A_110 = vector.extract_strided_slice %get3A_103 {offsets = [2], sizes = [1], strides = [1]} : vector<16xf32> to vector<1xf32>
          %squeeze3A_111 = vector.extract %slice3A_110[0] : f32 from vector<1xf32>
          %broadcast_in_dim3A_112 = vector.broadcast %squeeze3A_111 : f32 to vector<16xf32>
          %get3A_113 = arith.index_cast %scan3A_98 : i32 to index
          %get3A_114 = tpu.vector_load %arg10[%get3A_113] {strides = array<i32>} : memref<408xi32, #tpu.memory_space<vmem>>, vector<16xi32>,
          %slice3A_115 = vector.extract_strided_slice %get3A_114 {offsets = [0], sizes = [1], strides = [1]} : vector<16xi32> to vector<1xi32>
          %squeeze3A_116 = vector.extract %slice3A_115[0] : i32 from vector<1xi32>
          %get3A_117 = arith.index_cast %scan3A_98 : i32 to index
          %get3A_118 = tpu.vector_load %arg11[%get3A_117] {strides = array<i32>} : memref<408xi32, #tpu.memory_space<vmem>>, vector<16xi32>,
          %slice3A_119 = vector.extract_strided_slice %get3A_118 {offsets = [0], sizes = [1], strides = [1]} : vector<16xi32> to vector<1xi32>
          %squeeze3A_120 = vector.extract %slice3A_119[0] : i32 from vector<1xi32>
          %max3A = arith.maxsi %squeeze3A_116, %add3A_87 : i32
          %min3A_121 = arith.minsi %squeeze3A_120, %add3A_89 : i32
          %sub3A_122 = arith.subi %max3A, %add3A_87 : i32
          %sub3A_123 = arith.subi %min3A_121, %add3A_87 : i32
          %jit3A_124 = arith.constant 16 : i32
          %div3A_125 = arith.divsi %sub3A_122, %jit3A_124 : i32
          %sign3A_126 = arith.constant 0 : i32
          %sign3A_127 = arith.cmpi sgt, %sub3A_122, %sign3A_126 : i32
          %sign3A_128 = arith.extui %sign3A_127 : i1 to i32
          %sign3A_129 = arith.constant 0 : i32
          %sign3A_130 = arith.cmpi slt, %sub3A_122, %sign3A_129 : i32
          %sign3A_131 = arith.extui %sign3A_130 : i1 to i32
          %sign3A_132 = arith.subi %sign3A_128, %sign3A_131 : i32
          %sign3A_133 = arith.constant 0 : i32
          %sign3A_134 = arith.cmpi sgt, %jit3A_124, %sign3A_133 : i32
          %sign3A_135 = arith.extui %sign3A_134 : i1 to i32
          %sign3A_136 = arith.constant 0 : i32
          %sign3A_137 = arith.cmpi slt, %jit3A_124, %sign3A_136 : i32
          %sign3A_138 = arith.extui %sign3A_137 : i1 to i32
          %sign3A_139 = arith.subi %sign3A_135, %sign3A_138 : i32
          %ne3A_140 = arith.cmpi ne, %sign3A_132, %sign3A_139 : i32
          %rem3A_141 = arith.remsi %sub3A_122, %jit3A_124 : i32
          %ne3A_142 = arith.constant 0 : i32
          %ne3A_143 = arith.cmpi ne, %rem3A_141, %ne3A_142 : i32
          %and3A_144 = arith.andi %ne3A_140, %ne3A_143 : i1
          %sub3A_145 = arith.constant 1 : i32
          %sub3A_146 = arith.subi %div3A_125, %sub3A_145 : i32
          %select_n3A_147 = arith.select %and3A_144, %sub3A_146, %div3A_125 : i32
          %mul3A_148 = arith.constant 16 : i32
          %mul3A_149 = arith.muli %select_n3A_147, %mul3A_148 : i32
          %add3A_150 = arith.constant 15 : i32
          %add3A_151 = arith.addi %sub3A_122, %add3A_150 : i32
          %jit3A_152 = arith.constant 16 : i32
          %div3A_153 = arith.divsi %add3A_151, %jit3A_152 : i32
          %sign3A_154 = arith.constant 0 : i32
          %sign3A_155 = arith.cmpi sgt, %add3A_151, %sign3A_154 : i32
          %sign3A_156 = arith.extui %sign3A_155 : i1 to i32
          %sign3A_157 = arith.constant 0 : i32
          %sign3A_158 = arith.cmpi slt, %add3A_151, %sign3A_157 : i32
          %sign3A_159 = arith.extui %sign3A_158 : i1 to i32
          %sign3A_160 = arith.subi %sign3A_156, %sign3A_159 : i32
          %sign3A_161 = arith.constant 0 : i32
          %sign3A_162 = arith.cmpi sgt, %jit3A_152, %sign3A_161 : i32
          %sign3A_163 = arith.extui %sign3A_162 : i1 to i32
          %sign3A_164 = arith.constant 0 : i32
          %sign3A_165 = arith.cmpi slt, %jit3A_152, %sign3A_164 : i32
          %sign3A_166 = arith.extui %sign3A_165 : i1 to i32
          %sign3A_167 = arith.subi %sign3A_163, %sign3A_166 : i32
          %ne3A_168 = arith.cmpi ne, %sign3A_160, %sign3A_167 : i32
          %rem3A_169 = arith.remsi %add3A_151, %jit3A_152 : i32
          %ne3A_170 = arith.constant 0 : i32
          %ne3A_171 = arith.cmpi ne, %rem3A_169, %ne3A_170 : i32
          %and3A_172 = arith.andi %ne3A_168, %ne3A_171 : i1
          %sub3A_173 = arith.constant 1 : i32
          %sub3A_174 = arith.subi %div3A_153, %sub3A_173 : i32
          %select_n3A_175 = arith.select %and3A_172, %sub3A_174, %div3A_153 : i32
          %mul3A_176 = arith.constant 16 : i32
          %mul3A_177 = arith.muli %select_n3A_175, %mul3A_176 : i32
          %jit3A_178 = arith.constant 16 : i32
          %div3A_179 = arith.divsi %sub3A_123, %jit3A_178 : i32
          %sign3A_180 = arith.constant 0 : i32
          %sign3A_181 = arith.cmpi sgt, %sub3A_123, %sign3A_180 : i32
          %sign3A_182 = arith.extui %sign3A_181 : i1 to i32
          %sign3A_183 = arith.constant 0 : i32
          %sign3A_184 = arith.cmpi slt, %sub3A_123, %sign3A_183 : i32
          %sign3A_185 = arith.extui %sign3A_184 : i1 to i32
          %sign3A_186 = arith.subi %sign3A_182, %sign3A_185 : i32
          %sign3A_187 = arith.constant 0 : i32
          %sign3A_188 = arith.cmpi sgt, %jit3A_178, %sign3A_187 : i32
          %sign3A_189 = arith.extui %sign3A_188 : i1 to i32
          %sign3A_190 = arith.constant 0 : i32
          %sign3A_191 = arith.cmpi slt, %jit3A_178, %sign3A_190 : i32
          %sign3A_192 = arith.extui %sign3A_191 : i1 to i32
          %sign3A_193 = arith.subi %sign3A_189, %sign3A_192 : i32
          %ne3A_194 = arith.cmpi ne, %sign3A_186, %sign3A_193 : i32
          %rem3A_195 = arith.remsi %sub3A_123, %jit3A_178 : i32
          %ne3A_196 = arith.constant 0 : i32
          %ne3A_197 = arith.cmpi ne, %rem3A_195, %ne3A_196 : i32
          %and3A_198 = arith.andi %ne3A_194, %ne3A_197 : i1
          %sub3A_199 = arith.constant 1 : i32
          %sub3A_200 = arith.subi %div3A_179, %sub3A_199 : i32
          %select_n3A_201 = arith.select %and3A_198, %sub3A_200, %div3A_179 : i32
          %mul3A_202 = arith.constant 16 : i32
          %mul3A_203 = arith.muli %select_n3A_201, %mul3A_202 : i32
          %sub3A_204 = arith.subi %mul3A_203, %mul3A_177 : i32
          %jit3A_205 = arith.constant 16 : i32
          %div3A_206 = arith.divsi %sub3A_204, %jit3A_205 : i32
          %sign3A_207 = arith.constant 0 : i32
          %sign3A_208 = arith.cmpi sgt, %sub3A_204, %sign3A_207 : i32
          %sign3A_209 = arith.extui %sign3A_208 : i1 to i32
          %sign3A_210 = arith.constant 0 : i32
          %sign3A_211 = arith.cmpi slt, %sub3A_204, %sign3A_210 : i32
          %sign3A_212 = arith.extui %sign3A_211 : i1 to i32
          %sign3A_213 = arith.subi %sign3A_209, %sign3A_212 : i32
          %sign3A_214 = arith.constant 0 : i32
          %sign3A_215 = arith.cmpi sgt, %jit3A_205, %sign3A_214 : i32
          %sign3A_216 = arith.extui %sign3A_215 : i1 to i32
          %sign3A_217 = arith.constant 0 : i32
          %sign3A_218 = arith.cmpi slt, %jit3A_205, %sign3A_217 : i32
          %sign3A_219 = arith.extui %sign3A_218 : i1 to i32
          %sign3A_220 = arith.subi %sign3A_216, %sign3A_219 : i32
          %ne3A_221 = arith.cmpi ne, %sign3A_213, %sign3A_220 : i32
          %rem3A_222 = arith.remsi %sub3A_204, %jit3A_205 : i32
          %ne3A_223 = arith.constant 0 : i32
          %ne3A_224 = arith.cmpi ne, %rem3A_222, %ne3A_223 : i32
          %and3A_225 = arith.andi %ne3A_221, %ne3A_224 : i1
          %sub3A_226 = arith.constant 1 : i32
          %sub3A_227 = arith.subi %div3A_206, %sub3A_226 : i32
          %select_n3A_228 = arith.select %and3A_225, %sub3A_227, %div3A_206 : i32
          %max3A_229 = arith.constant 0 : i32
          %max3A_230 = arith.maxsi %max3A_229, %select_n3A_228 : i32
          %min3A_231 = arith.constant 4 : i32
          %min3A_232 = arith.minsi %max3A_230, %min3A_231 : i32
          %sub3A_233 = arith.subi %max3A_230, %min3A_232 : i32
          %jit3A_234 = arith.constant 16 : i32
          %div3A_235 = arith.divsi %sub3A_233, %jit3A_234 : i32
          %sign3A_236 = arith.constant 0 : i32
          %sign3A_237 = arith.cmpi sgt, %sub3A_233, %sign3A_236 : i32
          %sign3A_238 = arith.extui %sign3A_237 : i1 to i32
          %sign3A_239 = arith.constant 0 : i32
          %sign3A_240 = arith.cmpi slt, %sub3A_233, %sign3A_239 : i32
          %sign3A_241 = arith.extui %sign3A_240 : i1 to i32
          %sign3A_242 = arith.subi %sign3A_238, %sign3A_241 : i32
          %sign3A_243 = arith.constant 0 : i32
          %sign3A_244 = arith.cmpi sgt, %jit3A_234, %sign3A_243 : i32
          %sign3A_245 = arith.extui %sign3A_244 : i1 to i32
          %sign3A_246 = arith.constant 0 : i32
          %sign3A_247 = arith.cmpi slt, %jit3A_234, %sign3A_246 : i32
          %sign3A_248 = arith.extui %sign3A_247 : i1 to i32
          %sign3A_249 = arith.subi %sign3A_245, %sign3A_248 : i32
          %ne3A_250 = arith.cmpi ne, %sign3A_242, %sign3A_249 : i32
          %rem3A_251 = arith.remsi %sub3A_233, %jit3A_234 : i32
          %ne3A_252 = arith.constant 0 : i32
          %ne3A_253 = arith.cmpi ne, %rem3A_251, %ne3A_252 : i32
          %and3A_254 = arith.andi %ne3A_250, %ne3A_253 : i1
          %sub3A_255 = arith.constant 1 : i32
          %sub3A_256 = arith.subi %div3A_235, %sub3A_255 : i32
          %select_n3A_257 = arith.select %and3A_254, %sub3A_256, %div3A_235 : i32
          %broadcast_in_dim3A_258 = vector.broadcast %max3A : i32 to vector<16xi32>
          %broadcast_in_dim3A_259 = vector.broadcast %min3A_121 : i32 to vector<16xi32>
          %mul3A_260 = arith.constant 32 : i32
          %mul3A_261 = arith.muli %mul3A_260, %scan3A_98 : i32
          %get3A_262 = arith.index_cast %mul3A_261 : i32 to index
          %get3A_263 = tpu.vector_load %arg15[%get3A_262] {strides = array<i32>} : memref<12544xf32, #tpu.memory_space<vmem>>, vector<16xf32>,
          %jit3A_264 = arith.constant 0x7F800000 : f32
          %broadcast_in_dim3A_265 = vector.broadcast %jit3A_264 : f32 to vector<16xf32>
          %select_n3A_266 = arith.select %broadcast_in_dim3A, %broadcast_in_dim3A_265, %get3A_263 : vector<16xi1>, vector<16xf32>
          %mul3A_267 = arith.constant 32 : i32
          %mul3A_268 = arith.muli %mul3A_267, %scan3A_98 : i32
          %add3A_269 = arith.constant 16 : i32
          %add3A_270 = arith.addi %mul3A_268, %add3A_269 : i32
          %get3A_271 = arith.index_cast %add3A_270 : i32 to index
          %get3A_272 = tpu.vector_load %arg15[%get3A_271] {strides = array<i32>} : memref<12544xf32, #tpu.memory_space<vmem>>, vector<16xf32>,
          %jit3A_273 = arith.constant 0x7F800000 : f32
          %broadcast_in_dim3A_274 = vector.broadcast %jit3A_273 : f32 to vector<16xf32>
          %select_n3A_275 = arith.select %broadcast_in_dim3A, %broadcast_in_dim3A_274, %get3A_272 : vector<16xi1>, vector<16xf32>
          %mul3A_276 = arith.constant 32 : i32
          %mul3A_277 = arith.muli %mul3A_276, %scan3A_98 : i32
          %get3A_278 = arith.index_cast %mul3A_277 : i32 to index
          %get3A_279 = tpu.vector_load %arg16[%get3A_278] {strides = array<i32>} : memref<12544xi32, #tpu.memory_space<vmem>>, vector<16xi32>,
          %jit3A_280 = arith.constant 0 : i32
          %broadcast_in_dim3A_281 = vector.broadcast %jit3A_280 : i32 to vector<16xi32>
          %select_n3A_282 = arith.select %broadcast_in_dim3A, %broadcast_in_dim3A_281, %get3A_279 : vector<16xi1>, vector<16xi32>
          %mul3A_283 = arith.constant 32 : i32
          %mul3A_284 = arith.muli %mul3A_283, %scan3A_98 : i32
          %add3A_285 = arith.constant 16 : i32
          %add3A_286 = arith.addi %mul3A_284, %add3A_285 : i32
          %get3A_287 = arith.index_cast %add3A_286 : i32 to index
          %get3A_288 = tpu.vector_load %arg16[%get3A_287] {strides = array<i32>} : memref<12544xi32, #tpu.memory_space<vmem>>, vector<16xi32>,
          %jit3A_289 = arith.constant 0 : i32
          %broadcast_in_dim3A_290 = vector.broadcast %jit3A_289 : i32 to vector<16xi32>
          %select_n3A_291 = arith.select %broadcast_in_dim3A, %broadcast_in_dim3A_290, %get3A_288 : vector<16xi1>, vector<16xi32>
          %slice3A_292 = vector.extract_strided_slice %select_n3A_275 {offsets = [3], sizes = [1], strides = [1]} : vector<16xf32> to vector<1xf32>
          %squeeze3A_293 = vector.extract %slice3A_292[0] : f32 from vector<1xf32>
          %broadcast_in_dim3A_294 = vector.broadcast %squeeze3A_293 : f32 to vector<16xf32>
          %broadcast_in_dim3A_295 = arith.constant 0 : i32
          %broadcast_in_dim3A_296 = vector.broadcast %broadcast_in_dim3A_295 : i32 to vector<16xi32>
          %lt3A = arith.cmpi slt, %mul3A_149, %mul3A_177 : i32
          %lt3A_297 = arith.cmpi slt, %sub3A_122, %sub3A_123 : i32
          %and3A_298 = arith.andi %lt3A, %lt3A_297 : i1
          %convert_element_type3A = arith.extui %and3A_298 : i1 to i32
          %cond3A = arith.constant 0 : i32
          %cond3A_299 = arith.cmpi ne, %convert_element_type3A, %cond3A : i32
          %cond3A_300 = scf.if %cond3A_299 -> (vector<16xi32>) {
            %add3A_528 = arith.addi %add3A_87, %mul3A_149 : i32
            %add3A_529 = vector.broadcast %add3A_528 : i32 to vector<16xi32>
            %add3A_530 = arith.addi %add3A_529, %iota3A : vector<16xi32>
            %get3A_531 = arith.index_cast %mul3A_149 : i32 to index
            %get3A_532 = tpu.vector_load %arg12[%get3A_531] {strides = array<i32>} : memref<8448xf32, #tpu.memory_space<vmem>>, vector<16xf32>,
            %sub3A_533 = arith.subf %get3A_532, %broadcast_in_dim3A_106 : vector<16xf32>
            %get3A_534 = arith.index_cast %mul3A_149 : i32 to index
            %get3A_535 = tpu.vector_load %arg13[%get3A_534] {strides = array<i32>} : memref<8448xf32, #tpu.memory_space<vmem>>, vector<16xf32>,
            %sub3A_536 = arith.subf %get3A_535, %broadcast_in_dim3A_109 : vector<16xf32>
            %get3A_537 = arith.index_cast %mul3A_149 : i32 to index
            %get3A_538 = tpu.vector_load %arg14[%get3A_537] {strides = array<i32>} : memref<8448xf32, #tpu.memory_space<vmem>>, vector<16xf32>,
            %sub3A_539 = arith.subf %get3A_538, %broadcast_in_dim3A_112 : vector<16xf32>
            %mul3A_540 = arith.mulf %sub3A_533, %sub3A_533 : vector<16xf32>
            %mul3A_541 = arith.mulf %sub3A_536, %sub3A_536 : vector<16xf32>
            %add3A_542 = arith.addf %mul3A_540, %mul3A_541 : vector<16xf32>
            %mul3A_543 = arith.mulf %sub3A_539, %sub3A_539 : vector<16xf32>
            %add3A_544 = arith.addf %add3A_542, %mul3A_543 : vector<16xf32>
            %ge3A = arith.cmpi sge, %add3A_530, %broadcast_in_dim3A_258 : vector<16xi32>
            %lt3A_545 = arith.cmpi slt, %add3A_530, %broadcast_in_dim3A_259 : vector<16xi32>
            %and3A_546 = arith.andi %ge3A, %lt3A_545 : vector<16xi1>
            %jit3A_547 = arith.constant 0x7F800000 : f32
            %broadcast_in_dim3A_548 = vector.broadcast %jit3A_547 : f32 to vector<16xf32>
            %select_n3A_549 = arith.select %and3A_546, %add3A_544, %broadcast_in_dim3A_548 : vector<16xi1>, vector<16xf32>
            %lt3A_550 = arith.cmpf olt, %select_n3A_549, %broadcast_in_dim3A_294 : vector<16xf32>
            %jit3A_551 = arith.constant 1 : i32
            %jit3A_552 = arith.constant 0 : i32
            %broadcast_in_dim3A_553 = vector.broadcast %jit3A_551 : i32 to vector<16xi32>
            %broadcast_in_dim3A_554 = vector.broadcast %jit3A_552 : i32 to vector<16xi32>
            %select_n3A_555 = arith.select %lt3A_550, %broadcast_in_dim3A_553, %broadcast_in_dim3A_554 : vector<16xi1>, vector<16xi32>
            %broadcast_in_dim3A_556 = arith.constant true
            %broadcast_in_dim3A_557 = vector.broadcast %broadcast_in_dim3A_556 : i1 to vector<16xi1>
            %masked_cumsum3A = tpu.scan <sum>, %select_n3A_555 masked %broadcast_in_dim3A_557 : vector<16xi32>, vector<16xi1> -> vector<16xi32>
            %add3A_558 = arith.addi %broadcast_in_dim3A_296, %masked_cumsum3A : vector<16xi32>
            %sub3A_559 = arith.subi %add3A_558, %select_n3A_555 : vector<16xi32>
            tpu.vector_store_idx %arg17[%sub3A_559], %select_n3A_549 masked %lt3A_550 : memref<288xf32, #tpu.memory_space<vmem>>[vector<16xi32>], vector<16xf32>, vector<16xi1>
            tpu.vector_store_idx %arg18[%sub3A_559], %add3A_530 masked %lt3A_550 : memref<288xi32, #tpu.memory_space<vmem>>[vector<16xi32>], vector<16xi32>, vector<16xi1>
            %slice3A_560 = vector.extract_strided_slice %masked_cumsum3A {offsets = [15], sizes = [1], strides = [1]} : vector<16xi32> to vector<1xi32>
            %squeeze3A_561 = vector.extract %slice3A_560[0] : i32 from vector<1xi32>
            %broadcast_in_dim3A_562 = vector.broadcast %squeeze3A_561 : i32 to vector<16xi32>
            %add3A_563 = arith.addi %broadcast_in_dim3A_296, %broadcast_in_dim3A_562 : vector<16xi32>
            scf.yield %add3A_563 : vector<16xi32>
          } else {
            scf.yield %broadcast_in_dim3A_296 : vector<16xi32>
          }
          %max3A_301 = arith.maxsi %mul3A_203, %mul3A_177 : i32
          %gt3A = arith.cmpi sgt, %sub3A_123, %max3A_301 : i32
          %convert_element_type3A_302 = arith.extui %gt3A : i1 to i32
          %cond3A_303 = arith.constant 0 : i32
          %cond3A_304 = arith.cmpi ne, %convert_element_type3A_302, %cond3A_303 : i32
          %cond3A_305 = scf.if %cond3A_304 -> (vector<16xi32>) {
            %add3A_528 = arith.addi %add3A_87, %max3A_301 : i32
            %add3A_529 = vector.broadcast %add3A_528 : i32 to vector<16xi32>
            %add3A_530 = arith.addi %add3A_529, %iota3A : vector<16xi32>
            %get3A_531 = arith.index_cast %max3A_301 : i32 to index
            %get3A_532 = tpu.vector_load %arg12[%get3A_531] {strides = array<i32>} : memref<8448xf32, #tpu.memory_space<vmem>>, vector<16xf32>,
            %sub3A_533 = arith.subf %get3A_532, %broadcast_in_dim3A_106 : vector<16xf32>
            %get3A_534 = arith.index_cast %max3A_301 : i32 to index
            %get3A_535 = tpu.vector_load %arg13[%get3A_534] {strides = array<i32>} : memref<8448xf32, #tpu.memory_space<vmem>>, vector<16xf32>,
            %sub3A_536 = arith.subf %get3A_535, %broadcast_in_dim3A_109 : vector<16xf32>
            %get3A_537 = arith.index_cast %max3A_301 : i32 to index
            %get3A_538 = tpu.vector_load %arg14[%get3A_537] {strides = array<i32>} : memref<8448xf32, #tpu.memory_space<vmem>>, vector<16xf32>,
            %sub3A_539 = arith.subf %get3A_538, %broadcast_in_dim3A_112 : vector<16xf32>
            %mul3A_540 = arith.mulf %sub3A_533, %sub3A_533 : vector<16xf32>
            %mul3A_541 = arith.mulf %sub3A_536, %sub3A_536 : vector<16xf32>
            %add3A_542 = arith.addf %mul3A_540, %mul3A_541 : vector<16xf32>
            %mul3A_543 = arith.mulf %sub3A_539, %sub3A_539 : vector<16xf32>
            %add3A_544 = arith.addf %add3A_542, %mul3A_543 : vector<16xf32>
            %ge3A = arith.cmpi sge, %add3A_530, %broadcast_in_dim3A_258 : vector<16xi32>
            %lt3A_545 = arith.cmpi slt, %add3A_530, %broadcast_in_dim3A_259 : vector<16xi32>
            %and3A_546 = arith.andi %ge3A, %lt3A_545 : vector<16xi1>
            %jit3A_547 = arith.constant 0x7F800000 : f32
            %broadcast_in_dim3A_548 = vector.broadcast %jit3A_547 : f32 to vector<16xf32>
            %select_n3A_549 = arith.select %and3A_546, %add3A_544, %broadcast_in_dim3A_548 : vector<16xi1>, vector<16xf32>
            %lt3A_550 = arith.cmpf olt, %select_n3A_549, %broadcast_in_dim3A_294 : vector<16xf32>
            %jit3A_551 = arith.constant 1 : i32
            %jit3A_552 = arith.constant 0 : i32
            %broadcast_in_dim3A_553 = vector.broadcast %jit3A_551 : i32 to vector<16xi32>
            %broadcast_in_dim3A_554 = vector.broadcast %jit3A_552 : i32 to vector<16xi32>
            %select_n3A_555 = arith.select %lt3A_550, %broadcast_in_dim3A_553, %broadcast_in_dim3A_554 : vector<16xi1>, vector<16xi32>
            %broadcast_in_dim3A_556 = arith.constant true
            %broadcast_in_dim3A_557 = vector.broadcast %broadcast_in_dim3A_556 : i1 to vector<16xi1>
            %masked_cumsum3A = tpu.scan <sum>, %select_n3A_555 masked %broadcast_in_dim3A_557 : vector<16xi32>, vector<16xi1> -> vector<16xi32>
            %add3A_558 = arith.addi %cond3A_300, %masked_cumsum3A : vector<16xi32>
            %sub3A_559 = arith.subi %add3A_558, %select_n3A_555 : vector<16xi32>
            tpu.vector_store_idx %arg17[%sub3A_559], %select_n3A_549 masked %lt3A_550 : memref<288xf32, #tpu.memory_space<vmem>>[vector<16xi32>], vector<16xf32>, vector<16xi1>
            tpu.vector_store_idx %arg18[%sub3A_559], %add3A_530 masked %lt3A_550 : memref<288xi32, #tpu.memory_space<vmem>>[vector<16xi32>], vector<16xi32>, vector<16xi1>
            %slice3A_560 = vector.extract_strided_slice %masked_cumsum3A {offsets = [15], sizes = [1], strides = [1]} : vector<16xi32> to vector<1xi32>
            %squeeze3A_561 = vector.extract %slice3A_560[0] : i32 from vector<1xi32>
            %broadcast_in_dim3A_562 = vector.broadcast %squeeze3A_561 : i32 to vector<16xi32>
            %add3A_563 = arith.addi %cond3A_300, %broadcast_in_dim3A_562 : vector<16xi32>
            scf.yield %add3A_563 : vector<16xi32>
          } else {
            scf.yield %cond3A_300 : vector<16xi32>
          }
          %while3A_306 = arith.constant 0 : i32
          %while3A_307 = arith.subi %min3A_232, %while3A_306 : i32
          %while3A_308 = arith.addi %while3A_306, %while3A_307 : i32
          %while3A_309 = arith.constant 1 : i32
          %while3A_310 = arith.divsi %while3A_307, %while3A_309 : i32
          %while3A_311 = arith.muli %while3A_310, %while3A_309 : i32
          %while3A_312 = arith.addi %while3A_306, %while3A_311 : i32
          %while3A_313 = arith.constant 1 : i32
          %while3A_314 = scf.for %while3A_528 = %while3A_306 to %while3A_312 step %while3A_313 iter_args(%while3A_529 = %cond3A_305) -> (vector<16xi32>)  : i32 {
            %mul3A_530 = arith.constant 16 : i32
            %mul3A_531 = arith.muli %while3A_528, %mul3A_530 : i32
            %add3A_532 = arith.addi %mul3A_177, %mul3A_531 : i32
            %add3A_533 = arith.addi %add3A_87, %add3A_532 : i32
            %add3A_534 = vector.broadcast %add3A_533 : i32 to vector<16xi32>
            %add3A_535 = arith.addi %add3A_534, %iota3A : vector<16xi32>
            %get3A_536 = arith.index_cast %add3A_532 : i32 to index
            %get3A_537 = tpu.vector_load %arg12[%get3A_536] {strides = array<i32>} : memref<8448xf32, #tpu.memory_space<vmem>>, vector<16xf32>,
            %sub3A_538 = arith.subf %get3A_537, %broadcast_in_dim3A_106 : vector<16xf32>
            %get3A_539 = arith.index_cast %add3A_532 : i32 to index
            %get3A_540 = tpu.vector_load %arg13[%get3A_539] {strides = array<i32>} : memref<8448xf32, #tpu.memory_space<vmem>>, vector<16xf32>,
            %sub3A_541 = arith.subf %get3A_540, %broadcast_in_dim3A_109 : vector<16xf32>
            %get3A_542 = arith.index_cast %add3A_532 : i32 to index
            %get3A_543 = tpu.vector_load %arg14[%get3A_542] {strides = array<i32>} : memref<8448xf32, #tpu.memory_space<vmem>>, vector<16xf32>,
            %sub3A_544 = arith.subf %get3A_543, %broadcast_in_dim3A_112 : vector<16xf32>
            %mul3A_545 = arith.mulf %sub3A_538, %sub3A_538 : vector<16xf32>
            %mul3A_546 = arith.mulf %sub3A_541, %sub3A_541 : vector<16xf32>
            %add3A_547 = arith.addf %mul3A_545, %mul3A_546 : vector<16xf32>
            %mul3A_548 = arith.mulf %sub3A_544, %sub3A_544 : vector<16xf32>
            %add3A_549 = arith.addf %add3A_547, %mul3A_548 : vector<16xf32>
            %lt3A_550 = arith.cmpf olt, %add3A_549, %broadcast_in_dim3A_294 : vector<16xf32>
            %jit3A_551 = arith.constant 1 : i32
            %jit3A_552 = arith.constant 0 : i32
            %broadcast_in_dim3A_553 = vector.broadcast %jit3A_551 : i32 to vector<16xi32>
            %broadcast_in_dim3A_554 = vector.broadcast %jit3A_552 : i32 to vector<16xi32>
            %select_n3A_555 = arith.select %lt3A_550, %broadcast_in_dim3A_553, %broadcast_in_dim3A_554 : vector<16xi1>, vector<16xi32>
            %broadcast_in_dim3A_556 = arith.constant true
            %broadcast_in_dim3A_557 = vector.broadcast %broadcast_in_dim3A_556 : i1 to vector<16xi1>
            %masked_cumsum3A = tpu.scan <sum>, %select_n3A_555 masked %broadcast_in_dim3A_557 : vector<16xi32>, vector<16xi1> -> vector<16xi32>
            %add3A_558 = arith.addi %while3A_529, %masked_cumsum3A : vector<16xi32>
            %sub3A_559 = arith.subi %add3A_558, %select_n3A_555 : vector<16xi32>
            tpu.vector_store_idx %arg17[%sub3A_559], %add3A_549 masked %lt3A_550 : memref<288xf32, #tpu.memory_space<vmem>>[vector<16xi32>], vector<16xf32>, vector<16xi1>
            tpu.vector_store_idx %arg18[%sub3A_559], %add3A_535 masked %lt3A_550 : memref<288xi32, #tpu.memory_space<vmem>>[vector<16xi32>], vector<16xi32>, vector<16xi1>
            %slice3A_560 = vector.extract_strided_slice %masked_cumsum3A {offsets = [15], sizes = [1], strides = [1]} : vector<16xi32> to vector<1xi32>
            %squeeze3A_561 = vector.extract %slice3A_560[0] : i32 from vector<1xi32>
            %broadcast_in_dim3A_562 = vector.broadcast %squeeze3A_561 : i32 to vector<16xi32>
            %add3A_563 = arith.addi %while3A_529, %broadcast_in_dim3A_562 : vector<16xi32>
            scf.yield %add3A_563 : vector<16xi32>
          }
          %while3A_315 = arith.constant 1 : i32
          %while3A_316 = scf.for %while3A_528 = %while3A_312 to %while3A_308 step %while3A_315 iter_args(%while3A_529 = %while3A_314) -> (vector<16xi32>)  : i32 {
            %mul3A_530 = arith.constant 16 : i32
            %mul3A_531 = arith.muli %while3A_528, %mul3A_530 : i32
            %add3A_532 = arith.addi %mul3A_177, %mul3A_531 : i32
            %add3A_533 = arith.addi %add3A_87, %add3A_532 : i32
            %add3A_534 = vector.broadcast %add3A_533 : i32 to vector<16xi32>
            %add3A_535 = arith.addi %add3A_534, %iota3A : vector<16xi32>
            %get3A_536 = arith.index_cast %add3A_532 : i32 to index
            %get3A_537 = tpu.vector_load %arg12[%get3A_536] {strides = array<i32>} : memref<8448xf32, #tpu.memory_space<vmem>>, vector<16xf32>,
            %sub3A_538 = arith.subf %get3A_537, %broadcast_in_dim3A_106 : vector<16xf32>
            %get3A_539 = arith.index_cast %add3A_532 : i32 to index
            %get3A_540 = tpu.vector_load %arg13[%get3A_539] {strides = array<i32>} : memref<8448xf32, #tpu.memory_space<vmem>>, vector<16xf32>,
            %sub3A_541 = arith.subf %get3A_540, %broadcast_in_dim3A_109 : vector<16xf32>
            %get3A_542 = arith.index_cast %add3A_532 : i32 to index
            %get3A_543 = tpu.vector_load %arg14[%get3A_542] {strides = array<i32>} : memref<8448xf32, #tpu.memory_space<vmem>>, vector<16xf32>,
            %sub3A_544 = arith.subf %get3A_543, %broadcast_in_dim3A_112 : vector<16xf32>
            %mul3A_545 = arith.mulf %sub3A_538, %sub3A_538 : vector<16xf32>
            %mul3A_546 = arith.mulf %sub3A_541, %sub3A_541 : vector<16xf32>
            %add3A_547 = arith.addf %mul3A_545, %mul3A_546 : vector<16xf32>
            %mul3A_548 = arith.mulf %sub3A_544, %sub3A_544 : vector<16xf32>
            %add3A_549 = arith.addf %add3A_547, %mul3A_548 : vector<16xf32>
            %lt3A_550 = arith.cmpf olt, %add3A_549, %broadcast_in_dim3A_294 : vector<16xf32>
            %jit3A_551 = arith.constant 1 : i32
            %jit3A_552 = arith.constant 0 : i32
            %broadcast_in_dim3A_553 = vector.broadcast %jit3A_551 : i32 to vector<16xi32>
            %broadcast_in_dim3A_554 = vector.broadcast %jit3A_552 : i32 to vector<16xi32>
            %select_n3A_555 = arith.select %lt3A_550, %broadcast_in_dim3A_553, %broadcast_in_dim3A_554 : vector<16xi1>, vector<16xi32>
            %broadcast_in_dim3A_556 = arith.constant true
            %broadcast_in_dim3A_557 = vector.broadcast %broadcast_in_dim3A_556 : i1 to vector<16xi1>
            %masked_cumsum3A = tpu.scan <sum>, %select_n3A_555 masked %broadcast_in_dim3A_557 : vector<16xi32>, vector<16xi1> -> vector<16xi32>
            %add3A_558 = arith.addi %while3A_529, %masked_cumsum3A : vector<16xi32>
            %sub3A_559 = arith.subi %add3A_558, %select_n3A_555 : vector<16xi32>
            tpu.vector_store_idx %arg17[%sub3A_559], %add3A_549 masked %lt3A_550 : memref<288xf32, #tpu.memory_space<vmem>>[vector<16xi32>], vector<16xf32>, vector<16xi1>
            tpu.vector_store_idx %arg18[%sub3A_559], %add3A_535 masked %lt3A_550 : memref<288xi32, #tpu.memory_space<vmem>>[vector<16xi32>], vector<16xi32>, vector<16xi1>
            %slice3A_560 = vector.extract_strided_slice %masked_cumsum3A {offsets = [15], sizes = [1], strides = [1]} : vector<16xi32> to vector<1xi32>
            %squeeze3A_561 = vector.extract %slice3A_560[0] : i32 from vector<1xi32>
            %broadcast_in_dim3A_562 = vector.broadcast %squeeze3A_561 : i32 to vector<16xi32>
            %add3A_563 = arith.addi %while3A_529, %broadcast_in_dim3A_562 : vector<16xi32>
            scf.yield %add3A_563 : vector<16xi32>
          }
          %slice3A_317 = vector.extract_strided_slice %while3A_316 {offsets = [0], sizes = [1], strides = [1]} : vector<16xi32> to vector<1xi32>
          %squeeze3A_318 = vector.extract %slice3A_317[0] : i32 from vector<1xi32>
          %jit3A_319 = arith.constant 16 : i32
          %div3A_320 = arith.divsi %squeeze3A_318, %jit3A_319 : i32
          %sign3A_321 = arith.constant 0 : i32
          %sign3A_322 = arith.cmpi sgt, %squeeze3A_318, %sign3A_321 : i32
          %sign3A_323 = arith.extui %sign3A_322 : i1 to i32
          %sign3A_324 = arith.constant 0 : i32
          %sign3A_325 = arith.cmpi slt, %squeeze3A_318, %sign3A_324 : i32
          %sign3A_326 = arith.extui %sign3A_325 : i1 to i32
          %sign3A_327 = arith.subi %sign3A_323, %sign3A_326 : i32
          %sign3A_328 = arith.constant 0 : i32
          %sign3A_329 = arith.cmpi sgt, %jit3A_319, %sign3A_328 : i32
          %sign3A_330 = arith.extui %sign3A_329 : i1 to i32
          %sign3A_331 = arith.constant 0 : i32
          %sign3A_332 = arith.cmpi slt, %jit3A_319, %sign3A_331 : i32
          %sign3A_333 = arith.extui %sign3A_332 : i1 to i32
          %sign3A_334 = arith.subi %sign3A_330, %sign3A_333 : i32
          %ne3A_335 = arith.cmpi ne, %sign3A_327, %sign3A_334 : i32
          %rem3A_336 = arith.remsi %squeeze3A_318, %jit3A_319 : i32
          %ne3A_337 = arith.constant 0 : i32
          %ne3A_338 = arith.cmpi ne, %rem3A_336, %ne3A_337 : i32
          %and3A_339 = arith.andi %ne3A_335, %ne3A_338 : i1
          %sub3A_340 = arith.constant 1 : i32
          %sub3A_341 = arith.subi %div3A_320, %sub3A_340 : i32
          %select_n3A_342 = arith.select %and3A_339, %sub3A_341, %div3A_320 : i32
          %while3A_343 = arith.constant 0 : i32
          %while3A_344 = arith.subi %select_n3A_342, %while3A_343 : i32
          %while3A_345 = arith.addi %while3A_343, %while3A_344 : i32
          %while3A_346 = arith.constant 1 : i32
          %while3A_347 = arith.divsi %while3A_344, %while3A_346 : i32
          %while3A_348 = arith.muli %while3A_347, %while3A_346 : i32
          %while3A_349 = arith.addi %while3A_343, %while3A_348 : i32
          %while3A_350 = arith.constant 1 : i32
          %while3A_351:4 = scf.for %while3A_528 = %while3A_343 to %while3A_349 step %while3A_350 iter_args(%while3A_529 = %select_n3A_266, %while3A_530 = %select_n3A_282, %while3A_531 = %select_n3A_275, %while3A_532 = %select_n3A_291) -> (vector<16xf32>, vector<16xi32>, vector<16xf32>, vector<16xi32>)  : i32 {
            %mul3A_533 = arith.constant 16 : i32
            %mul3A_534 = arith.muli %while3A_528, %mul3A_533 : i32
            %get3A_535 = arith.index_cast %mul3A_534 : i32 to index
            %get3A_536 = tpu.vector_load %arg17[%get3A_535] {strides = array<i32>} : memref<288xf32, #tpu.memory_space<vmem>>, vector<16xf32>,
            %mul3A_537 = arith.constant 16 : i32
            %mul3A_538 = arith.muli %while3A_528, %mul3A_537 : i32
            %get3A_539 = arith.index_cast %mul3A_538 : i32 to index
            %get3A_540 = tpu.vector_load %arg18[%get3A_539] {strides = array<i32>} : memref<288xi32, #tpu.memory_space<vmem>>, vector<16xi32>,
            %masked_sort3A_541 = arith.constant dense<true> : vector<16xi1>
            %masked_sort3A_542, %masked_sort3A_543, %masked_sort3A_544 = tpu.sort %get3A_536, %get3A_540 masked %masked_sort3A_541 : (vector<16xf32>, vector<16xi32>, vector<16xi1>) -> (vector<16xi1>, vector<16xf32>, vector<16xi32>)
            %rev3A_545 = arith.constant 15 : i32
            %rev3A_546 = vector.broadcast %rev3A_545 : i32 to vector<16xi32>
            %rev3A_547 = tpu.iota {dimensions = array<i32: 0>} : vector<16xi32>
            %rev3A_548 = arith.subi %rev3A_546, %rev3A_547 : vector<16xi32>
            %rev3A_549 = tpu.dynamic_gather %masked_sort3A_543[%rev3A_548] in [0] : vector<16xf32>, vector<16xi32> -> vector<16xf32>
            %rev3A_550 = arith.constant 15 : i32
            %rev3A_551 = vector.broadcast %rev3A_550 : i32 to vector<16xi32>
            %rev3A_552 = tpu.iota {dimensions = array<i32: 0>} : vector<16xi32>
            %rev3A_553 = arith.subi %rev3A_551, %rev3A_552 : vector<16xi32>
            %rev3A_554 = tpu.dynamic_gather %masked_sort3A_544[%rev3A_553] in [0] : vector<16xi32>, vector<16xi32> -> vector<16xi32>
            %le3A_555 = arith.cmpf ole, %while3A_531, %rev3A_549 : vector<16xf32>
            %select_n3A_556 = arith.select %le3A_555, %while3A_531, %rev3A_549 : vector<16xi1>, vector<16xf32>
            %select_n3A_557 = arith.select %le3A_555, %while3A_532, %rev3A_554 : vector<16xi1>, vector<16xi32>
            %masked_sort3A_558 = arith.constant dense<true> : vector<16xi1>
            %masked_sort3A_559, %masked_sort3A_560, %masked_sort3A_561 = tpu.sort %select_n3A_556, %select_n3A_557 masked %masked_sort3A_558 : (vector<16xf32>, vector<16xi32>, vector<16xi1>) -> (vector<16xi1>, vector<16xf32>, vector<16xi32>)
            %rev3A_562 = arith.constant 15 : i32
            %rev3A_563 = vector.broadcast %rev3A_562 : i32 to vector<16xi32>
            %rev3A_564 = tpu.iota {dimensions = array<i32: 0>} : vector<16xi32>
            %rev3A_565 = arith.subi %rev3A_563, %rev3A_564 : vector<16xi32>
            %rev3A_566 = tpu.dynamic_gather %masked_sort3A_560[%rev3A_565] in [0] : vector<16xf32>, vector<16xi32> -> vector<16xf32>
            %rev3A_567 = arith.constant 15 : i32
            %rev3A_568 = vector.broadcast %rev3A_567 : i32 to vector<16xi32>
            %rev3A_569 = tpu.iota {dimensions = array<i32: 0>} : vector<16xi32>
            %rev3A_570 = arith.subi %rev3A_568, %rev3A_569 : vector<16xi32>
            %rev3A_571 = tpu.dynamic_gather %masked_sort3A_561[%rev3A_570] in [0] : vector<16xi32>, vector<16xi32> -> vector<16xi32>
            %le3A_572 = arith.cmpf ole, %while3A_529, %rev3A_566 : vector<16xf32>
            %select_n3A_573 = arith.select %le3A_572, %while3A_529, %rev3A_566 : vector<16xi1>, vector<16xf32>
            %select_n3A_574 = arith.select %le3A_572, %while3A_530, %rev3A_571 : vector<16xi1>, vector<16xi32>
            %select_n3A_575 = arith.select %le3A_572, %rev3A_566, %while3A_529 : vector<16xi1>, vector<16xf32>
            %select_n3A_576 = arith.select %le3A_572, %rev3A_571, %while3A_530 : vector<16xi1>, vector<16xi32>
            %masked_sort3A_577 = arith.constant dense<true> : vector<16xi1>
            %masked_sort3A_578, %masked_sort3A_579, %masked_sort3A_580 = tpu.sort %select_n3A_573, %select_n3A_574 masked %masked_sort3A_577 : (vector<16xf32>, vector<16xi32>, vector<16xi1>) -> (vector<16xi1>, vector<16xf32>, vector<16xi32>)
            %masked_sort3A_581 = arith.constant dense<true> : vector<16xi1>
            %masked_sort3A_582, %masked_sort3A_583, %masked_sort3A_584 = tpu.sort %select_n3A_575, %select_n3A_576 masked %masked_sort3A_581 : (vector<16xf32>, vector<16xi32>, vector<16xi1>) -> (vector<16xi1>, vector<16xf32>, vector<16xi32>)
            scf.yield %masked_sort3A_579, %masked_sort3A_580, %masked_sort3A_583, %masked_sort3A_584 : vector<16xf32>, vector<16xi32>, vector<16xf32>, vector<16xi32>
          }
          %while3A_352 = arith.constant 1 : i32
          %while3A_353:4 = scf.for %while3A_528 = %while3A_349 to %while3A_345 step %while3A_352 iter_args(%while3A_529 = %while3A_351#0, %while3A_530 = %while3A_351#1, %while3A_531 = %while3A_351#2, %while3A_532 = %while3A_351#3) -> (vector<16xf32>, vector<16xi32>, vector<16xf32>, vector<16xi32>)  : i32 {
            %mul3A_533 = arith.constant 16 : i32
            %mul3A_534 = arith.muli %while3A_528, %mul3A_533 : i32
            %get3A_535 = arith.index_cast %mul3A_534 : i32 to index
            %get3A_536 = tpu.vector_load %arg17[%get3A_535] {strides = array<i32>} : memref<288xf32, #tpu.memory_space<vmem>>, vector<16xf32>,
            %mul3A_537 = arith.constant 16 : i32
            %mul3A_538 = arith.muli %while3A_528, %mul3A_537 : i32
            %get3A_539 = arith.index_cast %mul3A_538 : i32 to index
            %get3A_540 = tpu.vector_load %arg18[%get3A_539] {strides = array<i32>} : memref<288xi32, #tpu.memory_space<vmem>>, vector<16xi32>,
            %masked_sort3A_541 = arith.constant dense<true> : vector<16xi1>
            %masked_sort3A_542, %masked_sort3A_543, %masked_sort3A_544 = tpu.sort %get3A_536, %get3A_540 masked %masked_sort3A_541 : (vector<16xf32>, vector<16xi32>, vector<16xi1>) -> (vector<16xi1>, vector<16xf32>, vector<16xi32>)
            %rev3A_545 = arith.constant 15 : i32
            %rev3A_546 = vector.broadcast %rev3A_545 : i32 to vector<16xi32>
            %rev3A_547 = tpu.iota {dimensions = array<i32: 0>} : vector<16xi32>
            %rev3A_548 = arith.subi %rev3A_546, %rev3A_547 : vector<16xi32>
            %rev3A_549 = tpu.dynamic_gather %masked_sort3A_543[%rev3A_548] in [0] : vector<16xf32>, vector<16xi32> -> vector<16xf32>
            %rev3A_550 = arith.constant 15 : i32
            %rev3A_551 = vector.broadcast %rev3A_550 : i32 to vector<16xi32>
            %rev3A_552 = tpu.iota {dimensions = array<i32: 0>} : vector<16xi32>
            %rev3A_553 = arith.subi %rev3A_551, %rev3A_552 : vector<16xi32>
            %rev3A_554 = tpu.dynamic_gather %masked_sort3A_544[%rev3A_553] in [0] : vector<16xi32>, vector<16xi32> -> vector<16xi32>
            %le3A_555 = arith.cmpf ole, %while3A_531, %rev3A_549 : vector<16xf32>
            %select_n3A_556 = arith.select %le3A_555, %while3A_531, %rev3A_549 : vector<16xi1>, vector<16xf32>
            %select_n3A_557 = arith.select %le3A_555, %while3A_532, %rev3A_554 : vector<16xi1>, vector<16xi32>
            %masked_sort3A_558 = arith.constant dense<true> : vector<16xi1>
            %masked_sort3A_559, %masked_sort3A_560, %masked_sort3A_561 = tpu.sort %select_n3A_556, %select_n3A_557 masked %masked_sort3A_558 : (vector<16xf32>, vector<16xi32>, vector<16xi1>) -> (vector<16xi1>, vector<16xf32>, vector<16xi32>)
            %rev3A_562 = arith.constant 15 : i32
            %rev3A_563 = vector.broadcast %rev3A_562 : i32 to vector<16xi32>
            %rev3A_564 = tpu.iota {dimensions = array<i32: 0>} : vector<16xi32>
            %rev3A_565 = arith.subi %rev3A_563, %rev3A_564 : vector<16xi32>
            %rev3A_566 = tpu.dynamic_gather %masked_sort3A_560[%rev3A_565] in [0] : vector<16xf32>, vector<16xi32> -> vector<16xf32>
            %rev3A_567 = arith.constant 15 : i32
            %rev3A_568 = vector.broadcast %rev3A_567 : i32 to vector<16xi32>
            %rev3A_569 = tpu.iota {dimensions = array<i32: 0>} : vector<16xi32>
            %rev3A_570 = arith.subi %rev3A_568, %rev3A_569 : vector<16xi32>
            %rev3A_571 = tpu.dynamic_gather %masked_sort3A_561[%rev3A_570] in [0] : vector<16xi32>, vector<16xi32> -> vector<16xi32>
            %le3A_572 = arith.cmpf ole, %while3A_529, %rev3A_566 : vector<16xf32>
            %select_n3A_573 = arith.select %le3A_572, %while3A_529, %rev3A_566 : vector<16xi1>, vector<16xf32>
            %select_n3A_574 = arith.select %le3A_572, %while3A_530, %rev3A_571 : vector<16xi1>, vector<16xi32>
            %select_n3A_575 = arith.select %le3A_572, %rev3A_566, %while3A_529 : vector<16xi1>, vector<16xf32>
            %select_n3A_576 = arith.select %le3A_572, %rev3A_571, %while3A_530 : vector<16xi1>, vector<16xi32>
            %masked_sort3A_577 = arith.constant dense<true> : vector<16xi1>
            %masked_sort3A_578, %masked_sort3A_579, %masked_sort3A_580 = tpu.sort %select_n3A_573, %select_n3A_574 masked %masked_sort3A_577 : (vector<16xf32>, vector<16xi32>, vector<16xi1>) -> (vector<16xi1>, vector<16xf32>, vector<16xi32>)
            %masked_sort3A_581 = arith.constant dense<true> : vector<16xi1>
            %masked_sort3A_582, %masked_sort3A_583, %masked_sort3A_584 = tpu.sort %select_n3A_575, %select_n3A_576 masked %masked_sort3A_581 : (vector<16xf32>, vector<16xi32>, vector<16xi1>) -> (vector<16xi1>, vector<16xf32>, vector<16xi32>)
            scf.yield %masked_sort3A_579, %masked_sort3A_580, %masked_sort3A_583, %masked_sort3A_584 : vector<16xf32>, vector<16xi32>, vector<16xf32>, vector<16xi32>
          }
          %mul3A_354 = arith.constant 16 : i32
          %mul3A_355 = arith.muli %select_n3A_342, %mul3A_354 : i32
          %sub3A_356 = arith.subi %squeeze3A_318, %mul3A_355 : i32
          %mul3A_357 = arith.constant 16 : i32
          %mul3A_358 = arith.muli %select_n3A_342, %mul3A_357 : i32
          %get3A_359 = arith.index_cast %mul3A_358 : i32 to index
          %get3A_360 = tpu.vector_load %arg17[%get3A_359] {strides = array<i32>} : memref<288xf32, #tpu.memory_space<vmem>>, vector<16xf32>,
          %mul3A_361 = arith.constant 16 : i32
          %mul3A_362 = arith.muli %select_n3A_342, %mul3A_361 : i32
          %get3A_363 = arith.index_cast %mul3A_362 : i32 to index
          %get3A_364 = tpu.vector_load %arg18[%get3A_363] {strides = array<i32>} : memref<288xi32, #tpu.memory_space<vmem>>, vector<16xi32>,
          %swap3A = arith.constant 0 : index
          %swap3A_365 = tpu.vector_load %arg17[%swap3A] {strides = array<i32>} : memref<288xf32, #tpu.memory_space<vmem>>, vector<16xf32>,
          tpu.vector_store %arg17[%swap3A], %get3A_360 {strides = array<i32>} : memref<288xf32, #tpu.memory_space<vmem>>, vector<16xf32>,
          %swap3A_366 = arith.constant 0 : index
          %swap3A_367 = tpu.vector_load %arg18[%swap3A_366] {strides = array<i32>} : memref<288xi32, #tpu.memory_space<vmem>>, vector<16xi32>,
          tpu.vector_store %arg18[%swap3A_366], %get3A_364 {strides = array<i32>} : memref<288xi32, #tpu.memory_space<vmem>>, vector<16xi32>,
          %slice3A_368 = vector.extract_strided_slice %while3A_353#2 {offsets = [3], sizes = [1], strides = [1]} : vector<16xf32> to vector<1xf32>
          %squeeze3A_369 = vector.extract %slice3A_368[0] : f32 from vector<1xf32>
          %broadcast_in_dim3A_370 = vector.broadcast %squeeze3A_369 : f32 to vector<16xf32>
          %broadcast_in_dim3A_371 = vector.broadcast %sub3A_356 : i32 to vector<16xi32>
          %while3A_372 = arith.constant 0 : i32
          %while3A_373 = arith.subi %select_n3A_257, %while3A_372 : i32
          %while3A_374 = arith.addi %while3A_372, %while3A_373 : i32
          %while3A_375 = arith.constant 1 : i32
          %while3A_376 = arith.divsi %while3A_373, %while3A_375 : i32
          %while3A_377 = arith.muli %while3A_376, %while3A_375 : i32
          %while3A_378 = arith.addi %while3A_372, %while3A_377 : i32
          %while3A_379 = arith.constant 1 : i32
          %while3A_380:6 = scf.for %while3A_528 = %while3A_372 to %while3A_378 step %while3A_379 iter_args(%while3A_529 = %while3A_353#0, %while3A_530 = %while3A_353#1, %while3A_531 = %while3A_353#2, %while3A_532 = %while3A_353#3, %while3A_533 = %broadcast_in_dim3A_370, %while3A_534 = %broadcast_in_dim3A_371) -> (vector<16xf32>, vector<16xi32>, vector<16xf32>, vector<16xi32>, vector<16xf32>, vector<16xi32>)  : i32 {
            %mul3A_535 = arith.constant 16 : i32
            %mul3A_536 = arith.muli %while3A_528, %mul3A_535 : i32
            %add3A_537 = arith.addi %min3A_232, %mul3A_536 : i32
            %add3A_538 = arith.constant 0 : i32
            %add3A_539 = arith.addi %add3A_537, %add3A_538 : i32
            %add3A_540 = arith.constant 0 : i32
            %add3A_541 = arith.addi %add3A_539, %add3A_540 : i32
            %mul3A_542 = arith.constant 16 : i32
            %mul3A_543 = arith.muli %add3A_541, %mul3A_542 : i32
            %add3A_544 = arith.addi %mul3A_177, %mul3A_543 : i32
            %get3A_545 = arith.index_cast %add3A_544 : i32 to index
            %get3A_546 = tpu.vector_load %arg12[%get3A_545] {strides = array<i32>} : memref<8448xf32, #tpu.memory_space<vmem>>, vector<16xf32>,
            %sub3A_547 = arith.subf %get3A_546, %broadcast_in_dim3A_106 : vector<16xf32>
            %get3A_548 = arith.index_cast %add3A_544 : i32 to index
            %get3A_549 = tpu.vector_load %arg13[%get3A_548] {strides = array<i32>} : memref<8448xf32, #tpu.memory_space<vmem>>, vector<16xf32>,
            %sub3A_550 = arith.subf %get3A_549, %broadcast_in_dim3A_109 : vector<16xf32>
            %get3A_551 = arith.index_cast %add3A_544 : i32 to index
            %get3A_552 = tpu.vector_load %arg14[%get3A_551] {strides = array<i32>} : memref<8448xf32, #tpu.memory_space<vmem>>, vector<16xf32>,
            %sub3A_553 = arith.subf %get3A_552, %broadcast_in_dim3A_112 : vector<16xf32>
            %mul3A_554 = arith.mulf %sub3A_547, %sub3A_547 : vector<16xf32>
            %mul3A_555 = arith.mulf %sub3A_550, %sub3A_550 : vector<16xf32>
            %add3A_556 = arith.addf %mul3A_554, %mul3A_555 : vector<16xf32>
            %mul3A_557 = arith.mulf %sub3A_553, %sub3A_553 : vector<16xf32>
            %add3A_558 = arith.addf %add3A_556, %mul3A_557 : vector<16xf32>
            %add3A_559 = arith.constant 0 : i32
            %add3A_560 = arith.addi %add3A_537, %add3A_559 : i32
            %add3A_561 = arith.constant 1 : i32
            %add3A_562 = arith.addi %add3A_560, %add3A_561 : i32
            %mul3A_563 = arith.constant 16 : i32
            %mul3A_564 = arith.muli %add3A_562, %mul3A_563 : i32
            %add3A_565 = arith.addi %mul3A_177, %mul3A_564 : i32
            %get3A_566 = arith.index_cast %add3A_565 : i32 to index
            %get3A_567 = tpu.vector_load %arg12[%get3A_566] {strides = array<i32>} : memref<8448xf32, #tpu.memory_space<vmem>>, vector<16xf32>,
            %sub3A_568 = arith.subf %get3A_567, %broadcast_in_dim3A_106 : vector<16xf32>
            %get3A_569 = arith.index_cast %add3A_565 : i32 to index
            %get3A_570 = tpu.vector_load %arg13[%get3A_569] {strides = array<i32>} : memref<8448xf32, #tpu.memory_space<vmem>>, vector<16xf32>,
            %sub3A_571 = arith.subf %get3A_570, %broadcast_in_dim3A_109 : vector<16xf32>
            %get3A_572 = arith.index_cast %add3A_565 : i32 to index
            %get3A_573 = tpu.vector_load %arg14[%get3A_572] {strides = array<i32>} : memref<8448xf32, #tpu.memory_space<vmem>>, vector<16xf32>,
            %sub3A_574 = arith.subf %get3A_573, %broadcast_in_dim3A_112 : vector<16xf32>
            %mul3A_575 = arith.mulf %sub3A_568, %sub3A_568 : vector<16xf32>
            %mul3A_576 = arith.mulf %sub3A_571, %sub3A_571 : vector<16xf32>
            %add3A_577 = arith.addf %mul3A_575, %mul3A_576 : vector<16xf32>
            %mul3A_578 = arith.mulf %sub3A_574, %sub3A_574 : vector<16xf32>
            %add3A_579 = arith.addf %add3A_577, %mul3A_578 : vector<16xf32>
            %add3A_580 = arith.constant 0 : i32
            %add3A_581 = arith.addi %add3A_537, %add3A_580 : i32
            %add3A_582 = arith.constant 2 : i32
            %add3A_583 = arith.addi %add3A_581, %add3A_582 : i32
            %mul3A_584 = arith.constant 16 : i32
            %mul3A_585 = arith.muli %add3A_583, %mul3A_584 : i32
            %add3A_586 = arith.addi %mul3A_177, %mul3A_585 : i32
            %get3A_587 = arith.index_cast %add3A_586 : i32 to index
            %get3A_588 = tpu.vector_load %arg12[%get3A_587] {strides = array<i32>} : memref<8448xf32, #tpu.memory_space<vmem>>, vector<16xf32>,
            %sub3A_589 = arith.subf %get3A_588, %broadcast_in_dim3A_106 : vector<16xf32>
            %get3A_590 = arith.index_cast %add3A_586 : i32 to index
            %get3A_591 = tpu.vector_load %arg13[%get3A_590] {strides = array<i32>} : memref<8448xf32, #tpu.memory_space<vmem>>, vector<16xf32>,
            %sub3A_592 = arith.subf %get3A_591, %broadcast_in_dim3A_109 : vector<16xf32>
            %get3A_593 = arith.index_cast %add3A_586 : i32 to index
            %get3A_594 = tpu.vector_load %arg14[%get3A_593] {strides = array<i32>} : memref<8448xf32, #tpu.memory_space<vmem>>, vector<16xf32>,
            %sub3A_595 = arith.subf %get3A_594, %broadcast_in_dim3A_112 : vector<16xf32>
            %mul3A_596 = arith.mulf %sub3A_589, %sub3A_589 : vector<16xf32>
            %mul3A_597 = arith.mulf %sub3A_592, %sub3A_592 : vector<16xf32>
            %add3A_598 = arith.addf %mul3A_596, %mul3A_597 : vector<16xf32>
            %mul3A_599 = arith.mulf %sub3A_595, %sub3A_595 : vector<16xf32>
            %add3A_600 = arith.addf %add3A_598, %mul3A_599 : vector<16xf32>
            %add3A_601 = arith.constant 0 : i32
            %add3A_602 = arith.addi %add3A_537, %add3A_601 : i32
            %add3A_603 = arith.constant 3 : i32
            %add3A_604 = arith.addi %add3A_602, %add3A_603 : i32
            %mul3A_605 = arith.constant 16 : i32
            %mul3A_606 = arith.muli %add3A_604, %mul3A_605 : i32
            %add3A_607 = arith.addi %mul3A_177, %mul3A_606 : i32
            %get3A_608 = arith.index_cast %add3A_607 : i32 to index
            %get3A_609 = tpu.vector_load %arg12[%get3A_608] {strides = array<i32>} : memref<8448xf32, #tpu.memory_space<vmem>>, vector<16xf32>,
            %sub3A_610 = arith.subf %get3A_609, %broadcast_in_dim3A_106 : vector<16xf32>
            %get3A_611 = arith.index_cast %add3A_607 : i32 to index
            %get3A_612 = tpu.vector_load %arg13[%get3A_611] {strides = array<i32>} : memref<8448xf32, #tpu.memory_space<vmem>>, vector<16xf32>,
            %sub3A_613 = arith.subf %get3A_612, %broadcast_in_dim3A_109 : vector<16xf32>
            %get3A_614 = arith.index_cast %add3A_607 : i32 to index
            %get3A_615 = tpu.vector_load %arg14[%get3A_614] {strides = array<i32>} : memref<8448xf32, #tpu.memory_space<vmem>>, vector<16xf32>,
            %sub3A_616 = arith.subf %get3A_615, %broadcast_in_dim3A_112 : vector<16xf32>
            %mul3A_617 = arith.mulf %sub3A_610, %sub3A_610 : vector<16xf32>
            %mul3A_618 = arith.mulf %sub3A_613, %sub3A_613 : vector<16xf32>
            %add3A_619 = arith.addf %mul3A_617, %mul3A_618 : vector<16xf32>
            %mul3A_620 = arith.mulf %sub3A_616, %sub3A_616 : vector<16xf32>
            %add3A_621 = arith.addf %add3A_619, %mul3A_620 : vector<16xf32>
            %add3A_622 = arith.constant 0 : i32
            %add3A_623 = arith.addi %add3A_537, %add3A_622 : i32
            %add3A_624 = arith.constant 4 : i32
            %add3A_625 = arith.addi %add3A_623, %add3A_624 : i32
            %mul3A_626 = arith.constant 16 : i32
            %mul3A_627 = arith.muli %add3A_625, %mul3A_626 : i32
            %add3A_628 = arith.addi %mul3A_177, %mul3A_627 : i32
            %get3A_629 = arith.index_cast %add3A_628 : i32 to index
            %get3A_630 = tpu.vector_load %arg12[%get3A_629] {strides = array<i32>} : memref<8448xf32, #tpu.memory_space<vmem>>, vector<16xf32>,
            %sub3A_631 = arith.subf %get3A_630, %broadcast_in_dim3A_106 : vector<16xf32>
            %get3A_632 = arith.index_cast %add3A_628 : i32 to index
            %get3A_633 = tpu.vector_load %arg13[%get3A_632] {strides = array<i32>} : memref<8448xf32, #tpu.memory_space<vmem>>, vector<16xf32>,
            %sub3A_634 = arith.subf %get3A_633, %broadcast_in_dim3A_109 : vector<16xf32>
            %get3A_635 = arith.index_cast %add3A_628 : i32 to index
            %get3A_636 = tpu.vector_load %arg14[%get3A_635] {strides = array<i32>} : memref<8448xf32, #tpu.memory_space<vmem>>, vector<16xf32>,
            %sub3A_637 = arith.subf %get3A_636, %broadcast_in_dim3A_112 : vector<16xf32>
            %mul3A_638 = arith.mulf %sub3A_631, %sub3A_631 : vector<16xf32>
            %mul3A_639 = arith.mulf %sub3A_634, %sub3A_634 : vector<16xf32>
            %add3A_640 = arith.addf %mul3A_638, %mul3A_639 : vector<16xf32>
            %mul3A_641 = arith.mulf %sub3A_637, %sub3A_637 : vector<16xf32>
            %add3A_642 = arith.addf %add3A_640, %mul3A_641 : vector<16xf32>
            %add3A_643 = arith.constant 0 : i32
            %add3A_644 = arith.addi %add3A_537, %add3A_643 : i32
            %add3A_645 = arith.constant 5 : i32
            %add3A_646 = arith.addi %add3A_644, %add3A_645 : i32
            %mul3A_647 = arith.constant 16 : i32
            %mul3A_648 = arith.muli %add3A_646, %mul3A_647 : i32
            %add3A_649 = arith.addi %mul3A_177, %mul3A_648 : i32
            %get3A_650 = arith.index_cast %add3A_649 : i32 to index
            %get3A_651 = tpu.vector_load %arg12[%get3A_650] {strides = array<i32>} : memref<8448xf32, #tpu.memory_space<vmem>>, vector<16xf32>,
            %sub3A_652 = arith.subf %get3A_651, %broadcast_in_dim3A_106 : vector<16xf32>
            %get3A_653 = arith.index_cast %add3A_649 : i32 to index
            %get3A_654 = tpu.vector_load %arg13[%get3A_653] {strides = array<i32>} : memref<8448xf32, #tpu.memory_space<vmem>>, vector<16xf32>,
            %sub3A_655 = arith.subf %get3A_654, %broadcast_in_dim3A_109 : vector<16xf32>
            %get3A_656 = arith.index_cast %add3A_649 : i32 to index
            %get3A_657 = tpu.vector_load %arg14[%get3A_656] {strides = array<i32>} : memref<8448xf32, #tpu.memory_space<vmem>>, vector<16xf32>,
            %sub3A_658 = arith.subf %get3A_657, %broadcast_in_dim3A_112 : vector<16xf32>
            %mul3A_659 = arith.mulf %sub3A_652, %sub3A_652 : vector<16xf32>
            %mul3A_660 = arith.mulf %sub3A_655, %sub3A_655 : vector<16xf32>
            %add3A_661 = arith.addf %mul3A_659, %mul3A_660 : vector<16xf32>
            %mul3A_662 = arith.mulf %sub3A_658, %sub3A_658 : vector<16xf32>
            %add3A_663 = arith.addf %add3A_661, %mul3A_662 : vector<16xf32>
            %add3A_664 = arith.constant 0 : i32
            %add3A_665 = arith.addi %add3A_537, %add3A_664 : i32
            %add3A_666 = arith.constant 6 : i32
            %add3A_667 = arith.addi %add3A_665, %add3A_666 : i32
            %mul3A_668 = arith.constant 16 : i32
            %mul3A_669 = arith.muli %add3A_667, %mul3A_668 : i32
            %add3A_670 = arith.addi %mul3A_177, %mul3A_669 : i32
            %get3A_671 = arith.index_cast %add3A_670 : i32 to index
            %get3A_672 = tpu.vector_load %arg12[%get3A_671] {strides = array<i32>} : memref<8448xf32, #tpu.memory_space<vmem>>, vector<16xf32>,
            %sub3A_673 = arith.subf %get3A_672, %broadcast_in_dim3A_106 : vector<16xf32>
            %get3A_674 = arith.index_cast %add3A_670 : i32 to index
            %get3A_675 = tpu.vector_load %arg13[%get3A_674] {strides = array<i32>} : memref<8448xf32, #tpu.memory_space<vmem>>, vector<16xf32>,
            %sub3A_676 = arith.subf %get3A_675, %broadcast_in_dim3A_109 : vector<16xf32>
            %get3A_677 = arith.index_cast %add3A_670 : i32 to index
            %get3A_678 = tpu.vector_load %arg14[%get3A_677] {strides = array<i32>} : memref<8448xf32, #tpu.memory_space<vmem>>, vector<16xf32>,
            %sub3A_679 = arith.subf %get3A_678, %broadcast_in_dim3A_112 : vector<16xf32>
            %mul3A_680 = arith.mulf %sub3A_673, %sub3A_673 : vector<16xf32>
            %mul3A_681 = arith.mulf %sub3A_676, %sub3A_676 : vector<16xf32>
            %add3A_682 = arith.addf %mul3A_680, %mul3A_681 : vector<16xf32>
            %mul3A_683 = arith.mulf %sub3A_679, %sub3A_679 : vector<16xf32>
            %add3A_684 = arith.addf %add3A_682, %mul3A_683 : vector<16xf32>
            %add3A_685 = arith.constant 0 : i32
            %add3A_686 = arith.addi %add3A_537, %add3A_685 : i32
            %add3A_687 = arith.constant 7 : i32
            %add3A_688 = arith.addi %add3A_686, %add3A_687 : i32
            %mul3A_689 = arith.constant 16 : i32
            %mul3A_690 = arith.muli %add3A_688, %mul3A_689 : i32
            %add3A_691 = arith.addi %mul3A_177, %mul3A_690 : i32
            %get3A_692 = arith.index_cast %add3A_691 : i32 to index
            %get3A_693 = tpu.vector_load %arg12[%get3A_692] {strides = array<i32>} : memref<8448xf32, #tpu.memory_space<vmem>>, vector<16xf32>,
            %sub3A_694 = arith.subf %get3A_693, %broadcast_in_dim3A_106 : vector<16xf32>
            %get3A_695 = arith.index_cast %add3A_691 : i32 to index
            %get3A_696 = tpu.vector_load %arg13[%get3A_695] {strides = array<i32>} : memref<8448xf32, #tpu.memory_space<vmem>>, vector<16xf32>,
            %sub3A_697 = arith.subf %get3A_696, %broadcast_in_dim3A_109 : vector<16xf32>
            %get3A_698 = arith.index_cast %add3A_691 : i32 to index
            %get3A_699 = tpu.vector_load %arg14[%get3A_698] {strides = array<i32>} : memref<8448xf32, #tpu.memory_space<vmem>>, vector<16xf32>,
            %sub3A_700 = arith.subf %get3A_699, %broadcast_in_dim3A_112 : vector<16xf32>
            %mul3A_701 = arith.mulf %sub3A_694, %sub3A_694 : vector<16xf32>
            %mul3A_702 = arith.mulf %sub3A_697, %sub3A_697 : vector<16xf32>
            %add3A_703 = arith.addf %mul3A_701, %mul3A_702 : vector<16xf32>
            %mul3A_704 = arith.mulf %sub3A_700, %sub3A_700 : vector<16xf32>
            %add3A_705 = arith.addf %add3A_703, %mul3A_704 : vector<16xf32>
            %add3A_706 = arith.constant 0 : i32
            %add3A_707 = arith.addi %add3A_537, %add3A_706 : i32
            %add3A_708 = arith.constant 8 : i32
            %add3A_709 = arith.addi %add3A_707, %add3A_708 : i32
            %mul3A_710 = arith.constant 16 : i32
            %mul3A_711 = arith.muli %add3A_709, %mul3A_710 : i32
            %add3A_712 = arith.addi %mul3A_177, %mul3A_711 : i32
            %get3A_713 = arith.index_cast %add3A_712 : i32 to index
            %get3A_714 = tpu.vector_load %arg12[%get3A_713] {strides = array<i32>} : memref<8448xf32, #tpu.memory_space<vmem>>, vector<16xf32>,
            %sub3A_715 = arith.subf %get3A_714, %broadcast_in_dim3A_106 : vector<16xf32>
            %get3A_716 = arith.index_cast %add3A_712 : i32 to index
            %get3A_717 = tpu.vector_load %arg13[%get3A_716] {strides = array<i32>} : memref<8448xf32, #tpu.memory_space<vmem>>, vector<16xf32>,
            %sub3A_718 = arith.subf %get3A_717, %broadcast_in_dim3A_109 : vector<16xf32>
            %get3A_719 = arith.index_cast %add3A_712 : i32 to index
            %get3A_720 = tpu.vector_load %arg14[%get3A_719] {strides = array<i32>} : memref<8448xf32, #tpu.memory_space<vmem>>, vector<16xf32>,
            %sub3A_721 = arith.subf %get3A_720, %broadcast_in_dim3A_112 : vector<16xf32>
            %mul3A_722 = arith.mulf %sub3A_715, %sub3A_715 : vector<16xf32>
            %mul3A_723 = arith.mulf %sub3A_718, %sub3A_718 : vector<16xf32>
            %add3A_724 = arith.addf %mul3A_722, %mul3A_723 : vector<16xf32>
            %mul3A_725 = arith.mulf %sub3A_721, %sub3A_721 : vector<16xf32>
            %add3A_726 = arith.addf %add3A_724, %mul3A_725 : vector<16xf32>
            %add3A_727 = arith.constant 0 : i32
            %add3A_728 = arith.addi %add3A_537, %add3A_727 : i32
            %add3A_729 = arith.constant 9 : i32
            %add3A_730 = arith.addi %add3A_728, %add3A_729 : i32
            %mul3A_731 = arith.constant 16 : i32
            %mul3A_732 = arith.muli %add3A_730, %mul3A_731 : i32
            %add3A_733 = arith.addi %mul3A_177, %mul3A_732 : i32
            %get3A_734 = arith.index_cast %add3A_733 : i32 to index
            %get3A_735 = tpu.vector_load %arg12[%get3A_734] {strides = array<i32>} : memref<8448xf32, #tpu.memory_space<vmem>>, vector<16xf32>,
            %sub3A_736 = arith.subf %get3A_735, %broadcast_in_dim3A_106 : vector<16xf32>
            %get3A_737 = arith.index_cast %add3A_733 : i32 to index
            %get3A_738 = tpu.vector_load %arg13[%get3A_737] {strides = array<i32>} : memref<8448xf32, #tpu.memory_space<vmem>>, vector<16xf32>,
            %sub3A_739 = arith.subf %get3A_738, %broadcast_in_dim3A_109 : vector<16xf32>
            %get3A_740 = arith.index_cast %add3A_733 : i32 to index
            %get3A_741 = tpu.vector_load %arg14[%get3A_740] {strides = array<i32>} : memref<8448xf32, #tpu.memory_space<vmem>>, vector<16xf32>,
            %sub3A_742 = arith.subf %get3A_741, %broadcast_in_dim3A_112 : vector<16xf32>
            %mul3A_743 = arith.mulf %sub3A_736, %sub3A_736 : vector<16xf32>
            %mul3A_744 = arith.mulf %sub3A_739, %sub3A_739 : vector<16xf32>
            %add3A_745 = arith.addf %mul3A_743, %mul3A_744 : vector<16xf32>
            %mul3A_746 = arith.mulf %sub3A_742, %sub3A_742 : vector<16xf32>
            %add3A_747 = arith.addf %add3A_745, %mul3A_746 : vector<16xf32>
            %add3A_748 = arith.constant 0 : i32
            %add3A_749 = arith.addi %add3A_537, %add3A_748 : i32
            %add3A_750 = arith.constant 10 : i32
            %add3A_751 = arith.addi %add3A_749, %add3A_750 : i32
            %mul3A_752 = arith.constant 16 : i32
            %mul3A_753 = arith.muli %add3A_751, %mul3A_752 : i32
            %add3A_754 = arith.addi %mul3A_177, %mul3A_753 : i32
            %get3A_755 = arith.index_cast %add3A_754 : i32 to index
            %get3A_756 = tpu.vector_load %arg12[%get3A_755] {strides = array<i32>} : memref<8448xf32, #tpu.memory_space<vmem>>, vector<16xf32>,
            %sub3A_757 = arith.subf %get3A_756, %broadcast_in_dim3A_106 : vector<16xf32>
            %get3A_758 = arith.index_cast %add3A_754 : i32 to index
            %get3A_759 = tpu.vector_load %arg13[%get3A_758] {strides = array<i32>} : memref<8448xf32, #tpu.memory_space<vmem>>, vector<16xf32>,
            %sub3A_760 = arith.subf %get3A_759, %broadcast_in_dim3A_109 : vector<16xf32>
            %get3A_761 = arith.index_cast %add3A_754 : i32 to index
            %get3A_762 = tpu.vector_load %arg14[%get3A_761] {strides = array<i32>} : memref<8448xf32, #tpu.memory_space<vmem>>, vector<16xf32>,
            %sub3A_763 = arith.subf %get3A_762, %broadcast_in_dim3A_112 : vector<16xf32>
            %mul3A_764 = arith.mulf %sub3A_757, %sub3A_757 : vector<16xf32>
            %mul3A_765 = arith.mulf %sub3A_760, %sub3A_760 : vector<16xf32>
            %add3A_766 = arith.addf %mul3A_764, %mul3A_765 : vector<16xf32>
            %mul3A_767 = arith.mulf %sub3A_763, %sub3A_763 : vector<16xf32>
            %add3A_768 = arith.addf %add3A_766, %mul3A_767 : vector<16xf32>
            %add3A_769 = arith.constant 0 : i32
            %add3A_770 = arith.addi %add3A_537, %add3A_769 : i32
            %add3A_771 = arith.constant 11 : i32
            %add3A_772 = arith.addi %add3A_770, %add3A_771 : i32
            %mul3A_773 = arith.constant 16 : i32
            %mul3A_774 = arith.muli %add3A_772, %mul3A_773 : i32
            %add3A_775 = arith.addi %mul3A_177, %mul3A_774 : i32
            %get3A_776 = arith.index_cast %add3A_775 : i32 to index
            %get3A_777 = tpu.vector_load %arg12[%get3A_776] {strides = array<i32>} : memref<8448xf32, #tpu.memory_space<vmem>>, vector<16xf32>,
            %sub3A_778 = arith.subf %get3A_777, %broadcast_in_dim3A_106 : vector<16xf32>
            %get3A_779 = arith.index_cast %add3A_775 : i32 to index
            %get3A_780 = tpu.vector_load %arg13[%get3A_779] {strides = array<i32>} : memref<8448xf32, #tpu.memory_space<vmem>>, vector<16xf32>,
            %sub3A_781 = arith.subf %get3A_780, %broadcast_in_dim3A_109 : vector<16xf32>
            %get3A_782 = arith.index_cast %add3A_775 : i32 to index
            %get3A_783 = tpu.vector_load %arg14[%get3A_782] {strides = array<i32>} : memref<8448xf32, #tpu.memory_space<vmem>>, vector<16xf32>,
            %sub3A_784 = arith.subf %get3A_783, %broadcast_in_dim3A_112 : vector<16xf32>
            %mul3A_785 = arith.mulf %sub3A_778, %sub3A_778 : vector<16xf32>
            %mul3A_786 = arith.mulf %sub3A_781, %sub3A_781 : vector<16xf32>
            %add3A_787 = arith.addf %mul3A_785, %mul3A_786 : vector<16xf32>
            %mul3A_788 = arith.mulf %sub3A_784, %sub3A_784 : vector<16xf32>
            %add3A_789 = arith.addf %add3A_787, %mul3A_788 : vector<16xf32>
            %add3A_790 = arith.constant 0 : i32
            %add3A_791 = arith.addi %add3A_537, %add3A_790 : i32
            %add3A_792 = arith.constant 12 : i32
            %add3A_793 = arith.addi %add3A_791, %add3A_792 : i32
            %mul3A_794 = arith.constant 16 : i32
            %mul3A_795 = arith.muli %add3A_793, %mul3A_794 : i32
            %add3A_796 = arith.addi %mul3A_177, %mul3A_795 : i32
            %get3A_797 = arith.index_cast %add3A_796 : i32 to index
            %get3A_798 = tpu.vector_load %arg12[%get3A_797] {strides = array<i32>} : memref<8448xf32, #tpu.memory_space<vmem>>, vector<16xf32>,
            %sub3A_799 = arith.subf %get3A_798, %broadcast_in_dim3A_106 : vector<16xf32>
            %get3A_800 = arith.index_cast %add3A_796 : i32 to index
            %get3A_801 = tpu.vector_load %arg13[%get3A_800] {strides = array<i32>} : memref<8448xf32, #tpu.memory_space<vmem>>, vector<16xf32>,
            %sub3A_802 = arith.subf %get3A_801, %broadcast_in_dim3A_109 : vector<16xf32>
            %get3A_803 = arith.index_cast %add3A_796 : i32 to index
            %get3A_804 = tpu.vector_load %arg14[%get3A_803] {strides = array<i32>} : memref<8448xf32, #tpu.memory_space<vmem>>, vector<16xf32>,
            %sub3A_805 = arith.subf %get3A_804, %broadcast_in_dim3A_112 : vector<16xf32>
            %mul3A_806 = arith.mulf %sub3A_799, %sub3A_799 : vector<16xf32>
            %mul3A_807 = arith.mulf %sub3A_802, %sub3A_802 : vector<16xf32>
            %add3A_808 = arith.addf %mul3A_806, %mul3A_807 : vector<16xf32>
            %mul3A_809 = arith.mulf %sub3A_805, %sub3A_805 : vector<16xf32>
            %add3A_810 = arith.addf %add3A_808, %mul3A_809 : vector<16xf32>
            %add3A_811 = arith.constant 0 : i32
            %add3A_812 = arith.addi %add3A_537, %add3A_811 : i32
            %add3A_813 = arith.constant 13 : i32
            %add3A_814 = arith.addi %add3A_812, %add3A_813 : i32
            %mul3A_815 = arith.constant 16 : i32
            %mul3A_816 = arith.muli %add3A_814, %mul3A_815 : i32
            %add3A_817 = arith.addi %mul3A_177, %mul3A_816 : i32
            %get3A_818 = arith.index_cast %add3A_817 : i32 to index
            %get3A_819 = tpu.vector_load %arg12[%get3A_818] {strides = array<i32>} : memref<8448xf32, #tpu.memory_space<vmem>>, vector<16xf32>,
            %sub3A_820 = arith.subf %get3A_819, %broadcast_in_dim3A_106 : vector<16xf32>
            %get3A_821 = arith.index_cast %add3A_817 : i32 to index
            %get3A_822 = tpu.vector_load %arg13[%get3A_821] {strides = array<i32>} : memref<8448xf32, #tpu.memory_space<vmem>>, vector<16xf32>,
            %sub3A_823 = arith.subf %get3A_822, %broadcast_in_dim3A_109 : vector<16xf32>
            %get3A_824 = arith.index_cast %add3A_817 : i32 to index
            %get3A_825 = tpu.vector_load %arg14[%get3A_824] {strides = array<i32>} : memref<8448xf32, #tpu.memory_space<vmem>>, vector<16xf32>,
            %sub3A_826 = arith.subf %get3A_825, %broadcast_in_dim3A_112 : vector<16xf32>
            %mul3A_827 = arith.mulf %sub3A_820, %sub3A_820 : vector<16xf32>
            %mul3A_828 = arith.mulf %sub3A_823, %sub3A_823 : vector<16xf32>
            %add3A_829 = arith.addf %mul3A_827, %mul3A_828 : vector<16xf32>
            %mul3A_830 = arith.mulf %sub3A_826, %sub3A_826 : vector<16xf32>
            %add3A_831 = arith.addf %add3A_829, %mul3A_830 : vector<16xf32>
            %add3A_832 = arith.constant 0 : i32
            %add3A_833 = arith.addi %add3A_537, %add3A_832 : i32
            %add3A_834 = arith.constant 14 : i32
            %add3A_835 = arith.addi %add3A_833, %add3A_834 : i32
            %mul3A_836 = arith.constant 16 : i32
            %mul3A_837 = arith.muli %add3A_835, %mul3A_836 : i32
            %add3A_838 = arith.addi %mul3A_177, %mul3A_837 : i32
            %get3A_839 = arith.index_cast %add3A_838 : i32 to index
            %get3A_840 = tpu.vector_load %arg12[%get3A_839] {strides = array<i32>} : memref<8448xf32, #tpu.memory_space<vmem>>, vector<16xf32>,
            %sub3A_841 = arith.subf %get3A_840, %broadcast_in_dim3A_106 : vector<16xf32>
            %get3A_842 = arith.index_cast %add3A_838 : i32 to index
            %get3A_843 = tpu.vector_load %arg13[%get3A_842] {strides = array<i32>} : memref<8448xf32, #tpu.memory_space<vmem>>, vector<16xf32>,
            %sub3A_844 = arith.subf %get3A_843, %broadcast_in_dim3A_109 : vector<16xf32>
            %get3A_845 = arith.index_cast %add3A_838 : i32 to index
            %get3A_846 = tpu.vector_load %arg14[%get3A_845] {strides = array<i32>} : memref<8448xf32, #tpu.memory_space<vmem>>, vector<16xf32>,
            %sub3A_847 = arith.subf %get3A_846, %broadcast_in_dim3A_112 : vector<16xf32>
            %mul3A_848 = arith.mulf %sub3A_841, %sub3A_841 : vector<16xf32>
            %mul3A_849 = arith.mulf %sub3A_844, %sub3A_844 : vector<16xf32>
            %add3A_850 = arith.addf %mul3A_848, %mul3A_849 : vector<16xf32>
            %mul3A_851 = arith.mulf %sub3A_847, %sub3A_847 : vector<16xf32>
            %add3A_852 = arith.addf %add3A_850, %mul3A_851 : vector<16xf32>
            %add3A_853 = arith.constant 0 : i32
            %add3A_854 = arith.addi %add3A_537, %add3A_853 : i32
            %add3A_855 = arith.constant 15 : i32
            %add3A_856 = arith.addi %add3A_854, %add3A_855 : i32
            %mul3A_857 = arith.constant 16 : i32
            %mul3A_858 = arith.muli %add3A_856, %mul3A_857 : i32
            %add3A_859 = arith.addi %mul3A_177, %mul3A_858 : i32
            %get3A_860 = arith.index_cast %add3A_859 : i32 to index
            %get3A_861 = tpu.vector_load %arg12[%get3A_860] {strides = array<i32>} : memref<8448xf32, #tpu.memory_space<vmem>>, vector<16xf32>,
            %sub3A_862 = arith.subf %get3A_861, %broadcast_in_dim3A_106 : vector<16xf32>
            %get3A_863 = arith.index_cast %add3A_859 : i32 to index
            %get3A_864 = tpu.vector_load %arg13[%get3A_863] {strides = array<i32>} : memref<8448xf32, #tpu.memory_space<vmem>>, vector<16xf32>,
            %sub3A_865 = arith.subf %get3A_864, %broadcast_in_dim3A_109 : vector<16xf32>
            %get3A_866 = arith.index_cast %add3A_859 : i32 to index
            %get3A_867 = tpu.vector_load %arg14[%get3A_866] {strides = array<i32>} : memref<8448xf32, #tpu.memory_space<vmem>>, vector<16xf32>,
            %sub3A_868 = arith.subf %get3A_867, %broadcast_in_dim3A_112 : vector<16xf32>
            %mul3A_869 = arith.mulf %sub3A_862, %sub3A_862 : vector<16xf32>
            %mul3A_870 = arith.mulf %sub3A_865, %sub3A_865 : vector<16xf32>
            %add3A_871 = arith.addf %mul3A_869, %mul3A_870 : vector<16xf32>
            %mul3A_872 = arith.mulf %sub3A_868, %sub3A_868 : vector<16xf32>
            %add3A_873 = arith.addf %add3A_871, %mul3A_872 : vector<16xf32>
            %add3A_874 = arith.constant 0 : i32
            %add3A_875 = arith.addi %add3A_537, %add3A_874 : i32
            %add3A_876 = arith.constant 0 : i32
            %add3A_877 = arith.addi %add3A_875, %add3A_876 : i32
            %mul3A_878 = arith.constant 16 : i32
            %mul3A_879 = arith.muli %add3A_877, %mul3A_878 : i32
            %add3A_880 = arith.addi %mul3A_177, %mul3A_879 : i32
            %add3A_881 = arith.addi %add3A_87, %add3A_880 : i32
            %add3A_882 = vector.broadcast %add3A_881 : i32 to vector<16xi32>
            %add3A_883 = arith.addi %add3A_882, %iota3A : vector<16xi32>
            %lt3A_884 = arith.cmpf olt, %add3A_558, %while3A_533 : vector<16xf32>
            %jit3A_885 = arith.constant 1 : i32
            %jit3A_886 = arith.constant 0 : i32
            %broadcast_in_dim3A_887 = vector.broadcast %jit3A_885 : i32 to vector<16xi32>
            %broadcast_in_dim3A_888 = vector.broadcast %jit3A_886 : i32 to vector<16xi32>
            %select_n3A_889 = arith.select %lt3A_884, %broadcast_in_dim3A_887, %broadcast_in_dim3A_888 : vector<16xi1>, vector<16xi32>
            %broadcast_in_dim3A_890 = arith.constant true
            %broadcast_in_dim3A_891 = vector.broadcast %broadcast_in_dim3A_890 : i1 to vector<16xi1>
            %masked_cumsum3A = tpu.scan <sum>, %select_n3A_889 masked %broadcast_in_dim3A_891 : vector<16xi32>, vector<16xi1> -> vector<16xi32>
            %add3A_892 = arith.addi %while3A_534, %masked_cumsum3A : vector<16xi32>
            %sub3A_893 = arith.subi %add3A_892, %select_n3A_889 : vector<16xi32>
            tpu.vector_store_idx %arg17[%sub3A_893], %add3A_558 masked %lt3A_884 : memref<288xf32, #tpu.memory_space<vmem>>[vector<16xi32>], vector<16xf32>, vector<16xi1>
            tpu.vector_store_idx %arg18[%sub3A_893], %add3A_883 masked %lt3A_884 : memref<288xi32, #tpu.memory_space<vmem>>[vector<16xi32>], vector<16xi32>, vector<16xi1>
            %slice3A_894 = vector.extract_strided_slice %masked_cumsum3A {offsets = [15], sizes = [1], strides = [1]} : vector<16xi32> to vector<1xi32>
            %squeeze3A_895 = vector.extract %slice3A_894[0] : i32 from vector<1xi32>
            %broadcast_in_dim3A_896 = vector.broadcast %squeeze3A_895 : i32 to vector<16xi32>
            %add3A_897 = arith.addi %while3A_534, %broadcast_in_dim3A_896 : vector<16xi32>
            %add3A_898 = arith.constant 0 : i32
            %add3A_899 = arith.addi %add3A_537, %add3A_898 : i32
            %add3A_900 = arith.constant 1 : i32
            %add3A_901 = arith.addi %add3A_899, %add3A_900 : i32
            %mul3A_902 = arith.constant 16 : i32
            %mul3A_903 = arith.muli %add3A_901, %mul3A_902 : i32
            %add3A_904 = arith.addi %mul3A_177, %mul3A_903 : i32
            %add3A_905 = arith.addi %add3A_87, %add3A_904 : i32
            %add3A_906 = vector.broadcast %add3A_905 : i32 to vector<16xi32>
            %add3A_907 = arith.addi %add3A_906, %iota3A : vector<16xi32>
            %lt3A_908 = arith.cmpf olt, %add3A_579, %while3A_533 : vector<16xf32>
            %jit3A_909 = arith.constant 1 : i32
            %jit3A_910 = arith.constant 0 : i32
            %broadcast_in_dim3A_911 = vector.broadcast %jit3A_909 : i32 to vector<16xi32>
            %broadcast_in_dim3A_912 = vector.broadcast %jit3A_910 : i32 to vector<16xi32>
            %select_n3A_913 = arith.select %lt3A_908, %broadcast_in_dim3A_911, %broadcast_in_dim3A_912 : vector<16xi1>, vector<16xi32>
            %broadcast_in_dim3A_914 = arith.constant true
            %broadcast_in_dim3A_915 = vector.broadcast %broadcast_in_dim3A_914 : i1 to vector<16xi1>
            %masked_cumsum3A_916 = tpu.scan <sum>, %select_n3A_913 masked %broadcast_in_dim3A_915 : vector<16xi32>, vector<16xi1> -> vector<16xi32>
            %add3A_917 = arith.addi %add3A_897, %masked_cumsum3A_916 : vector<16xi32>
            %sub3A_918 = arith.subi %add3A_917, %select_n3A_913 : vector<16xi32>
            tpu.vector_store_idx %arg17[%sub3A_918], %add3A_579 masked %lt3A_908 : memref<288xf32, #tpu.memory_space<vmem>>[vector<16xi32>], vector<16xf32>, vector<16xi1>
            tpu.vector_store_idx %arg18[%sub3A_918], %add3A_907 masked %lt3A_908 : memref<288xi32, #tpu.memory_space<vmem>>[vector<16xi32>], vector<16xi32>, vector<16xi1>
            %slice3A_919 = vector.extract_strided_slice %masked_cumsum3A_916 {offsets = [15], sizes = [1], strides = [1]} : vector<16xi32> to vector<1xi32>
            %squeeze3A_920 = vector.extract %slice3A_919[0] : i32 from vector<1xi32>
            %broadcast_in_dim3A_921 = vector.broadcast %squeeze3A_920 : i32 to vector<16xi32>
            %add3A_922 = arith.addi %add3A_897, %broadcast_in_dim3A_921 : vector<16xi32>
            %add3A_923 = arith.constant 0 : i32
            %add3A_924 = arith.addi %add3A_537, %add3A_923 : i32
            %add3A_925 = arith.constant 2 : i32
            %add3A_926 = arith.addi %add3A_924, %add3A_925 : i32
            %mul3A_927 = arith.constant 16 : i32
            %mul3A_928 = arith.muli %add3A_926, %mul3A_927 : i32
            %add3A_929 = arith.addi %mul3A_177, %mul3A_928 : i32
            %add3A_930 = arith.addi %add3A_87, %add3A_929 : i32
            %add3A_931 = vector.broadcast %add3A_930 : i32 to vector<16xi32>
            %add3A_932 = arith.addi %add3A_931, %iota3A : vector<16xi32>
            %lt3A_933 = arith.cmpf olt, %add3A_600, %while3A_533 : vector<16xf32>
            %jit3A_934 = arith.constant 1 : i32
            %jit3A_935 = arith.constant 0 : i32
            %broadcast_in_dim3A_936 = vector.broadcast %jit3A_934 : i32 to vector<16xi32>
            %broadcast_in_dim3A_937 = vector.broadcast %jit3A_935 : i32 to vector<16xi32>
            %select_n3A_938 = arith.select %lt3A_933, %broadcast_in_dim3A_936, %broadcast_in_dim3A_937 : vector<16xi1>, vector<16xi32>
            %broadcast_in_dim3A_939 = arith.constant true
            %broadcast_in_dim3A_940 = vector.broadcast %broadcast_in_dim3A_939 : i1 to vector<16xi1>
            %masked_cumsum3A_941 = tpu.scan <sum>, %select_n3A_938 masked %broadcast_in_dim3A_940 : vector<16xi32>, vector<16xi1> -> vector<16xi32>
            %add3A_942 = arith.addi %add3A_922, %masked_cumsum3A_941 : vector<16xi32>
            %sub3A_943 = arith.subi %add3A_942, %select_n3A_938 : vector<16xi32>
            tpu.vector_store_idx %arg17[%sub3A_943], %add3A_600 masked %lt3A_933 : memref<288xf32, #tpu.memory_space<vmem>>[vector<16xi32>], vector<16xf32>, vector<16xi1>
            tpu.vector_store_idx %arg18[%sub3A_943], %add3A_932 masked %lt3A_933 : memref<288xi32, #tpu.memory_space<vmem>>[vector<16xi32>], vector<16xi32>, vector<16xi1>
            %slice3A_944 = vector.extract_strided_slice %masked_cumsum3A_941 {offsets = [15], sizes = [1], strides = [1]} : vector<16xi32> to vector<1xi32>
            %squeeze3A_945 = vector.extract %slice3A_944[0] : i32 from vector<1xi32>
            %broadcast_in_dim3A_946 = vector.broadcast %squeeze3A_945 : i32 to vector<16xi32>
            %add3A_947 = arith.addi %add3A_922, %broadcast_in_dim3A_946 : vector<16xi32>
            %add3A_948 = arith.constant 0 : i32
            %add3A_949 = arith.addi %add3A_537, %add3A_948 : i32
            %add3A_950 = arith.constant 3 : i32
            %add3A_951 = arith.addi %add3A_949, %add3A_950 : i32
            %mul3A_952 = arith.constant 16 : i32
            %mul3A_953 = arith.muli %add3A_951, %mul3A_952 : i32
            %add3A_954 = arith.addi %mul3A_177, %mul3A_953 : i32
            %add3A_955 = arith.addi %add3A_87, %add3A_954 : i32
            %add3A_956 = vector.broadcast %add3A_955 : i32 to vector<16xi32>
            %add3A_957 = arith.addi %add3A_956, %iota3A : vector<16xi32>
            %lt3A_958 = arith.cmpf olt, %add3A_621, %while3A_533 : vector<16xf32>
            %jit3A_959 = arith.constant 1 : i32
            %jit3A_960 = arith.constant 0 : i32
            %broadcast_in_dim3A_961 = vector.broadcast %jit3A_959 : i32 to vector<16xi32>
            %broadcast_in_dim3A_962 = vector.broadcast %jit3A_960 : i32 to vector<16xi32>
            %select_n3A_963 = arith.select %lt3A_958, %broadcast_in_dim3A_961, %broadcast_in_dim3A_962 : vector<16xi1>, vector<16xi32>
            %broadcast_in_dim3A_964 = arith.constant true
            %broadcast_in_dim3A_965 = vector.broadcast %broadcast_in_dim3A_964 : i1 to vector<16xi1>
            %masked_cumsum3A_966 = tpu.scan <sum>, %select_n3A_963 masked %broadcast_in_dim3A_965 : vector<16xi32>, vector<16xi1> -> vector<16xi32>
            %add3A_967 = arith.addi %add3A_947, %masked_cumsum3A_966 : vector<16xi32>
            %sub3A_968 = arith.subi %add3A_967, %select_n3A_963 : vector<16xi32>
            tpu.vector_store_idx %arg17[%sub3A_968], %add3A_621 masked %lt3A_958 : memref<288xf32, #tpu.memory_space<vmem>>[vector<16xi32>], vector<16xf32>, vector<16xi1>
            tpu.vector_store_idx %arg18[%sub3A_968], %add3A_957 masked %lt3A_958 : memref<288xi32, #tpu.memory_space<vmem>>[vector<16xi32>], vector<16xi32>, vector<16xi1>
            %slice3A_969 = vector.extract_strided_slice %masked_cumsum3A_966 {offsets = [15], sizes = [1], strides = [1]} : vector<16xi32> to vector<1xi32>
            %squeeze3A_970 = vector.extract %slice3A_969[0] : i32 from vector<1xi32>
            %broadcast_in_dim3A_971 = vector.broadcast %squeeze3A_970 : i32 to vector<16xi32>
            %add3A_972 = arith.addi %add3A_947, %broadcast_in_dim3A_971 : vector<16xi32>
            %add3A_973 = arith.constant 0 : i32
            %add3A_974 = arith.addi %add3A_537, %add3A_973 : i32
            %add3A_975 = arith.constant 4 : i32
            %add3A_976 = arith.addi %add3A_974, %add3A_975 : i32
            %mul3A_977 = arith.constant 16 : i32
            %mul3A_978 = arith.muli %add3A_976, %mul3A_977 : i32
            %add3A_979 = arith.addi %mul3A_177, %mul3A_978 : i32
            %add3A_980 = arith.addi %add3A_87, %add3A_979 : i32
            %add3A_981 = vector.broadcast %add3A_980 : i32 to vector<16xi32>
            %add3A_982 = arith.addi %add3A_981, %iota3A : vector<16xi32>
            %lt3A_983 = arith.cmpf olt, %add3A_642, %while3A_533 : vector<16xf32>
            %jit3A_984 = arith.constant 1 : i32
            %jit3A_985 = arith.constant 0 : i32
            %broadcast_in_dim3A_986 = vector.broadcast %jit3A_984 : i32 to vector<16xi32>
            %broadcast_in_dim3A_987 = vector.broadcast %jit3A_985 : i32 to vector<16xi32>
            %select_n3A_988 = arith.select %lt3A_983, %broadcast_in_dim3A_986, %broadcast_in_dim3A_987 : vector<16xi1>, vector<16xi32>
            %broadcast_in_dim3A_989 = arith.constant true
            %broadcast_in_dim3A_990 = vector.broadcast %broadcast_in_dim3A_989 : i1 to vector<16xi1>
            %masked_cumsum3A_991 = tpu.scan <sum>, %select_n3A_988 masked %broadcast_in_dim3A_990 : vector<16xi32>, vector<16xi1> -> vector<16xi32>
            %add3A_992 = arith.addi %add3A_972, %masked_cumsum3A_991 : vector<16xi32>
            %sub3A_993 = arith.subi %add3A_992, %select_n3A_988 : vector<16xi32>
            tpu.vector_store_idx %arg17[%sub3A_993], %add3A_642 masked %lt3A_983 : memref<288xf32, #tpu.memory_space<vmem>>[vector<16xi32>], vector<16xf32>, vector<16xi1>
            tpu.vector_store_idx %arg18[%sub3A_993], %add3A_982 masked %lt3A_983 : memref<288xi32, #tpu.memory_space<vmem>>[vector<16xi32>], vector<16xi32>, vector<16xi1>
            %slice3A_994 = vector.extract_strided_slice %masked_cumsum3A_991 {offsets = [15], sizes = [1], strides = [1]} : vector<16xi32> to vector<1xi32>
            %squeeze3A_995 = vector.extract %slice3A_994[0] : i32 from vector<1xi32>
            %broadcast_in_dim3A_996 = vector.broadcast %squeeze3A_995 : i32 to vector<16xi32>
            %add3A_997 = arith.addi %add3A_972, %broadcast_in_dim3A_996 : vector<16xi32>
            %add3A_998 = arith.constant 0 : i32
            %add3A_999 = arith.addi %add3A_537, %add3A_998 : i32
            %add3A_1000 = arith.constant 5 : i32
            %add3A_1001 = arith.addi %add3A_999, %add3A_1000 : i32
            %mul3A_1002 = arith.constant 16 : i32
            %mul3A_1003 = arith.muli %add3A_1001, %mul3A_1002 : i32
            %add3A_1004 = arith.addi %mul3A_177, %mul3A_1003 : i32
            %add3A_1005 = arith.addi %add3A_87, %add3A_1004 : i32
            %add3A_1006 = vector.broadcast %add3A_1005 : i32 to vector<16xi32>
            %add3A_1007 = arith.addi %add3A_1006, %iota3A : vector<16xi32>
            %lt3A_1008 = arith.cmpf olt, %add3A_663, %while3A_533 : vector<16xf32>
            %jit3A_1009 = arith.constant 1 : i32
            %jit3A_1010 = arith.constant 0 : i32
            %broadcast_in_dim3A_1011 = vector.broadcast %jit3A_1009 : i32 to vector<16xi32>
            %broadcast_in_dim3A_1012 = vector.broadcast %jit3A_1010 : i32 to vector<16xi32>
            %select_n3A_1013 = arith.select %lt3A_1008, %broadcast_in_dim3A_1011, %broadcast_in_dim3A_1012 : vector<16xi1>, vector<16xi32>
            %broadcast_in_dim3A_1014 = arith.constant true
            %broadcast_in_dim3A_1015 = vector.broadcast %broadcast_in_dim3A_1014 : i1 to vector<16xi1>
            %masked_cumsum3A_1016 = tpu.scan <sum>, %select_n3A_1013 masked %broadcast_in_dim3A_1015 : vector<16xi32>, vector<16xi1> -> vector<16xi32>
            %add3A_1017 = arith.addi %add3A_997, %masked_cumsum3A_1016 : vector<16xi32>
            %sub3A_1018 = arith.subi %add3A_1017, %select_n3A_1013 : vector<16xi32>
            tpu.vector_store_idx %arg17[%sub3A_1018], %add3A_663 masked %lt3A_1008 : memref<288xf32, #tpu.memory_space<vmem>>[vector<16xi32>], vector<16xf32>, vector<16xi1>
            tpu.vector_store_idx %arg18[%sub3A_1018], %add3A_1007 masked %lt3A_1008 : memref<288xi32, #tpu.memory_space<vmem>>[vector<16xi32>], vector<16xi32>, vector<16xi1>
            %slice3A_1019 = vector.extract_strided_slice %masked_cumsum3A_1016 {offsets = [15], sizes = [1], strides = [1]} : vector<16xi32> to vector<1xi32>
            %squeeze3A_1020 = vector.extract %slice3A_1019[0] : i32 from vector<1xi32>
            %broadcast_in_dim3A_1021 = vector.broadcast %squeeze3A_1020 : i32 to vector<16xi32>
            %add3A_1022 = arith.addi %add3A_997, %broadcast_in_dim3A_1021 : vector<16xi32>
            %add3A_1023 = arith.constant 0 : i32
            %add3A_1024 = arith.addi %add3A_537, %add3A_1023 : i32
            %add3A_1025 = arith.constant 6 : i32
            %add3A_1026 = arith.addi %add3A_1024, %add3A_1025 : i32
            %mul3A_1027 = arith.constant 16 : i32
            %mul3A_1028 = arith.muli %add3A_1026, %mul3A_1027 : i32
            %add3A_1029 = arith.addi %mul3A_177, %mul3A_1028 : i32
            %add3A_1030 = arith.addi %add3A_87, %add3A_1029 : i32
            %add3A_1031 = vector.broadcast %add3A_1030 : i32 to vector<16xi32>
            %add3A_1032 = arith.addi %add3A_1031, %iota3A : vector<16xi32>
            %lt3A_1033 = arith.cmpf olt, %add3A_684, %while3A_533 : vector<16xf32>
            %jit3A_1034 = arith.constant 1 : i32
            %jit3A_1035 = arith.constant 0 : i32
            %broadcast_in_dim3A_1036 = vector.broadcast %jit3A_1034 : i32 to vector<16xi32>
            %broadcast_in_dim3A_1037 = vector.broadcast %jit3A_1035 : i32 to vector<16xi32>
            %select_n3A_1038 = arith.select %lt3A_1033, %broadcast_in_dim3A_1036, %broadcast_in_dim3A_1037 : vector<16xi1>, vector<16xi32>
            %broadcast_in_dim3A_1039 = arith.constant true
            %broadcast_in_dim3A_1040 = vector.broadcast %broadcast_in_dim3A_1039 : i1 to vector<16xi1>
            %masked_cumsum3A_1041 = tpu.scan <sum>, %select_n3A_1038 masked %broadcast_in_dim3A_1040 : vector<16xi32>, vector<16xi1> -> vector<16xi32>
            %add3A_1042 = arith.addi %add3A_1022, %masked_cumsum3A_1041 : vector<16xi32>
            %sub3A_1043 = arith.subi %add3A_1042, %select_n3A_1038 : vector<16xi32>
            tpu.vector_store_idx %arg17[%sub3A_1043], %add3A_684 masked %lt3A_1033 : memref<288xf32, #tpu.memory_space<vmem>>[vector<16xi32>], vector<16xf32>, vector<16xi1>
            tpu.vector_store_idx %arg18[%sub3A_1043], %add3A_1032 masked %lt3A_1033 : memref<288xi32, #tpu.memory_space<vmem>>[vector<16xi32>], vector<16xi32>, vector<16xi1>
            %slice3A_1044 = vector.extract_strided_slice %masked_cumsum3A_1041 {offsets = [15], sizes = [1], strides = [1]} : vector<16xi32> to vector<1xi32>
            %squeeze3A_1045 = vector.extract %slice3A_1044[0] : i32 from vector<1xi32>
            %broadcast_in_dim3A_1046 = vector.broadcast %squeeze3A_1045 : i32 to vector<16xi32>
            %add3A_1047 = arith.addi %add3A_1022, %broadcast_in_dim3A_1046 : vector<16xi32>
            %add3A_1048 = arith.constant 0 : i32
            %add3A_1049 = arith.addi %add3A_537, %add3A_1048 : i32
            %add3A_1050 = arith.constant 7 : i32
            %add3A_1051 = arith.addi %add3A_1049, %add3A_1050 : i32
            %mul3A_1052 = arith.constant 16 : i32
            %mul3A_1053 = arith.muli %add3A_1051, %mul3A_1052 : i32
            %add3A_1054 = arith.addi %mul3A_177, %mul3A_1053 : i32
            %add3A_1055 = arith.addi %add3A_87, %add3A_1054 : i32
            %add3A_1056 = vector.broadcast %add3A_1055 : i32 to vector<16xi32>
            %add3A_1057 = arith.addi %add3A_1056, %iota3A : vector<16xi32>
            %lt3A_1058 = arith.cmpf olt, %add3A_705, %while3A_533 : vector<16xf32>
            %jit3A_1059 = arith.constant 1 : i32
            %jit3A_1060 = arith.constant 0 : i32
            %broadcast_in_dim3A_1061 = vector.broadcast %jit3A_1059 : i32 to vector<16xi32>
            %broadcast_in_dim3A_1062 = vector.broadcast %jit3A_1060 : i32 to vector<16xi32>
            %select_n3A_1063 = arith.select %lt3A_1058, %broadcast_in_dim3A_1061, %broadcast_in_dim3A_1062 : vector<16xi1>, vector<16xi32>
            %broadcast_in_dim3A_1064 = arith.constant true
            %broadcast_in_dim3A_1065 = vector.broadcast %broadcast_in_dim3A_1064 : i1 to vector<16xi1>
            %masked_cumsum3A_1066 = tpu.scan <sum>, %select_n3A_1063 masked %broadcast_in_dim3A_1065 : vector<16xi32>, vector<16xi1> -> vector<16xi32>
            %add3A_1067 = arith.addi %add3A_1047, %masked_cumsum3A_1066 : vector<16xi32>
            %sub3A_1068 = arith.subi %add3A_1067, %select_n3A_1063 : vector<16xi32>
            tpu.vector_store_idx %arg17[%sub3A_1068], %add3A_705 masked %lt3A_1058 : memref<288xf32, #tpu.memory_space<vmem>>[vector<16xi32>], vector<16xf32>, vector<16xi1>
            tpu.vector_store_idx %arg18[%sub3A_1068], %add3A_1057 masked %lt3A_1058 : memref<288xi32, #tpu.memory_space<vmem>>[vector<16xi32>], vector<16xi32>, vector<16xi1>
            %slice3A_1069 = vector.extract_strided_slice %masked_cumsum3A_1066 {offsets = [15], sizes = [1], strides = [1]} : vector<16xi32> to vector<1xi32>
            %squeeze3A_1070 = vector.extract %slice3A_1069[0] : i32 from vector<1xi32>
            %broadcast_in_dim3A_1071 = vector.broadcast %squeeze3A_1070 : i32 to vector<16xi32>
            %add3A_1072 = arith.addi %add3A_1047, %broadcast_in_dim3A_1071 : vector<16xi32>
            %add3A_1073 = arith.constant 0 : i32
            %add3A_1074 = arith.addi %add3A_537, %add3A_1073 : i32
            %add3A_1075 = arith.constant 8 : i32
            %add3A_1076 = arith.addi %add3A_1074, %add3A_1075 : i32
            %mul3A_1077 = arith.constant 16 : i32
            %mul3A_1078 = arith.muli %add3A_1076, %mul3A_1077 : i32
            %add3A_1079 = arith.addi %mul3A_177, %mul3A_1078 : i32
            %add3A_1080 = arith.addi %add3A_87, %add3A_1079 : i32
            %add3A_1081 = vector.broadcast %add3A_1080 : i32 to vector<16xi32>
            %add3A_1082 = arith.addi %add3A_1081, %iota3A : vector<16xi32>
            %lt3A_1083 = arith.cmpf olt, %add3A_726, %while3A_533 : vector<16xf32>
            %jit3A_1084 = arith.constant 1 : i32
            %jit3A_1085 = arith.constant 0 : i32
            %broadcast_in_dim3A_1086 = vector.broadcast %jit3A_1084 : i32 to vector<16xi32>
            %broadcast_in_dim3A_1087 = vector.broadcast %jit3A_1085 : i32 to vector<16xi32>
            %select_n3A_1088 = arith.select %lt3A_1083, %broadcast_in_dim3A_1086, %broadcast_in_dim3A_1087 : vector<16xi1>, vector<16xi32>
            %broadcast_in_dim3A_1089 = arith.constant true
            %broadcast_in_dim3A_1090 = vector.broadcast %broadcast_in_dim3A_1089 : i1 to vector<16xi1>
            %masked_cumsum3A_1091 = tpu.scan <sum>, %select_n3A_1088 masked %broadcast_in_dim3A_1090 : vector<16xi32>, vector<16xi1> -> vector<16xi32>
            %add3A_1092 = arith.addi %add3A_1072, %masked_cumsum3A_1091 : vector<16xi32>
            %sub3A_1093 = arith.subi %add3A_1092, %select_n3A_1088 : vector<16xi32>
            tpu.vector_store_idx %arg17[%sub3A_1093], %add3A_726 masked %lt3A_1083 : memref<288xf32, #tpu.memory_space<vmem>>[vector<16xi32>], vector<16xf32>, vector<16xi1>
            tpu.vector_store_idx %arg18[%sub3A_1093], %add3A_1082 masked %lt3A_1083 : memref<288xi32, #tpu.memory_space<vmem>>[vector<16xi32>], vector<16xi32>, vector<16xi1>
            %slice3A_1094 = vector.extract_strided_slice %masked_cumsum3A_1091 {offsets = [15], sizes = [1], strides = [1]} : vector<16xi32> to vector<1xi32>
            %squeeze3A_1095 = vector.extract %slice3A_1094[0] : i32 from vector<1xi32>
            %broadcast_in_dim3A_1096 = vector.broadcast %squeeze3A_1095 : i32 to vector<16xi32>
            %add3A_1097 = arith.addi %add3A_1072, %broadcast_in_dim3A_1096 : vector<16xi32>
            %add3A_1098 = arith.constant 0 : i32
            %add3A_1099 = arith.addi %add3A_537, %add3A_1098 : i32
            %add3A_1100 = arith.constant 9 : i32
            %add3A_1101 = arith.addi %add3A_1099, %add3A_1100 : i32
            %mul3A_1102 = arith.constant 16 : i32
            %mul3A_1103 = arith.muli %add3A_1101, %mul3A_1102 : i32
            %add3A_1104 = arith.addi %mul3A_177, %mul3A_1103 : i32
            %add3A_1105 = arith.addi %add3A_87, %add3A_1104 : i32
            %add3A_1106 = vector.broadcast %add3A_1105 : i32 to vector<16xi32>
            %add3A_1107 = arith.addi %add3A_1106, %iota3A : vector<16xi32>
            %lt3A_1108 = arith.cmpf olt, %add3A_747, %while3A_533 : vector<16xf32>
            %jit3A_1109 = arith.constant 1 : i32
            %jit3A_1110 = arith.constant 0 : i32
            %broadcast_in_dim3A_1111 = vector.broadcast %jit3A_1109 : i32 to vector<16xi32>
            %broadcast_in_dim3A_1112 = vector.broadcast %jit3A_1110 : i32 to vector<16xi32>
            %select_n3A_1113 = arith.select %lt3A_1108, %broadcast_in_dim3A_1111, %broadcast_in_dim3A_1112 : vector<16xi1>, vector<16xi32>
            %broadcast_in_dim3A_1114 = arith.constant true
            %broadcast_in_dim3A_1115 = vector.broadcast %broadcast_in_dim3A_1114 : i1 to vector<16xi1>
            %masked_cumsum3A_1116 = tpu.scan <sum>, %select_n3A_1113 masked %broadcast_in_dim3A_1115 : vector<16xi32>, vector<16xi1> -> vector<16xi32>
            %add3A_1117 = arith.addi %add3A_1097, %masked_cumsum3A_1116 : vector<16xi32>
            %sub3A_1118 = arith.subi %add3A_1117, %select_n3A_1113 : vector<16xi32>
            tpu.vector_store_idx %arg17[%sub3A_1118], %add3A_747 masked %lt3A_1108 : memref<288xf32, #tpu.memory_space<vmem>>[vector<16xi32>], vector<16xf32>, vector<16xi1>
            tpu.vector_store_idx %arg18[%sub3A_1118], %add3A_1107 masked %lt3A_1108 : memref<288xi32, #tpu.memory_space<vmem>>[vector<16xi32>], vector<16xi32>, vector<16xi1>
            %slice3A_1119 = vector.extract_strided_slice %masked_cumsum3A_1116 {offsets = [15], sizes = [1], strides = [1]} : vector<16xi32> to vector<1xi32>
            %squeeze3A_1120 = vector.extract %slice3A_1119[0] : i32 from vector<1xi32>
            %broadcast_in_dim3A_1121 = vector.broadcast %squeeze3A_1120 : i32 to vector<16xi32>
            %add3A_1122 = arith.addi %add3A_1097, %broadcast_in_dim3A_1121 : vector<16xi32>
            %add3A_1123 = arith.constant 0 : i32
            %add3A_1124 = arith.addi %add3A_537, %add3A_1123 : i32
            %add3A_1125 = arith.constant 10 : i32
            %add3A_1126 = arith.addi %add3A_1124, %add3A_1125 : i32
            %mul3A_1127 = arith.constant 16 : i32
            %mul3A_1128 = arith.muli %add3A_1126, %mul3A_1127 : i32
            %add3A_1129 = arith.addi %mul3A_177, %mul3A_1128 : i32
            %add3A_1130 = arith.addi %add3A_87, %add3A_1129 : i32
            %add3A_1131 = vector.broadcast %add3A_1130 : i32 to vector<16xi32>
            %add3A_1132 = arith.addi %add3A_1131, %iota3A : vector<16xi32>
            %lt3A_1133 = arith.cmpf olt, %add3A_768, %while3A_533 : vector<16xf32>
            %jit3A_1134 = arith.constant 1 : i32
            %jit3A_1135 = arith.constant 0 : i32
            %broadcast_in_dim3A_1136 = vector.broadcast %jit3A_1134 : i32 to vector<16xi32>
            %broadcast_in_dim3A_1137 = vector.broadcast %jit3A_1135 : i32 to vector<16xi32>
            %select_n3A_1138 = arith.select %lt3A_1133, %broadcast_in_dim3A_1136, %broadcast_in_dim3A_1137 : vector<16xi1>, vector<16xi32>
            %broadcast_in_dim3A_1139 = arith.constant true
            %broadcast_in_dim3A_1140 = vector.broadcast %broadcast_in_dim3A_1139 : i1 to vector<16xi1>
            %masked_cumsum3A_1141 = tpu.scan <sum>, %select_n3A_1138 masked %broadcast_in_dim3A_1140 : vector<16xi32>, vector<16xi1> -> vector<16xi32>
            %add3A_1142 = arith.addi %add3A_1122, %masked_cumsum3A_1141 : vector<16xi32>
            %sub3A_1143 = arith.subi %add3A_1142, %select_n3A_1138 : vector<16xi32>
            tpu.vector_store_idx %arg17[%sub3A_1143], %add3A_768 masked %lt3A_1133 : memref<288xf32, #tpu.memory_space<vmem>>[vector<16xi32>], vector<16xf32>, vector<16xi1>
            tpu.vector_store_idx %arg18[%sub3A_1143], %add3A_1132 masked %lt3A_1133 : memref<288xi32, #tpu.memory_space<vmem>>[vector<16xi32>], vector<16xi32>, vector<16xi1>
            %slice3A_1144 = vector.extract_strided_slice %masked_cumsum3A_1141 {offsets = [15], sizes = [1], strides = [1]} : vector<16xi32> to vector<1xi32>
            %squeeze3A_1145 = vector.extract %slice3A_1144[0] : i32 from vector<1xi32>
            %broadcast_in_dim3A_1146 = vector.broadcast %squeeze3A_1145 : i32 to vector<16xi32>
            %add3A_1147 = arith.addi %add3A_1122, %broadcast_in_dim3A_1146 : vector<16xi32>
            %add3A_1148 = arith.constant 0 : i32
            %add3A_1149 = arith.addi %add3A_537, %add3A_1148 : i32
            %add3A_1150 = arith.constant 11 : i32
            %add3A_1151 = arith.addi %add3A_1149, %add3A_1150 : i32
            %mul3A_1152 = arith.constant 16 : i32
            %mul3A_1153 = arith.muli %add3A_1151, %mul3A_1152 : i32
            %add3A_1154 = arith.addi %mul3A_177, %mul3A_1153 : i32
            %add3A_1155 = arith.addi %add3A_87, %add3A_1154 : i32
            %add3A_1156 = vector.broadcast %add3A_1155 : i32 to vector<16xi32>
            %add3A_1157 = arith.addi %add3A_1156, %iota3A : vector<16xi32>
            %lt3A_1158 = arith.cmpf olt, %add3A_789, %while3A_533 : vector<16xf32>
            %jit3A_1159 = arith.constant 1 : i32
            %jit3A_1160 = arith.constant 0 : i32
            %broadcast_in_dim3A_1161 = vector.broadcast %jit3A_1159 : i32 to vector<16xi32>
            %broadcast_in_dim3A_1162 = vector.broadcast %jit3A_1160 : i32 to vector<16xi32>
            %select_n3A_1163 = arith.select %lt3A_1158, %broadcast_in_dim3A_1161, %broadcast_in_dim3A_1162 : vector<16xi1>, vector<16xi32>
            %broadcast_in_dim3A_1164 = arith.constant true
            %broadcast_in_dim3A_1165 = vector.broadcast %broadcast_in_dim3A_1164 : i1 to vector<16xi1>
            %masked_cumsum3A_1166 = tpu.scan <sum>, %select_n3A_1163 masked %broadcast_in_dim3A_1165 : vector<16xi32>, vector<16xi1> -> vector<16xi32>
            %add3A_1167 = arith.addi %add3A_1147, %masked_cumsum3A_1166 : vector<16xi32>
            %sub3A_1168 = arith.subi %add3A_1167, %select_n3A_1163 : vector<16xi32>
            tpu.vector_store_idx %arg17[%sub3A_1168], %add3A_789 masked %lt3A_1158 : memref<288xf32, #tpu.memory_space<vmem>>[vector<16xi32>], vector<16xf32>, vector<16xi1>
            tpu.vector_store_idx %arg18[%sub3A_1168], %add3A_1157 masked %lt3A_1158 : memref<288xi32, #tpu.memory_space<vmem>>[vector<16xi32>], vector<16xi32>, vector<16xi1>
            %slice3A_1169 = vector.extract_strided_slice %masked_cumsum3A_1166 {offsets = [15], sizes = [1], strides = [1]} : vector<16xi32> to vector<1xi32>
            %squeeze3A_1170 = vector.extract %slice3A_1169[0] : i32 from vector<1xi32>
            %broadcast_in_dim3A_1171 = vector.broadcast %squeeze3A_1170 : i32 to vector<16xi32>
            %add3A_1172 = arith.addi %add3A_1147, %broadcast_in_dim3A_1171 : vector<16xi32>
            %add3A_1173 = arith.constant 0 : i32
            %add3A_1174 = arith.addi %add3A_537, %add3A_1173 : i32
            %add3A_1175 = arith.constant 12 : i32
            %add3A_1176 = arith.addi %add3A_1174, %add3A_1175 : i32
            %mul3A_1177 = arith.constant 16 : i32
            %mul3A_1178 = arith.muli %add3A_1176, %mul3A_1177 : i32
            %add3A_1179 = arith.addi %mul3A_177, %mul3A_1178 : i32
            %add3A_1180 = arith.addi %add3A_87, %add3A_1179 : i32
            %add3A_1181 = vector.broadcast %add3A_1180 : i32 to vector<16xi32>
            %add3A_1182 = arith.addi %add3A_1181, %iota3A : vector<16xi32>
            %lt3A_1183 = arith.cmpf olt, %add3A_810, %while3A_533 : vector<16xf32>
            %jit3A_1184 = arith.constant 1 : i32
            %jit3A_1185 = arith.constant 0 : i32
            %broadcast_in_dim3A_1186 = vector.broadcast %jit3A_1184 : i32 to vector<16xi32>
            %broadcast_in_dim3A_1187 = vector.broadcast %jit3A_1185 : i32 to vector<16xi32>
            %select_n3A_1188 = arith.select %lt3A_1183, %broadcast_in_dim3A_1186, %broadcast_in_dim3A_1187 : vector<16xi1>, vector<16xi32>
            %broadcast_in_dim3A_1189 = arith.constant true
            %broadcast_in_dim3A_1190 = vector.broadcast %broadcast_in_dim3A_1189 : i1 to vector<16xi1>
            %masked_cumsum3A_1191 = tpu.scan <sum>, %select_n3A_1188 masked %broadcast_in_dim3A_1190 : vector<16xi32>, vector<16xi1> -> vector<16xi32>
            %add3A_1192 = arith.addi %add3A_1172, %masked_cumsum3A_1191 : vector<16xi32>
            %sub3A_1193 = arith.subi %add3A_1192, %select_n3A_1188 : vector<16xi32>
            tpu.vector_store_idx %arg17[%sub3A_1193], %add3A_810 masked %lt3A_1183 : memref<288xf32, #tpu.memory_space<vmem>>[vector<16xi32>], vector<16xf32>, vector<16xi1>
            tpu.vector_store_idx %arg18[%sub3A_1193], %add3A_1182 masked %lt3A_1183 : memref<288xi32, #tpu.memory_space<vmem>>[vector<16xi32>], vector<16xi32>, vector<16xi1>
            %slice3A_1194 = vector.extract_strided_slice %masked_cumsum3A_1191 {offsets = [15], sizes = [1], strides = [1]} : vector<16xi32> to vector<1xi32>
            %squeeze3A_1195 = vector.extract %slice3A_1194[0] : i32 from vector<1xi32>
            %broadcast_in_dim3A_1196 = vector.broadcast %squeeze3A_1195 : i32 to vector<16xi32>
            %add3A_1197 = arith.addi %add3A_1172, %broadcast_in_dim3A_1196 : vector<16xi32>
            %add3A_1198 = arith.constant 0 : i32
            %add3A_1199 = arith.addi %add3A_537, %add3A_1198 : i32
            %add3A_1200 = arith.constant 13 : i32
            %add3A_1201 = arith.addi %add3A_1199, %add3A_1200 : i32
            %mul3A_1202 = arith.constant 16 : i32
            %mul3A_1203 = arith.muli %add3A_1201, %mul3A_1202 : i32
            %add3A_1204 = arith.addi %mul3A_177, %mul3A_1203 : i32
            %add3A_1205 = arith.addi %add3A_87, %add3A_1204 : i32
            %add3A_1206 = vector.broadcast %add3A_1205 : i32 to vector<16xi32>
            %add3A_1207 = arith.addi %add3A_1206, %iota3A : vector<16xi32>
            %lt3A_1208 = arith.cmpf olt, %add3A_831, %while3A_533 : vector<16xf32>
            %jit3A_1209 = arith.constant 1 : i32
            %jit3A_1210 = arith.constant 0 : i32
            %broadcast_in_dim3A_1211 = vector.broadcast %jit3A_1209 : i32 to vector<16xi32>
            %broadcast_in_dim3A_1212 = vector.broadcast %jit3A_1210 : i32 to vector<16xi32>
            %select_n3A_1213 = arith.select %lt3A_1208, %broadcast_in_dim3A_1211, %broadcast_in_dim3A_1212 : vector<16xi1>, vector<16xi32>
            %broadcast_in_dim3A_1214 = arith.constant true
            %broadcast_in_dim3A_1215 = vector.broadcast %broadcast_in_dim3A_1214 : i1 to vector<16xi1>
            %masked_cumsum3A_1216 = tpu.scan <sum>, %select_n3A_1213 masked %broadcast_in_dim3A_1215 : vector<16xi32>, vector<16xi1> -> vector<16xi32>
            %add3A_1217 = arith.addi %add3A_1197, %masked_cumsum3A_1216 : vector<16xi32>
            %sub3A_1218 = arith.subi %add3A_1217, %select_n3A_1213 : vector<16xi32>
            tpu.vector_store_idx %arg17[%sub3A_1218], %add3A_831 masked %lt3A_1208 : memref<288xf32, #tpu.memory_space<vmem>>[vector<16xi32>], vector<16xf32>, vector<16xi1>
            tpu.vector_store_idx %arg18[%sub3A_1218], %add3A_1207 masked %lt3A_1208 : memref<288xi32, #tpu.memory_space<vmem>>[vector<16xi32>], vector<16xi32>, vector<16xi1>
            %slice3A_1219 = vector.extract_strided_slice %masked_cumsum3A_1216 {offsets = [15], sizes = [1], strides = [1]} : vector<16xi32> to vector<1xi32>
            %squeeze3A_1220 = vector.extract %slice3A_1219[0] : i32 from vector<1xi32>
            %broadcast_in_dim3A_1221 = vector.broadcast %squeeze3A_1220 : i32 to vector<16xi32>
            %add3A_1222 = arith.addi %add3A_1197, %broadcast_in_dim3A_1221 : vector<16xi32>
            %add3A_1223 = arith.constant 0 : i32
            %add3A_1224 = arith.addi %add3A_537, %add3A_1223 : i32
            %add3A_1225 = arith.constant 14 : i32
            %add3A_1226 = arith.addi %add3A_1224, %add3A_1225 : i32
            %mul3A_1227 = arith.constant 16 : i32
            %mul3A_1228 = arith.muli %add3A_1226, %mul3A_1227 : i32
            %add3A_1229 = arith.addi %mul3A_177, %mul3A_1228 : i32
            %add3A_1230 = arith.addi %add3A_87, %add3A_1229 : i32
            %add3A_1231 = vector.broadcast %add3A_1230 : i32 to vector<16xi32>
            %add3A_1232 = arith.addi %add3A_1231, %iota3A : vector<16xi32>
            %lt3A_1233 = arith.cmpf olt, %add3A_852, %while3A_533 : vector<16xf32>
            %jit3A_1234 = arith.constant 1 : i32
            %jit3A_1235 = arith.constant 0 : i32
            %broadcast_in_dim3A_1236 = vector.broadcast %jit3A_1234 : i32 to vector<16xi32>
            %broadcast_in_dim3A_1237 = vector.broadcast %jit3A_1235 : i32 to vector<16xi32>
            %select_n3A_1238 = arith.select %lt3A_1233, %broadcast_in_dim3A_1236, %broadcast_in_dim3A_1237 : vector<16xi1>, vector<16xi32>
            %broadcast_in_dim3A_1239 = arith.constant true
            %broadcast_in_dim3A_1240 = vector.broadcast %broadcast_in_dim3A_1239 : i1 to vector<16xi1>
            %masked_cumsum3A_1241 = tpu.scan <sum>, %select_n3A_1238 masked %broadcast_in_dim3A_1240 : vector<16xi32>, vector<16xi1> -> vector<16xi32>
            %add3A_1242 = arith.addi %add3A_1222, %masked_cumsum3A_1241 : vector<16xi32>
            %sub3A_1243 = arith.subi %add3A_1242, %select_n3A_1238 : vector<16xi32>
            tpu.vector_store_idx %arg17[%sub3A_1243], %add3A_852 masked %lt3A_1233 : memref<288xf32, #tpu.memory_space<vmem>>[vector<16xi32>], vector<16xf32>, vector<16xi1>
            tpu.vector_store_idx %arg18[%sub3A_1243], %add3A_1232 masked %lt3A_1233 : memref<288xi32, #tpu.memory_space<vmem>>[vector<16xi32>], vector<16xi32>, vector<16xi1>
            %slice3A_1244 = vector.extract_strided_slice %masked_cumsum3A_1241 {offsets = [15], sizes = [1], strides = [1]} : vector<16xi32> to vector<1xi32>
            %squeeze3A_1245 = vector.extract %slice3A_1244[0] : i32 from vector<1xi32>
            %broadcast_in_dim3A_1246 = vector.broadcast %squeeze3A_1245 : i32 to vector<16xi32>
            %add3A_1247 = arith.addi %add3A_1222, %broadcast_in_dim3A_1246 : vector<16xi32>
            %add3A_1248 = arith.constant 0 : i32
            %add3A_1249 = arith.addi %add3A_537, %add3A_1248 : i32
            %add3A_1250 = arith.constant 15 : i32
            %add3A_1251 = arith.addi %add3A_1249, %add3A_1250 : i32
            %mul3A_1252 = arith.constant 16 : i32
            %mul3A_1253 = arith.muli %add3A_1251, %mul3A_1252 : i32
            %add3A_1254 = arith.addi %mul3A_177, %mul3A_1253 : i32
            %add3A_1255 = arith.addi %add3A_87, %add3A_1254 : i32
            %add3A_1256 = vector.broadcast %add3A_1255 : i32 to vector<16xi32>
            %add3A_1257 = arith.addi %add3A_1256, %iota3A : vector<16xi32>
            %lt3A_1258 = arith.cmpf olt, %add3A_873, %while3A_533 : vector<16xf32>
            %jit3A_1259 = arith.constant 1 : i32
            %jit3A_1260 = arith.constant 0 : i32
            %broadcast_in_dim3A_1261 = vector.broadcast %jit3A_1259 : i32 to vector<16xi32>
            %broadcast_in_dim3A_1262 = vector.broadcast %jit3A_1260 : i32 to vector<16xi32>
            %select_n3A_1263 = arith.select %lt3A_1258, %broadcast_in_dim3A_1261, %broadcast_in_dim3A_1262 : vector<16xi1>, vector<16xi32>
            %broadcast_in_dim3A_1264 = arith.constant true
            %broadcast_in_dim3A_1265 = vector.broadcast %broadcast_in_dim3A_1264 : i1 to vector<16xi1>
            %masked_cumsum3A_1266 = tpu.scan <sum>, %select_n3A_1263 masked %broadcast_in_dim3A_1265 : vector<16xi32>, vector<16xi1> -> vector<16xi32>
            %add3A_1267 = arith.addi %add3A_1247, %masked_cumsum3A_1266 : vector<16xi32>
            %sub3A_1268 = arith.subi %add3A_1267, %select_n3A_1263 : vector<16xi32>
            tpu.vector_store_idx %arg17[%sub3A_1268], %add3A_873 masked %lt3A_1258 : memref<288xf32, #tpu.memory_space<vmem>>[vector<16xi32>], vector<16xf32>, vector<16xi1>
            tpu.vector_store_idx %arg18[%sub3A_1268], %add3A_1257 masked %lt3A_1258 : memref<288xi32, #tpu.memory_space<vmem>>[vector<16xi32>], vector<16xi32>, vector<16xi1>
            %slice3A_1269 = vector.extract_strided_slice %masked_cumsum3A_1266 {offsets = [15], sizes = [1], strides = [1]} : vector<16xi32> to vector<1xi32>
            %squeeze3A_1270 = vector.extract %slice3A_1269[0] : i32 from vector<1xi32>
            %broadcast_in_dim3A_1271 = vector.broadcast %squeeze3A_1270 : i32 to vector<16xi32>
            %add3A_1272 = arith.addi %add3A_1247, %broadcast_in_dim3A_1271 : vector<16xi32>
            %slice3A_1273 = vector.extract_strided_slice %add3A_1272 {offsets = [0], sizes = [1], strides = [1]} : vector<16xi32> to vector<1xi32>
            %squeeze3A_1274 = vector.extract %slice3A_1273[0] : i32 from vector<1xi32>
            %jit3A_1275 = arith.constant 16 : i32
            %div3A_1276 = arith.divsi %squeeze3A_1274, %jit3A_1275 : i32
            %sign3A_1277 = arith.constant 0 : i32
            %sign3A_1278 = arith.cmpi sgt, %squeeze3A_1274, %sign3A_1277 : i32
            %sign3A_1279 = arith.extui %sign3A_1278 : i1 to i32
            %sign3A_1280 = arith.constant 0 : i32
            %sign3A_1281 = arith.cmpi slt, %squeeze3A_1274, %sign3A_1280 : i32
            %sign3A_1282 = arith.extui %sign3A_1281 : i1 to i32
            %sign3A_1283 = arith.subi %sign3A_1279, %sign3A_1282 : i32
            %sign3A_1284 = arith.constant 0 : i32
            %sign3A_1285 = arith.cmpi sgt, %jit3A_1275, %sign3A_1284 : i32
            %sign3A_1286 = arith.extui %sign3A_1285 : i1 to i32
            %sign3A_1287 = arith.constant 0 : i32
            %sign3A_1288 = arith.cmpi slt, %jit3A_1275, %sign3A_1287 : i32
            %sign3A_1289 = arith.extui %sign3A_1288 : i1 to i32
            %sign3A_1290 = arith.subi %sign3A_1286, %sign3A_1289 : i32
            %ne3A_1291 = arith.cmpi ne, %sign3A_1283, %sign3A_1290 : i32
            %rem3A_1292 = arith.remsi %squeeze3A_1274, %jit3A_1275 : i32
            %ne3A_1293 = arith.constant 0 : i32
            %ne3A_1294 = arith.cmpi ne, %rem3A_1292, %ne3A_1293 : i32
            %and3A_1295 = arith.andi %ne3A_1291, %ne3A_1294 : i1
            %sub3A_1296 = arith.constant 1 : i32
            %sub3A_1297 = arith.subi %div3A_1276, %sub3A_1296 : i32
            %select_n3A_1298 = arith.select %and3A_1295, %sub3A_1297, %div3A_1276 : i32
            %while3A_1299 = arith.constant 0 : i32
            %while3A_1300 = arith.subi %select_n3A_1298, %while3A_1299 : i32
            %while3A_1301 = arith.addi %while3A_1299, %while3A_1300 : i32
            %while3A_1302 = arith.constant 1 : i32
            %while3A_1303 = arith.divsi %while3A_1300, %while3A_1302 : i32
            %while3A_1304 = arith.muli %while3A_1303, %while3A_1302 : i32
            %while3A_1305 = arith.addi %while3A_1299, %while3A_1304 : i32
            %while3A_1306 = arith.constant 1 : i32
            %while3A_1307:4 = scf.for %while3A_1329 = %while3A_1299 to %while3A_1305 step %while3A_1306 iter_args(%while3A_1330 = %while3A_529, %while3A_1331 = %while3A_530, %while3A_1332 = %while3A_531, %while3A_1333 = %while3A_532) -> (vector<16xf32>, vector<16xi32>, vector<16xf32>, vector<16xi32>)  : i32 {
              %mul3A_1334 = arith.constant 16 : i32
              %mul3A_1335 = arith.muli %while3A_1329, %mul3A_1334 : i32
              %get3A_1336 = arith.index_cast %mul3A_1335 : i32 to index
              %get3A_1337 = tpu.vector_load %arg17[%get3A_1336] {strides = array<i32>} : memref<288xf32, #tpu.memory_space<vmem>>, vector<16xf32>,
              %mul3A_1338 = arith.constant 16 : i32
              %mul3A_1339 = arith.muli %while3A_1329, %mul3A_1338 : i32
              %get3A_1340 = arith.index_cast %mul3A_1339 : i32 to index
              %get3A_1341 = tpu.vector_load %arg18[%get3A_1340] {strides = array<i32>} : memref<288xi32, #tpu.memory_space<vmem>>, vector<16xi32>,
              %masked_sort3A_1342 = arith.constant dense<true> : vector<16xi1>
              %masked_sort3A_1343, %masked_sort3A_1344, %masked_sort3A_1345 = tpu.sort %get3A_1337, %get3A_1341 masked %masked_sort3A_1342 : (vector<16xf32>, vector<16xi32>, vector<16xi1>) -> (vector<16xi1>, vector<16xf32>, vector<16xi32>)
              %rev3A_1346 = arith.constant 15 : i32
              %rev3A_1347 = vector.broadcast %rev3A_1346 : i32 to vector<16xi32>
              %rev3A_1348 = tpu.iota {dimensions = array<i32: 0>} : vector<16xi32>
              %rev3A_1349 = arith.subi %rev3A_1347, %rev3A_1348 : vector<16xi32>
              %rev3A_1350 = tpu.dynamic_gather %masked_sort3A_1344[%rev3A_1349] in [0] : vector<16xf32>, vector<16xi32> -> vector<16xf32>
              %rev3A_1351 = arith.constant 15 : i32
              %rev3A_1352 = vector.broadcast %rev3A_1351 : i32 to vector<16xi32>
              %rev3A_1353 = tpu.iota {dimensions = array<i32: 0>} : vector<16xi32>
              %rev3A_1354 = arith.subi %rev3A_1352, %rev3A_1353 : vector<16xi32>
              %rev3A_1355 = tpu.dynamic_gather %masked_sort3A_1345[%rev3A_1354] in [0] : vector<16xi32>, vector<16xi32> -> vector<16xi32>
              %le3A_1356 = arith.cmpf ole, %while3A_1332, %rev3A_1350 : vector<16xf32>
              %select_n3A_1357 = arith.select %le3A_1356, %while3A_1332, %rev3A_1350 : vector<16xi1>, vector<16xf32>
              %select_n3A_1358 = arith.select %le3A_1356, %while3A_1333, %rev3A_1355 : vector<16xi1>, vector<16xi32>
              %masked_sort3A_1359 = arith.constant dense<true> : vector<16xi1>
              %masked_sort3A_1360, %masked_sort3A_1361, %masked_sort3A_1362 = tpu.sort %select_n3A_1357, %select_n3A_1358 masked %masked_sort3A_1359 : (vector<16xf32>, vector<16xi32>, vector<16xi1>) -> (vector<16xi1>, vector<16xf32>, vector<16xi32>)
              %rev3A_1363 = arith.constant 15 : i32
              %rev3A_1364 = vector.broadcast %rev3A_1363 : i32 to vector<16xi32>
              %rev3A_1365 = tpu.iota {dimensions = array<i32: 0>} : vector<16xi32>
              %rev3A_1366 = arith.subi %rev3A_1364, %rev3A_1365 : vector<16xi32>
              %rev3A_1367 = tpu.dynamic_gather %masked_sort3A_1361[%rev3A_1366] in [0] : vector<16xf32>, vector<16xi32> -> vector<16xf32>
              %rev3A_1368 = arith.constant 15 : i32
              %rev3A_1369 = vector.broadcast %rev3A_1368 : i32 to vector<16xi32>
              %rev3A_1370 = tpu.iota {dimensions = array<i32: 0>} : vector<16xi32>
              %rev3A_1371 = arith.subi %rev3A_1369, %rev3A_1370 : vector<16xi32>
              %rev3A_1372 = tpu.dynamic_gather %masked_sort3A_1362[%rev3A_1371] in [0] : vector<16xi32>, vector<16xi32> -> vector<16xi32>
              %le3A_1373 = arith.cmpf ole, %while3A_1330, %rev3A_1367 : vector<16xf32>
              %select_n3A_1374 = arith.select %le3A_1373, %while3A_1330, %rev3A_1367 : vector<16xi1>, vector<16xf32>
              %select_n3A_1375 = arith.select %le3A_1373, %while3A_1331, %rev3A_1372 : vector<16xi1>, vector<16xi32>
              %select_n3A_1376 = arith.select %le3A_1373, %rev3A_1367, %while3A_1330 : vector<16xi1>, vector<16xf32>
              %select_n3A_1377 = arith.select %le3A_1373, %rev3A_1372, %while3A_1331 : vector<16xi1>, vector<16xi32>
              %masked_sort3A_1378 = arith.constant dense<true> : vector<16xi1>
              %masked_sort3A_1379, %masked_sort3A_1380, %masked_sort3A_1381 = tpu.sort %select_n3A_1374, %select_n3A_1375 masked %masked_sort3A_1378 : (vector<16xf32>, vector<16xi32>, vector<16xi1>) -> (vector<16xi1>, vector<16xf32>, vector<16xi32>)
              %masked_sort3A_1382 = arith.constant dense<true> : vector<16xi1>
              %masked_sort3A_1383, %masked_sort3A_1384, %masked_sort3A_1385 = tpu.sort %select_n3A_1376, %select_n3A_1377 masked %masked_sort3A_1382 : (vector<16xf32>, vector<16xi32>, vector<16xi1>) -> (vector<16xi1>, vector<16xf32>, vector<16xi32>)
              scf.yield %masked_sort3A_1380, %masked_sort3A_1381, %masked_sort3A_1384, %masked_sort3A_1385 : vector<16xf32>, vector<16xi32>, vector<16xf32>, vector<16xi32>
            }
            %while3A_1308 = arith.constant 1 : i32
            %while3A_1309:4 = scf.for %while3A_1329 = %while3A_1305 to %while3A_1301 step %while3A_1308 iter_args(%while3A_1330 = %while3A_1307#0, %while3A_1331 = %while3A_1307#1, %while3A_1332 = %while3A_1307#2, %while3A_1333 = %while3A_1307#3) -> (vector<16xf32>, vector<16xi32>, vector<16xf32>, vector<16xi32>)  : i32 {
              %mul3A_1334 = arith.constant 16 : i32
              %mul3A_1335 = arith.muli %while3A_1329, %mul3A_1334 : i32
              %get3A_1336 = arith.index_cast %mul3A_1335 : i32 to index
              %get3A_1337 = tpu.vector_load %arg17[%get3A_1336] {strides = array<i32>} : memref<288xf32, #tpu.memory_space<vmem>>, vector<16xf32>,
              %mul3A_1338 = arith.constant 16 : i32
              %mul3A_1339 = arith.muli %while3A_1329, %mul3A_1338 : i32
              %get3A_1340 = arith.index_cast %mul3A_1339 : i32 to index
              %get3A_1341 = tpu.vector_load %arg18[%get3A_1340] {strides = array<i32>} : memref<288xi32, #tpu.memory_space<vmem>>, vector<16xi32>,
              %masked_sort3A_1342 = arith.constant dense<true> : vector<16xi1>
              %masked_sort3A_1343, %masked_sort3A_1344, %masked_sort3A_1345 = tpu.sort %get3A_1337, %get3A_1341 masked %masked_sort3A_1342 : (vector<16xf32>, vector<16xi32>, vector<16xi1>) -> (vector<16xi1>, vector<16xf32>, vector<16xi32>)
              %rev3A_1346 = arith.constant 15 : i32
              %rev3A_1347 = vector.broadcast %rev3A_1346 : i32 to vector<16xi32>
              %rev3A_1348 = tpu.iota {dimensions = array<i32: 0>} : vector<16xi32>
              %rev3A_1349 = arith.subi %rev3A_1347, %rev3A_1348 : vector<16xi32>
              %rev3A_1350 = tpu.dynamic_gather %masked_sort3A_1344[%rev3A_1349] in [0] : vector<16xf32>, vector<16xi32> -> vector<16xf32>
              %rev3A_1351 = arith.constant 15 : i32
              %rev3A_1352 = vector.broadcast %rev3A_1351 : i32 to vector<16xi32>
              %rev3A_1353 = tpu.iota {dimensions = array<i32: 0>} : vector<16xi32>
              %rev3A_1354 = arith.subi %rev3A_1352, %rev3A_1353 : vector<16xi32>
              %rev3A_1355 = tpu.dynamic_gather %masked_sort3A_1345[%rev3A_1354] in [0] : vector<16xi32>, vector<16xi32> -> vector<16xi32>
              %le3A_1356 = arith.cmpf ole, %while3A_1332, %rev3A_1350 : vector<16xf32>
              %select_n3A_1357 = arith.select %le3A_1356, %while3A_1332, %rev3A_1350 : vector<16xi1>, vector<16xf32>
              %select_n3A_1358 = arith.select %le3A_1356, %while3A_1333, %rev3A_1355 : vector<16xi1>, vector<16xi32>
              %masked_sort3A_1359 = arith.constant dense<true> : vector<16xi1>
              %masked_sort3A_1360, %masked_sort3A_1361, %masked_sort3A_1362 = tpu.sort %select_n3A_1357, %select_n3A_1358 masked %masked_sort3A_1359 : (vector<16xf32>, vector<16xi32>, vector<16xi1>) -> (vector<16xi1>, vector<16xf32>, vector<16xi32>)
              %rev3A_1363 = arith.constant 15 : i32
              %rev3A_1364 = vector.broadcast %rev3A_1363 : i32 to vector<16xi32>
              %rev3A_1365 = tpu.iota {dimensions = array<i32: 0>} : vector<16xi32>
              %rev3A_1366 = arith.subi %rev3A_1364, %rev3A_1365 : vector<16xi32>
              %rev3A_1367 = tpu.dynamic_gather %masked_sort3A_1361[%rev3A_1366] in [0] : vector<16xf32>, vector<16xi32> -> vector<16xf32>
              %rev3A_1368 = arith.constant 15 : i32
              %rev3A_1369 = vector.broadcast %rev3A_1368 : i32 to vector<16xi32>
              %rev3A_1370 = tpu.iota {dimensions = array<i32: 0>} : vector<16xi32>
              %rev3A_1371 = arith.subi %rev3A_1369, %rev3A_1370 : vector<16xi32>
              %rev3A_1372 = tpu.dynamic_gather %masked_sort3A_1362[%rev3A_1371] in [0] : vector<16xi32>, vector<16xi32> -> vector<16xi32>
              %le3A_1373 = arith.cmpf ole, %while3A_1330, %rev3A_1367 : vector<16xf32>
              %select_n3A_1374 = arith.select %le3A_1373, %while3A_1330, %rev3A_1367 : vector<16xi1>, vector<16xf32>
              %select_n3A_1375 = arith.select %le3A_1373, %while3A_1331, %rev3A_1372 : vector<16xi1>, vector<16xi32>
              %select_n3A_1376 = arith.select %le3A_1373, %rev3A_1367, %while3A_1330 : vector<16xi1>, vector<16xf32>
              %select_n3A_1377 = arith.select %le3A_1373, %rev3A_1372, %while3A_1331 : vector<16xi1>, vector<16xi32>
              %masked_sort3A_1378 = arith.constant dense<true> : vector<16xi1>
              %masked_sort3A_1379, %masked_sort3A_1380, %masked_sort3A_1381 = tpu.sort %select_n3A_1374, %select_n3A_1375 masked %masked_sort3A_1378 : (vector<16xf32>, vector<16xi32>, vector<16xi1>) -> (vector<16xi1>, vector<16xf32>, vector<16xi32>)
              %masked_sort3A_1382 = arith.constant dense<true> : vector<16xi1>
              %masked_sort3A_1383, %masked_sort3A_1384, %masked_sort3A_1385 = tpu.sort %select_n3A_1376, %select_n3A_1377 masked %masked_sort3A_1382 : (vector<16xf32>, vector<16xi32>, vector<16xi1>) -> (vector<16xi1>, vector<16xf32>, vector<16xi32>)
              scf.yield %masked_sort3A_1380, %masked_sort3A_1381, %masked_sort3A_1384, %masked_sort3A_1385 : vector<16xf32>, vector<16xi32>, vector<16xf32>, vector<16xi32>
            }
            %mul3A_1310 = arith.constant 16 : i32
            %mul3A_1311 = arith.muli %select_n3A_1298, %mul3A_1310 : i32
            %sub3A_1312 = arith.subi %squeeze3A_1274, %mul3A_1311 : i32
            %mul3A_1313 = arith.constant 16 : i32
            %mul3A_1314 = arith.muli %select_n3A_1298, %mul3A_1313 : i32
            %get3A_1315 = arith.index_cast %mul3A_1314 : i32 to index
            %get3A_1316 = tpu.vector_load %arg17[%get3A_1315] {strides = array<i32>} : memref<288xf32, #tpu.memory_space<vmem>>, vector<16xf32>,
            %mul3A_1317 = arith.constant 16 : i32
            %mul3A_1318 = arith.muli %select_n3A_1298, %mul3A_1317 : i32
            %get3A_1319 = arith.index_cast %mul3A_1318 : i32 to index
            %get3A_1320 = tpu.vector_load %arg18[%get3A_1319] {strides = array<i32>} : memref<288xi32, #tpu.memory_space<vmem>>, vector<16xi32>,
            %swap3A_1321 = arith.constant 0 : index
            %swap3A_1322 = tpu.vector_load %arg17[%swap3A_1321] {strides = array<i32>} : memref<288xf32, #tpu.memory_space<vmem>>, vector<16xf32>,
            tpu.vector_store %arg17[%swap3A_1321], %get3A_1316 {strides = array<i32>} : memref<288xf32, #tpu.memory_space<vmem>>, vector<16xf32>,
            %swap3A_1323 = arith.constant 0 : index
            %swap3A_1324 = tpu.vector_load %arg18[%swap3A_1323] {strides = array<i32>} : memref<288xi32, #tpu.memory_space<vmem>>, vector<16xi32>,
            tpu.vector_store %arg18[%swap3A_1323], %get3A_1320 {strides = array<i32>} : memref<288xi32, #tpu.memory_space<vmem>>, vector<16xi32>,
            %slice3A_1325 = vector.extract_strided_slice %while3A_1309#2 {offsets = [3], sizes = [1], strides = [1]} : vector<16xf32> to vector<1xf32>
            %squeeze3A_1326 = vector.extract %slice3A_1325[0] : f32 from vector<1xf32>
            %broadcast_in_dim3A_1327 = vector.broadcast %squeeze3A_1326 : f32 to vector<16xf32>
            %broadcast_in_dim3A_1328 = vector.broadcast %sub3A_1312 : i32 to vector<16xi32>
            scf.yield %while3A_1309#0, %while3A_1309#1, %while3A_1309#2, %while3A_1309#3, %broadcast_in_dim3A_1327, %broadcast_in_dim3A_1328 : vector<16xf32>, vector<16xi32>, vector<16xf32>, vector<16xi32>, vector<16xf32>, vector<16xi32>
          }
          %while3A_381 = arith.constant 1 : i32
          %while3A_382:6 = scf.for %while3A_528 = %while3A_378 to %while3A_374 step %while3A_381 iter_args(%while3A_529 = %while3A_380#0, %while3A_530 = %while3A_380#1, %while3A_531 = %while3A_380#2, %while3A_532 = %while3A_380#3, %while3A_533 = %while3A_380#4, %while3A_534 = %while3A_380#5) -> (vector<16xf32>, vector<16xi32>, vector<16xf32>, vector<16xi32>, vector<16xf32>, vector<16xi32>)  : i32 {
            %mul3A_535 = arith.constant 16 : i32
            %mul3A_536 = arith.muli %while3A_528, %mul3A_535 : i32
            %add3A_537 = arith.addi %min3A_232, %mul3A_536 : i32
            %add3A_538 = arith.constant 0 : i32
            %add3A_539 = arith.addi %add3A_537, %add3A_538 : i32
            %add3A_540 = arith.constant 0 : i32
            %add3A_541 = arith.addi %add3A_539, %add3A_540 : i32
            %mul3A_542 = arith.constant 16 : i32
            %mul3A_543 = arith.muli %add3A_541, %mul3A_542 : i32
            %add3A_544 = arith.addi %mul3A_177, %mul3A_543 : i32
            %get3A_545 = arith.index_cast %add3A_544 : i32 to index
            %get3A_546 = tpu.vector_load %arg12[%get3A_545] {strides = array<i32>} : memref<8448xf32, #tpu.memory_space<vmem>>, vector<16xf32>,
            %sub3A_547 = arith.subf %get3A_546, %broadcast_in_dim3A_106 : vector<16xf32>
            %get3A_548 = arith.index_cast %add3A_544 : i32 to index
            %get3A_549 = tpu.vector_load %arg13[%get3A_548] {strides = array<i32>} : memref<8448xf32, #tpu.memory_space<vmem>>, vector<16xf32>,
            %sub3A_550 = arith.subf %get3A_549, %broadcast_in_dim3A_109 : vector<16xf32>
            %get3A_551 = arith.index_cast %add3A_544 : i32 to index
            %get3A_552 = tpu.vector_load %arg14[%get3A_551] {strides = array<i32>} : memref<8448xf32, #tpu.memory_space<vmem>>, vector<16xf32>,
            %sub3A_553 = arith.subf %get3A_552, %broadcast_in_dim3A_112 : vector<16xf32>
            %mul3A_554 = arith.mulf %sub3A_547, %sub3A_547 : vector<16xf32>
            %mul3A_555 = arith.mulf %sub3A_550, %sub3A_550 : vector<16xf32>
            %add3A_556 = arith.addf %mul3A_554, %mul3A_555 : vector<16xf32>
            %mul3A_557 = arith.mulf %sub3A_553, %sub3A_553 : vector<16xf32>
            %add3A_558 = arith.addf %add3A_556, %mul3A_557 : vector<16xf32>
            %add3A_559 = arith.constant 0 : i32
            %add3A_560 = arith.addi %add3A_537, %add3A_559 : i32
            %add3A_561 = arith.constant 1 : i32
            %add3A_562 = arith.addi %add3A_560, %add3A_561 : i32
            %mul3A_563 = arith.constant 16 : i32
            %mul3A_564 = arith.muli %add3A_562, %mul3A_563 : i32
            %add3A_565 = arith.addi %mul3A_177, %mul3A_564 : i32
            %get3A_566 = arith.index_cast %add3A_565 : i32 to index
            %get3A_567 = tpu.vector_load %arg12[%get3A_566] {strides = array<i32>} : memref<8448xf32, #tpu.memory_space<vmem>>, vector<16xf32>,
            %sub3A_568 = arith.subf %get3A_567, %broadcast_in_dim3A_106 : vector<16xf32>
            %get3A_569 = arith.index_cast %add3A_565 : i32 to index
            %get3A_570 = tpu.vector_load %arg13[%get3A_569] {strides = array<i32>} : memref<8448xf32, #tpu.memory_space<vmem>>, vector<16xf32>,
            %sub3A_571 = arith.subf %get3A_570, %broadcast_in_dim3A_109 : vector<16xf32>
            %get3A_572 = arith.index_cast %add3A_565 : i32 to index
            %get3A_573 = tpu.vector_load %arg14[%get3A_572] {strides = array<i32>} : memref<8448xf32, #tpu.memory_space<vmem>>, vector<16xf32>,
            %sub3A_574 = arith.subf %get3A_573, %broadcast_in_dim3A_112 : vector<16xf32>
            %mul3A_575 = arith.mulf %sub3A_568, %sub3A_568 : vector<16xf32>
            %mul3A_576 = arith.mulf %sub3A_571, %sub3A_571 : vector<16xf32>
            %add3A_577 = arith.addf %mul3A_575, %mul3A_576 : vector<16xf32>
            %mul3A_578 = arith.mulf %sub3A_574, %sub3A_574 : vector<16xf32>
            %add3A_579 = arith.addf %add3A_577, %mul3A_578 : vector<16xf32>
            %add3A_580 = arith.constant 0 : i32
            %add3A_581 = arith.addi %add3A_537, %add3A_580 : i32
            %add3A_582 = arith.constant 2 : i32
            %add3A_583 = arith.addi %add3A_581, %add3A_582 : i32
            %mul3A_584 = arith.constant 16 : i32
            %mul3A_585 = arith.muli %add3A_583, %mul3A_584 : i32
            %add3A_586 = arith.addi %mul3A_177, %mul3A_585 : i32
            %get3A_587 = arith.index_cast %add3A_586 : i32 to index
            %get3A_588 = tpu.vector_load %arg12[%get3A_587] {strides = array<i32>} : memref<8448xf32, #tpu.memory_space<vmem>>, vector<16xf32>,
            %sub3A_589 = arith.subf %get3A_588, %broadcast_in_dim3A_106 : vector<16xf32>
            %get3A_590 = arith.index_cast %add3A_586 : i32 to index
            %get3A_591 = tpu.vector_load %arg13[%get3A_590] {strides = array<i32>} : memref<8448xf32, #tpu.memory_space<vmem>>, vector<16xf32>,
            %sub3A_592 = arith.subf %get3A_591, %broadcast_in_dim3A_109 : vector<16xf32>
            %get3A_593 = arith.index_cast %add3A_586 : i32 to index
            %get3A_594 = tpu.vector_load %arg14[%get3A_593] {strides = array<i32>} : memref<8448xf32, #tpu.memory_space<vmem>>, vector<16xf32>,
            %sub3A_595 = arith.subf %get3A_594, %broadcast_in_dim3A_112 : vector<16xf32>
            %mul3A_596 = arith.mulf %sub3A_589, %sub3A_589 : vector<16xf32>
            %mul3A_597 = arith.mulf %sub3A_592, %sub3A_592 : vector<16xf32>
            %add3A_598 = arith.addf %mul3A_596, %mul3A_597 : vector<16xf32>
            %mul3A_599 = arith.mulf %sub3A_595, %sub3A_595 : vector<16xf32>
            %add3A_600 = arith.addf %add3A_598, %mul3A_599 : vector<16xf32>
            %add3A_601 = arith.constant 0 : i32
            %add3A_602 = arith.addi %add3A_537, %add3A_601 : i32
            %add3A_603 = arith.constant 3 : i32
            %add3A_604 = arith.addi %add3A_602, %add3A_603 : i32
            %mul3A_605 = arith.constant 16 : i32
            %mul3A_606 = arith.muli %add3A_604, %mul3A_605 : i32
            %add3A_607 = arith.addi %mul3A_177, %mul3A_606 : i32
            %get3A_608 = arith.index_cast %add3A_607 : i32 to index
            %get3A_609 = tpu.vector_load %arg12[%get3A_608] {strides = array<i32>} : memref<8448xf32, #tpu.memory_space<vmem>>, vector<16xf32>,
            %sub3A_610 = arith.subf %get3A_609, %broadcast_in_dim3A_106 : vector<16xf32>
            %get3A_611 = arith.index_cast %add3A_607 : i32 to index
            %get3A_612 = tpu.vector_load %arg13[%get3A_611] {strides = array<i32>} : memref<8448xf32, #tpu.memory_space<vmem>>, vector<16xf32>,
            %sub3A_613 = arith.subf %get3A_612, %broadcast_in_dim3A_109 : vector<16xf32>
            %get3A_614 = arith.index_cast %add3A_607 : i32 to index
            %get3A_615 = tpu.vector_load %arg14[%get3A_614] {strides = array<i32>} : memref<8448xf32, #tpu.memory_space<vmem>>, vector<16xf32>,
            %sub3A_616 = arith.subf %get3A_615, %broadcast_in_dim3A_112 : vector<16xf32>
            %mul3A_617 = arith.mulf %sub3A_610, %sub3A_610 : vector<16xf32>
            %mul3A_618 = arith.mulf %sub3A_613, %sub3A_613 : vector<16xf32>
            %add3A_619 = arith.addf %mul3A_617, %mul3A_618 : vector<16xf32>
            %mul3A_620 = arith.mulf %sub3A_616, %sub3A_616 : vector<16xf32>
            %add3A_621 = arith.addf %add3A_619, %mul3A_620 : vector<16xf32>
            %add3A_622 = arith.constant 0 : i32
            %add3A_623 = arith.addi %add3A_537, %add3A_622 : i32
            %add3A_624 = arith.constant 4 : i32
            %add3A_625 = arith.addi %add3A_623, %add3A_624 : i32
            %mul3A_626 = arith.constant 16 : i32
            %mul3A_627 = arith.muli %add3A_625, %mul3A_626 : i32
            %add3A_628 = arith.addi %mul3A_177, %mul3A_627 : i32
            %get3A_629 = arith.index_cast %add3A_628 : i32 to index
            %get3A_630 = tpu.vector_load %arg12[%get3A_629] {strides = array<i32>} : memref<8448xf32, #tpu.memory_space<vmem>>, vector<16xf32>,
            %sub3A_631 = arith.subf %get3A_630, %broadcast_in_dim3A_106 : vector<16xf32>
            %get3A_632 = arith.index_cast %add3A_628 : i32 to index
            %get3A_633 = tpu.vector_load %arg13[%get3A_632] {strides = array<i32>} : memref<8448xf32, #tpu.memory_space<vmem>>, vector<16xf32>,
            %sub3A_634 = arith.subf %get3A_633, %broadcast_in_dim3A_109 : vector<16xf32>
            %get3A_635 = arith.index_cast %add3A_628 : i32 to index
            %get3A_636 = tpu.vector_load %arg14[%get3A_635] {strides = array<i32>} : memref<8448xf32, #tpu.memory_space<vmem>>, vector<16xf32>,
            %sub3A_637 = arith.subf %get3A_636, %broadcast_in_dim3A_112 : vector<16xf32>
            %mul3A_638 = arith.mulf %sub3A_631, %sub3A_631 : vector<16xf32>
            %mul3A_639 = arith.mulf %sub3A_634, %sub3A_634 : vector<16xf32>
            %add3A_640 = arith.addf %mul3A_638, %mul3A_639 : vector<16xf32>
            %mul3A_641 = arith.mulf %sub3A_637, %sub3A_637 : vector<16xf32>
            %add3A_642 = arith.addf %add3A_640, %mul3A_641 : vector<16xf32>
            %add3A_643 = arith.constant 0 : i32
            %add3A_644 = arith.addi %add3A_537, %add3A_643 : i32
            %add3A_645 = arith.constant 5 : i32
            %add3A_646 = arith.addi %add3A_644, %add3A_645 : i32
            %mul3A_647 = arith.constant 16 : i32
            %mul3A_648 = arith.muli %add3A_646, %mul3A_647 : i32
            %add3A_649 = arith.addi %mul3A_177, %mul3A_648 : i32
            %get3A_650 = arith.index_cast %add3A_649 : i32 to index
            %get3A_651 = tpu.vector_load %arg12[%get3A_650] {strides = array<i32>} : memref<8448xf32, #tpu.memory_space<vmem>>, vector<16xf32>,
            %sub3A_652 = arith.subf %get3A_651, %broadcast_in_dim3A_106 : vector<16xf32>
            %get3A_653 = arith.index_cast %add3A_649 : i32 to index
            %get3A_654 = tpu.vector_load %arg13[%get3A_653] {strides = array<i32>} : memref<8448xf32, #tpu.memory_space<vmem>>, vector<16xf32>,
            %sub3A_655 = arith.subf %get3A_654, %broadcast_in_dim3A_109 : vector<16xf32>
            %get3A_656 = arith.index_cast %add3A_649 : i32 to index
            %get3A_657 = tpu.vector_load %arg14[%get3A_656] {strides = array<i32>} : memref<8448xf32, #tpu.memory_space<vmem>>, vector<16xf32>,
            %sub3A_658 = arith.subf %get3A_657, %broadcast_in_dim3A_112 : vector<16xf32>
            %mul3A_659 = arith.mulf %sub3A_652, %sub3A_652 : vector<16xf32>
            %mul3A_660 = arith.mulf %sub3A_655, %sub3A_655 : vector<16xf32>
            %add3A_661 = arith.addf %mul3A_659, %mul3A_660 : vector<16xf32>
            %mul3A_662 = arith.mulf %sub3A_658, %sub3A_658 : vector<16xf32>
            %add3A_663 = arith.addf %add3A_661, %mul3A_662 : vector<16xf32>
            %add3A_664 = arith.constant 0 : i32
            %add3A_665 = arith.addi %add3A_537, %add3A_664 : i32
            %add3A_666 = arith.constant 6 : i32
            %add3A_667 = arith.addi %add3A_665, %add3A_666 : i32
            %mul3A_668 = arith.constant 16 : i32
            %mul3A_669 = arith.muli %add3A_667, %mul3A_668 : i32
            %add3A_670 = arith.addi %mul3A_177, %mul3A_669 : i32
            %get3A_671 = arith.index_cast %add3A_670 : i32 to index
            %get3A_672 = tpu.vector_load %arg12[%get3A_671] {strides = array<i32>} : memref<8448xf32, #tpu.memory_space<vmem>>, vector<16xf32>,
            %sub3A_673 = arith.subf %get3A_672, %broadcast_in_dim3A_106 : vector<16xf32>
            %get3A_674 = arith.index_cast %add3A_670 : i32 to index
            %get3A_675 = tpu.vector_load %arg13[%get3A_674] {strides = array<i32>} : memref<8448xf32, #tpu.memory_space<vmem>>, vector<16xf32>,
            %sub3A_676 = arith.subf %get3A_675, %broadcast_in_dim3A_109 : vector<16xf32>
            %get3A_677 = arith.index_cast %add3A_670 : i32 to index
            %get3A_678 = tpu.vector_load %arg14[%get3A_677] {strides = array<i32>} : memref<8448xf32, #tpu.memory_space<vmem>>, vector<16xf32>,
            %sub3A_679 = arith.subf %get3A_678, %broadcast_in_dim3A_112 : vector<16xf32>
            %mul3A_680 = arith.mulf %sub3A_673, %sub3A_673 : vector<16xf32>
            %mul3A_681 = arith.mulf %sub3A_676, %sub3A_676 : vector<16xf32>
            %add3A_682 = arith.addf %mul3A_680, %mul3A_681 : vector<16xf32>
            %mul3A_683 = arith.mulf %sub3A_679, %sub3A_679 : vector<16xf32>
            %add3A_684 = arith.addf %add3A_682, %mul3A_683 : vector<16xf32>
            %add3A_685 = arith.constant 0 : i32
            %add3A_686 = arith.addi %add3A_537, %add3A_685 : i32
            %add3A_687 = arith.constant 7 : i32
            %add3A_688 = arith.addi %add3A_686, %add3A_687 : i32
            %mul3A_689 = arith.constant 16 : i32
            %mul3A_690 = arith.muli %add3A_688, %mul3A_689 : i32
            %add3A_691 = arith.addi %mul3A_177, %mul3A_690 : i32
            %get3A_692 = arith.index_cast %add3A_691 : i32 to index
            %get3A_693 = tpu.vector_load %arg12[%get3A_692] {strides = array<i32>} : memref<8448xf32, #tpu.memory_space<vmem>>, vector<16xf32>,
            %sub3A_694 = arith.subf %get3A_693, %broadcast_in_dim3A_106 : vector<16xf32>
            %get3A_695 = arith.index_cast %add3A_691 : i32 to index
            %get3A_696 = tpu.vector_load %arg13[%get3A_695] {strides = array<i32>} : memref<8448xf32, #tpu.memory_space<vmem>>, vector<16xf32>,
            %sub3A_697 = arith.subf %get3A_696, %broadcast_in_dim3A_109 : vector<16xf32>
            %get3A_698 = arith.index_cast %add3A_691 : i32 to index
            %get3A_699 = tpu.vector_load %arg14[%get3A_698] {strides = array<i32>} : memref<8448xf32, #tpu.memory_space<vmem>>, vector<16xf32>,
            %sub3A_700 = arith.subf %get3A_699, %broadcast_in_dim3A_112 : vector<16xf32>
            %mul3A_701 = arith.mulf %sub3A_694, %sub3A_694 : vector<16xf32>
            %mul3A_702 = arith.mulf %sub3A_697, %sub3A_697 : vector<16xf32>
            %add3A_703 = arith.addf %mul3A_701, %mul3A_702 : vector<16xf32>
            %mul3A_704 = arith.mulf %sub3A_700, %sub3A_700 : vector<16xf32>
            %add3A_705 = arith.addf %add3A_703, %mul3A_704 : vector<16xf32>
            %add3A_706 = arith.constant 0 : i32
            %add3A_707 = arith.addi %add3A_537, %add3A_706 : i32
            %add3A_708 = arith.constant 8 : i32
            %add3A_709 = arith.addi %add3A_707, %add3A_708 : i32
            %mul3A_710 = arith.constant 16 : i32
            %mul3A_711 = arith.muli %add3A_709, %mul3A_710 : i32
            %add3A_712 = arith.addi %mul3A_177, %mul3A_711 : i32
            %get3A_713 = arith.index_cast %add3A_712 : i32 to index
            %get3A_714 = tpu.vector_load %arg12[%get3A_713] {strides = array<i32>} : memref<8448xf32, #tpu.memory_space<vmem>>, vector<16xf32>,
            %sub3A_715 = arith.subf %get3A_714, %broadcast_in_dim3A_106 : vector<16xf32>
            %get3A_716 = arith.index_cast %add3A_712 : i32 to index
            %get3A_717 = tpu.vector_load %arg13[%get3A_716] {strides = array<i32>} : memref<8448xf32, #tpu.memory_space<vmem>>, vector<16xf32>,
            %sub3A_718 = arith.subf %get3A_717, %broadcast_in_dim3A_109 : vector<16xf32>
            %get3A_719 = arith.index_cast %add3A_712 : i32 to index
            %get3A_720 = tpu.vector_load %arg14[%get3A_719] {strides = array<i32>} : memref<8448xf32, #tpu.memory_space<vmem>>, vector<16xf32>,
            %sub3A_721 = arith.subf %get3A_720, %broadcast_in_dim3A_112 : vector<16xf32>
            %mul3A_722 = arith.mulf %sub3A_715, %sub3A_715 : vector<16xf32>
            %mul3A_723 = arith.mulf %sub3A_718, %sub3A_718 : vector<16xf32>
            %add3A_724 = arith.addf %mul3A_722, %mul3A_723 : vector<16xf32>
            %mul3A_725 = arith.mulf %sub3A_721, %sub3A_721 : vector<16xf32>
            %add3A_726 = arith.addf %add3A_724, %mul3A_725 : vector<16xf32>
            %add3A_727 = arith.constant 0 : i32
            %add3A_728 = arith.addi %add3A_537, %add3A_727 : i32
            %add3A_729 = arith.constant 9 : i32
            %add3A_730 = arith.addi %add3A_728, %add3A_729 : i32
            %mul3A_731 = arith.constant 16 : i32
            %mul3A_732 = arith.muli %add3A_730, %mul3A_731 : i32
            %add3A_733 = arith.addi %mul3A_177, %mul3A_732 : i32
            %get3A_734 = arith.index_cast %add3A_733 : i32 to index
            %get3A_735 = tpu.vector_load %arg12[%get3A_734] {strides = array<i32>} : memref<8448xf32, #tpu.memory_space<vmem>>, vector<16xf32>,
            %sub3A_736 = arith.subf %get3A_735, %broadcast_in_dim3A_106 : vector<16xf32>
            %get3A_737 = arith.index_cast %add3A_733 : i32 to index
            %get3A_738 = tpu.vector_load %arg13[%get3A_737] {strides = array<i32>} : memref<8448xf32, #tpu.memory_space<vmem>>, vector<16xf32>,
            %sub3A_739 = arith.subf %get3A_738, %broadcast_in_dim3A_109 : vector<16xf32>
            %get3A_740 = arith.index_cast %add3A_733 : i32 to index
            %get3A_741 = tpu.vector_load %arg14[%get3A_740] {strides = array<i32>} : memref<8448xf32, #tpu.memory_space<vmem>>, vector<16xf32>,
            %sub3A_742 = arith.subf %get3A_741, %broadcast_in_dim3A_112 : vector<16xf32>
            %mul3A_743 = arith.mulf %sub3A_736, %sub3A_736 : vector<16xf32>
            %mul3A_744 = arith.mulf %sub3A_739, %sub3A_739 : vector<16xf32>
            %add3A_745 = arith.addf %mul3A_743, %mul3A_744 : vector<16xf32>
            %mul3A_746 = arith.mulf %sub3A_742, %sub3A_742 : vector<16xf32>
            %add3A_747 = arith.addf %add3A_745, %mul3A_746 : vector<16xf32>
            %add3A_748 = arith.constant 0 : i32
            %add3A_749 = arith.addi %add3A_537, %add3A_748 : i32
            %add3A_750 = arith.constant 10 : i32
            %add3A_751 = arith.addi %add3A_749, %add3A_750 : i32
            %mul3A_752 = arith.constant 16 : i32
            %mul3A_753 = arith.muli %add3A_751, %mul3A_752 : i32
            %add3A_754 = arith.addi %mul3A_177, %mul3A_753 : i32
            %get3A_755 = arith.index_cast %add3A_754 : i32 to index
            %get3A_756 = tpu.vector_load %arg12[%get3A_755] {strides = array<i32>} : memref<8448xf32, #tpu.memory_space<vmem>>, vector<16xf32>,
            %sub3A_757 = arith.subf %get3A_756, %broadcast_in_dim3A_106 : vector<16xf32>
            %get3A_758 = arith.index_cast %add3A_754 : i32 to index
            %get3A_759 = tpu.vector_load %arg13[%get3A_758] {strides = array<i32>} : memref<8448xf32, #tpu.memory_space<vmem>>, vector<16xf32>,
            %sub3A_760 = arith.subf %get3A_759, %broadcast_in_dim3A_109 : vector<16xf32>
            %get3A_761 = arith.index_cast %add3A_754 : i32 to index
            %get3A_762 = tpu.vector_load %arg14[%get3A_761] {strides = array<i32>} : memref<8448xf32, #tpu.memory_space<vmem>>, vector<16xf32>,
            %sub3A_763 = arith.subf %get3A_762, %broadcast_in_dim3A_112 : vector<16xf32>
            %mul3A_764 = arith.mulf %sub3A_757, %sub3A_757 : vector<16xf32>
            %mul3A_765 = arith.mulf %sub3A_760, %sub3A_760 : vector<16xf32>
            %add3A_766 = arith.addf %mul3A_764, %mul3A_765 : vector<16xf32>
            %mul3A_767 = arith.mulf %sub3A_763, %sub3A_763 : vector<16xf32>
            %add3A_768 = arith.addf %add3A_766, %mul3A_767 : vector<16xf32>
            %add3A_769 = arith.constant 0 : i32
            %add3A_770 = arith.addi %add3A_537, %add3A_769 : i32
            %add3A_771 = arith.constant 11 : i32
            %add3A_772 = arith.addi %add3A_770, %add3A_771 : i32
            %mul3A_773 = arith.constant 16 : i32
            %mul3A_774 = arith.muli %add3A_772, %mul3A_773 : i32
            %add3A_775 = arith.addi %mul3A_177, %mul3A_774 : i32
            %get3A_776 = arith.index_cast %add3A_775 : i32 to index
            %get3A_777 = tpu.vector_load %arg12[%get3A_776] {strides = array<i32>} : memref<8448xf32, #tpu.memory_space<vmem>>, vector<16xf32>,
            %sub3A_778 = arith.subf %get3A_777, %broadcast_in_dim3A_106 : vector<16xf32>
            %get3A_779 = arith.index_cast %add3A_775 : i32 to index
            %get3A_780 = tpu.vector_load %arg13[%get3A_779] {strides = array<i32>} : memref<8448xf32, #tpu.memory_space<vmem>>, vector<16xf32>,
            %sub3A_781 = arith.subf %get3A_780, %broadcast_in_dim3A_109 : vector<16xf32>
            %get3A_782 = arith.index_cast %add3A_775 : i32 to index
            %get3A_783 = tpu.vector_load %arg14[%get3A_782] {strides = array<i32>} : memref<8448xf32, #tpu.memory_space<vmem>>, vector<16xf32>,
            %sub3A_784 = arith.subf %get3A_783, %broadcast_in_dim3A_112 : vector<16xf32>
            %mul3A_785 = arith.mulf %sub3A_778, %sub3A_778 : vector<16xf32>
            %mul3A_786 = arith.mulf %sub3A_781, %sub3A_781 : vector<16xf32>
            %add3A_787 = arith.addf %mul3A_785, %mul3A_786 : vector<16xf32>
            %mul3A_788 = arith.mulf %sub3A_784, %sub3A_784 : vector<16xf32>
            %add3A_789 = arith.addf %add3A_787, %mul3A_788 : vector<16xf32>
            %add3A_790 = arith.constant 0 : i32
            %add3A_791 = arith.addi %add3A_537, %add3A_790 : i32
            %add3A_792 = arith.constant 12 : i32
            %add3A_793 = arith.addi %add3A_791, %add3A_792 : i32
            %mul3A_794 = arith.constant 16 : i32
            %mul3A_795 = arith.muli %add3A_793, %mul3A_794 : i32
            %add3A_796 = arith.addi %mul3A_177, %mul3A_795 : i32
            %get3A_797 = arith.index_cast %add3A_796 : i32 to index
            %get3A_798 = tpu.vector_load %arg12[%get3A_797] {strides = array<i32>} : memref<8448xf32, #tpu.memory_space<vmem>>, vector<16xf32>,
            %sub3A_799 = arith.subf %get3A_798, %broadcast_in_dim3A_106 : vector<16xf32>
            %get3A_800 = arith.index_cast %add3A_796 : i32 to index
            %get3A_801 = tpu.vector_load %arg13[%get3A_800] {strides = array<i32>} : memref<8448xf32, #tpu.memory_space<vmem>>, vector<16xf32>,
            %sub3A_802 = arith.subf %get3A_801, %broadcast_in_dim3A_109 : vector<16xf32>
            %get3A_803 = arith.index_cast %add3A_796 : i32 to index
            %get3A_804 = tpu.vector_load %arg14[%get3A_803] {strides = array<i32>} : memref<8448xf32, #tpu.memory_space<vmem>>, vector<16xf32>,
            %sub3A_805 = arith.subf %get3A_804, %broadcast_in_dim3A_112 : vector<16xf32>
            %mul3A_806 = arith.mulf %sub3A_799, %sub3A_799 : vector<16xf32>
            %mul3A_807 = arith.mulf %sub3A_802, %sub3A_802 : vector<16xf32>
            %add3A_808 = arith.addf %mul3A_806, %mul3A_807 : vector<16xf32>
            %mul3A_809 = arith.mulf %sub3A_805, %sub3A_805 : vector<16xf32>
            %add3A_810 = arith.addf %add3A_808, %mul3A_809 : vector<16xf32>
            %add3A_811 = arith.constant 0 : i32
            %add3A_812 = arith.addi %add3A_537, %add3A_811 : i32
            %add3A_813 = arith.constant 13 : i32
            %add3A_814 = arith.addi %add3A_812, %add3A_813 : i32
            %mul3A_815 = arith.constant 16 : i32
            %mul3A_816 = arith.muli %add3A_814, %mul3A_815 : i32
            %add3A_817 = arith.addi %mul3A_177, %mul3A_816 : i32
            %get3A_818 = arith.index_cast %add3A_817 : i32 to index
            %get3A_819 = tpu.vector_load %arg12[%get3A_818] {strides = array<i32>} : memref<8448xf32, #tpu.memory_space<vmem>>, vector<16xf32>,
            %sub3A_820 = arith.subf %get3A_819, %broadcast_in_dim3A_106 : vector<16xf32>
            %get3A_821 = arith.index_cast %add3A_817 : i32 to index
            %get3A_822 = tpu.vector_load %arg13[%get3A_821] {strides = array<i32>} : memref<8448xf32, #tpu.memory_space<vmem>>, vector<16xf32>,
            %sub3A_823 = arith.subf %get3A_822, %broadcast_in_dim3A_109 : vector<16xf32>
            %get3A_824 = arith.index_cast %add3A_817 : i32 to index
            %get3A_825 = tpu.vector_load %arg14[%get3A_824] {strides = array<i32>} : memref<8448xf32, #tpu.memory_space<vmem>>, vector<16xf32>,
            %sub3A_826 = arith.subf %get3A_825, %broadcast_in_dim3A_112 : vector<16xf32>
            %mul3A_827 = arith.mulf %sub3A_820, %sub3A_820 : vector<16xf32>
            %mul3A_828 = arith.mulf %sub3A_823, %sub3A_823 : vector<16xf32>
            %add3A_829 = arith.addf %mul3A_827, %mul3A_828 : vector<16xf32>
            %mul3A_830 = arith.mulf %sub3A_826, %sub3A_826 : vector<16xf32>
            %add3A_831 = arith.addf %add3A_829, %mul3A_830 : vector<16xf32>
            %add3A_832 = arith.constant 0 : i32
            %add3A_833 = arith.addi %add3A_537, %add3A_832 : i32
            %add3A_834 = arith.constant 14 : i32
            %add3A_835 = arith.addi %add3A_833, %add3A_834 : i32
            %mul3A_836 = arith.constant 16 : i32
            %mul3A_837 = arith.muli %add3A_835, %mul3A_836 : i32
            %add3A_838 = arith.addi %mul3A_177, %mul3A_837 : i32
            %get3A_839 = arith.index_cast %add3A_838 : i32 to index
            %get3A_840 = tpu.vector_load %arg12[%get3A_839] {strides = array<i32>} : memref<8448xf32, #tpu.memory_space<vmem>>, vector<16xf32>,
            %sub3A_841 = arith.subf %get3A_840, %broadcast_in_dim3A_106 : vector<16xf32>
            %get3A_842 = arith.index_cast %add3A_838 : i32 to index
            %get3A_843 = tpu.vector_load %arg13[%get3A_842] {strides = array<i32>} : memref<8448xf32, #tpu.memory_space<vmem>>, vector<16xf32>,
            %sub3A_844 = arith.subf %get3A_843, %broadcast_in_dim3A_109 : vector<16xf32>
            %get3A_845 = arith.index_cast %add3A_838 : i32 to index
            %get3A_846 = tpu.vector_load %arg14[%get3A_845] {strides = array<i32>} : memref<8448xf32, #tpu.memory_space<vmem>>, vector<16xf32>,
            %sub3A_847 = arith.subf %get3A_846, %broadcast_in_dim3A_112 : vector<16xf32>
            %mul3A_848 = arith.mulf %sub3A_841, %sub3A_841 : vector<16xf32>
            %mul3A_849 = arith.mulf %sub3A_844, %sub3A_844 : vector<16xf32>
            %add3A_850 = arith.addf %mul3A_848, %mul3A_849 : vector<16xf32>
            %mul3A_851 = arith.mulf %sub3A_847, %sub3A_847 : vector<16xf32>
            %add3A_852 = arith.addf %add3A_850, %mul3A_851 : vector<16xf32>
            %add3A_853 = arith.constant 0 : i32
            %add3A_854 = arith.addi %add3A_537, %add3A_853 : i32
            %add3A_855 = arith.constant 15 : i32
            %add3A_856 = arith.addi %add3A_854, %add3A_855 : i32
            %mul3A_857 = arith.constant 16 : i32
            %mul3A_858 = arith.muli %add3A_856, %mul3A_857 : i32
            %add3A_859 = arith.addi %mul3A_177, %mul3A_858 : i32
            %get3A_860 = arith.index_cast %add3A_859 : i32 to index
            %get3A_861 = tpu.vector_load %arg12[%get3A_860] {strides = array<i32>} : memref<8448xf32, #tpu.memory_space<vmem>>, vector<16xf32>,
            %sub3A_862 = arith.subf %get3A_861, %broadcast_in_dim3A_106 : vector<16xf32>
            %get3A_863 = arith.index_cast %add3A_859 : i32 to index
            %get3A_864 = tpu.vector_load %arg13[%get3A_863] {strides = array<i32>} : memref<8448xf32, #tpu.memory_space<vmem>>, vector<16xf32>,
            %sub3A_865 = arith.subf %get3A_864, %broadcast_in_dim3A_109 : vector<16xf32>
            %get3A_866 = arith.index_cast %add3A_859 : i32 to index
            %get3A_867 = tpu.vector_load %arg14[%get3A_866] {strides = array<i32>} : memref<8448xf32, #tpu.memory_space<vmem>>, vector<16xf32>,
            %sub3A_868 = arith.subf %get3A_867, %broadcast_in_dim3A_112 : vector<16xf32>
            %mul3A_869 = arith.mulf %sub3A_862, %sub3A_862 : vector<16xf32>
            %mul3A_870 = arith.mulf %sub3A_865, %sub3A_865 : vector<16xf32>
            %add3A_871 = arith.addf %mul3A_869, %mul3A_870 : vector<16xf32>
            %mul3A_872 = arith.mulf %sub3A_868, %sub3A_868 : vector<16xf32>
            %add3A_873 = arith.addf %add3A_871, %mul3A_872 : vector<16xf32>
            %add3A_874 = arith.constant 0 : i32
            %add3A_875 = arith.addi %add3A_537, %add3A_874 : i32
            %add3A_876 = arith.constant 0 : i32
            %add3A_877 = arith.addi %add3A_875, %add3A_876 : i32
            %mul3A_878 = arith.constant 16 : i32
            %mul3A_879 = arith.muli %add3A_877, %mul3A_878 : i32
            %add3A_880 = arith.addi %mul3A_177, %mul3A_879 : i32
            %add3A_881 = arith.addi %add3A_87, %add3A_880 : i32
            %add3A_882 = vector.broadcast %add3A_881 : i32 to vector<16xi32>
            %add3A_883 = arith.addi %add3A_882, %iota3A : vector<16xi32>
            %lt3A_884 = arith.cmpf olt, %add3A_558, %while3A_533 : vector<16xf32>
            %jit3A_885 = arith.constant 1 : i32
            %jit3A_886 = arith.constant 0 : i32
            %broadcast_in_dim3A_887 = vector.broadcast %jit3A_885 : i32 to vector<16xi32>
            %broadcast_in_dim3A_888 = vector.broadcast %jit3A_886 : i32 to vector<16xi32>
            %select_n3A_889 = arith.select %lt3A_884, %broadcast_in_dim3A_887, %broadcast_in_dim3A_888 : vector<16xi1>, vector<16xi32>
            %broadcast_in_dim3A_890 = arith.constant true
            %broadcast_in_dim3A_891 = vector.broadcast %broadcast_in_dim3A_890 : i1 to vector<16xi1>
            %masked_cumsum3A = tpu.scan <sum>, %select_n3A_889 masked %broadcast_in_dim3A_891 : vector<16xi32>, vector<16xi1> -> vector<16xi32>
            %add3A_892 = arith.addi %while3A_534, %masked_cumsum3A : vector<16xi32>
            %sub3A_893 = arith.subi %add3A_892, %select_n3A_889 : vector<16xi32>
            tpu.vector_store_idx %arg17[%sub3A_893], %add3A_558 masked %lt3A_884 : memref<288xf32, #tpu.memory_space<vmem>>[vector<16xi32>], vector<16xf32>, vector<16xi1>
            tpu.vector_store_idx %arg18[%sub3A_893], %add3A_883 masked %lt3A_884 : memref<288xi32, #tpu.memory_space<vmem>>[vector<16xi32>], vector<16xi32>, vector<16xi1>
            %slice3A_894 = vector.extract_strided_slice %masked_cumsum3A {offsets = [15], sizes = [1], strides = [1]} : vector<16xi32> to vector<1xi32>
            %squeeze3A_895 = vector.extract %slice3A_894[0] : i32 from vector<1xi32>
            %broadcast_in_dim3A_896 = vector.broadcast %squeeze3A_895 : i32 to vector<16xi32>
            %add3A_897 = arith.addi %while3A_534, %broadcast_in_dim3A_896 : vector<16xi32>
            %add3A_898 = arith.constant 0 : i32
            %add3A_899 = arith.addi %add3A_537, %add3A_898 : i32
            %add3A_900 = arith.constant 1 : i32
            %add3A_901 = arith.addi %add3A_899, %add3A_900 : i32
            %mul3A_902 = arith.constant 16 : i32
            %mul3A_903 = arith.muli %add3A_901, %mul3A_902 : i32
            %add3A_904 = arith.addi %mul3A_177, %mul3A_903 : i32
            %add3A_905 = arith.addi %add3A_87, %add3A_904 : i32
            %add3A_906 = vector.broadcast %add3A_905 : i32 to vector<16xi32>
            %add3A_907 = arith.addi %add3A_906, %iota3A : vector<16xi32>
            %lt3A_908 = arith.cmpf olt, %add3A_579, %while3A_533 : vector<16xf32>
            %jit3A_909 = arith.constant 1 : i32
            %jit3A_910 = arith.constant 0 : i32
            %broadcast_in_dim3A_911 = vector.broadcast %jit3A_909 : i32 to vector<16xi32>
            %broadcast_in_dim3A_912 = vector.broadcast %jit3A_910 : i32 to vector<16xi32>
            %select_n3A_913 = arith.select %lt3A_908, %broadcast_in_dim3A_911, %broadcast_in_dim3A_912 : vector<16xi1>, vector<16xi32>
            %broadcast_in_dim3A_914 = arith.constant true
            %broadcast_in_dim3A_915 = vector.broadcast %broadcast_in_dim3A_914 : i1 to vector<16xi1>
            %masked_cumsum3A_916 = tpu.scan <sum>, %select_n3A_913 masked %broadcast_in_dim3A_915 : vector<16xi32>, vector<16xi1> -> vector<16xi32>
            %add3A_917 = arith.addi %add3A_897, %masked_cumsum3A_916 : vector<16xi32>
            %sub3A_918 = arith.subi %add3A_917, %select_n3A_913 : vector<16xi32>
            tpu.vector_store_idx %arg17[%sub3A_918], %add3A_579 masked %lt3A_908 : memref<288xf32, #tpu.memory_space<vmem>>[vector<16xi32>], vector<16xf32>, vector<16xi1>
            tpu.vector_store_idx %arg18[%sub3A_918], %add3A_907 masked %lt3A_908 : memref<288xi32, #tpu.memory_space<vmem>>[vector<16xi32>], vector<16xi32>, vector<16xi1>
            %slice3A_919 = vector.extract_strided_slice %masked_cumsum3A_916 {offsets = [15], sizes = [1], strides = [1]} : vector<16xi32> to vector<1xi32>
            %squeeze3A_920 = vector.extract %slice3A_919[0] : i32 from vector<1xi32>
            %broadcast_in_dim3A_921 = vector.broadcast %squeeze3A_920 : i32 to vector<16xi32>
            %add3A_922 = arith.addi %add3A_897, %broadcast_in_dim3A_921 : vector<16xi32>
            %add3A_923 = arith.constant 0 : i32
            %add3A_924 = arith.addi %add3A_537, %add3A_923 : i32
            %add3A_925 = arith.constant 2 : i32
            %add3A_926 = arith.addi %add3A_924, %add3A_925 : i32
            %mul3A_927 = arith.constant 16 : i32
            %mul3A_928 = arith.muli %add3A_926, %mul3A_927 : i32
            %add3A_929 = arith.addi %mul3A_177, %mul3A_928 : i32
            %add3A_930 = arith.addi %add3A_87, %add3A_929 : i32
            %add3A_931 = vector.broadcast %add3A_930 : i32 to vector<16xi32>
            %add3A_932 = arith.addi %add3A_931, %iota3A : vector<16xi32>
            %lt3A_933 = arith.cmpf olt, %add3A_600, %while3A_533 : vector<16xf32>
            %jit3A_934 = arith.constant 1 : i32
            %jit3A_935 = arith.constant 0 : i32
            %broadcast_in_dim3A_936 = vector.broadcast %jit3A_934 : i32 to vector<16xi32>
            %broadcast_in_dim3A_937 = vector.broadcast %jit3A_935 : i32 to vector<16xi32>
            %select_n3A_938 = arith.select %lt3A_933, %broadcast_in_dim3A_936, %broadcast_in_dim3A_937 : vector<16xi1>, vector<16xi32>
            %broadcast_in_dim3A_939 = arith.constant true
            %broadcast_in_dim3A_940 = vector.broadcast %broadcast_in_dim3A_939 : i1 to vector<16xi1>
            %masked_cumsum3A_941 = tpu.scan <sum>, %select_n3A_938 masked %broadcast_in_dim3A_940 : vector<16xi32>, vector<16xi1> -> vector<16xi32>
            %add3A_942 = arith.addi %add3A_922, %masked_cumsum3A_941 : vector<16xi32>
            %sub3A_943 = arith.subi %add3A_942, %select_n3A_938 : vector<16xi32>
            tpu.vector_store_idx %arg17[%sub3A_943], %add3A_600 masked %lt3A_933 : memref<288xf32, #tpu.memory_space<vmem>>[vector<16xi32>], vector<16xf32>, vector<16xi1>
            tpu.vector_store_idx %arg18[%sub3A_943], %add3A_932 masked %lt3A_933 : memref<288xi32, #tpu.memory_space<vmem>>[vector<16xi32>], vector<16xi32>, vector<16xi1>
            %slice3A_944 = vector.extract_strided_slice %masked_cumsum3A_941 {offsets = [15], sizes = [1], strides = [1]} : vector<16xi32> to vector<1xi32>
            %squeeze3A_945 = vector.extract %slice3A_944[0] : i32 from vector<1xi32>
            %broadcast_in_dim3A_946 = vector.broadcast %squeeze3A_945 : i32 to vector<16xi32>
            %add3A_947 = arith.addi %add3A_922, %broadcast_in_dim3A_946 : vector<16xi32>
            %add3A_948 = arith.constant 0 : i32
            %add3A_949 = arith.addi %add3A_537, %add3A_948 : i32
            %add3A_950 = arith.constant 3 : i32
            %add3A_951 = arith.addi %add3A_949, %add3A_950 : i32
            %mul3A_952 = arith.constant 16 : i32
            %mul3A_953 = arith.muli %add3A_951, %mul3A_952 : i32
            %add3A_954 = arith.addi %mul3A_177, %mul3A_953 : i32
            %add3A_955 = arith.addi %add3A_87, %add3A_954 : i32
            %add3A_956 = vector.broadcast %add3A_955 : i32 to vector<16xi32>
            %add3A_957 = arith.addi %add3A_956, %iota3A : vector<16xi32>
            %lt3A_958 = arith.cmpf olt, %add3A_621, %while3A_533 : vector<16xf32>
            %jit3A_959 = arith.constant 1 : i32
            %jit3A_960 = arith.constant 0 : i32
            %broadcast_in_dim3A_961 = vector.broadcast %jit3A_959 : i32 to vector<16xi32>
            %broadcast_in_dim3A_962 = vector.broadcast %jit3A_960 : i32 to vector<16xi32>
            %select_n3A_963 = arith.select %lt3A_958, %broadcast_in_dim3A_961, %broadcast_in_dim3A_962 : vector<16xi1>, vector<16xi32>
            %broadcast_in_dim3A_964 = arith.constant true
            %broadcast_in_dim3A_965 = vector.broadcast %broadcast_in_dim3A_964 : i1 to vector<16xi1>
            %masked_cumsum3A_966 = tpu.scan <sum>, %select_n3A_963 masked %broadcast_in_dim3A_965 : vector<16xi32>, vector<16xi1> -> vector<16xi32>
            %add3A_967 = arith.addi %add3A_947, %masked_cumsum3A_966 : vector<16xi32>
            %sub3A_968 = arith.subi %add3A_967, %select_n3A_963 : vector<16xi32>
            tpu.vector_store_idx %arg17[%sub3A_968], %add3A_621 masked %lt3A_958 : memref<288xf32, #tpu.memory_space<vmem>>[vector<16xi32>], vector<16xf32>, vector<16xi1>
            tpu.vector_store_idx %arg18[%sub3A_968], %add3A_957 masked %lt3A_958 : memref<288xi32, #tpu.memory_space<vmem>>[vector<16xi32>], vector<16xi32>, vector<16xi1>
            %slice3A_969 = vector.extract_strided_slice %masked_cumsum3A_966 {offsets = [15], sizes = [1], strides = [1]} : vector<16xi32> to vector<1xi32>
            %squeeze3A_970 = vector.extract %slice3A_969[0] : i32 from vector<1xi32>
            %broadcast_in_dim3A_971 = vector.broadcast %squeeze3A_970 : i32 to vector<16xi32>
            %add3A_972 = arith.addi %add3A_947, %broadcast_in_dim3A_971 : vector<16xi32>
            %add3A_973 = arith.constant 0 : i32
            %add3A_974 = arith.addi %add3A_537, %add3A_973 : i32
            %add3A_975 = arith.constant 4 : i32
            %add3A_976 = arith.addi %add3A_974, %add3A_975 : i32
            %mul3A_977 = arith.constant 16 : i32
            %mul3A_978 = arith.muli %add3A_976, %mul3A_977 : i32
            %add3A_979 = arith.addi %mul3A_177, %mul3A_978 : i32
            %add3A_980 = arith.addi %add3A_87, %add3A_979 : i32
            %add3A_981 = vector.broadcast %add3A_980 : i32 to vector<16xi32>
            %add3A_982 = arith.addi %add3A_981, %iota3A : vector<16xi32>
            %lt3A_983 = arith.cmpf olt, %add3A_642, %while3A_533 : vector<16xf32>
            %jit3A_984 = arith.constant 1 : i32
            %jit3A_985 = arith.constant 0 : i32
            %broadcast_in_dim3A_986 = vector.broadcast %jit3A_984 : i32 to vector<16xi32>
            %broadcast_in_dim3A_987 = vector.broadcast %jit3A_985 : i32 to vector<16xi32>
            %select_n3A_988 = arith.select %lt3A_983, %broadcast_in_dim3A_986, %broadcast_in_dim3A_987 : vector<16xi1>, vector<16xi32>
            %broadcast_in_dim3A_989 = arith.constant true
            %broadcast_in_dim3A_990 = vector.broadcast %broadcast_in_dim3A_989 : i1 to vector<16xi1>
            %masked_cumsum3A_991 = tpu.scan <sum>, %select_n3A_988 masked %broadcast_in_dim3A_990 : vector<16xi32>, vector<16xi1> -> vector<16xi32>
            %add3A_992 = arith.addi %add3A_972, %masked_cumsum3A_991 : vector<16xi32>
            %sub3A_993 = arith.subi %add3A_992, %select_n3A_988 : vector<16xi32>
            tpu.vector_store_idx %arg17[%sub3A_993], %add3A_642 masked %lt3A_983 : memref<288xf32, #tpu.memory_space<vmem>>[vector<16xi32>], vector<16xf32>, vector<16xi1>
            tpu.vector_store_idx %arg18[%sub3A_993], %add3A_982 masked %lt3A_983 : memref<288xi32, #tpu.memory_space<vmem>>[vector<16xi32>], vector<16xi32>, vector<16xi1>
            %slice3A_994 = vector.extract_strided_slice %masked_cumsum3A_991 {offsets = [15], sizes = [1], strides = [1]} : vector<16xi32> to vector<1xi32>
            %squeeze3A_995 = vector.extract %slice3A_994[0] : i32 from vector<1xi32>
            %broadcast_in_dim3A_996 = vector.broadcast %squeeze3A_995 : i32 to vector<16xi32>
            %add3A_997 = arith.addi %add3A_972, %broadcast_in_dim3A_996 : vector<16xi32>
            %add3A_998 = arith.constant 0 : i32
            %add3A_999 = arith.addi %add3A_537, %add3A_998 : i32
            %add3A_1000 = arith.constant 5 : i32
            %add3A_1001 = arith.addi %add3A_999, %add3A_1000 : i32
            %mul3A_1002 = arith.constant 16 : i32
            %mul3A_1003 = arith.muli %add3A_1001, %mul3A_1002 : i32
            %add3A_1004 = arith.addi %mul3A_177, %mul3A_1003 : i32
            %add3A_1005 = arith.addi %add3A_87, %add3A_1004 : i32
            %add3A_1006 = vector.broadcast %add3A_1005 : i32 to vector<16xi32>
            %add3A_1007 = arith.addi %add3A_1006, %iota3A : vector<16xi32>
            %lt3A_1008 = arith.cmpf olt, %add3A_663, %while3A_533 : vector<16xf32>
            %jit3A_1009 = arith.constant 1 : i32
            %jit3A_1010 = arith.constant 0 : i32
            %broadcast_in_dim3A_1011 = vector.broadcast %jit3A_1009 : i32 to vector<16xi32>
            %broadcast_in_dim3A_1012 = vector.broadcast %jit3A_1010 : i32 to vector<16xi32>
            %select_n3A_1013 = arith.select %lt3A_1008, %broadcast_in_dim3A_1011, %broadcast_in_dim3A_1012 : vector<16xi1>, vector<16xi32>
            %broadcast_in_dim3A_1014 = arith.constant true
            %broadcast_in_dim3A_1015 = vector.broadcast %broadcast_in_dim3A_1014 : i1 to vector<16xi1>
            %masked_cumsum3A_1016 = tpu.scan <sum>, %select_n3A_1013 masked %broadcast_in_dim3A_1015 : vector<16xi32>, vector<16xi1> -> vector<16xi32>
            %add3A_1017 = arith.addi %add3A_997, %masked_cumsum3A_1016 : vector<16xi32>
            %sub3A_1018 = arith.subi %add3A_1017, %select_n3A_1013 : vector<16xi32>
            tpu.vector_store_idx %arg17[%sub3A_1018], %add3A_663 masked %lt3A_1008 : memref<288xf32, #tpu.memory_space<vmem>>[vector<16xi32>], vector<16xf32>, vector<16xi1>
            tpu.vector_store_idx %arg18[%sub3A_1018], %add3A_1007 masked %lt3A_1008 : memref<288xi32, #tpu.memory_space<vmem>>[vector<16xi32>], vector<16xi32>, vector<16xi1>
            %slice3A_1019 = vector.extract_strided_slice %masked_cumsum3A_1016 {offsets = [15], sizes = [1], strides = [1]} : vector<16xi32> to vector<1xi32>
            %squeeze3A_1020 = vector.extract %slice3A_1019[0] : i32 from vector<1xi32>
            %broadcast_in_dim3A_1021 = vector.broadcast %squeeze3A_1020 : i32 to vector<16xi32>
            %add3A_1022 = arith.addi %add3A_997, %broadcast_in_dim3A_1021 : vector<16xi32>
            %add3A_1023 = arith.constant 0 : i32
            %add3A_1024 = arith.addi %add3A_537, %add3A_1023 : i32
            %add3A_1025 = arith.constant 6 : i32
            %add3A_1026 = arith.addi %add3A_1024, %add3A_1025 : i32
            %mul3A_1027 = arith.constant 16 : i32
            %mul3A_1028 = arith.muli %add3A_1026, %mul3A_1027 : i32
            %add3A_1029 = arith.addi %mul3A_177, %mul3A_1028 : i32
            %add3A_1030 = arith.addi %add3A_87, %add3A_1029 : i32
            %add3A_1031 = vector.broadcast %add3A_1030 : i32 to vector<16xi32>
            %add3A_1032 = arith.addi %add3A_1031, %iota3A : vector<16xi32>
            %lt3A_1033 = arith.cmpf olt, %add3A_684, %while3A_533 : vector<16xf32>
            %jit3A_1034 = arith.constant 1 : i32
            %jit3A_1035 = arith.constant 0 : i32
            %broadcast_in_dim3A_1036 = vector.broadcast %jit3A_1034 : i32 to vector<16xi32>
            %broadcast_in_dim3A_1037 = vector.broadcast %jit3A_1035 : i32 to vector<16xi32>
            %select_n3A_1038 = arith.select %lt3A_1033, %broadcast_in_dim3A_1036, %broadcast_in_dim3A_1037 : vector<16xi1>, vector<16xi32>
            %broadcast_in_dim3A_1039 = arith.constant true
            %broadcast_in_dim3A_1040 = vector.broadcast %broadcast_in_dim3A_1039 : i1 to vector<16xi1>
            %masked_cumsum3A_1041 = tpu.scan <sum>, %select_n3A_1038 masked %broadcast_in_dim3A_1040 : vector<16xi32>, vector<16xi1> -> vector<16xi32>
            %add3A_1042 = arith.addi %add3A_1022, %masked_cumsum3A_1041 : vector<16xi32>
            %sub3A_1043 = arith.subi %add3A_1042, %select_n3A_1038 : vector<16xi32>
            tpu.vector_store_idx %arg17[%sub3A_1043], %add3A_684 masked %lt3A_1033 : memref<288xf32, #tpu.memory_space<vmem>>[vector<16xi32>], vector<16xf32>, vector<16xi1>
            tpu.vector_store_idx %arg18[%sub3A_1043], %add3A_1032 masked %lt3A_1033 : memref<288xi32, #tpu.memory_space<vmem>>[vector<16xi32>], vector<16xi32>, vector<16xi1>
            %slice3A_1044 = vector.extract_strided_slice %masked_cumsum3A_1041 {offsets = [15], sizes = [1], strides = [1]} : vector<16xi32> to vector<1xi32>
            %squeeze3A_1045 = vector.extract %slice3A_1044[0] : i32 from vector<1xi32>
            %broadcast_in_dim3A_1046 = vector.broadcast %squeeze3A_1045 : i32 to vector<16xi32>
            %add3A_1047 = arith.addi %add3A_1022, %broadcast_in_dim3A_1046 : vector<16xi32>
            %add3A_1048 = arith.constant 0 : i32
            %add3A_1049 = arith.addi %add3A_537, %add3A_1048 : i32
            %add3A_1050 = arith.constant 7 : i32
            %add3A_1051 = arith.addi %add3A_1049, %add3A_1050 : i32
            %mul3A_1052 = arith.constant 16 : i32
            %mul3A_1053 = arith.muli %add3A_1051, %mul3A_1052 : i32
            %add3A_1054 = arith.addi %mul3A_177, %mul3A_1053 : i32
            %add3A_1055 = arith.addi %add3A_87, %add3A_1054 : i32
            %add3A_1056 = vector.broadcast %add3A_1055 : i32 to vector<16xi32>
            %add3A_1057 = arith.addi %add3A_1056, %iota3A : vector<16xi32>
            %lt3A_1058 = arith.cmpf olt, %add3A_705, %while3A_533 : vector<16xf32>
            %jit3A_1059 = arith.constant 1 : i32
            %jit3A_1060 = arith.constant 0 : i32
            %broadcast_in_dim3A_1061 = vector.broadcast %jit3A_1059 : i32 to vector<16xi32>
            %broadcast_in_dim3A_1062 = vector.broadcast %jit3A_1060 : i32 to vector<16xi32>
            %select_n3A_1063 = arith.select %lt3A_1058, %broadcast_in_dim3A_1061, %broadcast_in_dim3A_1062 : vector<16xi1>, vector<16xi32>
            %broadcast_in_dim3A_1064 = arith.constant true
            %broadcast_in_dim3A_1065 = vector.broadcast %broadcast_in_dim3A_1064 : i1 to vector<16xi1>
            %masked_cumsum3A_1066 = tpu.scan <sum>, %select_n3A_1063 masked %broadcast_in_dim3A_1065 : vector<16xi32>, vector<16xi1> -> vector<16xi32>
            %add3A_1067 = arith.addi %add3A_1047, %masked_cumsum3A_1066 : vector<16xi32>
            %sub3A_1068 = arith.subi %add3A_1067, %select_n3A_1063 : vector<16xi32>
            tpu.vector_store_idx %arg17[%sub3A_1068], %add3A_705 masked %lt3A_1058 : memref<288xf32, #tpu.memory_space<vmem>>[vector<16xi32>], vector<16xf32>, vector<16xi1>
            tpu.vector_store_idx %arg18[%sub3A_1068], %add3A_1057 masked %lt3A_1058 : memref<288xi32, #tpu.memory_space<vmem>>[vector<16xi32>], vector<16xi32>, vector<16xi1>
            %slice3A_1069 = vector.extract_strided_slice %masked_cumsum3A_1066 {offsets = [15], sizes = [1], strides = [1]} : vector<16xi32> to vector<1xi32>
            %squeeze3A_1070 = vector.extract %slice3A_1069[0] : i32 from vector<1xi32>
            %broadcast_in_dim3A_1071 = vector.broadcast %squeeze3A_1070 : i32 to vector<16xi32>
            %add3A_1072 = arith.addi %add3A_1047, %broadcast_in_dim3A_1071 : vector<16xi32>
            %add3A_1073 = arith.constant 0 : i32
            %add3A_1074 = arith.addi %add3A_537, %add3A_1073 : i32
            %add3A_1075 = arith.constant 8 : i32
            %add3A_1076 = arith.addi %add3A_1074, %add3A_1075 : i32
            %mul3A_1077 = arith.constant 16 : i32
            %mul3A_1078 = arith.muli %add3A_1076, %mul3A_1077 : i32
            %add3A_1079 = arith.addi %mul3A_177, %mul3A_1078 : i32
            %add3A_1080 = arith.addi %add3A_87, %add3A_1079 : i32
            %add3A_1081 = vector.broadcast %add3A_1080 : i32 to vector<16xi32>
            %add3A_1082 = arith.addi %add3A_1081, %iota3A : vector<16xi32>
            %lt3A_1083 = arith.cmpf olt, %add3A_726, %while3A_533 : vector<16xf32>
            %jit3A_1084 = arith.constant 1 : i32
            %jit3A_1085 = arith.constant 0 : i32
            %broadcast_in_dim3A_1086 = vector.broadcast %jit3A_1084 : i32 to vector<16xi32>
            %broadcast_in_dim3A_1087 = vector.broadcast %jit3A_1085 : i32 to vector<16xi32>
            %select_n3A_1088 = arith.select %lt3A_1083, %broadcast_in_dim3A_1086, %broadcast_in_dim3A_1087 : vector<16xi1>, vector<16xi32>
            %broadcast_in_dim3A_1089 = arith.constant true
            %broadcast_in_dim3A_1090 = vector.broadcast %broadcast_in_dim3A_1089 : i1 to vector<16xi1>
            %masked_cumsum3A_1091 = tpu.scan <sum>, %select_n3A_1088 masked %broadcast_in_dim3A_1090 : vector<16xi32>, vector<16xi1> -> vector<16xi32>
            %add3A_1092 = arith.addi %add3A_1072, %masked_cumsum3A_1091 : vector<16xi32>
            %sub3A_1093 = arith.subi %add3A_1092, %select_n3A_1088 : vector<16xi32>
            tpu.vector_store_idx %arg17[%sub3A_1093], %add3A_726 masked %lt3A_1083 : memref<288xf32, #tpu.memory_space<vmem>>[vector<16xi32>], vector<16xf32>, vector<16xi1>
            tpu.vector_store_idx %arg18[%sub3A_1093], %add3A_1082 masked %lt3A_1083 : memref<288xi32, #tpu.memory_space<vmem>>[vector<16xi32>], vector<16xi32>, vector<16xi1>
            %slice3A_1094 = vector.extract_strided_slice %masked_cumsum3A_1091 {offsets = [15], sizes = [1], strides = [1]} : vector<16xi32> to vector<1xi32>
            %squeeze3A_1095 = vector.extract %slice3A_1094[0] : i32 from vector<1xi32>
            %broadcast_in_dim3A_1096 = vector.broadcast %squeeze3A_1095 : i32 to vector<16xi32>
            %add3A_1097 = arith.addi %add3A_1072, %broadcast_in_dim3A_1096 : vector<16xi32>
            %add3A_1098 = arith.constant 0 : i32
            %add3A_1099 = arith.addi %add3A_537, %add3A_1098 : i32
            %add3A_1100 = arith.constant 9 : i32
            %add3A_1101 = arith.addi %add3A_1099, %add3A_1100 : i32
            %mul3A_1102 = arith.constant 16 : i32
            %mul3A_1103 = arith.muli %add3A_1101, %mul3A_1102 : i32
            %add3A_1104 = arith.addi %mul3A_177, %mul3A_1103 : i32
            %add3A_1105 = arith.addi %add3A_87, %add3A_1104 : i32
            %add3A_1106 = vector.broadcast %add3A_1105 : i32 to vector<16xi32>
            %add3A_1107 = arith.addi %add3A_1106, %iota3A : vector<16xi32>
            %lt3A_1108 = arith.cmpf olt, %add3A_747, %while3A_533 : vector<16xf32>
            %jit3A_1109 = arith.constant 1 : i32
            %jit3A_1110 = arith.constant 0 : i32
            %broadcast_in_dim3A_1111 = vector.broadcast %jit3A_1109 : i32 to vector<16xi32>
            %broadcast_in_dim3A_1112 = vector.broadcast %jit3A_1110 : i32 to vector<16xi32>
            %select_n3A_1113 = arith.select %lt3A_1108, %broadcast_in_dim3A_1111, %broadcast_in_dim3A_1112 : vector<16xi1>, vector<16xi32>
            %broadcast_in_dim3A_1114 = arith.constant true
            %broadcast_in_dim3A_1115 = vector.broadcast %broadcast_in_dim3A_1114 : i1 to vector<16xi1>
            %masked_cumsum3A_1116 = tpu.scan <sum>, %select_n3A_1113 masked %broadcast_in_dim3A_1115 : vector<16xi32>, vector<16xi1> -> vector<16xi32>
            %add3A_1117 = arith.addi %add3A_1097, %masked_cumsum3A_1116 : vector<16xi32>
            %sub3A_1118 = arith.subi %add3A_1117, %select_n3A_1113 : vector<16xi32>
            tpu.vector_store_idx %arg17[%sub3A_1118], %add3A_747 masked %lt3A_1108 : memref<288xf32, #tpu.memory_space<vmem>>[vector<16xi32>], vector<16xf32>, vector<16xi1>
            tpu.vector_store_idx %arg18[%sub3A_1118], %add3A_1107 masked %lt3A_1108 : memref<288xi32, #tpu.memory_space<vmem>>[vector<16xi32>], vector<16xi32>, vector<16xi1>
            %slice3A_1119 = vector.extract_strided_slice %masked_cumsum3A_1116 {offsets = [15], sizes = [1], strides = [1]} : vector<16xi32> to vector<1xi32>
            %squeeze3A_1120 = vector.extract %slice3A_1119[0] : i32 from vector<1xi32>
            %broadcast_in_dim3A_1121 = vector.broadcast %squeeze3A_1120 : i32 to vector<16xi32>
            %add3A_1122 = arith.addi %add3A_1097, %broadcast_in_dim3A_1121 : vector<16xi32>
            %add3A_1123 = arith.constant 0 : i32
            %add3A_1124 = arith.addi %add3A_537, %add3A_1123 : i32
            %add3A_1125 = arith.constant 10 : i32
            %add3A_1126 = arith.addi %add3A_1124, %add3A_1125 : i32
            %mul3A_1127 = arith.constant 16 : i32
            %mul3A_1128 = arith.muli %add3A_1126, %mul3A_1127 : i32
            %add3A_1129 = arith.addi %mul3A_177, %mul3A_1128 : i32
            %add3A_1130 = arith.addi %add3A_87, %add3A_1129 : i32
            %add3A_1131 = vector.broadcast %add3A_1130 : i32 to vector<16xi32>
            %add3A_1132 = arith.addi %add3A_1131, %iota3A : vector<16xi32>
            %lt3A_1133 = arith.cmpf olt, %add3A_768, %while3A_533 : vector<16xf32>
            %jit3A_1134 = arith.constant 1 : i32
            %jit3A_1135 = arith.constant 0 : i32
            %broadcast_in_dim3A_1136 = vector.broadcast %jit3A_1134 : i32 to vector<16xi32>
            %broadcast_in_dim3A_1137 = vector.broadcast %jit3A_1135 : i32 to vector<16xi32>
            %select_n3A_1138 = arith.select %lt3A_1133, %broadcast_in_dim3A_1136, %broadcast_in_dim3A_1137 : vector<16xi1>, vector<16xi32>
            %broadcast_in_dim3A_1139 = arith.constant true
            %broadcast_in_dim3A_1140 = vector.broadcast %broadcast_in_dim3A_1139 : i1 to vector<16xi1>
            %masked_cumsum3A_1141 = tpu.scan <sum>, %select_n3A_1138 masked %broadcast_in_dim3A_1140 : vector<16xi32>, vector<16xi1> -> vector<16xi32>
            %add3A_1142 = arith.addi %add3A_1122, %masked_cumsum3A_1141 : vector<16xi32>
            %sub3A_1143 = arith.subi %add3A_1142, %select_n3A_1138 : vector<16xi32>
            tpu.vector_store_idx %arg17[%sub3A_1143], %add3A_768 masked %lt3A_1133 : memref<288xf32, #tpu.memory_space<vmem>>[vector<16xi32>], vector<16xf32>, vector<16xi1>
            tpu.vector_store_idx %arg18[%sub3A_1143], %add3A_1132 masked %lt3A_1133 : memref<288xi32, #tpu.memory_space<vmem>>[vector<16xi32>], vector<16xi32>, vector<16xi1>
            %slice3A_1144 = vector.extract_strided_slice %masked_cumsum3A_1141 {offsets = [15], sizes = [1], strides = [1]} : vector<16xi32> to vector<1xi32>
            %squeeze3A_1145 = vector.extract %slice3A_1144[0] : i32 from vector<1xi32>
            %broadcast_in_dim3A_1146 = vector.broadcast %squeeze3A_1145 : i32 to vector<16xi32>
            %add3A_1147 = arith.addi %add3A_1122, %broadcast_in_dim3A_1146 : vector<16xi32>
            %add3A_1148 = arith.constant 0 : i32
            %add3A_1149 = arith.addi %add3A_537, %add3A_1148 : i32
            %add3A_1150 = arith.constant 11 : i32
            %add3A_1151 = arith.addi %add3A_1149, %add3A_1150 : i32
            %mul3A_1152 = arith.constant 16 : i32
            %mul3A_1153 = arith.muli %add3A_1151, %mul3A_1152 : i32
            %add3A_1154 = arith.addi %mul3A_177, %mul3A_1153 : i32
            %add3A_1155 = arith.addi %add3A_87, %add3A_1154 : i32
            %add3A_1156 = vector.broadcast %add3A_1155 : i32 to vector<16xi32>
            %add3A_1157 = arith.addi %add3A_1156, %iota3A : vector<16xi32>
            %lt3A_1158 = arith.cmpf olt, %add3A_789, %while3A_533 : vector<16xf32>
            %jit3A_1159 = arith.constant 1 : i32
            %jit3A_1160 = arith.constant 0 : i32
            %broadcast_in_dim3A_1161 = vector.broadcast %jit3A_1159 : i32 to vector<16xi32>
            %broadcast_in_dim3A_1162 = vector.broadcast %jit3A_1160 : i32 to vector<16xi32>
            %select_n3A_1163 = arith.select %lt3A_1158, %broadcast_in_dim3A_1161, %broadcast_in_dim3A_1162 : vector<16xi1>, vector<16xi32>
            %broadcast_in_dim3A_1164 = arith.constant true
            %broadcast_in_dim3A_1165 = vector.broadcast %broadcast_in_dim3A_1164 : i1 to vector<16xi1>
            %masked_cumsum3A_1166 = tpu.scan <sum>, %select_n3A_1163 masked %broadcast_in_dim3A_1165 : vector<16xi32>, vector<16xi1> -> vector<16xi32>
            %add3A_1167 = arith.addi %add3A_1147, %masked_cumsum3A_1166 : vector<16xi32>
            %sub3A_1168 = arith.subi %add3A_1167, %select_n3A_1163 : vector<16xi32>
            tpu.vector_store_idx %arg17[%sub3A_1168], %add3A_789 masked %lt3A_1158 : memref<288xf32, #tpu.memory_space<vmem>>[vector<16xi32>], vector<16xf32>, vector<16xi1>
            tpu.vector_store_idx %arg18[%sub3A_1168], %add3A_1157 masked %lt3A_1158 : memref<288xi32, #tpu.memory_space<vmem>>[vector<16xi32>], vector<16xi32>, vector<16xi1>
            %slice3A_1169 = vector.extract_strided_slice %masked_cumsum3A_1166 {offsets = [15], sizes = [1], strides = [1]} : vector<16xi32> to vector<1xi32>
            %squeeze3A_1170 = vector.extract %slice3A_1169[0] : i32 from vector<1xi32>
            %broadcast_in_dim3A_1171 = vector.broadcast %squeeze3A_1170 : i32 to vector<16xi32>
            %add3A_1172 = arith.addi %add3A_1147, %broadcast_in_dim3A_1171 : vector<16xi32>
            %add3A_1173 = arith.constant 0 : i32
            %add3A_1174 = arith.addi %add3A_537, %add3A_1173 : i32
            %add3A_1175 = arith.constant 12 : i32
            %add3A_1176 = arith.addi %add3A_1174, %add3A_1175 : i32
            %mul3A_1177 = arith.constant 16 : i32
            %mul3A_1178 = arith.muli %add3A_1176, %mul3A_1177 : i32
            %add3A_1179 = arith.addi %mul3A_177, %mul3A_1178 : i32
            %add3A_1180 = arith.addi %add3A_87, %add3A_1179 : i32
            %add3A_1181 = vector.broadcast %add3A_1180 : i32 to vector<16xi32>
            %add3A_1182 = arith.addi %add3A_1181, %iota3A : vector<16xi32>
            %lt3A_1183 = arith.cmpf olt, %add3A_810, %while3A_533 : vector<16xf32>
            %jit3A_1184 = arith.constant 1 : i32
            %jit3A_1185 = arith.constant 0 : i32
            %broadcast_in_dim3A_1186 = vector.broadcast %jit3A_1184 : i32 to vector<16xi32>
            %broadcast_in_dim3A_1187 = vector.broadcast %jit3A_1185 : i32 to vector<16xi32>
            %select_n3A_1188 = arith.select %lt3A_1183, %broadcast_in_dim3A_1186, %broadcast_in_dim3A_1187 : vector<16xi1>, vector<16xi32>
            %broadcast_in_dim3A_1189 = arith.constant true
            %broadcast_in_dim3A_1190 = vector.broadcast %broadcast_in_dim3A_1189 : i1 to vector<16xi1>
            %masked_cumsum3A_1191 = tpu.scan <sum>, %select_n3A_1188 masked %broadcast_in_dim3A_1190 : vector<16xi32>, vector<16xi1> -> vector<16xi32>
            %add3A_1192 = arith.addi %add3A_1172, %masked_cumsum3A_1191 : vector<16xi32>
            %sub3A_1193 = arith.subi %add3A_1192, %select_n3A_1188 : vector<16xi32>
            tpu.vector_store_idx %arg17[%sub3A_1193], %add3A_810 masked %lt3A_1183 : memref<288xf32, #tpu.memory_space<vmem>>[vector<16xi32>], vector<16xf32>, vector<16xi1>
            tpu.vector_store_idx %arg18[%sub3A_1193], %add3A_1182 masked %lt3A_1183 : memref<288xi32, #tpu.memory_space<vmem>>[vector<16xi32>], vector<16xi32>, vector<16xi1>
            %slice3A_1194 = vector.extract_strided_slice %masked_cumsum3A_1191 {offsets = [15], sizes = [1], strides = [1]} : vector<16xi32> to vector<1xi32>
            %squeeze3A_1195 = vector.extract %slice3A_1194[0] : i32 from vector<1xi32>
            %broadcast_in_dim3A_1196 = vector.broadcast %squeeze3A_1195 : i32 to vector<16xi32>
            %add3A_1197 = arith.addi %add3A_1172, %broadcast_in_dim3A_1196 : vector<16xi32>
            %add3A_1198 = arith.constant 0 : i32
            %add3A_1199 = arith.addi %add3A_537, %add3A_1198 : i32
            %add3A_1200 = arith.constant 13 : i32
            %add3A_1201 = arith.addi %add3A_1199, %add3A_1200 : i32
            %mul3A_1202 = arith.constant 16 : i32
            %mul3A_1203 = arith.muli %add3A_1201, %mul3A_1202 : i32
            %add3A_1204 = arith.addi %mul3A_177, %mul3A_1203 : i32
            %add3A_1205 = arith.addi %add3A_87, %add3A_1204 : i32
            %add3A_1206 = vector.broadcast %add3A_1205 : i32 to vector<16xi32>
            %add3A_1207 = arith.addi %add3A_1206, %iota3A : vector<16xi32>
            %lt3A_1208 = arith.cmpf olt, %add3A_831, %while3A_533 : vector<16xf32>
            %jit3A_1209 = arith.constant 1 : i32
            %jit3A_1210 = arith.constant 0 : i32
            %broadcast_in_dim3A_1211 = vector.broadcast %jit3A_1209 : i32 to vector<16xi32>
            %broadcast_in_dim3A_1212 = vector.broadcast %jit3A_1210 : i32 to vector<16xi32>
            %select_n3A_1213 = arith.select %lt3A_1208, %broadcast_in_dim3A_1211, %broadcast_in_dim3A_1212 : vector<16xi1>, vector<16xi32>
            %broadcast_in_dim3A_1214 = arith.constant true
            %broadcast_in_dim3A_1215 = vector.broadcast %broadcast_in_dim3A_1214 : i1 to vector<16xi1>
            %masked_cumsum3A_1216 = tpu.scan <sum>, %select_n3A_1213 masked %broadcast_in_dim3A_1215 : vector<16xi32>, vector<16xi1> -> vector<16xi32>
            %add3A_1217 = arith.addi %add3A_1197, %masked_cumsum3A_1216 : vector<16xi32>
            %sub3A_1218 = arith.subi %add3A_1217, %select_n3A_1213 : vector<16xi32>
            tpu.vector_store_idx %arg17[%sub3A_1218], %add3A_831 masked %lt3A_1208 : memref<288xf32, #tpu.memory_space<vmem>>[vector<16xi32>], vector<16xf32>, vector<16xi1>
            tpu.vector_store_idx %arg18[%sub3A_1218], %add3A_1207 masked %lt3A_1208 : memref<288xi32, #tpu.memory_space<vmem>>[vector<16xi32>], vector<16xi32>, vector<16xi1>
            %slice3A_1219 = vector.extract_strided_slice %masked_cumsum3A_1216 {offsets = [15], sizes = [1], strides = [1]} : vector<16xi32> to vector<1xi32>
            %squeeze3A_1220 = vector.extract %slice3A_1219[0] : i32 from vector<1xi32>
            %broadcast_in_dim3A_1221 = vector.broadcast %squeeze3A_1220 : i32 to vector<16xi32>
            %add3A_1222 = arith.addi %add3A_1197, %broadcast_in_dim3A_1221 : vector<16xi32>
            %add3A_1223 = arith.constant 0 : i32
            %add3A_1224 = arith.addi %add3A_537, %add3A_1223 : i32
            %add3A_1225 = arith.constant 14 : i32
            %add3A_1226 = arith.addi %add3A_1224, %add3A_1225 : i32
            %mul3A_1227 = arith.constant 16 : i32
            %mul3A_1228 = arith.muli %add3A_1226, %mul3A_1227 : i32
            %add3A_1229 = arith.addi %mul3A_177, %mul3A_1228 : i32
            %add3A_1230 = arith.addi %add3A_87, %add3A_1229 : i32
            %add3A_1231 = vector.broadcast %add3A_1230 : i32 to vector<16xi32>
            %add3A_1232 = arith.addi %add3A_1231, %iota3A : vector<16xi32>
            %lt3A_1233 = arith.cmpf olt, %add3A_852, %while3A_533 : vector<16xf32>
            %jit3A_1234 = arith.constant 1 : i32
            %jit3A_1235 = arith.constant 0 : i32
            %broadcast_in_dim3A_1236 = vector.broadcast %jit3A_1234 : i32 to vector<16xi32>
            %broadcast_in_dim3A_1237 = vector.broadcast %jit3A_1235 : i32 to vector<16xi32>
            %select_n3A_1238 = arith.select %lt3A_1233, %broadcast_in_dim3A_1236, %broadcast_in_dim3A_1237 : vector<16xi1>, vector<16xi32>
            %broadcast_in_dim3A_1239 = arith.constant true
            %broadcast_in_dim3A_1240 = vector.broadcast %broadcast_in_dim3A_1239 : i1 to vector<16xi1>
            %masked_cumsum3A_1241 = tpu.scan <sum>, %select_n3A_1238 masked %broadcast_in_dim3A_1240 : vector<16xi32>, vector<16xi1> -> vector<16xi32>
            %add3A_1242 = arith.addi %add3A_1222, %masked_cumsum3A_1241 : vector<16xi32>
            %sub3A_1243 = arith.subi %add3A_1242, %select_n3A_1238 : vector<16xi32>
            tpu.vector_store_idx %arg17[%sub3A_1243], %add3A_852 masked %lt3A_1233 : memref<288xf32, #tpu.memory_space<vmem>>[vector<16xi32>], vector<16xf32>, vector<16xi1>
            tpu.vector_store_idx %arg18[%sub3A_1243], %add3A_1232 masked %lt3A_1233 : memref<288xi32, #tpu.memory_space<vmem>>[vector<16xi32>], vector<16xi32>, vector<16xi1>
            %slice3A_1244 = vector.extract_strided_slice %masked_cumsum3A_1241 {offsets = [15], sizes = [1], strides = [1]} : vector<16xi32> to vector<1xi32>
            %squeeze3A_1245 = vector.extract %slice3A_1244[0] : i32 from vector<1xi32>
            %broadcast_in_dim3A_1246 = vector.broadcast %squeeze3A_1245 : i32 to vector<16xi32>
            %add3A_1247 = arith.addi %add3A_1222, %broadcast_in_dim3A_1246 : vector<16xi32>
            %add3A_1248 = arith.constant 0 : i32
            %add3A_1249 = arith.addi %add3A_537, %add3A_1248 : i32
            %add3A_1250 = arith.constant 15 : i32
            %add3A_1251 = arith.addi %add3A_1249, %add3A_1250 : i32
            %mul3A_1252 = arith.constant 16 : i32
            %mul3A_1253 = arith.muli %add3A_1251, %mul3A_1252 : i32
            %add3A_1254 = arith.addi %mul3A_177, %mul3A_1253 : i32
            %add3A_1255 = arith.addi %add3A_87, %add3A_1254 : i32
            %add3A_1256 = vector.broadcast %add3A_1255 : i32 to vector<16xi32>
            %add3A_1257 = arith.addi %add3A_1256, %iota3A : vector<16xi32>
            %lt3A_1258 = arith.cmpf olt, %add3A_873, %while3A_533 : vector<16xf32>
            %jit3A_1259 = arith.constant 1 : i32
            %jit3A_1260 = arith.constant 0 : i32
            %broadcast_in_dim3A_1261 = vector.broadcast %jit3A_1259 : i32 to vector<16xi32>
            %broadcast_in_dim3A_1262 = vector.broadcast %jit3A_1260 : i32 to vector<16xi32>
            %select_n3A_1263 = arith.select %lt3A_1258, %broadcast_in_dim3A_1261, %broadcast_in_dim3A_1262 : vector<16xi1>, vector<16xi32>
            %broadcast_in_dim3A_1264 = arith.constant true
            %broadcast_in_dim3A_1265 = vector.broadcast %broadcast_in_dim3A_1264 : i1 to vector<16xi1>
            %masked_cumsum3A_1266 = tpu.scan <sum>, %select_n3A_1263 masked %broadcast_in_dim3A_1265 : vector<16xi32>, vector<16xi1> -> vector<16xi32>
            %add3A_1267 = arith.addi %add3A_1247, %masked_cumsum3A_1266 : vector<16xi32>
            %sub3A_1268 = arith.subi %add3A_1267, %select_n3A_1263 : vector<16xi32>
            tpu.vector_store_idx %arg17[%sub3A_1268], %add3A_873 masked %lt3A_1258 : memref<288xf32, #tpu.memory_space<vmem>>[vector<16xi32>], vector<16xf32>, vector<16xi1>
            tpu.vector_store_idx %arg18[%sub3A_1268], %add3A_1257 masked %lt3A_1258 : memref<288xi32, #tpu.memory_space<vmem>>[vector<16xi32>], vector<16xi32>, vector<16xi1>
            %slice3A_1269 = vector.extract_strided_slice %masked_cumsum3A_1266 {offsets = [15], sizes = [1], strides = [1]} : vector<16xi32> to vector<1xi32>
            %squeeze3A_1270 = vector.extract %slice3A_1269[0] : i32 from vector<1xi32>
            %broadcast_in_dim3A_1271 = vector.broadcast %squeeze3A_1270 : i32 to vector<16xi32>
            %add3A_1272 = arith.addi %add3A_1247, %broadcast_in_dim3A_1271 : vector<16xi32>
            %slice3A_1273 = vector.extract_strided_slice %add3A_1272 {offsets = [0], sizes = [1], strides = [1]} : vector<16xi32> to vector<1xi32>
            %squeeze3A_1274 = vector.extract %slice3A_1273[0] : i32 from vector<1xi32>
            %jit3A_1275 = arith.constant 16 : i32
            %div3A_1276 = arith.divsi %squeeze3A_1274, %jit3A_1275 : i32
            %sign3A_1277 = arith.constant 0 : i32
            %sign3A_1278 = arith.cmpi sgt, %squeeze3A_1274, %sign3A_1277 : i32
            %sign3A_1279 = arith.extui %sign3A_1278 : i1 to i32
            %sign3A_1280 = arith.constant 0 : i32
            %sign3A_1281 = arith.cmpi slt, %squeeze3A_1274, %sign3A_1280 : i32
            %sign3A_1282 = arith.extui %sign3A_1281 : i1 to i32
            %sign3A_1283 = arith.subi %sign3A_1279, %sign3A_1282 : i32
            %sign3A_1284 = arith.constant 0 : i32
            %sign3A_1285 = arith.cmpi sgt, %jit3A_1275, %sign3A_1284 : i32
            %sign3A_1286 = arith.extui %sign3A_1285 : i1 to i32
            %sign3A_1287 = arith.constant 0 : i32
            %sign3A_1288 = arith.cmpi slt, %jit3A_1275, %sign3A_1287 : i32
            %sign3A_1289 = arith.extui %sign3A_1288 : i1 to i32
            %sign3A_1290 = arith.subi %sign3A_1286, %sign3A_1289 : i32
            %ne3A_1291 = arith.cmpi ne, %sign3A_1283, %sign3A_1290 : i32
            %rem3A_1292 = arith.remsi %squeeze3A_1274, %jit3A_1275 : i32
            %ne3A_1293 = arith.constant 0 : i32
            %ne3A_1294 = arith.cmpi ne, %rem3A_1292, %ne3A_1293 : i32
            %and3A_1295 = arith.andi %ne3A_1291, %ne3A_1294 : i1
            %sub3A_1296 = arith.constant 1 : i32
            %sub3A_1297 = arith.subi %div3A_1276, %sub3A_1296 : i32
            %select_n3A_1298 = arith.select %and3A_1295, %sub3A_1297, %div3A_1276 : i32
            %while3A_1299 = arith.constant 0 : i32
            %while3A_1300 = arith.subi %select_n3A_1298, %while3A_1299 : i32
            %while3A_1301 = arith.addi %while3A_1299, %while3A_1300 : i32
            %while3A_1302 = arith.constant 1 : i32
            %while3A_1303 = arith.divsi %while3A_1300, %while3A_1302 : i32
            %while3A_1304 = arith.muli %while3A_1303, %while3A_1302 : i32
            %while3A_1305 = arith.addi %while3A_1299, %while3A_1304 : i32
            %while3A_1306 = arith.constant 1 : i32
            %while3A_1307:4 = scf.for %while3A_1329 = %while3A_1299 to %while3A_1305 step %while3A_1306 iter_args(%while3A_1330 = %while3A_529, %while3A_1331 = %while3A_530, %while3A_1332 = %while3A_531, %while3A_1333 = %while3A_532) -> (vector<16xf32>, vector<16xi32>, vector<16xf32>, vector<16xi32>)  : i32 {
              %mul3A_1334 = arith.constant 16 : i32
              %mul3A_1335 = arith.muli %while3A_1329, %mul3A_1334 : i32
              %get3A_1336 = arith.index_cast %mul3A_1335 : i32 to index
              %get3A_1337 = tpu.vector_load %arg17[%get3A_1336] {strides = array<i32>} : memref<288xf32, #tpu.memory_space<vmem>>, vector<16xf32>,
              %mul3A_1338 = arith.constant 16 : i32
              %mul3A_1339 = arith.muli %while3A_1329, %mul3A_1338 : i32
              %get3A_1340 = arith.index_cast %mul3A_1339 : i32 to index
              %get3A_1341 = tpu.vector_load %arg18[%get3A_1340] {strides = array<i32>} : memref<288xi32, #tpu.memory_space<vmem>>, vector<16xi32>,
              %masked_sort3A_1342 = arith.constant dense<true> : vector<16xi1>
              %masked_sort3A_1343, %masked_sort3A_1344, %masked_sort3A_1345 = tpu.sort %get3A_1337, %get3A_1341 masked %masked_sort3A_1342 : (vector<16xf32>, vector<16xi32>, vector<16xi1>) -> (vector<16xi1>, vector<16xf32>, vector<16xi32>)
              %rev3A_1346 = arith.constant 15 : i32
              %rev3A_1347 = vector.broadcast %rev3A_1346 : i32 to vector<16xi32>
              %rev3A_1348 = tpu.iota {dimensions = array<i32: 0>} : vector<16xi32>
              %rev3A_1349 = arith.subi %rev3A_1347, %rev3A_1348 : vector<16xi32>
              %rev3A_1350 = tpu.dynamic_gather %masked_sort3A_1344[%rev3A_1349] in [0] : vector<16xf32>, vector<16xi32> -> vector<16xf32>
              %rev3A_1351 = arith.constant 15 : i32
              %rev3A_1352 = vector.broadcast %rev3A_1351 : i32 to vector<16xi32>
              %rev3A_1353 = tpu.iota {dimensions = array<i32: 0>} : vector<16xi32>
              %rev3A_1354 = arith.subi %rev3A_1352, %rev3A_1353 : vector<16xi32>
              %rev3A_1355 = tpu.dynamic_gather %masked_sort3A_1345[%rev3A_1354] in [0] : vector<16xi32>, vector<16xi32> -> vector<16xi32>
              %le3A_1356 = arith.cmpf ole, %while3A_1332, %rev3A_1350 : vector<16xf32>
              %select_n3A_1357 = arith.select %le3A_1356, %while3A_1332, %rev3A_1350 : vector<16xi1>, vector<16xf32>
              %select_n3A_1358 = arith.select %le3A_1356, %while3A_1333, %rev3A_1355 : vector<16xi1>, vector<16xi32>
              %masked_sort3A_1359 = arith.constant dense<true> : vector<16xi1>
              %masked_sort3A_1360, %masked_sort3A_1361, %masked_sort3A_1362 = tpu.sort %select_n3A_1357, %select_n3A_1358 masked %masked_sort3A_1359 : (vector<16xf32>, vector<16xi32>, vector<16xi1>) -> (vector<16xi1>, vector<16xf32>, vector<16xi32>)
              %rev3A_1363 = arith.constant 15 : i32
              %rev3A_1364 = vector.broadcast %rev3A_1363 : i32 to vector<16xi32>
              %rev3A_1365 = tpu.iota {dimensions = array<i32: 0>} : vector<16xi32>
              %rev3A_1366 = arith.subi %rev3A_1364, %rev3A_1365 : vector<16xi32>
              %rev3A_1367 = tpu.dynamic_gather %masked_sort3A_1361[%rev3A_1366] in [0] : vector<16xf32>, vector<16xi32> -> vector<16xf32>
              %rev3A_1368 = arith.constant 15 : i32
              %rev3A_1369 = vector.broadcast %rev3A_1368 : i32 to vector<16xi32>
              %rev3A_1370 = tpu.iota {dimensions = array<i32: 0>} : vector<16xi32>
              %rev3A_1371 = arith.subi %rev3A_1369, %rev3A_1370 : vector<16xi32>
              %rev3A_1372 = tpu.dynamic_gather %masked_sort3A_1362[%rev3A_1371] in [0] : vector<16xi32>, vector<16xi32> -> vector<16xi32>
              %le3A_1373 = arith.cmpf ole, %while3A_1330, %rev3A_1367 : vector<16xf32>
              %select_n3A_1374 = arith.select %le3A_1373, %while3A_1330, %rev3A_1367 : vector<16xi1>, vector<16xf32>
              %select_n3A_1375 = arith.select %le3A_1373, %while3A_1331, %rev3A_1372 : vector<16xi1>, vector<16xi32>
              %select_n3A_1376 = arith.select %le3A_1373, %rev3A_1367, %while3A_1330 : vector<16xi1>, vector<16xf32>
              %select_n3A_1377 = arith.select %le3A_1373, %rev3A_1372, %while3A_1331 : vector<16xi1>, vector<16xi32>
              %masked_sort3A_1378 = arith.constant dense<true> : vector<16xi1>
              %masked_sort3A_1379, %masked_sort3A_1380, %masked_sort3A_1381 = tpu.sort %select_n3A_1374, %select_n3A_1375 masked %masked_sort3A_1378 : (vector<16xf32>, vector<16xi32>, vector<16xi1>) -> (vector<16xi1>, vector<16xf32>, vector<16xi32>)
              %masked_sort3A_1382 = arith.constant dense<true> : vector<16xi1>
              %masked_sort3A_1383, %masked_sort3A_1384, %masked_sort3A_1385 = tpu.sort %select_n3A_1376, %select_n3A_1377 masked %masked_sort3A_1382 : (vector<16xf32>, vector<16xi32>, vector<16xi1>) -> (vector<16xi1>, vector<16xf32>, vector<16xi32>)
              scf.yield %masked_sort3A_1380, %masked_sort3A_1381, %masked_sort3A_1384, %masked_sort3A_1385 : vector<16xf32>, vector<16xi32>, vector<16xf32>, vector<16xi32>
            }
            %while3A_1308 = arith.constant 1 : i32
            %while3A_1309:4 = scf.for %while3A_1329 = %while3A_1305 to %while3A_1301 step %while3A_1308 iter_args(%while3A_1330 = %while3A_1307#0, %while3A_1331 = %while3A_1307#1, %while3A_1332 = %while3A_1307#2, %while3A_1333 = %while3A_1307#3) -> (vector<16xf32>, vector<16xi32>, vector<16xf32>, vector<16xi32>)  : i32 {
              %mul3A_1334 = arith.constant 16 : i32
              %mul3A_1335 = arith.muli %while3A_1329, %mul3A_1334 : i32
              %get3A_1336 = arith.index_cast %mul3A_1335 : i32 to index
              %get3A_1337 = tpu.vector_load %arg17[%get3A_1336] {strides = array<i32>} : memref<288xf32, #tpu.memory_space<vmem>>, vector<16xf32>,
              %mul3A_1338 = arith.constant 16 : i32
              %mul3A_1339 = arith.muli %while3A_1329, %mul3A_1338 : i32
              %get3A_1340 = arith.index_cast %mul3A_1339 : i32 to index
              %get3A_1341 = tpu.vector_load %arg18[%get3A_1340] {strides = array<i32>} : memref<288xi32, #tpu.memory_space<vmem>>, vector<16xi32>,
              %masked_sort3A_1342 = arith.constant dense<true> : vector<16xi1>
              %masked_sort3A_1343, %masked_sort3A_1344, %masked_sort3A_1345 = tpu.sort %get3A_1337, %get3A_1341 masked %masked_sort3A_1342 : (vector<16xf32>, vector<16xi32>, vector<16xi1>) -> (vector<16xi1>, vector<16xf32>, vector<16xi32>)
              %rev3A_1346 = arith.constant 15 : i32
              %rev3A_1347 = vector.broadcast %rev3A_1346 : i32 to vector<16xi32>
              %rev3A_1348 = tpu.iota {dimensions = array<i32: 0>} : vector<16xi32>
              %rev3A_1349 = arith.subi %rev3A_1347, %rev3A_1348 : vector<16xi32>
              %rev3A_1350 = tpu.dynamic_gather %masked_sort3A_1344[%rev3A_1349] in [0] : vector<16xf32>, vector<16xi32> -> vector<16xf32>
              %rev3A_1351 = arith.constant 15 : i32
              %rev3A_1352 = vector.broadcast %rev3A_1351 : i32 to vector<16xi32>
              %rev3A_1353 = tpu.iota {dimensions = array<i32: 0>} : vector<16xi32>
              %rev3A_1354 = arith.subi %rev3A_1352, %rev3A_1353 : vector<16xi32>
              %rev3A_1355 = tpu.dynamic_gather %masked_sort3A_1345[%rev3A_1354] in [0] : vector<16xi32>, vector<16xi32> -> vector<16xi32>
              %le3A_1356 = arith.cmpf ole, %while3A_1332, %rev3A_1350 : vector<16xf32>
              %select_n3A_1357 = arith.select %le3A_1356, %while3A_1332, %rev3A_1350 : vector<16xi1>, vector<16xf32>
              %select_n3A_1358 = arith.select %le3A_1356, %while3A_1333, %rev3A_1355 : vector<16xi1>, vector<16xi32>
              %masked_sort3A_1359 = arith.constant dense<true> : vector<16xi1>
              %masked_sort3A_1360, %masked_sort3A_1361, %masked_sort3A_1362 = tpu.sort %select_n3A_1357, %select_n3A_1358 masked %masked_sort3A_1359 : (vector<16xf32>, vector<16xi32>, vector<16xi1>) -> (vector<16xi1>, vector<16xf32>, vector<16xi32>)
              %rev3A_1363 = arith.constant 15 : i32
              %rev3A_1364 = vector.broadcast %rev3A_1363 : i32 to vector<16xi32>
              %rev3A_1365 = tpu.iota {dimensions = array<i32: 0>} : vector<16xi32>
              %rev3A_1366 = arith.subi %rev3A_1364, %rev3A_1365 : vector<16xi32>
              %rev3A_1367 = tpu.dynamic_gather %masked_sort3A_1361[%rev3A_1366] in [0] : vector<16xf32>, vector<16xi32> -> vector<16xf32>
              %rev3A_1368 = arith.constant 15 : i32
              %rev3A_1369 = vector.broadcast %rev3A_1368 : i32 to vector<16xi32>
              %rev3A_1370 = tpu.iota {dimensions = array<i32: 0>} : vector<16xi32>
              %rev3A_1371 = arith.subi %rev3A_1369, %rev3A_1370 : vector<16xi32>
              %rev3A_1372 = tpu.dynamic_gather %masked_sort3A_1362[%rev3A_1371] in [0] : vector<16xi32>, vector<16xi32> -> vector<16xi32>
              %le3A_1373 = arith.cmpf ole, %while3A_1330, %rev3A_1367 : vector<16xf32>
              %select_n3A_1374 = arith.select %le3A_1373, %while3A_1330, %rev3A_1367 : vector<16xi1>, vector<16xf32>
              %select_n3A_1375 = arith.select %le3A_1373, %while3A_1331, %rev3A_1372 : vector<16xi1>, vector<16xi32>
              %select_n3A_1376 = arith.select %le3A_1373, %rev3A_1367, %while3A_1330 : vector<16xi1>, vector<16xf32>
              %select_n3A_1377 = arith.select %le3A_1373, %rev3A_1372, %while3A_1331 : vector<16xi1>, vector<16xi32>
              %masked_sort3A_1378 = arith.constant dense<true> : vector<16xi1>
              %masked_sort3A_1379, %masked_sort3A_1380, %masked_sort3A_1381 = tpu.sort %select_n3A_1374, %select_n3A_1375 masked %masked_sort3A_1378 : (vector<16xf32>, vector<16xi32>, vector<16xi1>) -> (vector<16xi1>, vector<16xf32>, vector<16xi32>)
              %masked_sort3A_1382 = arith.constant dense<true> : vector<16xi1>
              %masked_sort3A_1383, %masked_sort3A_1384, %masked_sort3A_1385 = tpu.sort %select_n3A_1376, %select_n3A_1377 masked %masked_sort3A_1382 : (vector<16xf32>, vector<16xi32>, vector<16xi1>) -> (vector<16xi1>, vector<16xf32>, vector<16xi32>)
              scf.yield %masked_sort3A_1380, %masked_sort3A_1381, %masked_sort3A_1384, %masked_sort3A_1385 : vector<16xf32>, vector<16xi32>, vector<16xf32>, vector<16xi32>
            }
            %mul3A_1310 = arith.constant 16 : i32
            %mul3A_1311 = arith.muli %select_n3A_1298, %mul3A_1310 : i32
            %sub3A_1312 = arith.subi %squeeze3A_1274, %mul3A_1311 : i32
            %mul3A_1313 = arith.constant 16 : i32
            %mul3A_1314 = arith.muli %select_n3A_1298, %mul3A_1313 : i32
            %get3A_1315 = arith.index_cast %mul3A_1314 : i32 to index
            %get3A_1316 = tpu.vector_load %arg17[%get3A_1315] {strides = array<i32>} : memref<288xf32, #tpu.memory_space<vmem>>, vector<16xf32>,
            %mul3A_1317 = arith.constant 16 : i32
            %mul3A_1318 = arith.muli %select_n3A_1298, %mul3A_1317 : i32
            %get3A_1319 = arith.index_cast %mul3A_1318 : i32 to index
            %get3A_1320 = tpu.vector_load %arg18[%get3A_1319] {strides = array<i32>} : memref<288xi32, #tpu.memory_space<vmem>>, vector<16xi32>,
            %swap3A_1321 = arith.constant 0 : index
            %swap3A_1322 = tpu.vector_load %arg17[%swap3A_1321] {strides = array<i32>} : memref<288xf32, #tpu.memory_space<vmem>>, vector<16xf32>,
            tpu.vector_store %arg17[%swap3A_1321], %get3A_1316 {strides = array<i32>} : memref<288xf32, #tpu.memory_space<vmem>>, vector<16xf32>,
            %swap3A_1323 = arith.constant 0 : index
            %swap3A_1324 = tpu.vector_load %arg18[%swap3A_1323] {strides = array<i32>} : memref<288xi32, #tpu.memory_space<vmem>>, vector<16xi32>,
            tpu.vector_store %arg18[%swap3A_1323], %get3A_1320 {strides = array<i32>} : memref<288xi32, #tpu.memory_space<vmem>>, vector<16xi32>,
            %slice3A_1325 = vector.extract_strided_slice %while3A_1309#2 {offsets = [3], sizes = [1], strides = [1]} : vector<16xf32> to vector<1xf32>
            %squeeze3A_1326 = vector.extract %slice3A_1325[0] : f32 from vector<1xf32>
            %broadcast_in_dim3A_1327 = vector.broadcast %squeeze3A_1326 : f32 to vector<16xf32>
            %broadcast_in_dim3A_1328 = vector.broadcast %sub3A_1312 : i32 to vector<16xi32>
            scf.yield %while3A_1309#0, %while3A_1309#1, %while3A_1309#2, %while3A_1309#3, %broadcast_in_dim3A_1327, %broadcast_in_dim3A_1328 : vector<16xf32>, vector<16xi32>, vector<16xf32>, vector<16xi32>, vector<16xf32>, vector<16xi32>
          }
          %mul3A_383 = arith.constant 16 : i32
          %mul3A_384 = arith.muli %select_n3A_257, %mul3A_383 : i32
          %add3A_385 = arith.addi %min3A_232, %mul3A_384 : i32
          %while3A_386 = arith.subi %max3A_230, %add3A_385 : i32
          %while3A_387 = arith.addi %add3A_385, %while3A_386 : i32
          %while3A_388 = arith.constant 1 : i32
          %while3A_389 = arith.divsi %while3A_386, %while3A_388 : i32
          %while3A_390 = arith.muli %while3A_389, %while3A_388 : i32
          %while3A_391 = arith.addi %add3A_385, %while3A_390 : i32
          %while3A_392 = arith.constant 1 : i32
          %while3A_393 = scf.for %while3A_528 = %add3A_385 to %while3A_391 step %while3A_392 iter_args(%while3A_529 = %while3A_382#5) -> (vector<16xi32>)  : i32 {
            %mul3A_530 = arith.constant 16 : i32
            %mul3A_531 = arith.muli %while3A_528, %mul3A_530 : i32
            %add3A_532 = arith.addi %mul3A_177, %mul3A_531 : i32
            %add3A_533 = arith.addi %add3A_87, %add3A_532 : i32
            %add3A_534 = vector.broadcast %add3A_533 : i32 to vector<16xi32>
            %add3A_535 = arith.addi %add3A_534, %iota3A : vector<16xi32>
            %get3A_536 = arith.index_cast %add3A_532 : i32 to index
            %get3A_537 = tpu.vector_load %arg12[%get3A_536] {strides = array<i32>} : memref<8448xf32, #tpu.memory_space<vmem>>, vector<16xf32>,
            %sub3A_538 = arith.subf %get3A_537, %broadcast_in_dim3A_106 : vector<16xf32>
            %get3A_539 = arith.index_cast %add3A_532 : i32 to index
            %get3A_540 = tpu.vector_load %arg13[%get3A_539] {strides = array<i32>} : memref<8448xf32, #tpu.memory_space<vmem>>, vector<16xf32>,
            %sub3A_541 = arith.subf %get3A_540, %broadcast_in_dim3A_109 : vector<16xf32>
            %get3A_542 = arith.index_cast %add3A_532 : i32 to index
            %get3A_543 = tpu.vector_load %arg14[%get3A_542] {strides = array<i32>} : memref<8448xf32, #tpu.memory_space<vmem>>, vector<16xf32>,
            %sub3A_544 = arith.subf %get3A_543, %broadcast_in_dim3A_112 : vector<16xf32>
            %mul3A_545 = arith.mulf %sub3A_538, %sub3A_538 : vector<16xf32>
            %mul3A_546 = arith.mulf %sub3A_541, %sub3A_541 : vector<16xf32>
            %add3A_547 = arith.addf %mul3A_545, %mul3A_546 : vector<16xf32>
            %mul3A_548 = arith.mulf %sub3A_544, %sub3A_544 : vector<16xf32>
            %add3A_549 = arith.addf %add3A_547, %mul3A_548 : vector<16xf32>
            %lt3A_550 = arith.cmpf olt, %add3A_549, %while3A_382#4 : vector<16xf32>
            %jit3A_551 = arith.constant 1 : i32
            %jit3A_552 = arith.constant 0 : i32
            %broadcast_in_dim3A_553 = vector.broadcast %jit3A_551 : i32 to vector<16xi32>
            %broadcast_in_dim3A_554 = vector.broadcast %jit3A_552 : i32 to vector<16xi32>
            %select_n3A_555 = arith.select %lt3A_550, %broadcast_in_dim3A_553, %broadcast_in_dim3A_554 : vector<16xi1>, vector<16xi32>
            %broadcast_in_dim3A_556 = arith.constant true
            %broadcast_in_dim3A_557 = vector.broadcast %broadcast_in_dim3A_556 : i1 to vector<16xi1>
            %masked_cumsum3A = tpu.scan <sum>, %select_n3A_555 masked %broadcast_in_dim3A_557 : vector<16xi32>, vector<16xi1> -> vector<16xi32>
            %add3A_558 = arith.addi %while3A_529, %masked_cumsum3A : vector<16xi32>
            %sub3A_559 = arith.subi %add3A_558, %select_n3A_555 : vector<16xi32>
            tpu.vector_store_idx %arg17[%sub3A_559], %add3A_549 masked %lt3A_550 : memref<288xf32, #tpu.memory_space<vmem>>[vector<16xi32>], vector<16xf32>, vector<16xi1>
            tpu.vector_store_idx %arg18[%sub3A_559], %add3A_535 masked %lt3A_550 : memref<288xi32, #tpu.memory_space<vmem>>[vector<16xi32>], vector<16xi32>, vector<16xi1>
            %slice3A_560 = vector.extract_strided_slice %masked_cumsum3A {offsets = [15], sizes = [1], strides = [1]} : vector<16xi32> to vector<1xi32>
            %squeeze3A_561 = vector.extract %slice3A_560[0] : i32 from vector<1xi32>
            %broadcast_in_dim3A_562 = vector.broadcast %squeeze3A_561 : i32 to vector<16xi32>
            %add3A_563 = arith.addi %while3A_529, %broadcast_in_dim3A_562 : vector<16xi32>
            scf.yield %add3A_563 : vector<16xi32>
          }
          %while3A_394 = arith.constant 1 : i32
          %while3A_395 = scf.for %while3A_528 = %while3A_391 to %while3A_387 step %while3A_394 iter_args(%while3A_529 = %while3A_393) -> (vector<16xi32>)  : i32 {
            %mul3A_530 = arith.constant 16 : i32
            %mul3A_531 = arith.muli %while3A_528, %mul3A_530 : i32
            %add3A_532 = arith.addi %mul3A_177, %mul3A_531 : i32
            %add3A_533 = arith.addi %add3A_87, %add3A_532 : i32
            %add3A_534 = vector.broadcast %add3A_533 : i32 to vector<16xi32>
            %add3A_535 = arith.addi %add3A_534, %iota3A : vector<16xi32>
            %get3A_536 = arith.index_cast %add3A_532 : i32 to index
            %get3A_537 = tpu.vector_load %arg12[%get3A_536] {strides = array<i32>} : memref<8448xf32, #tpu.memory_space<vmem>>, vector<16xf32>,
            %sub3A_538 = arith.subf %get3A_537, %broadcast_in_dim3A_106 : vector<16xf32>
            %get3A_539 = arith.index_cast %add3A_532 : i32 to index
            %get3A_540 = tpu.vector_load %arg13[%get3A_539] {strides = array<i32>} : memref<8448xf32, #tpu.memory_space<vmem>>, vector<16xf32>,
            %sub3A_541 = arith.subf %get3A_540, %broadcast_in_dim3A_109 : vector<16xf32>
            %get3A_542 = arith.index_cast %add3A_532 : i32 to index
            %get3A_543 = tpu.vector_load %arg14[%get3A_542] {strides = array<i32>} : memref<8448xf32, #tpu.memory_space<vmem>>, vector<16xf32>,
            %sub3A_544 = arith.subf %get3A_543, %broadcast_in_dim3A_112 : vector<16xf32>
            %mul3A_545 = arith.mulf %sub3A_538, %sub3A_538 : vector<16xf32>
            %mul3A_546 = arith.mulf %sub3A_541, %sub3A_541 : vector<16xf32>
            %add3A_547 = arith.addf %mul3A_545, %mul3A_546 : vector<16xf32>
            %mul3A_548 = arith.mulf %sub3A_544, %sub3A_544 : vector<16xf32>
            %add3A_549 = arith.addf %add3A_547, %mul3A_548 : vector<16xf32>
            %lt3A_550 = arith.cmpf olt, %add3A_549, %while3A_382#4 : vector<16xf32>
            %jit3A_551 = arith.constant 1 : i32
            %jit3A_552 = arith.constant 0 : i32
            %broadcast_in_dim3A_553 = vector.broadcast %jit3A_551 : i32 to vector<16xi32>
            %broadcast_in_dim3A_554 = vector.broadcast %jit3A_552 : i32 to vector<16xi32>
            %select_n3A_555 = arith.select %lt3A_550, %broadcast_in_dim3A_553, %broadcast_in_dim3A_554 : vector<16xi1>, vector<16xi32>
            %broadcast_in_dim3A_556 = arith.constant true
            %broadcast_in_dim3A_557 = vector.broadcast %broadcast_in_dim3A_556 : i1 to vector<16xi1>
            %masked_cumsum3A = tpu.scan <sum>, %select_n3A_555 masked %broadcast_in_dim3A_557 : vector<16xi32>, vector<16xi1> -> vector<16xi32>
            %add3A_558 = arith.addi %while3A_529, %masked_cumsum3A : vector<16xi32>
            %sub3A_559 = arith.subi %add3A_558, %select_n3A_555 : vector<16xi32>
            tpu.vector_store_idx %arg17[%sub3A_559], %add3A_549 masked %lt3A_550 : memref<288xf32, #tpu.memory_space<vmem>>[vector<16xi32>], vector<16xf32>, vector<16xi1>
            tpu.vector_store_idx %arg18[%sub3A_559], %add3A_535 masked %lt3A_550 : memref<288xi32, #tpu.memory_space<vmem>>[vector<16xi32>], vector<16xi32>, vector<16xi1>
            %slice3A_560 = vector.extract_strided_slice %masked_cumsum3A {offsets = [15], sizes = [1], strides = [1]} : vector<16xi32> to vector<1xi32>
            %squeeze3A_561 = vector.extract %slice3A_560[0] : i32 from vector<1xi32>
            %broadcast_in_dim3A_562 = vector.broadcast %squeeze3A_561 : i32 to vector<16xi32>
            %add3A_563 = arith.addi %while3A_529, %broadcast_in_dim3A_562 : vector<16xi32>
            scf.yield %add3A_563 : vector<16xi32>
          }
          %slice3A_396 = vector.extract_strided_slice %while3A_395 {offsets = [0], sizes = [1], strides = [1]} : vector<16xi32> to vector<1xi32>
          %squeeze3A_397 = vector.extract %slice3A_396[0] : i32 from vector<1xi32>
          %jit3A_398 = arith.constant 16 : i32
          %div3A_399 = arith.divsi %squeeze3A_397, %jit3A_398 : i32
          %sign3A_400 = arith.constant 0 : i32
          %sign3A_401 = arith.cmpi sgt, %squeeze3A_397, %sign3A_400 : i32
          %sign3A_402 = arith.extui %sign3A_401 : i1 to i32
          %sign3A_403 = arith.constant 0 : i32
          %sign3A_404 = arith.cmpi slt, %squeeze3A_397, %sign3A_403 : i32
          %sign3A_405 = arith.extui %sign3A_404 : i1 to i32
          %sign3A_406 = arith.subi %sign3A_402, %sign3A_405 : i32
          %sign3A_407 = arith.constant 0 : i32
          %sign3A_408 = arith.cmpi sgt, %jit3A_398, %sign3A_407 : i32
          %sign3A_409 = arith.extui %sign3A_408 : i1 to i32
          %sign3A_410 = arith.constant 0 : i32
          %sign3A_411 = arith.cmpi slt, %jit3A_398, %sign3A_410 : i32
          %sign3A_412 = arith.extui %sign3A_411 : i1 to i32
          %sign3A_413 = arith.subi %sign3A_409, %sign3A_412 : i32
          %ne3A_414 = arith.cmpi ne, %sign3A_406, %sign3A_413 : i32
          %rem3A_415 = arith.remsi %squeeze3A_397, %jit3A_398 : i32
          %ne3A_416 = arith.constant 0 : i32
          %ne3A_417 = arith.cmpi ne, %rem3A_415, %ne3A_416 : i32
          %and3A_418 = arith.andi %ne3A_414, %ne3A_417 : i1
          %sub3A_419 = arith.constant 1 : i32
          %sub3A_420 = arith.subi %div3A_399, %sub3A_419 : i32
          %select_n3A_421 = arith.select %and3A_418, %sub3A_420, %div3A_399 : i32
          %while3A_422 = arith.constant 0 : i32
          %while3A_423 = arith.subi %select_n3A_421, %while3A_422 : i32
          %while3A_424 = arith.addi %while3A_422, %while3A_423 : i32
          %while3A_425 = arith.constant 1 : i32
          %while3A_426 = arith.divsi %while3A_423, %while3A_425 : i32
          %while3A_427 = arith.muli %while3A_426, %while3A_425 : i32
          %while3A_428 = arith.addi %while3A_422, %while3A_427 : i32
          %while3A_429 = arith.constant 1 : i32
          %while3A_430:4 = scf.for %while3A_528 = %while3A_422 to %while3A_428 step %while3A_429 iter_args(%while3A_529 = %while3A_382#0, %while3A_530 = %while3A_382#1, %while3A_531 = %while3A_382#2, %while3A_532 = %while3A_382#3) -> (vector<16xf32>, vector<16xi32>, vector<16xf32>, vector<16xi32>)  : i32 {
            %mul3A_533 = arith.constant 16 : i32
            %mul3A_534 = arith.muli %while3A_528, %mul3A_533 : i32
            %get3A_535 = arith.index_cast %mul3A_534 : i32 to index
            %get3A_536 = tpu.vector_load %arg17[%get3A_535] {strides = array<i32>} : memref<288xf32, #tpu.memory_space<vmem>>, vector<16xf32>,
            %mul3A_537 = arith.constant 16 : i32
            %mul3A_538 = arith.muli %while3A_528, %mul3A_537 : i32
            %get3A_539 = arith.index_cast %mul3A_538 : i32 to index
            %get3A_540 = tpu.vector_load %arg18[%get3A_539] {strides = array<i32>} : memref<288xi32, #tpu.memory_space<vmem>>, vector<16xi32>,
            %masked_sort3A_541 = arith.constant dense<true> : vector<16xi1>
            %masked_sort3A_542, %masked_sort3A_543, %masked_sort3A_544 = tpu.sort %get3A_536, %get3A_540 masked %masked_sort3A_541 : (vector<16xf32>, vector<16xi32>, vector<16xi1>) -> (vector<16xi1>, vector<16xf32>, vector<16xi32>)
            %rev3A_545 = arith.constant 15 : i32
            %rev3A_546 = vector.broadcast %rev3A_545 : i32 to vector<16xi32>
            %rev3A_547 = tpu.iota {dimensions = array<i32: 0>} : vector<16xi32>
            %rev3A_548 = arith.subi %rev3A_546, %rev3A_547 : vector<16xi32>
            %rev3A_549 = tpu.dynamic_gather %masked_sort3A_543[%rev3A_548] in [0] : vector<16xf32>, vector<16xi32> -> vector<16xf32>
            %rev3A_550 = arith.constant 15 : i32
            %rev3A_551 = vector.broadcast %rev3A_550 : i32 to vector<16xi32>
            %rev3A_552 = tpu.iota {dimensions = array<i32: 0>} : vector<16xi32>
            %rev3A_553 = arith.subi %rev3A_551, %rev3A_552 : vector<16xi32>
            %rev3A_554 = tpu.dynamic_gather %masked_sort3A_544[%rev3A_553] in [0] : vector<16xi32>, vector<16xi32> -> vector<16xi32>
            %le3A_555 = arith.cmpf ole, %while3A_531, %rev3A_549 : vector<16xf32>
            %select_n3A_556 = arith.select %le3A_555, %while3A_531, %rev3A_549 : vector<16xi1>, vector<16xf32>
            %select_n3A_557 = arith.select %le3A_555, %while3A_532, %rev3A_554 : vector<16xi1>, vector<16xi32>
            %masked_sort3A_558 = arith.constant dense<true> : vector<16xi1>
            %masked_sort3A_559, %masked_sort3A_560, %masked_sort3A_561 = tpu.sort %select_n3A_556, %select_n3A_557 masked %masked_sort3A_558 : (vector<16xf32>, vector<16xi32>, vector<16xi1>) -> (vector<16xi1>, vector<16xf32>, vector<16xi32>)
            %rev3A_562 = arith.constant 15 : i32
            %rev3A_563 = vector.broadcast %rev3A_562 : i32 to vector<16xi32>
            %rev3A_564 = tpu.iota {dimensions = array<i32: 0>} : vector<16xi32>
            %rev3A_565 = arith.subi %rev3A_563, %rev3A_564 : vector<16xi32>
            %rev3A_566 = tpu.dynamic_gather %masked_sort3A_560[%rev3A_565] in [0] : vector<16xf32>, vector<16xi32> -> vector<16xf32>
            %rev3A_567 = arith.constant 15 : i32
            %rev3A_568 = vector.broadcast %rev3A_567 : i32 to vector<16xi32>
            %rev3A_569 = tpu.iota {dimensions = array<i32: 0>} : vector<16xi32>
            %rev3A_570 = arith.subi %rev3A_568, %rev3A_569 : vector<16xi32>
            %rev3A_571 = tpu.dynamic_gather %masked_sort3A_561[%rev3A_570] in [0] : vector<16xi32>, vector<16xi32> -> vector<16xi32>
            %le3A_572 = arith.cmpf ole, %while3A_529, %rev3A_566 : vector<16xf32>
            %select_n3A_573 = arith.select %le3A_572, %while3A_529, %rev3A_566 : vector<16xi1>, vector<16xf32>
            %select_n3A_574 = arith.select %le3A_572, %while3A_530, %rev3A_571 : vector<16xi1>, vector<16xi32>
            %select_n3A_575 = arith.select %le3A_572, %rev3A_566, %while3A_529 : vector<16xi1>, vector<16xf32>
            %select_n3A_576 = arith.select %le3A_572, %rev3A_571, %while3A_530 : vector<16xi1>, vector<16xi32>
            %masked_sort3A_577 = arith.constant dense<true> : vector<16xi1>
            %masked_sort3A_578, %masked_sort3A_579, %masked_sort3A_580 = tpu.sort %select_n3A_573, %select_n3A_574 masked %masked_sort3A_577 : (vector<16xf32>, vector<16xi32>, vector<16xi1>) -> (vector<16xi1>, vector<16xf32>, vector<16xi32>)
            %masked_sort3A_581 = arith.constant dense<true> : vector<16xi1>
            %masked_sort3A_582, %masked_sort3A_583, %masked_sort3A_584 = tpu.sort %select_n3A_575, %select_n3A_576 masked %masked_sort3A_581 : (vector<16xf32>, vector<16xi32>, vector<16xi1>) -> (vector<16xi1>, vector<16xf32>, vector<16xi32>)
            scf.yield %masked_sort3A_579, %masked_sort3A_580, %masked_sort3A_583, %masked_sort3A_584 : vector<16xf32>, vector<16xi32>, vector<16xf32>, vector<16xi32>
          }
          %while3A_431 = arith.constant 1 : i32
          %while3A_432:4 = scf.for %while3A_528 = %while3A_428 to %while3A_424 step %while3A_431 iter_args(%while3A_529 = %while3A_430#0, %while3A_530 = %while3A_430#1, %while3A_531 = %while3A_430#2, %while3A_532 = %while3A_430#3) -> (vector<16xf32>, vector<16xi32>, vector<16xf32>, vector<16xi32>)  : i32 {
            %mul3A_533 = arith.constant 16 : i32
            %mul3A_534 = arith.muli %while3A_528, %mul3A_533 : i32
            %get3A_535 = arith.index_cast %mul3A_534 : i32 to index
            %get3A_536 = tpu.vector_load %arg17[%get3A_535] {strides = array<i32>} : memref<288xf32, #tpu.memory_space<vmem>>, vector<16xf32>,
            %mul3A_537 = arith.constant 16 : i32
            %mul3A_538 = arith.muli %while3A_528, %mul3A_537 : i32
            %get3A_539 = arith.index_cast %mul3A_538 : i32 to index
            %get3A_540 = tpu.vector_load %arg18[%get3A_539] {strides = array<i32>} : memref<288xi32, #tpu.memory_space<vmem>>, vector<16xi32>,
            %masked_sort3A_541 = arith.constant dense<true> : vector<16xi1>
            %masked_sort3A_542, %masked_sort3A_543, %masked_sort3A_544 = tpu.sort %get3A_536, %get3A_540 masked %masked_sort3A_541 : (vector<16xf32>, vector<16xi32>, vector<16xi1>) -> (vector<16xi1>, vector<16xf32>, vector<16xi32>)
            %rev3A_545 = arith.constant 15 : i32
            %rev3A_546 = vector.broadcast %rev3A_545 : i32 to vector<16xi32>
            %rev3A_547 = tpu.iota {dimensions = array<i32: 0>} : vector<16xi32>
            %rev3A_548 = arith.subi %rev3A_546, %rev3A_547 : vector<16xi32>
            %rev3A_549 = tpu.dynamic_gather %masked_sort3A_543[%rev3A_548] in [0] : vector<16xf32>, vector<16xi32> -> vector<16xf32>
            %rev3A_550 = arith.constant 15 : i32
            %rev3A_551 = vector.broadcast %rev3A_550 : i32 to vector<16xi32>
            %rev3A_552 = tpu.iota {dimensions = array<i32: 0>} : vector<16xi32>
            %rev3A_553 = arith.subi %rev3A_551, %rev3A_552 : vector<16xi32>
            %rev3A_554 = tpu.dynamic_gather %masked_sort3A_544[%rev3A_553] in [0] : vector<16xi32>, vector<16xi32> -> vector<16xi32>
            %le3A_555 = arith.cmpf ole, %while3A_531, %rev3A_549 : vector<16xf32>
            %select_n3A_556 = arith.select %le3A_555, %while3A_531, %rev3A_549 : vector<16xi1>, vector<16xf32>
            %select_n3A_557 = arith.select %le3A_555, %while3A_532, %rev3A_554 : vector<16xi1>, vector<16xi32>
            %masked_sort3A_558 = arith.constant dense<true> : vector<16xi1>
            %masked_sort3A_559, %masked_sort3A_560, %masked_sort3A_561 = tpu.sort %select_n3A_556, %select_n3A_557 masked %masked_sort3A_558 : (vector<16xf32>, vector<16xi32>, vector<16xi1>) -> (vector<16xi1>, vector<16xf32>, vector<16xi32>)
            %rev3A_562 = arith.constant 15 : i32
            %rev3A_563 = vector.broadcast %rev3A_562 : i32 to vector<16xi32>
            %rev3A_564 = tpu.iota {dimensions = array<i32: 0>} : vector<16xi32>
            %rev3A_565 = arith.subi %rev3A_563, %rev3A_564 : vector<16xi32>
            %rev3A_566 = tpu.dynamic_gather %masked_sort3A_560[%rev3A_565] in [0] : vector<16xf32>, vector<16xi32> -> vector<16xf32>
            %rev3A_567 = arith.constant 15 : i32
            %rev3A_568 = vector.broadcast %rev3A_567 : i32 to vector<16xi32>
            %rev3A_569 = tpu.iota {dimensions = array<i32: 0>} : vector<16xi32>
            %rev3A_570 = arith.subi %rev3A_568, %rev3A_569 : vector<16xi32>
            %rev3A_571 = tpu.dynamic_gather %masked_sort3A_561[%rev3A_570] in [0] : vector<16xi32>, vector<16xi32> -> vector<16xi32>
            %le3A_572 = arith.cmpf ole, %while3A_529, %rev3A_566 : vector<16xf32>
            %select_n3A_573 = arith.select %le3A_572, %while3A_529, %rev3A_566 : vector<16xi1>, vector<16xf32>
            %select_n3A_574 = arith.select %le3A_572, %while3A_530, %rev3A_571 : vector<16xi1>, vector<16xi32>
            %select_n3A_575 = arith.select %le3A_572, %rev3A_566, %while3A_529 : vector<16xi1>, vector<16xf32>
            %select_n3A_576 = arith.select %le3A_572, %rev3A_571, %while3A_530 : vector<16xi1>, vector<16xi32>
            %masked_sort3A_577 = arith.constant dense<true> : vector<16xi1>
            %masked_sort3A_578, %masked_sort3A_579, %masked_sort3A_580 = tpu.sort %select_n3A_573, %select_n3A_574 masked %masked_sort3A_577 : (vector<16xf32>, vector<16xi32>, vector<16xi1>) -> (vector<16xi1>, vector<16xf32>, vector<16xi32>)
            %masked_sort3A_581 = arith.constant dense<true> : vector<16xi1>
            %masked_sort3A_582, %masked_sort3A_583, %masked_sort3A_584 = tpu.sort %select_n3A_575, %select_n3A_576 masked %masked_sort3A_581 : (vector<16xf32>, vector<16xi32>, vector<16xi1>) -> (vector<16xi1>, vector<16xf32>, vector<16xi32>)
            scf.yield %masked_sort3A_579, %masked_sort3A_580, %masked_sort3A_583, %masked_sort3A_584 : vector<16xf32>, vector<16xi32>, vector<16xf32>, vector<16xi32>
          }
          %mul3A_433 = arith.constant 16 : i32
          %mul3A_434 = arith.muli %select_n3A_421, %mul3A_433 : i32
          %sub3A_435 = arith.subi %squeeze3A_397, %mul3A_434 : i32
          %mul3A_436 = arith.constant 16 : i32
          %mul3A_437 = arith.muli %select_n3A_421, %mul3A_436 : i32
          %get3A_438 = arith.index_cast %mul3A_437 : i32 to index
          %get3A_439 = tpu.vector_load %arg17[%get3A_438] {strides = array<i32>} : memref<288xf32, #tpu.memory_space<vmem>>, vector<16xf32>,
          %mul3A_440 = arith.constant 16 : i32
          %mul3A_441 = arith.muli %select_n3A_421, %mul3A_440 : i32
          %get3A_442 = arith.index_cast %mul3A_441 : i32 to index
          %get3A_443 = tpu.vector_load %arg18[%get3A_442] {strides = array<i32>} : memref<288xi32, #tpu.memory_space<vmem>>, vector<16xi32>,
          %swap3A_444 = arith.constant 0 : index
          %swap3A_445 = tpu.vector_load %arg17[%swap3A_444] {strides = array<i32>} : memref<288xf32, #tpu.memory_space<vmem>>, vector<16xf32>,
          tpu.vector_store %arg17[%swap3A_444], %get3A_439 {strides = array<i32>} : memref<288xf32, #tpu.memory_space<vmem>>, vector<16xf32>,
          %swap3A_446 = arith.constant 0 : index
          %swap3A_447 = tpu.vector_load %arg18[%swap3A_446] {strides = array<i32>} : memref<288xi32, #tpu.memory_space<vmem>>, vector<16xi32>,
          tpu.vector_store %arg18[%swap3A_446], %get3A_443 {strides = array<i32>} : memref<288xi32, #tpu.memory_space<vmem>>, vector<16xi32>,
          %slice3A_448 = vector.extract_strided_slice %while3A_432#2 {offsets = [3], sizes = [1], strides = [1]} : vector<16xf32> to vector<1xf32>
          %squeeze3A_449 = vector.extract %slice3A_448[0] : f32 from vector<1xf32>
          %broadcast_in_dim3A_450 = vector.broadcast %squeeze3A_449 : f32 to vector<16xf32>
          %broadcast_in_dim3A_451 = vector.broadcast %sub3A_435 : i32 to vector<16xi32>
          %slice3A_452 = vector.extract_strided_slice %broadcast_in_dim3A_451 {offsets = [0], sizes = [1], strides = [1]} : vector<16xi32> to vector<1xi32>
          %squeeze3A_453 = vector.extract %slice3A_452[0] : i32 from vector<1xi32>
          %broadcast_in_dim3A_454 = vector.broadcast %squeeze3A_453 : i32 to vector<16xi32>
          %lt3A_455 = arith.cmpi slt, %iota3A, %broadcast_in_dim3A_454 : vector<16xi32>
          %get3A_456 = arith.constant 0 : index
          %get3A_457 = tpu.vector_load %arg17[%get3A_456] {strides = array<i32>} : memref<288xf32, #tpu.memory_space<vmem>>, vector<16xf32>,
          %jit3A_458 = arith.constant 0x7F800000 : f32
          %broadcast_in_dim3A_459 = vector.broadcast %jit3A_458 : f32 to vector<16xf32>
          %select_n3A_460 = arith.select %lt3A_455, %get3A_457, %broadcast_in_dim3A_459 : vector<16xi1>, vector<16xf32>
          %get3A_461 = arith.constant 0 : index
          %get3A_462 = tpu.vector_load %arg18[%get3A_461] {strides = array<i32>} : memref<288xi32, #tpu.memory_space<vmem>>, vector<16xi32>,
          %jit3A_463 = arith.constant 0 : i32
          %broadcast_in_dim3A_464 = vector.broadcast %jit3A_463 : i32 to vector<16xi32>
          %select_n3A_465 = arith.select %lt3A_455, %get3A_462, %broadcast_in_dim3A_464 : vector<16xi1>, vector<16xi32>
          %masked_sort3A = arith.constant dense<true> : vector<16xi1>
          %masked_sort3A_466, %masked_sort3A_467, %masked_sort3A_468 = tpu.sort %select_n3A_460, %select_n3A_465 masked %masked_sort3A : (vector<16xf32>, vector<16xi32>, vector<16xi1>) -> (vector<16xi1>, vector<16xf32>, vector<16xi32>)
          %rev3A = arith.constant 15 : i32
          %rev3A_469 = vector.broadcast %rev3A : i32 to vector<16xi32>
          %rev3A_470 = tpu.iota {dimensions = array<i32: 0>} : vector<16xi32>
          %rev3A_471 = arith.subi %rev3A_469, %rev3A_470 : vector<16xi32>
          %rev3A_472 = tpu.dynamic_gather %masked_sort3A_467[%rev3A_471] in [0] : vector<16xf32>, vector<16xi32> -> vector<16xf32>
          %rev3A_473 = arith.constant 15 : i32
          %rev3A_474 = vector.broadcast %rev3A_473 : i32 to vector<16xi32>
          %rev3A_475 = tpu.iota {dimensions = array<i32: 0>} : vector<16xi32>
          %rev3A_476 = arith.subi %rev3A_474, %rev3A_475 : vector<16xi32>
          %rev3A_477 = tpu.dynamic_gather %masked_sort3A_468[%rev3A_476] in [0] : vector<16xi32>, vector<16xi32> -> vector<16xi32>
          %le3A = arith.cmpf ole, %while3A_432#2, %rev3A_472 : vector<16xf32>
          %select_n3A_478 = arith.select %le3A, %while3A_432#2, %rev3A_472 : vector<16xi1>, vector<16xf32>
          %select_n3A_479 = arith.select %le3A, %while3A_432#3, %rev3A_477 : vector<16xi1>, vector<16xi32>
          %masked_sort3A_480 = arith.constant dense<true> : vector<16xi1>
          %masked_sort3A_481, %masked_sort3A_482, %masked_sort3A_483 = tpu.sort %select_n3A_478, %select_n3A_479 masked %masked_sort3A_480 : (vector<16xf32>, vector<16xi32>, vector<16xi1>) -> (vector<16xi1>, vector<16xf32>, vector<16xi32>)
          %rev3A_484 = arith.constant 15 : i32
          %rev3A_485 = vector.broadcast %rev3A_484 : i32 to vector<16xi32>
          %rev3A_486 = tpu.iota {dimensions = array<i32: 0>} : vector<16xi32>
          %rev3A_487 = arith.subi %rev3A_485, %rev3A_486 : vector<16xi32>
          %rev3A_488 = tpu.dynamic_gather %masked_sort3A_482[%rev3A_487] in [0] : vector<16xf32>, vector<16xi32> -> vector<16xf32>
          %rev3A_489 = arith.constant 15 : i32
          %rev3A_490 = vector.broadcast %rev3A_489 : i32 to vector<16xi32>
          %rev3A_491 = tpu.iota {dimensions = array<i32: 0>} : vector<16xi32>
          %rev3A_492 = arith.subi %rev3A_490, %rev3A_491 : vector<16xi32>
          %rev3A_493 = tpu.dynamic_gather %masked_sort3A_483[%rev3A_492] in [0] : vector<16xi32>, vector<16xi32> -> vector<16xi32>
          %le3A_494 = arith.cmpf ole, %while3A_432#0, %rev3A_488 : vector<16xf32>
          %select_n3A_495 = arith.select %le3A_494, %while3A_432#0, %rev3A_488 : vector<16xi1>, vector<16xf32>
          %select_n3A_496 = arith.select %le3A_494, %while3A_432#1, %rev3A_493 : vector<16xi1>, vector<16xi32>
          %select_n3A_497 = arith.select %le3A_494, %rev3A_488, %while3A_432#0 : vector<16xi1>, vector<16xf32>
          %select_n3A_498 = arith.select %le3A_494, %rev3A_493, %while3A_432#1 : vector<16xi1>, vector<16xi32>
          %masked_sort3A_499 = arith.constant dense<true> : vector<16xi1>
          %masked_sort3A_500, %masked_sort3A_501, %masked_sort3A_502 = tpu.sort %select_n3A_495, %select_n3A_496 masked %masked_sort3A_499 : (vector<16xf32>, vector<16xi32>, vector<16xi1>) -> (vector<16xi1>, vector<16xf32>, vector<16xi32>)
          %masked_sort3A_503 = arith.constant dense<true> : vector<16xi1>
          %masked_sort3A_504, %masked_sort3A_505, %masked_sort3A_506 = tpu.sort %select_n3A_497, %select_n3A_498 masked %masked_sort3A_503 : (vector<16xf32>, vector<16xi32>, vector<16xi1>) -> (vector<16xi1>, vector<16xf32>, vector<16xi32>)
          %mul3A_507 = arith.constant 32 : i32
          %mul3A_508 = arith.muli %mul3A_507, %scan3A_98 : i32
          %swap3A_509 = arith.index_cast %mul3A_508 : i32 to index
          %swap3A_510 = tpu.vector_load %arg15[%swap3A_509] {strides = array<i32>} : memref<12544xf32, #tpu.memory_space<vmem>>, vector<16xf32>,
          tpu.vector_store %arg15[%swap3A_509], %masked_sort3A_501 {strides = array<i32>} : memref<12544xf32, #tpu.memory_space<vmem>>, vector<16xf32>,
          %mul3A_511 = arith.constant 32 : i32
          %mul3A_512 = arith.muli %mul3A_511, %scan3A_98 : i32
          %add3A_513 = arith.constant 16 : i32
          %add3A_514 = arith.addi %mul3A_512, %add3A_513 : i32
          %swap3A_515 = arith.index_cast %add3A_514 : i32 to index
          %swap3A_516 = tpu.vector_load %arg15[%swap3A_515] {strides = array<i32>} : memref<12544xf32, #tpu.memory_space<vmem>>, vector<16xf32>,
          tpu.vector_store %arg15[%swap3A_515], %masked_sort3A_505 {strides = array<i32>} : memref<12544xf32, #tpu.memory_space<vmem>>, vector<16xf32>,
          %mul3A_517 = arith.constant 32 : i32
          %mul3A_518 = arith.muli %mul3A_517, %scan3A_98 : i32
          %swap3A_519 = arith.index_cast %mul3A_518 : i32 to index
          %swap3A_520 = tpu.vector_load %arg16[%swap3A_519] {strides = array<i32>} : memref<12544xi32, #tpu.memory_space<vmem>>, vector<16xi32>,
          tpu.vector_store %arg16[%swap3A_519], %masked_sort3A_502 {strides = array<i32>} : memref<12544xi32, #tpu.memory_space<vmem>>, vector<16xi32>,
          %mul3A_521 = arith.constant 32 : i32
          %mul3A_522 = arith.muli %mul3A_521, %scan3A_98 : i32
          %add3A_523 = arith.constant 16 : i32
          %add3A_524 = arith.addi %mul3A_522, %add3A_523 : i32
          %swap3A_525 = arith.index_cast %add3A_524 : i32 to index
          %swap3A_526 = tpu.vector_load %arg16[%swap3A_525] {strides = array<i32>} : memref<12544xi32, #tpu.memory_space<vmem>>, vector<16xi32>,
          tpu.vector_store %arg16[%swap3A_525], %masked_sort3A_506 {strides = array<i32>} : memref<12544xi32, #tpu.memory_space<vmem>>, vector<16xi32>,
          %scan3A_527 = arith.constant 0 : i32
          scf.yield %scan3A_527 : i32
        }
        %scan3A_97 = arith.constant 392 : i32
      }
      %while3A_80 = arith.constant 1 : i32
      scf.for %while3A_84 = %while3A_78 to %while3A_74 step %while3A_80  : i32 {
        %mul3A_85 = arith.constant 8192 : i32
        %mul3A_86 = arith.muli %while3A_84, %mul3A_85 : i32
        %add3A_87 = arith.addi %mul3A_43, %mul3A_86 : i32
        %add3A_88 = arith.constant 8192 : i32
        %add3A_89 = arith.addi %add3A_87, %add3A_88 : i32
        "tpu.region"() ({
          %run_scoped3A = tpu.sem_alloc : memref<!tpu.dma_semaphore, #tpu.memory_space<semaphore_mem>>
          %dma_start3A = arith.constant 0 : i32
          %dma_start3A_98 = tpu.memref_slice %arg12[%dma_start3A] : memref<8448xf32, #tpu.memory_space<vmem>> -> memref<8448xf32, #tpu.memory_space<vmem>>
          %dma_start3A_99 = tpu.memref_slice %arg3[%add3A_87] : memref<58448xf32, #tpu.memory_space<hbm>> -> memref<8448xf32, #tpu.memory_space<hbm>>
          %dma_start3A_100 = arith.constant 0 : i32
          %dma_start3A_101 = tpu.memref_slice %arg12[%dma_start3A_100] : memref<8448xf32, #tpu.memory_space<vmem>> -> memref<8448xf32, #tpu.memory_space<vmem>>
          %dma_start3A_102 = tpu.memref_slice %arg3[%add3A_87] : memref<58448xf32, #tpu.memory_space<hbm>> -> memref<8448xf32, #tpu.memory_space<hbm>>
          tpu.enqueue_dma source(%dma_start3A_102 : memref<8448xf32, #tpu.memory_space<hbm>>) target(%dma_start3A_101 : memref<8448xf32, #tpu.memory_space<vmem>>) target_semaphore(%run_scoped3A : memref<!tpu.dma_semaphore, #tpu.memory_space<semaphore_mem>>)
          %dma_wait3A = arith.constant 0 : i32
          %dma_wait3A_103 = tpu.memref_slice %arg12[%dma_wait3A] : memref<8448xf32, #tpu.memory_space<vmem>> -> memref<8448xf32, #tpu.memory_space<vmem>>
          %dma_wait3A_104 = tpu.memref_slice %arg3[%add3A_87] : memref<58448xf32, #tpu.memory_space<hbm>> -> memref<8448xf32, #tpu.memory_space<hbm>>
          %dma_wait3A_105 = arith.constant 0 : i32
          %dma_wait3A_106 = tpu.memref_slice %arg12[%dma_wait3A_105] : memref<8448xf32, #tpu.memory_space<vmem>> -> memref<8448xf32, #tpu.memory_space<vmem>>
          %dma_wait3A_107 = tpu.memref_slice %arg3[%add3A_87] : memref<58448xf32, #tpu.memory_space<hbm>> -> memref<8448xf32, #tpu.memory_space<hbm>>
          tpu.wait_dma2 semaphore(%run_scoped3A : memref<!tpu.dma_semaphore, #tpu.memory_space<semaphore_mem>>) src(%dma_wait3A_107 : memref<8448xf32, #tpu.memory_space<hbm>>) dst(%dma_wait3A_106 : memref<8448xf32, #tpu.memory_space<vmem>>)
          tpu.yield
        }) : () -> ()
        "tpu.region"() ({
          %run_scoped3A = tpu.sem_alloc : memref<!tpu.dma_semaphore, #tpu.memory_space<semaphore_mem>>
          %dma_start3A = arith.constant 0 : i32
          %dma_start3A_98 = tpu.memref_slice %arg13[%dma_start3A] : memref<8448xf32, #tpu.memory_space<vmem>> -> memref<8448xf32, #tpu.memory_space<vmem>>
          %dma_start3A_99 = tpu.memref_slice %arg4[%add3A_87] : memref<58448xf32, #tpu.memory_space<hbm>> -> memref<8448xf32, #tpu.memory_space<hbm>>
          %dma_start3A_100 = arith.constant 0 : i32
          %dma_start3A_101 = tpu.memref_slice %arg13[%dma_start3A_100] : memref<8448xf32, #tpu.memory_space<vmem>> -> memref<8448xf32, #tpu.memory_space<vmem>>
          %dma_start3A_102 = tpu.memref_slice %arg4[%add3A_87] : memref<58448xf32, #tpu.memory_space<hbm>> -> memref<8448xf32, #tpu.memory_space<hbm>>
          tpu.enqueue_dma source(%dma_start3A_102 : memref<8448xf32, #tpu.memory_space<hbm>>) target(%dma_start3A_101 : memref<8448xf32, #tpu.memory_space<vmem>>) target_semaphore(%run_scoped3A : memref<!tpu.dma_semaphore, #tpu.memory_space<semaphore_mem>>)
          %dma_wait3A = arith.constant 0 : i32
          %dma_wait3A_103 = tpu.memref_slice %arg13[%dma_wait3A] : memref<8448xf32, #tpu.memory_space<vmem>> -> memref<8448xf32, #tpu.memory_space<vmem>>
          %dma_wait3A_104 = tpu.memref_slice %arg4[%add3A_87] : memref<58448xf32, #tpu.memory_space<hbm>> -> memref<8448xf32, #tpu.memory_space<hbm>>
          %dma_wait3A_105 = arith.constant 0 : i32
          %dma_wait3A_106 = tpu.memref_slice %arg13[%dma_wait3A_105] : memref<8448xf32, #tpu.memory_space<vmem>> -> memref<8448xf32, #tpu.memory_space<vmem>>
          %dma_wait3A_107 = tpu.memref_slice %arg4[%add3A_87] : memref<58448xf32, #tpu.memory_space<hbm>> -> memref<8448xf32, #tpu.memory_space<hbm>>
          tpu.wait_dma2 semaphore(%run_scoped3A : memref<!tpu.dma_semaphore, #tpu.memory_space<semaphore_mem>>) src(%dma_wait3A_107 : memref<8448xf32, #tpu.memory_space<hbm>>) dst(%dma_wait3A_106 : memref<8448xf32, #tpu.memory_space<vmem>>)
          tpu.yield
        }) : () -> ()
        "tpu.region"() ({
          %run_scoped3A = tpu.sem_alloc : memref<!tpu.dma_semaphore, #tpu.memory_space<semaphore_mem>>
          %dma_start3A = arith.constant 0 : i32
          %dma_start3A_98 = tpu.memref_slice %arg14[%dma_start3A] : memref<8448xf32, #tpu.memory_space<vmem>> -> memref<8448xf32, #tpu.memory_space<vmem>>
          %dma_start3A_99 = tpu.memref_slice %arg5[%add3A_87] : memref<58448xf32, #tpu.memory_space<hbm>> -> memref<8448xf32, #tpu.memory_space<hbm>>
          %dma_start3A_100 = arith.constant 0 : i32
          %dma_start3A_101 = tpu.memref_slice %arg14[%dma_start3A_100] : memref<8448xf32, #tpu.memory_space<vmem>> -> memref<8448xf32, #tpu.memory_space<vmem>>
          %dma_start3A_102 = tpu.memref_slice %arg5[%add3A_87] : memref<58448xf32, #tpu.memory_space<hbm>> -> memref<8448xf32, #tpu.memory_space<hbm>>
          tpu.enqueue_dma source(%dma_start3A_102 : memref<8448xf32, #tpu.memory_space<hbm>>) target(%dma_start3A_101 : memref<8448xf32, #tpu.memory_space<vmem>>) target_semaphore(%run_scoped3A : memref<!tpu.dma_semaphore, #tpu.memory_space<semaphore_mem>>)
          %dma_wait3A = arith.constant 0 : i32
          %dma_wait3A_103 = tpu.memref_slice %arg14[%dma_wait3A] : memref<8448xf32, #tpu.memory_space<vmem>> -> memref<8448xf32, #tpu.memory_space<vmem>>
          %dma_wait3A_104 = tpu.memref_slice %arg5[%add3A_87] : memref<58448xf32, #tpu.memory_space<hbm>> -> memref<8448xf32, #tpu.memory_space<hbm>>
          %dma_wait3A_105 = arith.constant 0 : i32
          %dma_wait3A_106 = tpu.memref_slice %arg14[%dma_wait3A_105] : memref<8448xf32, #tpu.memory_space<vmem>> -> memref<8448xf32, #tpu.memory_space<vmem>>
          %dma_wait3A_107 = tpu.memref_slice %arg5[%add3A_87] : memref<58448xf32, #tpu.memory_space<hbm>> -> memref<8448xf32, #tpu.memory_space<hbm>>
          tpu.wait_dma2 semaphore(%run_scoped3A : memref<!tpu.dma_semaphore, #tpu.memory_space<semaphore_mem>>) src(%dma_wait3A_107 : memref<8448xf32, #tpu.memory_space<hbm>>) dst(%dma_wait3A_106 : memref<8448xf32, #tpu.memory_space<vmem>>)
          tpu.yield
        }) : () -> ()
        %eq3A = arith.constant 0 : i32
        %eq3A_90 = arith.cmpi eq, %while3A_84, %eq3A : i32
        %broadcast_in_dim3A = vector.broadcast %eq3A_90 : i1 to vector<16xi1>
        %scan3A_91 = arith.constant 0 : i32
        %scan3A_92 = arith.constant 0 : i32
        %scan3A_93 = arith.constant 392 : i32
        %scan3A_94 = arith.addi %scan3A_92, %scan3A_93 : i32
        %scan3A_95 = arith.constant 1 : i32
        %scan3A_96 = scf.for %scan3A_98 = %scan3A_92 to %scan3A_94 step %scan3A_95 iter_args(%scan3A_99 = %scan3A_91) -> (i32)  : i32 {
          %mul3A_100 = arith.constant 3 : i32
          %mul3A_101 = arith.muli %mul3A_100, %scan3A_98 : i32
          %get3A_102 = arith.index_cast %mul3A_101 : i32 to index
          %get3A_103 = tpu.vector_load %arg9[%get3A_102] {strides = array<i32>} : memref<1192xf32, #tpu.memory_space<vmem>>, vector<16xf32>,
          %slice3A_104 = vector.extract_strided_slice %get3A_103 {offsets = [0], sizes = [1], strides = [1]} : vector<16xf32> to vector<1xf32>
          %squeeze3A_105 = vector.extract %slice3A_104[0] : f32 from vector<1xf32>
          %broadcast_in_dim3A_106 = vector.broadcast %squeeze3A_105 : f32 to vector<16xf32>
          %slice3A_107 = vector.extract_strided_slice %get3A_103 {offsets = [1], sizes = [1], strides = [1]} : vector<16xf32> to vector<1xf32>
          %squeeze3A_108 = vector.extract %slice3A_107[0] : f32 from vector<1xf32>
          %broadcast_in_dim3A_109 = vector.broadcast %squeeze3A_108 : f32 to vector<16xf32>
          %slice3A_110 = vector.extract_strided_slice %get3A_103 {offsets = [2], sizes = [1], strides = [1]} : vector<16xf32> to vector<1xf32>
          %squeeze3A_111 = vector.extract %slice3A_110[0] : f32 from vector<1xf32>
          %broadcast_in_dim3A_112 = vector.broadcast %squeeze3A_111 : f32 to vector<16xf32>
          %get3A_113 = arith.index_cast %scan3A_98 : i32 to index
          %get3A_114 = tpu.vector_load %arg10[%get3A_113] {strides = array<i32>} : memref<408xi32, #tpu.memory_space<vmem>>, vector<16xi32>,
          %slice3A_115 = vector.extract_strided_slice %get3A_114 {offsets = [0], sizes = [1], strides = [1]} : vector<16xi32> to vector<1xi32>
          %squeeze3A_116 = vector.extract %slice3A_115[0] : i32 from vector<1xi32>
          %get3A_117 = arith.index_cast %scan3A_98 : i32 to index
          %get3A_118 = tpu.vector_load %arg11[%get3A_117] {strides = array<i32>} : memref<408xi32, #tpu.memory_space<vmem>>, vector<16xi32>,
          %slice3A_119 = vector.extract_strided_slice %get3A_118 {offsets = [0], sizes = [1], strides = [1]} : vector<16xi32> to vector<1xi32>
          %squeeze3A_120 = vector.extract %slice3A_119[0] : i32 from vector<1xi32>
          %max3A = arith.maxsi %squeeze3A_116, %add3A_87 : i32
          %min3A_121 = arith.minsi %squeeze3A_120, %add3A_89 : i32
          %sub3A_122 = arith.subi %max3A, %add3A_87 : i32
          %sub3A_123 = arith.subi %min3A_121, %add3A_87 : i32
          %jit3A_124 = arith.constant 16 : i32
          %div3A_125 = arith.divsi %sub3A_122, %jit3A_124 : i32
          %sign3A_126 = arith.constant 0 : i32
          %sign3A_127 = arith.cmpi sgt, %sub3A_122, %sign3A_126 : i32
          %sign3A_128 = arith.extui %sign3A_127 : i1 to i32
          %sign3A_129 = arith.constant 0 : i32
          %sign3A_130 = arith.cmpi slt, %sub3A_122, %sign3A_129 : i32
          %sign3A_131 = arith.extui %sign3A_130 : i1 to i32
          %sign3A_132 = arith.subi %sign3A_128, %sign3A_131 : i32
          %sign3A_133 = arith.constant 0 : i32
          %sign3A_134 = arith.cmpi sgt, %jit3A_124, %sign3A_133 : i32
          %sign3A_135 = arith.extui %sign3A_134 : i1 to i32
          %sign3A_136 = arith.constant 0 : i32
          %sign3A_137 = arith.cmpi slt, %jit3A_124, %sign3A_136 : i32
          %sign3A_138 = arith.extui %sign3A_137 : i1 to i32
          %sign3A_139 = arith.subi %sign3A_135, %sign3A_138 : i32
          %ne3A_140 = arith.cmpi ne, %sign3A_132, %sign3A_139 : i32
          %rem3A_141 = arith.remsi %sub3A_122, %jit3A_124 : i32
          %ne3A_142 = arith.constant 0 : i32
          %ne3A_143 = arith.cmpi ne, %rem3A_141, %ne3A_142 : i32
          %and3A_144 = arith.andi %ne3A_140, %ne3A_143 : i1
          %sub3A_145 = arith.constant 1 : i32
          %sub3A_146 = arith.subi %div3A_125, %sub3A_145 : i32
          %select_n3A_147 = arith.select %and3A_144, %sub3A_146, %div3A_125 : i32
          %mul3A_148 = arith.constant 16 : i32
          %mul3A_149 = arith.muli %select_n3A_147, %mul3A_148 : i32
          %add3A_150 = arith.constant 15 : i32
          %add3A_151 = arith.addi %sub3A_122, %add3A_150 : i32
          %jit3A_152 = arith.constant 16 : i32
          %div3A_153 = arith.divsi %add3A_151, %jit3A_152 : i32
          %sign3A_154 = arith.constant 0 : i32
          %sign3A_155 = arith.cmpi sgt, %add3A_151, %sign3A_154 : i32
          %sign3A_156 = arith.extui %sign3A_155 : i1 to i32
          %sign3A_157 = arith.constant 0 : i32
          %sign3A_158 = arith.cmpi slt, %add3A_151, %sign3A_157 : i32
          %sign3A_159 = arith.extui %sign3A_158 : i1 to i32
          %sign3A_160 = arith.subi %sign3A_156, %sign3A_159 : i32
          %sign3A_161 = arith.constant 0 : i32
          %sign3A_162 = arith.cmpi sgt, %jit3A_152, %sign3A_161 : i32
          %sign3A_163 = arith.extui %sign3A_162 : i1 to i32
          %sign3A_164 = arith.constant 0 : i32
          %sign3A_165 = arith.cmpi slt, %jit3A_152, %sign3A_164 : i32
          %sign3A_166 = arith.extui %sign3A_165 : i1 to i32
          %sign3A_167 = arith.subi %sign3A_163, %sign3A_166 : i32
          %ne3A_168 = arith.cmpi ne, %sign3A_160, %sign3A_167 : i32
          %rem3A_169 = arith.remsi %add3A_151, %jit3A_152 : i32
          %ne3A_170 = arith.constant 0 : i32
          %ne3A_171 = arith.cmpi ne, %rem3A_169, %ne3A_170 : i32
          %and3A_172 = arith.andi %ne3A_168, %ne3A_171 : i1
          %sub3A_173 = arith.constant 1 : i32
          %sub3A_174 = arith.subi %div3A_153, %sub3A_173 : i32
          %select_n3A_175 = arith.select %and3A_172, %sub3A_174, %div3A_153 : i32
          %mul3A_176 = arith.constant 16 : i32
          %mul3A_177 = arith.muli %select_n3A_175, %mul3A_176 : i32
          %jit3A_178 = arith.constant 16 : i32
          %div3A_179 = arith.divsi %sub3A_123, %jit3A_178 : i32
          %sign3A_180 = arith.constant 0 : i32
          %sign3A_181 = arith.cmpi sgt, %sub3A_123, %sign3A_180 : i32
          %sign3A_182 = arith.extui %sign3A_181 : i1 to i32
          %sign3A_183 = arith.constant 0 : i32
          %sign3A_184 = arith.cmpi slt, %sub3A_123, %sign3A_183 : i32
          %sign3A_185 = arith.extui %sign3A_184 : i1 to i32
          %sign3A_186 = arith.subi %sign3A_182, %sign3A_185 : i32
          %sign3A_187 = arith.constant 0 : i32
          %sign3A_188 = arith.cmpi sgt, %jit3A_178, %sign3A_187 : i32
          %sign3A_189 = arith.extui %sign3A_188 : i1 to i32
          %sign3A_190 = arith.constant 0 : i32
          %sign3A_191 = arith.cmpi slt, %jit3A_178, %sign3A_190 : i32
          %sign3A_192 = arith.extui %sign3A_191 : i1 to i32
          %sign3A_193 = arith.subi %sign3A_189, %sign3A_192 : i32
          %ne3A_194 = arith.cmpi ne, %sign3A_186, %sign3A_193 : i32
          %rem3A_195 = arith.remsi %sub3A_123, %jit3A_178 : i32
          %ne3A_196 = arith.constant 0 : i32
          %ne3A_197 = arith.cmpi ne, %rem3A_195, %ne3A_196 : i32
          %and3A_198 = arith.andi %ne3A_194, %ne3A_197 : i1
          %sub3A_199 = arith.constant 1 : i32
          %sub3A_200 = arith.subi %div3A_179, %sub3A_199 : i32
          %select_n3A_201 = arith.select %and3A_198, %sub3A_200, %div3A_179 : i32
          %mul3A_202 = arith.constant 16 : i32
          %mul3A_203 = arith.muli %select_n3A_201, %mul3A_202 : i32
          %sub3A_204 = arith.subi %mul3A_203, %mul3A_177 : i32
          %jit3A_205 = arith.constant 16 : i32
          %div3A_206 = arith.divsi %sub3A_204, %jit3A_205 : i32
          %sign3A_207 = arith.constant 0 : i32
          %sign3A_208 = arith.cmpi sgt, %sub3A_204, %sign3A_207 : i32
          %sign3A_209 = arith.extui %sign3A_208 : i1 to i32
          %sign3A_210 = arith.constant 0 : i32
          %sign3A_211 = arith.cmpi slt, %sub3A_204, %sign3A_210 : i32
          %sign3A_212 = arith.extui %sign3A_211 : i1 to i32
          %sign3A_213 = arith.subi %sign3A_209, %sign3A_212 : i32
          %sign3A_214 = arith.constant 0 : i32
          %sign3A_215 = arith.cmpi sgt, %jit3A_205, %sign3A_214 : i32
          %sign3A_216 = arith.extui %sign3A_215 : i1 to i32
          %sign3A_217 = arith.constant 0 : i32
          %sign3A_218 = arith.cmpi slt, %jit3A_205, %sign3A_217 : i32
          %sign3A_219 = arith.extui %sign3A_218 : i1 to i32
          %sign3A_220 = arith.subi %sign3A_216, %sign3A_219 : i32
          %ne3A_221 = arith.cmpi ne, %sign3A_213, %sign3A_220 : i32
          %rem3A_222 = arith.remsi %sub3A_204, %jit3A_205 : i32
          %ne3A_223 = arith.constant 0 : i32
          %ne3A_224 = arith.cmpi ne, %rem3A_222, %ne3A_223 : i32
          %and3A_225 = arith.andi %ne3A_221, %ne3A_224 : i1
          %sub3A_226 = arith.constant 1 : i32
          %sub3A_227 = arith.subi %div3A_206, %sub3A_226 : i32
          %select_n3A_228 = arith.select %and3A_225, %sub3A_227, %div3A_206 : i32
          %max3A_229 = arith.constant 0 : i32
          %max3A_230 = arith.maxsi %max3A_229, %select_n3A_228 : i32
          %min3A_231 = arith.constant 4 : i32
          %min3A_232 = arith.minsi %max3A_230, %min3A_231 : i32
          %sub3A_233 = arith.subi %max3A_230, %min3A_232 : i32
          %jit3A_234 = arith.constant 16 : i32
          %div3A_235 = arith.divsi %sub3A_233, %jit3A_234 : i32
          %sign3A_236 = arith.constant 0 : i32
          %sign3A_237 = arith.cmpi sgt, %sub3A_233, %sign3A_236 : i32
          %sign3A_238 = arith.extui %sign3A_237 : i1 to i32
          %sign3A_239 = arith.constant 0 : i32
          %sign3A_240 = arith.cmpi slt, %sub3A_233, %sign3A_239 : i32
          %sign3A_241 = arith.extui %sign3A_240 : i1 to i32
          %sign3A_242 = arith.subi %sign3A_238, %sign3A_241 : i32
          %sign3A_243 = arith.constant 0 : i32
          %sign3A_244 = arith.cmpi sgt, %jit3A_234, %sign3A_243 : i32
          %sign3A_245 = arith.extui %sign3A_244 : i1 to i32
          %sign3A_246 = arith.constant 0 : i32
          %sign3A_247 = arith.cmpi slt, %jit3A_234, %sign3A_246 : i32
          %sign3A_248 = arith.extui %sign3A_247 : i1 to i32
          %sign3A_249 = arith.subi %sign3A_245, %sign3A_248 : i32
          %ne3A_250 = arith.cmpi ne, %sign3A_242, %sign3A_249 : i32
          %rem3A_251 = arith.remsi %sub3A_233, %jit3A_234 : i32
          %ne3A_252 = arith.constant 0 : i32
          %ne3A_253 = arith.cmpi ne, %rem3A_251, %ne3A_252 : i32
          %and3A_254 = arith.andi %ne3A_250, %ne3A_253 : i1
          %sub3A_255 = arith.constant 1 : i32
          %sub3A_256 = arith.subi %div3A_235, %sub3A_255 : i32
          %select_n3A_257 = arith.select %and3A_254, %sub3A_256, %div3A_235 : i32
          %broadcast_in_dim3A_258 = vector.broadcast %max3A : i32 to vector<16xi32>
          %broadcast_in_dim3A_259 = vector.broadcast %min3A_121 : i32 to vector<16xi32>
          %mul3A_260 = arith.constant 32 : i32
          %mul3A_261 = arith.muli %mul3A_260, %scan3A_98 : i32
          %get3A_262 = arith.index_cast %mul3A_261 : i32 to index
          %get3A_263 = tpu.vector_load %arg15[%get3A_262] {strides = array<i32>} : memref<12544xf32, #tpu.memory_space<vmem>>, vector<16xf32>,
          %jit3A_264 = arith.constant 0x7F800000 : f32
          %broadcast_in_dim3A_265 = vector.broadcast %jit3A_264 : f32 to vector<16xf32>
          %select_n3A_266 = arith.select %broadcast_in_dim3A, %broadcast_in_dim3A_265, %get3A_263 : vector<16xi1>, vector<16xf32>
          %mul3A_267 = arith.constant 32 : i32
          %mul3A_268 = arith.muli %mul3A_267, %scan3A_98 : i32
          %add3A_269 = arith.constant 16 : i32
          %add3A_270 = arith.addi %mul3A_268, %add3A_269 : i32
          %get3A_271 = arith.index_cast %add3A_270 : i32 to index
          %get3A_272 = tpu.vector_load %arg15[%get3A_271] {strides = array<i32>} : memref<12544xf32, #tpu.memory_space<vmem>>, vector<16xf32>,
          %jit3A_273 = arith.constant 0x7F800000 : f32
          %broadcast_in_dim3A_274 = vector.broadcast %jit3A_273 : f32 to vector<16xf32>
          %select_n3A_275 = arith.select %broadcast_in_dim3A, %broadcast_in_dim3A_274, %get3A_272 : vector<16xi1>, vector<16xf32>
          %mul3A_276 = arith.constant 32 : i32
          %mul3A_277 = arith.muli %mul3A_276, %scan3A_98 : i32
          %get3A_278 = arith.index_cast %mul3A_277 : i32 to index
          %get3A_279 = tpu.vector_load %arg16[%get3A_278] {strides = array<i32>} : memref<12544xi32, #tpu.memory_space<vmem>>, vector<16xi32>,
          %jit3A_280 = arith.constant 0 : i32
          %broadcast_in_dim3A_281 = vector.broadcast %jit3A_280 : i32 to vector<16xi32>
          %select_n3A_282 = arith.select %broadcast_in_dim3A, %broadcast_in_dim3A_281, %get3A_279 : vector<16xi1>, vector<16xi32>
          %mul3A_283 = arith.constant 32 : i32
          %mul3A_284 = arith.muli %mul3A_283, %scan3A_98 : i32
          %add3A_285 = arith.constant 16 : i32
          %add3A_286 = arith.addi %mul3A_284, %add3A_285 : i32
          %get3A_287 = arith.index_cast %add3A_286 : i32 to index
          %get3A_288 = tpu.vector_load %arg16[%get3A_287] {strides = array<i32>} : memref<12544xi32, #tpu.memory_space<vmem>>, vector<16xi32>,
          %jit3A_289 = arith.constant 0 : i32
          %broadcast_in_dim3A_290 = vector.broadcast %jit3A_289 : i32 to vector<16xi32>
          %select_n3A_291 = arith.select %broadcast_in_dim3A, %broadcast_in_dim3A_290, %get3A_288 : vector<16xi1>, vector<16xi32>
          %slice3A_292 = vector.extract_strided_slice %select_n3A_275 {offsets = [3], sizes = [1], strides = [1]} : vector<16xf32> to vector<1xf32>
          %squeeze3A_293 = vector.extract %slice3A_292[0] : f32 from vector<1xf32>
          %broadcast_in_dim3A_294 = vector.broadcast %squeeze3A_293 : f32 to vector<16xf32>
          %broadcast_in_dim3A_295 = arith.constant 0 : i32
          %broadcast_in_dim3A_296 = vector.broadcast %broadcast_in_dim3A_295 : i32 to vector<16xi32>
          %lt3A = arith.cmpi slt, %mul3A_149, %mul3A_177 : i32
          %lt3A_297 = arith.cmpi slt, %sub3A_122, %sub3A_123 : i32
          %and3A_298 = arith.andi %lt3A, %lt3A_297 : i1
          %convert_element_type3A = arith.extui %and3A_298 : i1 to i32
          %cond3A = arith.constant 0 : i32
          %cond3A_299 = arith.cmpi ne, %convert_element_type3A, %cond3A : i32
          %cond3A_300 = scf.if %cond3A_299 -> (vector<16xi32>) {
            %add3A_528 = arith.addi %add3A_87, %mul3A_149 : i32
            %add3A_529 = vector.broadcast %add3A_528 : i32 to vector<16xi32>
            %add3A_530 = arith.addi %add3A_529, %iota3A : vector<16xi32>
            %get3A_531 = arith.index_cast %mul3A_149 : i32 to index
            %get3A_532 = tpu.vector_load %arg12[%get3A_531] {strides = array<i32>} : memref<8448xf32, #tpu.memory_space<vmem>>, vector<16xf32>,
            %sub3A_533 = arith.subf %get3A_532, %broadcast_in_dim3A_106 : vector<16xf32>
            %get3A_534 = arith.index_cast %mul3A_149 : i32 to index
            %get3A_535 = tpu.vector_load %arg13[%get3A_534] {strides = array<i32>} : memref<8448xf32, #tpu.memory_space<vmem>>, vector<16xf32>,
            %sub3A_536 = arith.subf %get3A_535, %broadcast_in_dim3A_109 : vector<16xf32>
            %get3A_537 = arith.index_cast %mul3A_149 : i32 to index
            %get3A_538 = tpu.vector_load %arg14[%get3A_537] {strides = array<i32>} : memref<8448xf32, #tpu.memory_space<vmem>>, vector<16xf32>,
            %sub3A_539 = arith.subf %get3A_538, %broadcast_in_dim3A_112 : vector<16xf32>
            %mul3A_540 = arith.mulf %sub3A_533, %sub3A_533 : vector<16xf32>
            %mul3A_541 = arith.mulf %sub3A_536, %sub3A_536 : vector<16xf32>
            %add3A_542 = arith.addf %mul3A_540, %mul3A_541 : vector<16xf32>
            %mul3A_543 = arith.mulf %sub3A_539, %sub3A_539 : vector<16xf32>
            %add3A_544 = arith.addf %add3A_542, %mul3A_543 : vector<16xf32>
            %ge3A = arith.cmpi sge, %add3A_530, %broadcast_in_dim3A_258 : vector<16xi32>
            %lt3A_545 = arith.cmpi slt, %add3A_530, %broadcast_in_dim3A_259 : vector<16xi32>
            %and3A_546 = arith.andi %ge3A, %lt3A_545 : vector<16xi1>
            %jit3A_547 = arith.constant 0x7F800000 : f32
            %broadcast_in_dim3A_548 = vector.broadcast %jit3A_547 : f32 to vector<16xf32>
            %select_n3A_549 = arith.select %and3A_546, %add3A_544, %broadcast_in_dim3A_548 : vector<16xi1>, vector<16xf32>
            %lt3A_550 = arith.cmpf olt, %select_n3A_549, %broadcast_in_dim3A_294 : vector<16xf32>
            %jit3A_551 = arith.constant 1 : i32
            %jit3A_552 = arith.constant 0 : i32
            %broadcast_in_dim3A_553 = vector.broadcast %jit3A_551 : i32 to vector<16xi32>
            %broadcast_in_dim3A_554 = vector.broadcast %jit3A_552 : i32 to vector<16xi32>
            %select_n3A_555 = arith.select %lt3A_550, %broadcast_in_dim3A_553, %broadcast_in_dim3A_554 : vector<16xi1>, vector<16xi32>
            %broadcast_in_dim3A_556 = arith.constant true
            %broadcast_in_dim3A_557 = vector.broadcast %broadcast_in_dim3A_556 : i1 to vector<16xi1>
            %masked_cumsum3A = tpu.scan <sum>, %select_n3A_555 masked %broadcast_in_dim3A_557 : vector<16xi32>, vector<16xi1> -> vector<16xi32>
            %add3A_558 = arith.addi %broadcast_in_dim3A_296, %masked_cumsum3A : vector<16xi32>
            %sub3A_559 = arith.subi %add3A_558, %select_n3A_555 : vector<16xi32>
            tpu.vector_store_idx %arg17[%sub3A_559], %select_n3A_549 masked %lt3A_550 : memref<288xf32, #tpu.memory_space<vmem>>[vector<16xi32>], vector<16xf32>, vector<16xi1>
            tpu.vector_store_idx %arg18[%sub3A_559], %add3A_530 masked %lt3A_550 : memref<288xi32, #tpu.memory_space<vmem>>[vector<16xi32>], vector<16xi32>, vector<16xi1>
            %slice3A_560 = vector.extract_strided_slice %masked_cumsum3A {offsets = [15], sizes = [1], strides = [1]} : vector<16xi32> to vector<1xi32>
            %squeeze3A_561 = vector.extract %slice3A_560[0] : i32 from vector<1xi32>
            %broadcast_in_dim3A_562 = vector.broadcast %squeeze3A_561 : i32 to vector<16xi32>
            %add3A_563 = arith.addi %broadcast_in_dim3A_296, %broadcast_in_dim3A_562 : vector<16xi32>
            scf.yield %add3A_563 : vector<16xi32>
          } else {
            scf.yield %broadcast_in_dim3A_296 : vector<16xi32>
          }
          %max3A_301 = arith.maxsi %mul3A_203, %mul3A_177 : i32
          %gt3A = arith.cmpi sgt, %sub3A_123, %max3A_301 : i32
          %convert_element_type3A_302 = arith.extui %gt3A : i1 to i32
          %cond3A_303 = arith.constant 0 : i32
          %cond3A_304 = arith.cmpi ne, %convert_element_type3A_302, %cond3A_303 : i32
          %cond3A_305 = scf.if %cond3A_304 -> (vector<16xi32>) {
            %add3A_528 = arith.addi %add3A_87, %max3A_301 : i32
            %add3A_529 = vector.broadcast %add3A_528 : i32 to vector<16xi32>
            %add3A_530 = arith.addi %add3A_529, %iota3A : vector<16xi32>
            %get3A_531 = arith.index_cast %max3A_301 : i32 to index
            %get3A_532 = tpu.vector_load %arg12[%get3A_531] {strides = array<i32>} : memref<8448xf32, #tpu.memory_space<vmem>>, vector<16xf32>,
            %sub3A_533 = arith.subf %get3A_532, %broadcast_in_dim3A_106 : vector<16xf32>
            %get3A_534 = arith.index_cast %max3A_301 : i32 to index
            %get3A_535 = tpu.vector_load %arg13[%get3A_534] {strides = array<i32>} : memref<8448xf32, #tpu.memory_space<vmem>>, vector<16xf32>,
            %sub3A_536 = arith.subf %get3A_535, %broadcast_in_dim3A_109 : vector<16xf32>
            %get3A_537 = arith.index_cast %max3A_301 : i32 to index
            %get3A_538 = tpu.vector_load %arg14[%get3A_537] {strides = array<i32>} : memref<8448xf32, #tpu.memory_space<vmem>>, vector<16xf32>,
            %sub3A_539 = arith.subf %get3A_538, %broadcast_in_dim3A_112 : vector<16xf32>
            %mul3A_540 = arith.mulf %sub3A_533, %sub3A_533 : vector<16xf32>
            %mul3A_541 = arith.mulf %sub3A_536, %sub3A_536 : vector<16xf32>
            %add3A_542 = arith.addf %mul3A_540, %mul3A_541 : vector<16xf32>
            %mul3A_543 = arith.mulf %sub3A_539, %sub3A_539 : vector<16xf32>
            %add3A_544 = arith.addf %add3A_542, %mul3A_543 : vector<16xf32>
            %ge3A = arith.cmpi sge, %add3A_530, %broadcast_in_dim3A_258 : vector<16xi32>
            %lt3A_545 = arith.cmpi slt, %add3A_530, %broadcast_in_dim3A_259 : vector<16xi32>
            %and3A_546 = arith.andi %ge3A, %lt3A_545 : vector<16xi1>
            %jit3A_547 = arith.constant 0x7F800000 : f32
            %broadcast_in_dim3A_548 = vector.broadcast %jit3A_547 : f32 to vector<16xf32>
            %select_n3A_549 = arith.select %and3A_546, %add3A_544, %broadcast_in_dim3A_548 : vector<16xi1>, vector<16xf32>
            %lt3A_550 = arith.cmpf olt, %select_n3A_549, %broadcast_in_dim3A_294 : vector<16xf32>
            %jit3A_551 = arith.constant 1 : i32
            %jit3A_552 = arith.constant 0 : i32
            %broadcast_in_dim3A_553 = vector.broadcast %jit3A_551 : i32 to vector<16xi32>
            %broadcast_in_dim3A_554 = vector.broadcast %jit3A_552 : i32 to vector<16xi32>
            %select_n3A_555 = arith.select %lt3A_550, %broadcast_in_dim3A_553, %broadcast_in_dim3A_554 : vector<16xi1>, vector<16xi32>
            %broadcast_in_dim3A_556 = arith.constant true
            %broadcast_in_dim3A_557 = vector.broadcast %broadcast_in_dim3A_556 : i1 to vector<16xi1>
            %masked_cumsum3A = tpu.scan <sum>, %select_n3A_555 masked %broadcast_in_dim3A_557 : vector<16xi32>, vector<16xi1> -> vector<16xi32>
            %add3A_558 = arith.addi %cond3A_300, %masked_cumsum3A : vector<16xi32>
            %sub3A_559 = arith.subi %add3A_558, %select_n3A_555 : vector<16xi32>
            tpu.vector_store_idx %arg17[%sub3A_559], %select_n3A_549 masked %lt3A_550 : memref<288xf32, #tpu.memory_space<vmem>>[vector<16xi32>], vector<16xf32>, vector<16xi1>
            tpu.vector_store_idx %arg18[%sub3A_559], %add3A_530 masked %lt3A_550 : memref<288xi32, #tpu.memory_space<vmem>>[vector<16xi32>], vector<16xi32>, vector<16xi1>
            %slice3A_560 = vector.extract_strided_slice %masked_cumsum3A {offsets = [15], sizes = [1], strides = [1]} : vector<16xi32> to vector<1xi32>
            %squeeze3A_561 = vector.extract %slice3A_560[0] : i32 from vector<1xi32>
            %broadcast_in_dim3A_562 = vector.broadcast %squeeze3A_561 : i32 to vector<16xi32>
            %add3A_563 = arith.addi %cond3A_300, %broadcast_in_dim3A_562 : vector<16xi32>
            scf.yield %add3A_563 : vector<16xi32>
          } else {
            scf.yield %cond3A_300 : vector<16xi32>
          }
          %while3A_306 = arith.constant 0 : i32
          %while3A_307 = arith.subi %min3A_232, %while3A_306 : i32
          %while3A_308 = arith.addi %while3A_306, %while3A_307 : i32
          %while3A_309 = arith.constant 1 : i32
          %while3A_310 = arith.divsi %while3A_307, %while3A_309 : i32
          %while3A_311 = arith.muli %while3A_310, %while3A_309 : i32
          %while3A_312 = arith.addi %while3A_306, %while3A_311 : i32
          %while3A_313 = arith.constant 1 : i32
          %while3A_314 = scf.for %while3A_528 = %while3A_306 to %while3A_312 step %while3A_313 iter_args(%while3A_529 = %cond3A_305) -> (vector<16xi32>)  : i32 {
            %mul3A_530 = arith.constant 16 : i32
            %mul3A_531 = arith.muli %while3A_528, %mul3A_530 : i32
            %add3A_532 = arith.addi %mul3A_177, %mul3A_531 : i32
            %add3A_533 = arith.addi %add3A_87, %add3A_532 : i32
            %add3A_534 = vector.broadcast %add3A_533 : i32 to vector<16xi32>
            %add3A_535 = arith.addi %add3A_534, %iota3A : vector<16xi32>
            %get3A_536 = arith.index_cast %add3A_532 : i32 to index
            %get3A_537 = tpu.vector_load %arg12[%get3A_536] {strides = array<i32>} : memref<8448xf32, #tpu.memory_space<vmem>>, vector<16xf32>,
            %sub3A_538 = arith.subf %get3A_537, %broadcast_in_dim3A_106 : vector<16xf32>
            %get3A_539 = arith.index_cast %add3A_532 : i32 to index
            %get3A_540 = tpu.vector_load %arg13[%get3A_539] {strides = array<i32>} : memref<8448xf32, #tpu.memory_space<vmem>>, vector<16xf32>,
            %sub3A_541 = arith.subf %get3A_540, %broadcast_in_dim3A_109 : vector<16xf32>
            %get3A_542 = arith.index_cast %add3A_532 : i32 to index
            %get3A_543 = tpu.vector_load %arg14[%get3A_542] {strides = array<i32>} : memref<8448xf32, #tpu.memory_space<vmem>>, vector<16xf32>,
            %sub3A_544 = arith.subf %get3A_543, %broadcast_in_dim3A_112 : vector<16xf32>
            %mul3A_545 = arith.mulf %sub3A_538, %sub3A_538 : vector<16xf32>
            %mul3A_546 = arith.mulf %sub3A_541, %sub3A_541 : vector<16xf32>
            %add3A_547 = arith.addf %mul3A_545, %mul3A_546 : vector<16xf32>
            %mul3A_548 = arith.mulf %sub3A_544, %sub3A_544 : vector<16xf32>
            %add3A_549 = arith.addf %add3A_547, %mul3A_548 : vector<16xf32>
            %lt3A_550 = arith.cmpf olt, %add3A_549, %broadcast_in_dim3A_294 : vector<16xf32>
            %jit3A_551 = arith.constant 1 : i32
            %jit3A_552 = arith.constant 0 : i32
            %broadcast_in_dim3A_553 = vector.broadcast %jit3A_551 : i32 to vector<16xi32>
            %broadcast_in_dim3A_554 = vector.broadcast %jit3A_552 : i32 to vector<16xi32>
            %select_n3A_555 = arith.select %lt3A_550, %broadcast_in_dim3A_553, %broadcast_in_dim3A_554 : vector<16xi1>, vector<16xi32>
            %broadcast_in_dim3A_556 = arith.constant true
            %broadcast_in_dim3A_557 = vector.broadcast %broadcast_in_dim3A_556 : i1 to vector<16xi1>
            %masked_cumsum3A = tpu.scan <sum>, %select_n3A_555 masked %broadcast_in_dim3A_557 : vector<16xi32>, vector<16xi1> -> vector<16xi32>
            %add3A_558 = arith.addi %while3A_529, %masked_cumsum3A : vector<16xi32>
            %sub3A_559 = arith.subi %add3A_558, %select_n3A_555 : vector<16xi32>
            tpu.vector_store_idx %arg17[%sub3A_559], %add3A_549 masked %lt3A_550 : memref<288xf32, #tpu.memory_space<vmem>>[vector<16xi32>], vector<16xf32>, vector<16xi1>
            tpu.vector_store_idx %arg18[%sub3A_559], %add3A_535 masked %lt3A_550 : memref<288xi32, #tpu.memory_space<vmem>>[vector<16xi32>], vector<16xi32>, vector<16xi1>
            %slice3A_560 = vector.extract_strided_slice %masked_cumsum3A {offsets = [15], sizes = [1], strides = [1]} : vector<16xi32> to vector<1xi32>
            %squeeze3A_561 = vector.extract %slice3A_560[0] : i32 from vector<1xi32>
            %broadcast_in_dim3A_562 = vector.broadcast %squeeze3A_561 : i32 to vector<16xi32>
            %add3A_563 = arith.addi %while3A_529, %broadcast_in_dim3A_562 : vector<16xi32>
            scf.yield %add3A_563 : vector<16xi32>
          }
          %while3A_315 = arith.constant 1 : i32
          %while3A_316 = scf.for %while3A_528 = %while3A_312 to %while3A_308 step %while3A_315 iter_args(%while3A_529 = %while3A_314) -> (vector<16xi32>)  : i32 {
            %mul3A_530 = arith.constant 16 : i32
            %mul3A_531 = arith.muli %while3A_528, %mul3A_530 : i32
            %add3A_532 = arith.addi %mul3A_177, %mul3A_531 : i32
            %add3A_533 = arith.addi %add3A_87, %add3A_532 : i32
            %add3A_534 = vector.broadcast %add3A_533 : i32 to vector<16xi32>
            %add3A_535 = arith.addi %add3A_534, %iota3A : vector<16xi32>
            %get3A_536 = arith.index_cast %add3A_532 : i32 to index
            %get3A_537 = tpu.vector_load %arg12[%get3A_536] {strides = array<i32>} : memref<8448xf32, #tpu.memory_space<vmem>>, vector<16xf32>,
            %sub3A_538 = arith.subf %get3A_537, %broadcast_in_dim3A_106 : vector<16xf32>
            %get3A_539 = arith.index_cast %add3A_532 : i32 to index
            %get3A_540 = tpu.vector_load %arg13[%get3A_539] {strides = array<i32>} : memref<8448xf32, #tpu.memory_space<vmem>>, vector<16xf32>,
            %sub3A_541 = arith.subf %get3A_540, %broadcast_in_dim3A_109 : vector<16xf32>
            %get3A_542 = arith.index_cast %add3A_532 : i32 to index
            %get3A_543 = tpu.vector_load %arg14[%get3A_542] {strides = array<i32>} : memref<8448xf32, #tpu.memory_space<vmem>>, vector<16xf32>,
            %sub3A_544 = arith.subf %get3A_543, %broadcast_in_dim3A_112 : vector<16xf32>
            %mul3A_545 = arith.mulf %sub3A_538, %sub3A_538 : vector<16xf32>
            %mul3A_546 = arith.mulf %sub3A_541, %sub3A_541 : vector<16xf32>
            %add3A_547 = arith.addf %mul3A_545, %mul3A_546 : vector<16xf32>
            %mul3A_548 = arith.mulf %sub3A_544, %sub3A_544 : vector<16xf32>
            %add3A_549 = arith.addf %add3A_547, %mul3A_548 : vector<16xf32>
            %lt3A_550 = arith.cmpf olt, %add3A_549, %broadcast_in_dim3A_294 : vector<16xf32>
            %jit3A_551 = arith.constant 1 : i32
            %jit3A_552 = arith.constant 0 : i32
            %broadcast_in_dim3A_553 = vector.broadcast %jit3A_551 : i32 to vector<16xi32>
            %broadcast_in_dim3A_554 = vector.broadcast %jit3A_552 : i32 to vector<16xi32>
            %select_n3A_555 = arith.select %lt3A_550, %broadcast_in_dim3A_553, %broadcast_in_dim3A_554 : vector<16xi1>, vector<16xi32>
            %broadcast_in_dim3A_556 = arith.constant true
            %broadcast_in_dim3A_557 = vector.broadcast %broadcast_in_dim3A_556 : i1 to vector<16xi1>
            %masked_cumsum3A = tpu.scan <sum>, %select_n3A_555 masked %broadcast_in_dim3A_557 : vector<16xi32>, vector<16xi1> -> vector<16xi32>
            %add3A_558 = arith.addi %while3A_529, %masked_cumsum3A : vector<16xi32>
            %sub3A_559 = arith.subi %add3A_558, %select_n3A_555 : vector<16xi32>
            tpu.vector_store_idx %arg17[%sub3A_559], %add3A_549 masked %lt3A_550 : memref<288xf32, #tpu.memory_space<vmem>>[vector<16xi32>], vector<16xf32>, vector<16xi1>
            tpu.vector_store_idx %arg18[%sub3A_559], %add3A_535 masked %lt3A_550 : memref<288xi32, #tpu.memory_space<vmem>>[vector<16xi32>], vector<16xi32>, vector<16xi1>
            %slice3A_560 = vector.extract_strided_slice %masked_cumsum3A {offsets = [15], sizes = [1], strides = [1]} : vector<16xi32> to vector<1xi32>
            %squeeze3A_561 = vector.extract %slice3A_560[0] : i32 from vector<1xi32>
            %broadcast_in_dim3A_562 = vector.broadcast %squeeze3A_561 : i32 to vector<16xi32>
            %add3A_563 = arith.addi %while3A_529, %broadcast_in_dim3A_562 : vector<16xi32>
            scf.yield %add3A_563 : vector<16xi32>
          }
          %slice3A_317 = vector.extract_strided_slice %while3A_316 {offsets = [0], sizes = [1], strides = [1]} : vector<16xi32> to vector<1xi32>
          %squeeze3A_318 = vector.extract %slice3A_317[0] : i32 from vector<1xi32>
          %jit3A_319 = arith.constant 16 : i32
          %div3A_320 = arith.divsi %squeeze3A_318, %jit3A_319 : i32
          %sign3A_321 = arith.constant 0 : i32
          %sign3A_322 = arith.cmpi sgt, %squeeze3A_318, %sign3A_321 : i32
          %sign3A_323 = arith.extui %sign3A_322 : i1 to i32
          %sign3A_324 = arith.constant 0 : i32
          %sign3A_325 = arith.cmpi slt, %squeeze3A_318, %sign3A_324 : i32
          %sign3A_326 = arith.extui %sign3A_325 : i1 to i32
          %sign3A_327 = arith.subi %sign3A_323, %sign3A_326 : i32
          %sign3A_328 = arith.constant 0 : i32
          %sign3A_329 = arith.cmpi sgt, %jit3A_319, %sign3A_328 : i32
          %sign3A_330 = arith.extui %sign3A_329 : i1 to i32
          %sign3A_331 = arith.constant 0 : i32
          %sign3A_332 = arith.cmpi slt, %jit3A_319, %sign3A_331 : i32
          %sign3A_333 = arith.extui %sign3A_332 : i1 to i32
          %sign3A_334 = arith.subi %sign3A_330, %sign3A_333 : i32
          %ne3A_335 = arith.cmpi ne, %sign3A_327, %sign3A_334 : i32
          %rem3A_336 = arith.remsi %squeeze3A_318, %jit3A_319 : i32
          %ne3A_337 = arith.constant 0 : i32
          %ne3A_338 = arith.cmpi ne, %rem3A_336, %ne3A_337 : i32
          %and3A_339 = arith.andi %ne3A_335, %ne3A_338 : i1
          %sub3A_340 = arith.constant 1 : i32
          %sub3A_341 = arith.subi %div3A_320, %sub3A_340 : i32
          %select_n3A_342 = arith.select %and3A_339, %sub3A_341, %div3A_320 : i32
          %while3A_343 = arith.constant 0 : i32
          %while3A_344 = arith.subi %select_n3A_342, %while3A_343 : i32
          %while3A_345 = arith.addi %while3A_343, %while3A_344 : i32
          %while3A_346 = arith.constant 1 : i32
          %while3A_347 = arith.divsi %while3A_344, %while3A_346 : i32
          %while3A_348 = arith.muli %while3A_347, %while3A_346 : i32
          %while3A_349 = arith.addi %while3A_343, %while3A_348 : i32
          %while3A_350 = arith.constant 1 : i32
          %while3A_351:4 = scf.for %while3A_528 = %while3A_343 to %while3A_349 step %while3A_350 iter_args(%while3A_529 = %select_n3A_266, %while3A_530 = %select_n3A_282, %while3A_531 = %select_n3A_275, %while3A_532 = %select_n3A_291) -> (vector<16xf32>, vector<16xi32>, vector<16xf32>, vector<16xi32>)  : i32 {
            %mul3A_533 = arith.constant 16 : i32
            %mul3A_534 = arith.muli %while3A_528, %mul3A_533 : i32
            %get3A_535 = arith.index_cast %mul3A_534 : i32 to index
            %get3A_536 = tpu.vector_load %arg17[%get3A_535] {strides = array<i32>} : memref<288xf32, #tpu.memory_space<vmem>>, vector<16xf32>,
            %mul3A_537 = arith.constant 16 : i32
            %mul3A_538 = arith.muli %while3A_528, %mul3A_537 : i32
            %get3A_539 = arith.index_cast %mul3A_538 : i32 to index
            %get3A_540 = tpu.vector_load %arg18[%get3A_539] {strides = array<i32>} : memref<288xi32, #tpu.memory_space<vmem>>, vector<16xi32>,
            %masked_sort3A_541 = arith.constant dense<true> : vector<16xi1>
            %masked_sort3A_542, %masked_sort3A_543, %masked_sort3A_544 = tpu.sort %get3A_536, %get3A_540 masked %masked_sort3A_541 : (vector<16xf32>, vector<16xi32>, vector<16xi1>) -> (vector<16xi1>, vector<16xf32>, vector<16xi32>)
            %rev3A_545 = arith.constant 15 : i32
            %rev3A_546 = vector.broadcast %rev3A_545 : i32 to vector<16xi32>
            %rev3A_547 = tpu.iota {dimensions = array<i32: 0>} : vector<16xi32>
            %rev3A_548 = arith.subi %rev3A_546, %rev3A_547 : vector<16xi32>
            %rev3A_549 = tpu.dynamic_gather %masked_sort3A_543[%rev3A_548] in [0] : vector<16xf32>, vector<16xi32> -> vector<16xf32>
            %rev3A_550 = arith.constant 15 : i32
            %rev3A_551 = vector.broadcast %rev3A_550 : i32 to vector<16xi32>
            %rev3A_552 = tpu.iota {dimensions = array<i32: 0>} : vector<16xi32>
            %rev3A_553 = arith.subi %rev3A_551, %rev3A_552 : vector<16xi32>
            %rev3A_554 = tpu.dynamic_gather %masked_sort3A_544[%rev3A_553] in [0] : vector<16xi32>, vector<16xi32> -> vector<16xi32>
            %le3A_555 = arith.cmpf ole, %while3A_531, %rev3A_549 : vector<16xf32>
            %select_n3A_556 = arith.select %le3A_555, %while3A_531, %rev3A_549 : vector<16xi1>, vector<16xf32>
            %select_n3A_557 = arith.select %le3A_555, %while3A_532, %rev3A_554 : vector<16xi1>, vector<16xi32>
            %masked_sort3A_558 = arith.constant dense<true> : vector<16xi1>
            %masked_sort3A_559, %masked_sort3A_560, %masked_sort3A_561 = tpu.sort %select_n3A_556, %select_n3A_557 masked %masked_sort3A_558 : (vector<16xf32>, vector<16xi32>, vector<16xi1>) -> (vector<16xi1>, vector<16xf32>, vector<16xi32>)
            %rev3A_562 = arith.constant 15 : i32
            %rev3A_563 = vector.broadcast %rev3A_562 : i32 to vector<16xi32>
            %rev3A_564 = tpu.iota {dimensions = array<i32: 0>} : vector<16xi32>
            %rev3A_565 = arith.subi %rev3A_563, %rev3A_564 : vector<16xi32>
            %rev3A_566 = tpu.dynamic_gather %masked_sort3A_560[%rev3A_565] in [0] : vector<16xf32>, vector<16xi32> -> vector<16xf32>
            %rev3A_567 = arith.constant 15 : i32
            %rev3A_568 = vector.broadcast %rev3A_567 : i32 to vector<16xi32>
            %rev3A_569 = tpu.iota {dimensions = array<i32: 0>} : vector<16xi32>
            %rev3A_570 = arith.subi %rev3A_568, %rev3A_569 : vector<16xi32>
            %rev3A_571 = tpu.dynamic_gather %masked_sort3A_561[%rev3A_570] in [0] : vector<16xi32>, vector<16xi32> -> vector<16xi32>
            %le3A_572 = arith.cmpf ole, %while3A_529, %rev3A_566 : vector<16xf32>
            %select_n3A_573 = arith.select %le3A_572, %while3A_529, %rev3A_566 : vector<16xi1>, vector<16xf32>
            %select_n3A_574 = arith.select %le3A_572, %while3A_530, %rev3A_571 : vector<16xi1>, vector<16xi32>
            %select_n3A_575 = arith.select %le3A_572, %rev3A_566, %while3A_529 : vector<16xi1>, vector<16xf32>
            %select_n3A_576 = arith.select %le3A_572, %rev3A_571, %while3A_530 : vector<16xi1>, vector<16xi32>
            %masked_sort3A_577 = arith.constant dense<true> : vector<16xi1>
            %masked_sort3A_578, %masked_sort3A_579, %masked_sort3A_580 = tpu.sort %select_n3A_573, %select_n3A_574 masked %masked_sort3A_577 : (vector<16xf32>, vector<16xi32>, vector<16xi1>) -> (vector<16xi1>, vector<16xf32>, vector<16xi32>)
            %masked_sort3A_581 = arith.constant dense<true> : vector<16xi1>
            %masked_sort3A_582, %masked_sort3A_583, %masked_sort3A_584 = tpu.sort %select_n3A_575, %select_n3A_576 masked %masked_sort3A_581 : (vector<16xf32>, vector<16xi32>, vector<16xi1>) -> (vector<16xi1>, vector<16xf32>, vector<16xi32>)
            scf.yield %masked_sort3A_579, %masked_sort3A_580, %masked_sort3A_583, %masked_sort3A_584 : vector<16xf32>, vector<16xi32>, vector<16xf32>, vector<16xi32>
          }
          %while3A_352 = arith.constant 1 : i32
          %while3A_353:4 = scf.for %while3A_528 = %while3A_349 to %while3A_345 step %while3A_352 iter_args(%while3A_529 = %while3A_351#0, %while3A_530 = %while3A_351#1, %while3A_531 = %while3A_351#2, %while3A_532 = %while3A_351#3) -> (vector<16xf32>, vector<16xi32>, vector<16xf32>, vector<16xi32>)  : i32 {
            %mul3A_533 = arith.constant 16 : i32
            %mul3A_534 = arith.muli %while3A_528, %mul3A_533 : i32
            %get3A_535 = arith.index_cast %mul3A_534 : i32 to index
            %get3A_536 = tpu.vector_load %arg17[%get3A_535] {strides = array<i32>} : memref<288xf32, #tpu.memory_space<vmem>>, vector<16xf32>,
            %mul3A_537 = arith.constant 16 : i32
            %mul3A_538 = arith.muli %while3A_528, %mul3A_537 : i32
            %get3A_539 = arith.index_cast %mul3A_538 : i32 to index
            %get3A_540 = tpu.vector_load %arg18[%get3A_539] {strides = array<i32>} : memref<288xi32, #tpu.memory_space<vmem>>, vector<16xi32>,
            %masked_sort3A_541 = arith.constant dense<true> : vector<16xi1>
            %masked_sort3A_542, %masked_sort3A_543, %masked_sort3A_544 = tpu.sort %get3A_536, %get3A_540 masked %masked_sort3A_541 : (vector<16xf32>, vector<16xi32>, vector<16xi1>) -> (vector<16xi1>, vector<16xf32>, vector<16xi32>)
            %rev3A_545 = arith.constant 15 : i32
            %rev3A_546 = vector.broadcast %rev3A_545 : i32 to vector<16xi32>
            %rev3A_547 = tpu.iota {dimensions = array<i32: 0>} : vector<16xi32>
            %rev3A_548 = arith.subi %rev3A_546, %rev3A_547 : vector<16xi32>
            %rev3A_549 = tpu.dynamic_gather %masked_sort3A_543[%rev3A_548] in [0] : vector<16xf32>, vector<16xi32> -> vector<16xf32>
            %rev3A_550 = arith.constant 15 : i32
            %rev3A_551 = vector.broadcast %rev3A_550 : i32 to vector<16xi32>
            %rev3A_552 = tpu.iota {dimensions = array<i32: 0>} : vector<16xi32>
            %rev3A_553 = arith.subi %rev3A_551, %rev3A_552 : vector<16xi32>
            %rev3A_554 = tpu.dynamic_gather %masked_sort3A_544[%rev3A_553] in [0] : vector<16xi32>, vector<16xi32> -> vector<16xi32>
            %le3A_555 = arith.cmpf ole, %while3A_531, %rev3A_549 : vector<16xf32>
            %select_n3A_556 = arith.select %le3A_555, %while3A_531, %rev3A_549 : vector<16xi1>, vector<16xf32>
            %select_n3A_557 = arith.select %le3A_555, %while3A_532, %rev3A_554 : vector<16xi1>, vector<16xi32>
            %masked_sort3A_558 = arith.constant dense<true> : vector<16xi1>
            %masked_sort3A_559, %masked_sort3A_560, %masked_sort3A_561 = tpu.sort %select_n3A_556, %select_n3A_557 masked %masked_sort3A_558 : (vector<16xf32>, vector<16xi32>, vector<16xi1>) -> (vector<16xi1>, vector<16xf32>, vector<16xi32>)
            %rev3A_562 = arith.constant 15 : i32
            %rev3A_563 = vector.broadcast %rev3A_562 : i32 to vector<16xi32>
            %rev3A_564 = tpu.iota {dimensions = array<i32: 0>} : vector<16xi32>
            %rev3A_565 = arith.subi %rev3A_563, %rev3A_564 : vector<16xi32>
            %rev3A_566 = tpu.dynamic_gather %masked_sort3A_560[%rev3A_565] in [0] : vector<16xf32>, vector<16xi32> -> vector<16xf32>
            %rev3A_567 = arith.constant 15 : i32
            %rev3A_568 = vector.broadcast %rev3A_567 : i32 to vector<16xi32>
            %rev3A_569 = tpu.iota {dimensions = array<i32: 0>} : vector<16xi32>
            %rev3A_570 = arith.subi %rev3A_568, %rev3A_569 : vector<16xi32>
            %rev3A_571 = tpu.dynamic_gather %masked_sort3A_561[%rev3A_570] in [0] : vector<16xi32>, vector<16xi32> -> vector<16xi32>
            %le3A_572 = arith.cmpf ole, %while3A_529, %rev3A_566 : vector<16xf32>
            %select_n3A_573 = arith.select %le3A_572, %while3A_529, %rev3A_566 : vector<16xi1>, vector<16xf32>
            %select_n3A_574 = arith.select %le3A_572, %while3A_530, %rev3A_571 : vector<16xi1>, vector<16xi32>
            %select_n3A_575 = arith.select %le3A_572, %rev3A_566, %while3A_529 : vector<16xi1>, vector<16xf32>
            %select_n3A_576 = arith.select %le3A_572, %rev3A_571, %while3A_530 : vector<16xi1>, vector<16xi32>
            %masked_sort3A_577 = arith.constant dense<true> : vector<16xi1>
            %masked_sort3A_578, %masked_sort3A_579, %masked_sort3A_580 = tpu.sort %select_n3A_573, %select_n3A_574 masked %masked_sort3A_577 : (vector<16xf32>, vector<16xi32>, vector<16xi1>) -> (vector<16xi1>, vector<16xf32>, vector<16xi32>)
            %masked_sort3A_581 = arith.constant dense<true> : vector<16xi1>
            %masked_sort3A_582, %masked_sort3A_583, %masked_sort3A_584 = tpu.sort %select_n3A_575, %select_n3A_576 masked %masked_sort3A_581 : (vector<16xf32>, vector<16xi32>, vector<16xi1>) -> (vector<16xi1>, vector<16xf32>, vector<16xi32>)
            scf.yield %masked_sort3A_579, %masked_sort3A_580, %masked_sort3A_583, %masked_sort3A_584 : vector<16xf32>, vector<16xi32>, vector<16xf32>, vector<16xi32>
          }
          %mul3A_354 = arith.constant 16 : i32
          %mul3A_355 = arith.muli %select_n3A_342, %mul3A_354 : i32
          %sub3A_356 = arith.subi %squeeze3A_318, %mul3A_355 : i32
          %mul3A_357 = arith.constant 16 : i32
          %mul3A_358 = arith.muli %select_n3A_342, %mul3A_357 : i32
          %get3A_359 = arith.index_cast %mul3A_358 : i32 to index
          %get3A_360 = tpu.vector_load %arg17[%get3A_359] {strides = array<i32>} : memref<288xf32, #tpu.memory_space<vmem>>, vector<16xf32>,
          %mul3A_361 = arith.constant 16 : i32
          %mul3A_362 = arith.muli %select_n3A_342, %mul3A_361 : i32
          %get3A_363 = arith.index_cast %mul3A_362 : i32 to index
          %get3A_364 = tpu.vector_load %arg18[%get3A_363] {strides = array<i32>} : memref<288xi32, #tpu.memory_space<vmem>>, vector<16xi32>,
          %swap3A = arith.constant 0 : index
          %swap3A_365 = tpu.vector_load %arg17[%swap3A] {strides = array<i32>} : memref<288xf32, #tpu.memory_space<vmem>>, vector<16xf32>,
          tpu.vector_store %arg17[%swap3A], %get3A_360 {strides = array<i32>} : memref<288xf32, #tpu.memory_space<vmem>>, vector<16xf32>,
          %swap3A_366 = arith.constant 0 : index
          %swap3A_367 = tpu.vector_load %arg18[%swap3A_366] {strides = array<i32>} : memref<288xi32, #tpu.memory_space<vmem>>, vector<16xi32>,
          tpu.vector_store %arg18[%swap3A_366], %get3A_364 {strides = array<i32>} : memref<288xi32, #tpu.memory_space<vmem>>, vector<16xi32>,
          %slice3A_368 = vector.extract_strided_slice %while3A_353#2 {offsets = [3], sizes = [1], strides = [1]} : vector<16xf32> to vector<1xf32>
          %squeeze3A_369 = vector.extract %slice3A_368[0] : f32 from vector<1xf32>
          %broadcast_in_dim3A_370 = vector.broadcast %squeeze3A_369 : f32 to vector<16xf32>
          %broadcast_in_dim3A_371 = vector.broadcast %sub3A_356 : i32 to vector<16xi32>
          %while3A_372 = arith.constant 0 : i32
          %while3A_373 = arith.subi %select_n3A_257, %while3A_372 : i32
          %while3A_374 = arith.addi %while3A_372, %while3A_373 : i32
          %while3A_375 = arith.constant 1 : i32
          %while3A_376 = arith.divsi %while3A_373, %while3A_375 : i32
          %while3A_377 = arith.muli %while3A_376, %while3A_375 : i32
          %while3A_378 = arith.addi %while3A_372, %while3A_377 : i32
          %while3A_379 = arith.constant 1 : i32
          %while3A_380:6 = scf.for %while3A_528 = %while3A_372 to %while3A_378 step %while3A_379 iter_args(%while3A_529 = %while3A_353#0, %while3A_530 = %while3A_353#1, %while3A_531 = %while3A_353#2, %while3A_532 = %while3A_353#3, %while3A_533 = %broadcast_in_dim3A_370, %while3A_534 = %broadcast_in_dim3A_371) -> (vector<16xf32>, vector<16xi32>, vector<16xf32>, vector<16xi32>, vector<16xf32>, vector<16xi32>)  : i32 {
            %mul3A_535 = arith.constant 16 : i32
            %mul3A_536 = arith.muli %while3A_528, %mul3A_535 : i32
            %add3A_537 = arith.addi %min3A_232, %mul3A_536 : i32
            %add3A_538 = arith.constant 0 : i32
            %add3A_539 = arith.addi %add3A_537, %add3A_538 : i32
            %add3A_540 = arith.constant 0 : i32
            %add3A_541 = arith.addi %add3A_539, %add3A_540 : i32
            %mul3A_542 = arith.constant 16 : i32
            %mul3A_543 = arith.muli %add3A_541, %mul3A_542 : i32
            %add3A_544 = arith.addi %mul3A_177, %mul3A_543 : i32
            %get3A_545 = arith.index_cast %add3A_544 : i32 to index
            %get3A_546 = tpu.vector_load %arg12[%get3A_545] {strides = array<i32>} : memref<8448xf32, #tpu.memory_space<vmem>>, vector<16xf32>,
            %sub3A_547 = arith.subf %get3A_546, %broadcast_in_dim3A_106 : vector<16xf32>
            %get3A_548 = arith.index_cast %add3A_544 : i32 to index
            %get3A_549 = tpu.vector_load %arg13[%get3A_548] {strides = array<i32>} : memref<8448xf32, #tpu.memory_space<vmem>>, vector<16xf32>,
            %sub3A_550 = arith.subf %get3A_549, %broadcast_in_dim3A_109 : vector<16xf32>
            %get3A_551 = arith.index_cast %add3A_544 : i32 to index
            %get3A_552 = tpu.vector_load %arg14[%get3A_551] {strides = array<i32>} : memref<8448xf32, #tpu.memory_space<vmem>>, vector<16xf32>,
            %sub3A_553 = arith.subf %get3A_552, %broadcast_in_dim3A_112 : vector<16xf32>
            %mul3A_554 = arith.mulf %sub3A_547, %sub3A_547 : vector<16xf32>
            %mul3A_555 = arith.mulf %sub3A_550, %sub3A_550 : vector<16xf32>
            %add3A_556 = arith.addf %mul3A_554, %mul3A_555 : vector<16xf32>
            %mul3A_557 = arith.mulf %sub3A_553, %sub3A_553 : vector<16xf32>
            %add3A_558 = arith.addf %add3A_556, %mul3A_557 : vector<16xf32>
            %add3A_559 = arith.constant 0 : i32
            %add3A_560 = arith.addi %add3A_537, %add3A_559 : i32
            %add3A_561 = arith.constant 1 : i32
            %add3A_562 = arith.addi %add3A_560, %add3A_561 : i32
            %mul3A_563 = arith.constant 16 : i32
            %mul3A_564 = arith.muli %add3A_562, %mul3A_563 : i32
            %add3A_565 = arith.addi %mul3A_177, %mul3A_564 : i32
            %get3A_566 = arith.index_cast %add3A_565 : i32 to index
            %get3A_567 = tpu.vector_load %arg12[%get3A_566] {strides = array<i32>} : memref<8448xf32, #tpu.memory_space<vmem>>, vector<16xf32>,
            %sub3A_568 = arith.subf %get3A_567, %broadcast_in_dim3A_106 : vector<16xf32>
            %get3A_569 = arith.index_cast %add3A_565 : i32 to index
            %get3A_570 = tpu.vector_load %arg13[%get3A_569] {strides = array<i32>} : memref<8448xf32, #tpu.memory_space<vmem>>, vector<16xf32>,
            %sub3A_571 = arith.subf %get3A_570, %broadcast_in_dim3A_109 : vector<16xf32>
            %get3A_572 = arith.index_cast %add3A_565 : i32 to index
            %get3A_573 = tpu.vector_load %arg14[%get3A_572] {strides = array<i32>} : memref<8448xf32, #tpu.memory_space<vmem>>, vector<16xf32>,
            %sub3A_574 = arith.subf %get3A_573, %broadcast_in_dim3A_112 : vector<16xf32>
            %mul3A_575 = arith.mulf %sub3A_568, %sub3A_568 : vector<16xf32>
            %mul3A_576 = arith.mulf %sub3A_571, %sub3A_571 : vector<16xf32>
            %add3A_577 = arith.addf %mul3A_575, %mul3A_576 : vector<16xf32>
            %mul3A_578 = arith.mulf %sub3A_574, %sub3A_574 : vector<16xf32>
            %add3A_579 = arith.addf %add3A_577, %mul3A_578 : vector<16xf32>
            %add3A_580 = arith.constant 0 : i32
            %add3A_581 = arith.addi %add3A_537, %add3A_580 : i32
            %add3A_582 = arith.constant 2 : i32
            %add3A_583 = arith.addi %add3A_581, %add3A_582 : i32
            %mul3A_584 = arith.constant 16 : i32
            %mul3A_585 = arith.muli %add3A_583, %mul3A_584 : i32
            %add3A_586 = arith.addi %mul3A_177, %mul3A_585 : i32
            %get3A_587 = arith.index_cast %add3A_586 : i32 to index
            %get3A_588 = tpu.vector_load %arg12[%get3A_587] {strides = array<i32>} : memref<8448xf32, #tpu.memory_space<vmem>>, vector<16xf32>,
            %sub3A_589 = arith.subf %get3A_588, %broadcast_in_dim3A_106 : vector<16xf32>
            %get3A_590 = arith.index_cast %add3A_586 : i32 to index
            %get3A_591 = tpu.vector_load %arg13[%get3A_590] {strides = array<i32>} : memref<8448xf32, #tpu.memory_space<vmem>>, vector<16xf32>,
            %sub3A_592 = arith.subf %get3A_591, %broadcast_in_dim3A_109 : vector<16xf32>
            %get3A_593 = arith.index_cast %add3A_586 : i32 to index
            %get3A_594 = tpu.vector_load %arg14[%get3A_593] {strides = array<i32>} : memref<8448xf32, #tpu.memory_space<vmem>>, vector<16xf32>,
            %sub3A_595 = arith.subf %get3A_594, %broadcast_in_dim3A_112 : vector<16xf32>
            %mul3A_596 = arith.mulf %sub3A_589, %sub3A_589 : vector<16xf32>
            %mul3A_597 = arith.mulf %sub3A_592, %sub3A_592 : vector<16xf32>
            %add3A_598 = arith.addf %mul3A_596, %mul3A_597 : vector<16xf32>
            %mul3A_599 = arith.mulf %sub3A_595, %sub3A_595 : vector<16xf32>
            %add3A_600 = arith.addf %add3A_598, %mul3A_599 : vector<16xf32>
            %add3A_601 = arith.constant 0 : i32
            %add3A_602 = arith.addi %add3A_537, %add3A_601 : i32
            %add3A_603 = arith.constant 3 : i32
            %add3A_604 = arith.addi %add3A_602, %add3A_603 : i32
            %mul3A_605 = arith.constant 16 : i32
            %mul3A_606 = arith.muli %add3A_604, %mul3A_605 : i32
            %add3A_607 = arith.addi %mul3A_177, %mul3A_606 : i32
            %get3A_608 = arith.index_cast %add3A_607 : i32 to index
            %get3A_609 = tpu.vector_load %arg12[%get3A_608] {strides = array<i32>} : memref<8448xf32, #tpu.memory_space<vmem>>, vector<16xf32>,
            %sub3A_610 = arith.subf %get3A_609, %broadcast_in_dim3A_106 : vector<16xf32>
            %get3A_611 = arith.index_cast %add3A_607 : i32 to index
            %get3A_612 = tpu.vector_load %arg13[%get3A_611] {strides = array<i32>} : memref<8448xf32, #tpu.memory_space<vmem>>, vector<16xf32>,
            %sub3A_613 = arith.subf %get3A_612, %broadcast_in_dim3A_109 : vector<16xf32>
            %get3A_614 = arith.index_cast %add3A_607 : i32 to index
            %get3A_615 = tpu.vector_load %arg14[%get3A_614] {strides = array<i32>} : memref<8448xf32, #tpu.memory_space<vmem>>, vector<16xf32>,
            %sub3A_616 = arith.subf %get3A_615, %broadcast_in_dim3A_112 : vector<16xf32>
            %mul3A_617 = arith.mulf %sub3A_610, %sub3A_610 : vector<16xf32>
            %mul3A_618 = arith.mulf %sub3A_613, %sub3A_613 : vector<16xf32>
            %add3A_619 = arith.addf %mul3A_617, %mul3A_618 : vector<16xf32>
            %mul3A_620 = arith.mulf %sub3A_616, %sub3A_616 : vector<16xf32>
            %add3A_621 = arith.addf %add3A_619, %mul3A_620 : vector<16xf32>
            %add3A_622 = arith.constant 0 : i32
            %add3A_623 = arith.addi %add3A_537, %add3A_622 : i32
            %add3A_624 = arith.constant 4 : i32
            %add3A_625 = arith.addi %add3A_623, %add3A_624 : i32
            %mul3A_626 = arith.constant 16 : i32
            %mul3A_627 = arith.muli %add3A_625, %mul3A_626 : i32
            %add3A_628 = arith.addi %mul3A_177, %mul3A_627 : i32
            %get3A_629 = arith.index_cast %add3A_628 : i32 to index
            %get3A_630 = tpu.vector_load %arg12[%get3A_629] {strides = array<i32>} : memref<8448xf32, #tpu.memory_space<vmem>>, vector<16xf32>,
            %sub3A_631 = arith.subf %get3A_630, %broadcast_in_dim3A_106 : vector<16xf32>
            %get3A_632 = arith.index_cast %add3A_628 : i32 to index
            %get3A_633 = tpu.vector_load %arg13[%get3A_632] {strides = array<i32>} : memref<8448xf32, #tpu.memory_space<vmem>>, vector<16xf32>,
            %sub3A_634 = arith.subf %get3A_633, %broadcast_in_dim3A_109 : vector<16xf32>
            %get3A_635 = arith.index_cast %add3A_628 : i32 to index
            %get3A_636 = tpu.vector_load %arg14[%get3A_635] {strides = array<i32>} : memref<8448xf32, #tpu.memory_space<vmem>>, vector<16xf32>,
            %sub3A_637 = arith.subf %get3A_636, %broadcast_in_dim3A_112 : vector<16xf32>
            %mul3A_638 = arith.mulf %sub3A_631, %sub3A_631 : vector<16xf32>
            %mul3A_639 = arith.mulf %sub3A_634, %sub3A_634 : vector<16xf32>
            %add3A_640 = arith.addf %mul3A_638, %mul3A_639 : vector<16xf32>
            %mul3A_641 = arith.mulf %sub3A_637, %sub3A_637 : vector<16xf32>
            %add3A_642 = arith.addf %add3A_640, %mul3A_641 : vector<16xf32>
            %add3A_643 = arith.constant 0 : i32
            %add3A_644 = arith.addi %add3A_537, %add3A_643 : i32
            %add3A_645 = arith.constant 5 : i32
            %add3A_646 = arith.addi %add3A_644, %add3A_645 : i32
            %mul3A_647 = arith.constant 16 : i32
            %mul3A_648 = arith.muli %add3A_646, %mul3A_647 : i32
            %add3A_649 = arith.addi %mul3A_177, %mul3A_648 : i32
            %get3A_650 = arith.index_cast %add3A_649 : i32 to index
            %get3A_651 = tpu.vector_load %arg12[%get3A_650] {strides = array<i32>} : memref<8448xf32, #tpu.memory_space<vmem>>, vector<16xf32>,
            %sub3A_652 = arith.subf %get3A_651, %broadcast_in_dim3A_106 : vector<16xf32>
            %get3A_653 = arith.index_cast %add3A_649 : i32 to index
            %get3A_654 = tpu.vector_load %arg13[%get3A_653] {strides = array<i32>} : memref<8448xf32, #tpu.memory_space<vmem>>, vector<16xf32>,
            %sub3A_655 = arith.subf %get3A_654, %broadcast_in_dim3A_109 : vector<16xf32>
            %get3A_656 = arith.index_cast %add3A_649 : i32 to index
            %get3A_657 = tpu.vector_load %arg14[%get3A_656] {strides = array<i32>} : memref<8448xf32, #tpu.memory_space<vmem>>, vector<16xf32>,
            %sub3A_658 = arith.subf %get3A_657, %broadcast_in_dim3A_112 : vector<16xf32>
            %mul3A_659 = arith.mulf %sub3A_652, %sub3A_652 : vector<16xf32>
            %mul3A_660 = arith.mulf %sub3A_655, %sub3A_655 : vector<16xf32>
            %add3A_661 = arith.addf %mul3A_659, %mul3A_660 : vector<16xf32>
            %mul3A_662 = arith.mulf %sub3A_658, %sub3A_658 : vector<16xf32>
            %add3A_663 = arith.addf %add3A_661, %mul3A_662 : vector<16xf32>
            %add3A_664 = arith.constant 0 : i32
            %add3A_665 = arith.addi %add3A_537, %add3A_664 : i32
            %add3A_666 = arith.constant 6 : i32
            %add3A_667 = arith.addi %add3A_665, %add3A_666 : i32
            %mul3A_668 = arith.constant 16 : i32
            %mul3A_669 = arith.muli %add3A_667, %mul3A_668 : i32
            %add3A_670 = arith.addi %mul3A_177, %mul3A_669 : i32
            %get3A_671 = arith.index_cast %add3A_670 : i32 to index
            %get3A_672 = tpu.vector_load %arg12[%get3A_671] {strides = array<i32>} : memref<8448xf32, #tpu.memory_space<vmem>>, vector<16xf32>,
            %sub3A_673 = arith.subf %get3A_672, %broadcast_in_dim3A_106 : vector<16xf32>
            %get3A_674 = arith.index_cast %add3A_670 : i32 to index
            %get3A_675 = tpu.vector_load %arg13[%get3A_674] {strides = array<i32>} : memref<8448xf32, #tpu.memory_space<vmem>>, vector<16xf32>,
            %sub3A_676 = arith.subf %get3A_675, %broadcast_in_dim3A_109 : vector<16xf32>
            %get3A_677 = arith.index_cast %add3A_670 : i32 to index
            %get3A_678 = tpu.vector_load %arg14[%get3A_677] {strides = array<i32>} : memref<8448xf32, #tpu.memory_space<vmem>>, vector<16xf32>,
            %sub3A_679 = arith.subf %get3A_678, %broadcast_in_dim3A_112 : vector<16xf32>
            %mul3A_680 = arith.mulf %sub3A_673, %sub3A_673 : vector<16xf32>
            %mul3A_681 = arith.mulf %sub3A_676, %sub3A_676 : vector<16xf32>
            %add3A_682 = arith.addf %mul3A_680, %mul3A_681 : vector<16xf32>
            %mul3A_683 = arith.mulf %sub3A_679, %sub3A_679 : vector<16xf32>
            %add3A_684 = arith.addf %add3A_682, %mul3A_683 : vector<16xf32>
            %add3A_685 = arith.constant 0 : i32
            %add3A_686 = arith.addi %add3A_537, %add3A_685 : i32
            %add3A_687 = arith.constant 7 : i32
            %add3A_688 = arith.addi %add3A_686, %add3A_687 : i32
            %mul3A_689 = arith.constant 16 : i32
            %mul3A_690 = arith.muli %add3A_688, %mul3A_689 : i32
            %add3A_691 = arith.addi %mul3A_177, %mul3A_690 : i32
            %get3A_692 = arith.index_cast %add3A_691 : i32 to index
            %get3A_693 = tpu.vector_load %arg12[%get3A_692] {strides = array<i32>} : memref<8448xf32, #tpu.memory_space<vmem>>, vector<16xf32>,
            %sub3A_694 = arith.subf %get3A_693, %broadcast_in_dim3A_106 : vector<16xf32>
            %get3A_695 = arith.index_cast %add3A_691 : i32 to index
            %get3A_696 = tpu.vector_load %arg13[%get3A_695] {strides = array<i32>} : memref<8448xf32, #tpu.memory_space<vmem>>, vector<16xf32>,
            %sub3A_697 = arith.subf %get3A_696, %broadcast_in_dim3A_109 : vector<16xf32>
            %get3A_698 = arith.index_cast %add3A_691 : i32 to index
            %get3A_699 = tpu.vector_load %arg14[%get3A_698] {strides = array<i32>} : memref<8448xf32, #tpu.memory_space<vmem>>, vector<16xf32>,
            %sub3A_700 = arith.subf %get3A_699, %broadcast_in_dim3A_112 : vector<16xf32>
            %mul3A_701 = arith.mulf %sub3A_694, %sub3A_694 : vector<16xf32>
            %mul3A_702 = arith.mulf %sub3A_697, %sub3A_697 : vector<16xf32>
            %add3A_703 = arith.addf %mul3A_701, %mul3A_702 : vector<16xf32>
            %mul3A_704 = arith.mulf %sub3A_700, %sub3A_700 : vector<16xf32>
            %add3A_705 = arith.addf %add3A_703, %mul3A_704 : vector<16xf32>
            %add3A_706 = arith.constant 0 : i32
            %add3A_707 = arith.addi %add3A_537, %add3A_706 : i32
            %add3A_708 = arith.constant 8 : i32
            %add3A_709 = arith.addi %add3A_707, %add3A_708 : i32
            %mul3A_710 = arith.constant 16 : i32
            %mul3A_711 = arith.muli %add3A_709, %mul3A_710 : i32
            %add3A_712 = arith.addi %mul3A_177, %mul3A_711 : i32
            %get3A_713 = arith.index_cast %add3A_712 : i32 to index
            %get3A_714 = tpu.vector_load %arg12[%get3A_713] {strides = array<i32>} : memref<8448xf32, #tpu.memory_space<vmem>>, vector<16xf32>,
            %sub3A_715 = arith.subf %get3A_714, %broadcast_in_dim3A_106 : vector<16xf32>
            %get3A_716 = arith.index_cast %add3A_712 : i32 to index
            %get3A_717 = tpu.vector_load %arg13[%get3A_716] {strides = array<i32>} : memref<8448xf32, #tpu.memory_space<vmem>>, vector<16xf32>,
            %sub3A_718 = arith.subf %get3A_717, %broadcast_in_dim3A_109 : vector<16xf32>
            %get3A_719 = arith.index_cast %add3A_712 : i32 to index
            %get3A_720 = tpu.vector_load %arg14[%get3A_719] {strides = array<i32>} : memref<8448xf32, #tpu.memory_space<vmem>>, vector<16xf32>,
            %sub3A_721 = arith.subf %get3A_720, %broadcast_in_dim3A_112 : vector<16xf32>
            %mul3A_722 = arith.mulf %sub3A_715, %sub3A_715 : vector<16xf32>
            %mul3A_723 = arith.mulf %sub3A_718, %sub3A_718 : vector<16xf32>
            %add3A_724 = arith.addf %mul3A_722, %mul3A_723 : vector<16xf32>
            %mul3A_725 = arith.mulf %sub3A_721, %sub3A_721 : vector<16xf32>
            %add3A_726 = arith.addf %add3A_724, %mul3A_725 : vector<16xf32>
            %add3A_727 = arith.constant 0 : i32
            %add3A_728 = arith.addi %add3A_537, %add3A_727 : i32
            %add3A_729 = arith.constant 9 : i32
            %add3A_730 = arith.addi %add3A_728, %add3A_729 : i32
            %mul3A_731 = arith.constant 16 : i32
            %mul3A_732 = arith.muli %add3A_730, %mul3A_731 : i32
            %add3A_733 = arith.addi %mul3A_177, %mul3A_732 : i32
            %get3A_734 = arith.index_cast %add3A_733 : i32 to index
            %get3A_735 = tpu.vector_load %arg12[%get3A_734] {strides = array<i32>} : memref<8448xf32, #tpu.memory_space<vmem>>, vector<16xf32>,
            %sub3A_736 = arith.subf %get3A_735, %broadcast_in_dim3A_106 : vector<16xf32>
            %get3A_737 = arith.index_cast %add3A_733 : i32 to index
            %get3A_738 = tpu.vector_load %arg13[%get3A_737] {strides = array<i32>} : memref<8448xf32, #tpu.memory_space<vmem>>, vector<16xf32>,
            %sub3A_739 = arith.subf %get3A_738, %broadcast_in_dim3A_109 : vector<16xf32>
            %get3A_740 = arith.index_cast %add3A_733 : i32 to index
            %get3A_741 = tpu.vector_load %arg14[%get3A_740] {strides = array<i32>} : memref<8448xf32, #tpu.memory_space<vmem>>, vector<16xf32>,
            %sub3A_742 = arith.subf %get3A_741, %broadcast_in_dim3A_112 : vector<16xf32>
            %mul3A_743 = arith.mulf %sub3A_736, %sub3A_736 : vector<16xf32>
            %mul3A_744 = arith.mulf %sub3A_739, %sub3A_739 : vector<16xf32>
            %add3A_745 = arith.addf %mul3A_743, %mul3A_744 : vector<16xf32>
            %mul3A_746 = arith.mulf %sub3A_742, %sub3A_742 : vector<16xf32>
            %add3A_747 = arith.addf %add3A_745, %mul3A_746 : vector<16xf32>
            %add3A_748 = arith.constant 0 : i32
            %add3A_749 = arith.addi %add3A_537, %add3A_748 : i32
            %add3A_750 = arith.constant 10 : i32
            %add3A_751 = arith.addi %add3A_749, %add3A_750 : i32
            %mul3A_752 = arith.constant 16 : i32
            %mul3A_753 = arith.muli %add3A_751, %mul3A_752 : i32
            %add3A_754 = arith.addi %mul3A_177, %mul3A_753 : i32
            %get3A_755 = arith.index_cast %add3A_754 : i32 to index
            %get3A_756 = tpu.vector_load %arg12[%get3A_755] {strides = array<i32>} : memref<8448xf32, #tpu.memory_space<vmem>>, vector<16xf32>,
            %sub3A_757 = arith.subf %get3A_756, %broadcast_in_dim3A_106 : vector<16xf32>
            %get3A_758 = arith.index_cast %add3A_754 : i32 to index
            %get3A_759 = tpu.vector_load %arg13[%get3A_758] {strides = array<i32>} : memref<8448xf32, #tpu.memory_space<vmem>>, vector<16xf32>,
            %sub3A_760 = arith.subf %get3A_759, %broadcast_in_dim3A_109 : vector<16xf32>
            %get3A_761 = arith.index_cast %add3A_754 : i32 to index
            %get3A_762 = tpu.vector_load %arg14[%get3A_761] {strides = array<i32>} : memref<8448xf32, #tpu.memory_space<vmem>>, vector<16xf32>,
            %sub3A_763 = arith.subf %get3A_762, %broadcast_in_dim3A_112 : vector<16xf32>
            %mul3A_764 = arith.mulf %sub3A_757, %sub3A_757 : vector<16xf32>
            %mul3A_765 = arith.mulf %sub3A_760, %sub3A_760 : vector<16xf32>
            %add3A_766 = arith.addf %mul3A_764, %mul3A_765 : vector<16xf32>
            %mul3A_767 = arith.mulf %sub3A_763, %sub3A_763 : vector<16xf32>
            %add3A_768 = arith.addf %add3A_766, %mul3A_767 : vector<16xf32>
            %add3A_769 = arith.constant 0 : i32
            %add3A_770 = arith.addi %add3A_537, %add3A_769 : i32
            %add3A_771 = arith.constant 11 : i32
            %add3A_772 = arith.addi %add3A_770, %add3A_771 : i32
            %mul3A_773 = arith.constant 16 : i32
            %mul3A_774 = arith.muli %add3A_772, %mul3A_773 : i32
            %add3A_775 = arith.addi %mul3A_177, %mul3A_774 : i32
            %get3A_776 = arith.index_cast %add3A_775 : i32 to index
            %get3A_777 = tpu.vector_load %arg12[%get3A_776] {strides = array<i32>} : memref<8448xf32, #tpu.memory_space<vmem>>, vector<16xf32>,
            %sub3A_778 = arith.subf %get3A_777, %broadcast_in_dim3A_106 : vector<16xf32>
            %get3A_779 = arith.index_cast %add3A_775 : i32 to index
            %get3A_780 = tpu.vector_load %arg13[%get3A_779] {strides = array<i32>} : memref<8448xf32, #tpu.memory_space<vmem>>, vector<16xf32>,
            %sub3A_781 = arith.subf %get3A_780, %broadcast_in_dim3A_109 : vector<16xf32>
            %get3A_782 = arith.index_cast %add3A_775 : i32 to index
            %get3A_783 = tpu.vector_load %arg14[%get3A_782] {strides = array<i32>} : memref<8448xf32, #tpu.memory_space<vmem>>, vector<16xf32>,
            %sub3A_784 = arith.subf %get3A_783, %broadcast_in_dim3A_112 : vector<16xf32>
            %mul3A_785 = arith.mulf %sub3A_778, %sub3A_778 : vector<16xf32>
            %mul3A_786 = arith.mulf %sub3A_781, %sub3A_781 : vector<16xf32>
            %add3A_787 = arith.addf %mul3A_785, %mul3A_786 : vector<16xf32>
            %mul3A_788 = arith.mulf %sub3A_784, %sub3A_784 : vector<16xf32>
            %add3A_789 = arith.addf %add3A_787, %mul3A_788 : vector<16xf32>
            %add3A_790 = arith.constant 0 : i32
            %add3A_791 = arith.addi %add3A_537, %add3A_790 : i32
            %add3A_792 = arith.constant 12 : i32
            %add3A_793 = arith.addi %add3A_791, %add3A_792 : i32
            %mul3A_794 = arith.constant 16 : i32
            %mul3A_795 = arith.muli %add3A_793, %mul3A_794 : i32
            %add3A_796 = arith.addi %mul3A_177, %mul3A_795 : i32
            %get3A_797 = arith.index_cast %add3A_796 : i32 to index
            %get3A_798 = tpu.vector_load %arg12[%get3A_797] {strides = array<i32>} : memref<8448xf32, #tpu.memory_space<vmem>>, vector<16xf32>,
            %sub3A_799 = arith.subf %get3A_798, %broadcast_in_dim3A_106 : vector<16xf32>
            %get3A_800 = arith.index_cast %add3A_796 : i32 to index
            %get3A_801 = tpu.vector_load %arg13[%get3A_800] {strides = array<i32>} : memref<8448xf32, #tpu.memory_space<vmem>>, vector<16xf32>,
            %sub3A_802 = arith.subf %get3A_801, %broadcast_in_dim3A_109 : vector<16xf32>
            %get3A_803 = arith.index_cast %add3A_796 : i32 to index
            %get3A_804 = tpu.vector_load %arg14[%get3A_803] {strides = array<i32>} : memref<8448xf32, #tpu.memory_space<vmem>>, vector<16xf32>,
            %sub3A_805 = arith.subf %get3A_804, %broadcast_in_dim3A_112 : vector<16xf32>
            %mul3A_806 = arith.mulf %sub3A_799, %sub3A_799 : vector<16xf32>
            %mul3A_807 = arith.mulf %sub3A_802, %sub3A_802 : vector<16xf32>
            %add3A_808 = arith.addf %mul3A_806, %mul3A_807 : vector<16xf32>
            %mul3A_809 = arith.mulf %sub3A_805, %sub3A_805 : vector<16xf32>
            %add3A_810 = arith.addf %add3A_808, %mul3A_809 : vector<16xf32>
            %add3A_811 = arith.constant 0 : i32
            %add3A_812 = arith.addi %add3A_537, %add3A_811 : i32
            %add3A_813 = arith.constant 13 : i32
            %add3A_814 = arith.addi %add3A_812, %add3A_813 : i32
            %mul3A_815 = arith.constant 16 : i32
            %mul3A_816 = arith.muli %add3A_814, %mul3A_815 : i32
            %add3A_817 = arith.addi %mul3A_177, %mul3A_816 : i32
            %get3A_818 = arith.index_cast %add3A_817 : i32 to index
            %get3A_819 = tpu.vector_load %arg12[%get3A_818] {strides = array<i32>} : memref<8448xf32, #tpu.memory_space<vmem>>, vector<16xf32>,
            %sub3A_820 = arith.subf %get3A_819, %broadcast_in_dim3A_106 : vector<16xf32>
            %get3A_821 = arith.index_cast %add3A_817 : i32 to index
            %get3A_822 = tpu.vector_load %arg13[%get3A_821] {strides = array<i32>} : memref<8448xf32, #tpu.memory_space<vmem>>, vector<16xf32>,
            %sub3A_823 = arith.subf %get3A_822, %broadcast_in_dim3A_109 : vector<16xf32>
            %get3A_824 = arith.index_cast %add3A_817 : i32 to index
            %get3A_825 = tpu.vector_load %arg14[%get3A_824] {strides = array<i32>} : memref<8448xf32, #tpu.memory_space<vmem>>, vector<16xf32>,
            %sub3A_826 = arith.subf %get3A_825, %broadcast_in_dim3A_112 : vector<16xf32>
            %mul3A_827 = arith.mulf %sub3A_820, %sub3A_820 : vector<16xf32>
            %mul3A_828 = arith.mulf %sub3A_823, %sub3A_823 : vector<16xf32>
            %add3A_829 = arith.addf %mul3A_827, %mul3A_828 : vector<16xf32>
            %mul3A_830 = arith.mulf %sub3A_826, %sub3A_826 : vector<16xf32>
            %add3A_831 = arith.addf %add3A_829, %mul3A_830 : vector<16xf32>
            %add3A_832 = arith.constant 0 : i32
            %add3A_833 = arith.addi %add3A_537, %add3A_832 : i32
            %add3A_834 = arith.constant 14 : i32
            %add3A_835 = arith.addi %add3A_833, %add3A_834 : i32
            %mul3A_836 = arith.constant 16 : i32
            %mul3A_837 = arith.muli %add3A_835, %mul3A_836 : i32
            %add3A_838 = arith.addi %mul3A_177, %mul3A_837 : i32
            %get3A_839 = arith.index_cast %add3A_838 : i32 to index
            %get3A_840 = tpu.vector_load %arg12[%get3A_839] {strides = array<i32>} : memref<8448xf32, #tpu.memory_space<vmem>>, vector<16xf32>,
            %sub3A_841 = arith.subf %get3A_840, %broadcast_in_dim3A_106 : vector<16xf32>
            %get3A_842 = arith.index_cast %add3A_838 : i32 to index
            %get3A_843 = tpu.vector_load %arg13[%get3A_842] {strides = array<i32>} : memref<8448xf32, #tpu.memory_space<vmem>>, vector<16xf32>,
            %sub3A_844 = arith.subf %get3A_843, %broadcast_in_dim3A_109 : vector<16xf32>
            %get3A_845 = arith.index_cast %add3A_838 : i32 to index
            %get3A_846 = tpu.vector_load %arg14[%get3A_845] {strides = array<i32>} : memref<8448xf32, #tpu.memory_space<vmem>>, vector<16xf32>,
            %sub3A_847 = arith.subf %get3A_846, %broadcast_in_dim3A_112 : vector<16xf32>
            %mul3A_848 = arith.mulf %sub3A_841, %sub3A_841 : vector<16xf32>
            %mul3A_849 = arith.mulf %sub3A_844, %sub3A_844 : vector<16xf32>
            %add3A_850 = arith.addf %mul3A_848, %mul3A_849 : vector<16xf32>
            %mul3A_851 = arith.mulf %sub3A_847, %sub3A_847 : vector<16xf32>
            %add3A_852 = arith.addf %add3A_850, %mul3A_851 : vector<16xf32>
            %add3A_853 = arith.constant 0 : i32
            %add3A_854 = arith.addi %add3A_537, %add3A_853 : i32
            %add3A_855 = arith.constant 15 : i32
            %add3A_856 = arith.addi %add3A_854, %add3A_855 : i32
            %mul3A_857 = arith.constant 16 : i32
            %mul3A_858 = arith.muli %add3A_856, %mul3A_857 : i32
            %add3A_859 = arith.addi %mul3A_177, %mul3A_858 : i32
            %get3A_860 = arith.index_cast %add3A_859 : i32 to index
            %get3A_861 = tpu.vector_load %arg12[%get3A_860] {strides = array<i32>} : memref<8448xf32, #tpu.memory_space<vmem>>, vector<16xf32>,
            %sub3A_862 = arith.subf %get3A_861, %broadcast_in_dim3A_106 : vector<16xf32>
            %get3A_863 = arith.index_cast %add3A_859 : i32 to index
            %get3A_864 = tpu.vector_load %arg13[%get3A_863] {strides = array<i32>} : memref<8448xf32, #tpu.memory_space<vmem>>, vector<16xf32>,
            %sub3A_865 = arith.subf %get3A_864, %broadcast_in_dim3A_109 : vector<16xf32>
            %get3A_866 = arith.index_cast %add3A_859 : i32 to index
            %get3A_867 = tpu.vector_load %arg14[%get3A_866] {strides = array<i32>} : memref<8448xf32, #tpu.memory_space<vmem>>, vector<16xf32>,
            %sub3A_868 = arith.subf %get3A_867, %broadcast_in_dim3A_112 : vector<16xf32>
            %mul3A_869 = arith.mulf %sub3A_862, %sub3A_862 : vector<16xf32>
            %mul3A_870 = arith.mulf %sub3A_865, %sub3A_865 : vector<16xf32>
            %add3A_871 = arith.addf %mul3A_869, %mul3A_870 : vector<16xf32>
            %mul3A_872 = arith.mulf %sub3A_868, %sub3A_868 : vector<16xf32>
            %add3A_873 = arith.addf %add3A_871, %mul3A_872 : vector<16xf32>
            %add3A_874 = arith.constant 0 : i32
            %add3A_875 = arith.addi %add3A_537, %add3A_874 : i32
            %add3A_876 = arith.constant 0 : i32
            %add3A_877 = arith.addi %add3A_875, %add3A_876 : i32
            %mul3A_878 = arith.constant 16 : i32
            %mul3A_879 = arith.muli %add3A_877, %mul3A_878 : i32
            %add3A_880 = arith.addi %mul3A_177, %mul3A_879 : i32
            %add3A_881 = arith.addi %add3A_87, %add3A_880 : i32
            %add3A_882 = vector.broadcast %add3A_881 : i32 to vector<16xi32>
            %add3A_883 = arith.addi %add3A_882, %iota3A : vector<16xi32>
            %lt3A_884 = arith.cmpf olt, %add3A_558, %while3A_533 : vector<16xf32>
            %jit3A_885 = arith.constant 1 : i32
            %jit3A_886 = arith.constant 0 : i32
            %broadcast_in_dim3A_887 = vector.broadcast %jit3A_885 : i32 to vector<16xi32>
            %broadcast_in_dim3A_888 = vector.broadcast %jit3A_886 : i32 to vector<16xi32>
            %select_n3A_889 = arith.select %lt3A_884, %broadcast_in_dim3A_887, %broadcast_in_dim3A_888 : vector<16xi1>, vector<16xi32>
            %broadcast_in_dim3A_890 = arith.constant true
            %broadcast_in_dim3A_891 = vector.broadcast %broadcast_in_dim3A_890 : i1 to vector<16xi1>
            %masked_cumsum3A = tpu.scan <sum>, %select_n3A_889 masked %broadcast_in_dim3A_891 : vector<16xi32>, vector<16xi1> -> vector<16xi32>
            %add3A_892 = arith.addi %while3A_534, %masked_cumsum3A : vector<16xi32>
            %sub3A_893 = arith.subi %add3A_892, %select_n3A_889 : vector<16xi32>
            tpu.vector_store_idx %arg17[%sub3A_893], %add3A_558 masked %lt3A_884 : memref<288xf32, #tpu.memory_space<vmem>>[vector<16xi32>], vector<16xf32>, vector<16xi1>
            tpu.vector_store_idx %arg18[%sub3A_893], %add3A_883 masked %lt3A_884 : memref<288xi32, #tpu.memory_space<vmem>>[vector<16xi32>], vector<16xi32>, vector<16xi1>
            %slice3A_894 = vector.extract_strided_slice %masked_cumsum3A {offsets = [15], sizes = [1], strides = [1]} : vector<16xi32> to vector<1xi32>
            %squeeze3A_895 = vector.extract %slice3A_894[0] : i32 from vector<1xi32>
            %broadcast_in_dim3A_896 = vector.broadcast %squeeze3A_895 : i32 to vector<16xi32>
            %add3A_897 = arith.addi %while3A_534, %broadcast_in_dim3A_896 : vector<16xi32>
            %add3A_898 = arith.constant 0 : i32
            %add3A_899 = arith.addi %add3A_537, %add3A_898 : i32
            %add3A_900 = arith.constant 1 : i32
            %add3A_901 = arith.addi %add3A_899, %add3A_900 : i32
            %mul3A_902 = arith.constant 16 : i32
            %mul3A_903 = arith.muli %add3A_901, %mul3A_902 : i32
            %add3A_904 = arith.addi %mul3A_177, %mul3A_903 : i32
            %add3A_905 = arith.addi %add3A_87, %add3A_904 : i32
            %add3A_906 = vector.broadcast %add3A_905 : i32 to vector<16xi32>
            %add3A_907 = arith.addi %add3A_906, %iota3A : vector<16xi32>
            %lt3A_908 = arith.cmpf olt, %add3A_579, %while3A_533 : vector<16xf32>
            %jit3A_909 = arith.constant 1 : i32
            %jit3A_910 = arith.constant 0 : i32
            %broadcast_in_dim3A_911 = vector.broadcast %jit3A_909 : i32 to vector<16xi32>
            %broadcast_in_dim3A_912 = vector.broadcast %jit3A_910 : i32 to vector<16xi32>
            %select_n3A_913 = arith.select %lt3A_908, %broadcast_in_dim3A_911, %broadcast_in_dim3A_912 : vector<16xi1>, vector<16xi32>
            %broadcast_in_dim3A_914 = arith.constant true
            %broadcast_in_dim3A_915 = vector.broadcast %broadcast_in_dim3A_914 : i1 to vector<16xi1>
            %masked_cumsum3A_916 = tpu.scan <sum>, %select_n3A_913 masked %broadcast_in_dim3A_915 : vector<16xi32>, vector<16xi1> -> vector<16xi32>
            %add3A_917 = arith.addi %add3A_897, %masked_cumsum3A_916 : vector<16xi32>
            %sub3A_918 = arith.subi %add3A_917, %select_n3A_913 : vector<16xi32>
            tpu.vector_store_idx %arg17[%sub3A_918], %add3A_579 masked %lt3A_908 : memref<288xf32, #tpu.memory_space<vmem>>[vector<16xi32>], vector<16xf32>, vector<16xi1>
            tpu.vector_store_idx %arg18[%sub3A_918], %add3A_907 masked %lt3A_908 : memref<288xi32, #tpu.memory_space<vmem>>[vector<16xi32>], vector<16xi32>, vector<16xi1>
            %slice3A_919 = vector.extract_strided_slice %masked_cumsum3A_916 {offsets = [15], sizes = [1], strides = [1]} : vector<16xi32> to vector<1xi32>
            %squeeze3A_920 = vector.extract %slice3A_919[0] : i32 from vector<1xi32>
            %broadcast_in_dim3A_921 = vector.broadcast %squeeze3A_920 : i32 to vector<16xi32>
            %add3A_922 = arith.addi %add3A_897, %broadcast_in_dim3A_921 : vector<16xi32>
            %add3A_923 = arith.constant 0 : i32
            %add3A_924 = arith.addi %add3A_537, %add3A_923 : i32
            %add3A_925 = arith.constant 2 : i32
            %add3A_926 = arith.addi %add3A_924, %add3A_925 : i32
            %mul3A_927 = arith.constant 16 : i32
            %mul3A_928 = arith.muli %add3A_926, %mul3A_927 : i32
            %add3A_929 = arith.addi %mul3A_177, %mul3A_928 : i32
            %add3A_930 = arith.addi %add3A_87, %add3A_929 : i32
            %add3A_931 = vector.broadcast %add3A_930 : i32 to vector<16xi32>
            %add3A_932 = arith.addi %add3A_931, %iota3A : vector<16xi32>
            %lt3A_933 = arith.cmpf olt, %add3A_600, %while3A_533 : vector<16xf32>
            %jit3A_934 = arith.constant 1 : i32
            %jit3A_935 = arith.constant 0 : i32
            %broadcast_in_dim3A_936 = vector.broadcast %jit3A_934 : i32 to vector<16xi32>
            %broadcast_in_dim3A_937 = vector.broadcast %jit3A_935 : i32 to vector<16xi32>
            %select_n3A_938 = arith.select %lt3A_933, %broadcast_in_dim3A_936, %broadcast_in_dim3A_937 : vector<16xi1>, vector<16xi32>
            %broadcast_in_dim3A_939 = arith.constant true
            %broadcast_in_dim3A_940 = vector.broadcast %broadcast_in_dim3A_939 : i1 to vector<16xi1>
            %masked_cumsum3A_941 = tpu.scan <sum>, %select_n3A_938 masked %broadcast_in_dim3A_940 : vector<16xi32>, vector<16xi1> -> vector<16xi32>
            %add3A_942 = arith.addi %add3A_922, %masked_cumsum3A_941 : vector<16xi32>
            %sub3A_943 = arith.subi %add3A_942, %select_n3A_938 : vector<16xi32>
            tpu.vector_store_idx %arg17[%sub3A_943], %add3A_600 masked %lt3A_933 : memref<288xf32, #tpu.memory_space<vmem>>[vector<16xi32>], vector<16xf32>, vector<16xi1>
            tpu.vector_store_idx %arg18[%sub3A_943], %add3A_932 masked %lt3A_933 : memref<288xi32, #tpu.memory_space<vmem>>[vector<16xi32>], vector<16xi32>, vector<16xi1>
            %slice3A_944 = vector.extract_strided_slice %masked_cumsum3A_941 {offsets = [15], sizes = [1], strides = [1]} : vector<16xi32> to vector<1xi32>
            %squeeze3A_945 = vector.extract %slice3A_944[0] : i32 from vector<1xi32>
            %broadcast_in_dim3A_946 = vector.broadcast %squeeze3A_945 : i32 to vector<16xi32>
            %add3A_947 = arith.addi %add3A_922, %broadcast_in_dim3A_946 : vector<16xi32>
            %add3A_948 = arith.constant 0 : i32
            %add3A_949 = arith.addi %add3A_537, %add3A_948 : i32
            %add3A_950 = arith.constant 3 : i32
            %add3A_951 = arith.addi %add3A_949, %add3A_950 : i32
            %mul3A_952 = arith.constant 16 : i32
            %mul3A_953 = arith.muli %add3A_951, %mul3A_952 : i32
            %add3A_954 = arith.addi %mul3A_177, %mul3A_953 : i32
            %add3A_955 = arith.addi %add3A_87, %add3A_954 : i32
            %add3A_956 = vector.broadcast %add3A_955 : i32 to vector<16xi32>
            %add3A_957 = arith.addi %add3A_956, %iota3A : vector<16xi32>
            %lt3A_958 = arith.cmpf olt, %add3A_621, %while3A_533 : vector<16xf32>
            %jit3A_959 = arith.constant 1 : i32
            %jit3A_960 = arith.constant 0 : i32
            %broadcast_in_dim3A_961 = vector.broadcast %jit3A_959 : i32 to vector<16xi32>
            %broadcast_in_dim3A_962 = vector.broadcast %jit3A_960 : i32 to vector<16xi32>
            %select_n3A_963 = arith.select %lt3A_958, %broadcast_in_dim3A_961, %broadcast_in_dim3A_962 : vector<16xi1>, vector<16xi32>
            %broadcast_in_dim3A_964 = arith.constant true
            %broadcast_in_dim3A_965 = vector.broadcast %broadcast_in_dim3A_964 : i1 to vector<16xi1>
            %masked_cumsum3A_966 = tpu.scan <sum>, %select_n3A_963 masked %broadcast_in_dim3A_965 : vector<16xi32>, vector<16xi1> -> vector<16xi32>
            %add3A_967 = arith.addi %add3A_947, %masked_cumsum3A_966 : vector<16xi32>
            %sub3A_968 = arith.subi %add3A_967, %select_n3A_963 : vector<16xi32>
            tpu.vector_store_idx %arg17[%sub3A_968], %add3A_621 masked %lt3A_958 : memref<288xf32, #tpu.memory_space<vmem>>[vector<16xi32>], vector<16xf32>, vector<16xi1>
            tpu.vector_store_idx %arg18[%sub3A_968], %add3A_957 masked %lt3A_958 : memref<288xi32, #tpu.memory_space<vmem>>[vector<16xi32>], vector<16xi32>, vector<16xi1>
            %slice3A_969 = vector.extract_strided_slice %masked_cumsum3A_966 {offsets = [15], sizes = [1], strides = [1]} : vector<16xi32> to vector<1xi32>
            %squeeze3A_970 = vector.extract %slice3A_969[0] : i32 from vector<1xi32>
            %broadcast_in_dim3A_971 = vector.broadcast %squeeze3A_970 : i32 to vector<16xi32>
            %add3A_972 = arith.addi %add3A_947, %broadcast_in_dim3A_971 : vector<16xi32>
            %add3A_973 = arith.constant 0 : i32
            %add3A_974 = arith.addi %add3A_537, %add3A_973 : i32
            %add3A_975 = arith.constant 4 : i32
            %add3A_976 = arith.addi %add3A_974, %add3A_975 : i32
            %mul3A_977 = arith.constant 16 : i32
            %mul3A_978 = arith.muli %add3A_976, %mul3A_977 : i32
            %add3A_979 = arith.addi %mul3A_177, %mul3A_978 : i32
            %add3A_980 = arith.addi %add3A_87, %add3A_979 : i32
            %add3A_981 = vector.broadcast %add3A_980 : i32 to vector<16xi32>
            %add3A_982 = arith.addi %add3A_981, %iota3A : vector<16xi32>
            %lt3A_983 = arith.cmpf olt, %add3A_642, %while3A_533 : vector<16xf32>
            %jit3A_984 = arith.constant 1 : i32
            %jit3A_985 = arith.constant 0 : i32
            %broadcast_in_dim3A_986 = vector.broadcast %jit3A_984 : i32 to vector<16xi32>
            %broadcast_in_dim3A_987 = vector.broadcast %jit3A_985 : i32 to vector<16xi32>
            %select_n3A_988 = arith.select %lt3A_983, %broadcast_in_dim3A_986, %broadcast_in_dim3A_987 : vector<16xi1>, vector<16xi32>
            %broadcast_in_dim3A_989 = arith.constant true
            %broadcast_in_dim3A_990 = vector.broadcast %broadcast_in_dim3A_989 : i1 to vector<16xi1>
            %masked_cumsum3A_991 = tpu.scan <sum>, %select_n3A_988 masked %broadcast_in_dim3A_990 : vector<16xi32>, vector<16xi1> -> vector<16xi32>
            %add3A_992 = arith.addi %add3A_972, %masked_cumsum3A_991 : vector<16xi32>
            %sub3A_993 = arith.subi %add3A_992, %select_n3A_988 : vector<16xi32>
            tpu.vector_store_idx %arg17[%sub3A_993], %add3A_642 masked %lt3A_983 : memref<288xf32, #tpu.memory_space<vmem>>[vector<16xi32>], vector<16xf32>, vector<16xi1>
            tpu.vector_store_idx %arg18[%sub3A_993], %add3A_982 masked %lt3A_983 : memref<288xi32, #tpu.memory_space<vmem>>[vector<16xi32>], vector<16xi32>, vector<16xi1>
            %slice3A_994 = vector.extract_strided_slice %masked_cumsum3A_991 {offsets = [15], sizes = [1], strides = [1]} : vector<16xi32> to vector<1xi32>
            %squeeze3A_995 = vector.extract %slice3A_994[0] : i32 from vector<1xi32>
            %broadcast_in_dim3A_996 = vector.broadcast %squeeze3A_995 : i32 to vector<16xi32>
            %add3A_997 = arith.addi %add3A_972, %broadcast_in_dim3A_996 : vector<16xi32>
            %add3A_998 = arith.constant 0 : i32
            %add3A_999 = arith.addi %add3A_537, %add3A_998 : i32
            %add3A_1000 = arith.constant 5 : i32
            %add3A_1001 = arith.addi %add3A_999, %add3A_1000 : i32
            %mul3A_1002 = arith.constant 16 : i32
            %mul3A_1003 = arith.muli %add3A_1001, %mul3A_1002 : i32
            %add3A_1004 = arith.addi %mul3A_177, %mul3A_1003 : i32
            %add3A_1005 = arith.addi %add3A_87, %add3A_1004 : i32
            %add3A_1006 = vector.broadcast %add3A_1005 : i32 to vector<16xi32>
            %add3A_1007 = arith.addi %add3A_1006, %iota3A : vector<16xi32>
            %lt3A_1008 = arith.cmpf olt, %add3A_663, %while3A_533 : vector<16xf32>
            %jit3A_1009 = arith.constant 1 : i32
            %jit3A_1010 = arith.constant 0 : i32
            %broadcast_in_dim3A_1011 = vector.broadcast %jit3A_1009 : i32 to vector<16xi32>
            %broadcast_in_dim3A_1012 = vector.broadcast %jit3A_1010 : i32 to vector<16xi32>
            %select_n3A_1013 = arith.select %lt3A_1008, %broadcast_in_dim3A_1011, %broadcast_in_dim3A_1012 : vector<16xi1>, vector<16xi32>
            %broadcast_in_dim3A_1014 = arith.constant true
            %broadcast_in_dim3A_1015 = vector.broadcast %broadcast_in_dim3A_1014 : i1 to vector<16xi1>
            %masked_cumsum3A_1016 = tpu.scan <sum>, %select_n3A_1013 masked %broadcast_in_dim3A_1015 : vector<16xi32>, vector<16xi1> -> vector<16xi32>
            %add3A_1017 = arith.addi %add3A_997, %masked_cumsum3A_1016 : vector<16xi32>
            %sub3A_1018 = arith.subi %add3A_1017, %select_n3A_1013 : vector<16xi32>
            tpu.vector_store_idx %arg17[%sub3A_1018], %add3A_663 masked %lt3A_1008 : memref<288xf32, #tpu.memory_space<vmem>>[vector<16xi32>], vector<16xf32>, vector<16xi1>
            tpu.vector_store_idx %arg18[%sub3A_1018], %add3A_1007 masked %lt3A_1008 : memref<288xi32, #tpu.memory_space<vmem>>[vector<16xi32>], vector<16xi32>, vector<16xi1>
            %slice3A_1019 = vector.extract_strided_slice %masked_cumsum3A_1016 {offsets = [15], sizes = [1], strides = [1]} : vector<16xi32> to vector<1xi32>
            %squeeze3A_1020 = vector.extract %slice3A_1019[0] : i32 from vector<1xi32>
            %broadcast_in_dim3A_1021 = vector.broadcast %squeeze3A_1020 : i32 to vector<16xi32>
            %add3A_1022 = arith.addi %add3A_997, %broadcast_in_dim3A_1021 : vector<16xi32>
            %add3A_1023 = arith.constant 0 : i32
            %add3A_1024 = arith.addi %add3A_537, %add3A_1023 : i32
            %add3A_1025 = arith.constant 6 : i32
            %add3A_1026 = arith.addi %add3A_1024, %add3A_1025 : i32
            %mul3A_1027 = arith.constant 16 : i32
            %mul3A_1028 = arith.muli %add3A_1026, %mul3A_1027 : i32
            %add3A_1029 = arith.addi %mul3A_177, %mul3A_1028 : i32
            %add3A_1030 = arith.addi %add3A_87, %add3A_1029 : i32
            %add3A_1031 = vector.broadcast %add3A_1030 : i32 to vector<16xi32>
            %add3A_1032 = arith.addi %add3A_1031, %iota3A : vector<16xi32>
            %lt3A_1033 = arith.cmpf olt, %add3A_684, %while3A_533 : vector<16xf32>
            %jit3A_1034 = arith.constant 1 : i32
            %jit3A_1035 = arith.constant 0 : i32
            %broadcast_in_dim3A_1036 = vector.broadcast %jit3A_1034 : i32 to vector<16xi32>
            %broadcast_in_dim3A_1037 = vector.broadcast %jit3A_1035 : i32 to vector<16xi32>
            %select_n3A_1038 = arith.select %lt3A_1033, %broadcast_in_dim3A_1036, %broadcast_in_dim3A_1037 : vector<16xi1>, vector<16xi32>
            %broadcast_in_dim3A_1039 = arith.constant true
            %broadcast_in_dim3A_1040 = vector.broadcast %broadcast_in_dim3A_1039 : i1 to vector<16xi1>
            %masked_cumsum3A_1041 = tpu.scan <sum>, %select_n3A_1038 masked %broadcast_in_dim3A_1040 : vector<16xi32>, vector<16xi1> -> vector<16xi32>
            %add3A_1042 = arith.addi %add3A_1022, %masked_cumsum3A_1041 : vector<16xi32>
            %sub3A_1043 = arith.subi %add3A_1042, %select_n3A_1038 : vector<16xi32>
            tpu.vector_store_idx %arg17[%sub3A_1043], %add3A_684 masked %lt3A_1033 : memref<288xf32, #tpu.memory_space<vmem>>[vector<16xi32>], vector<16xf32>, vector<16xi1>
            tpu.vector_store_idx %arg18[%sub3A_1043], %add3A_1032 masked %lt3A_1033 : memref<288xi32, #tpu.memory_space<vmem>>[vector<16xi32>], vector<16xi32>, vector<16xi1>
            %slice3A_1044 = vector.extract_strided_slice %masked_cumsum3A_1041 {offsets = [15], sizes = [1], strides = [1]} : vector<16xi32> to vector<1xi32>
            %squeeze3A_1045 = vector.extract %slice3A_1044[0] : i32 from vector<1xi32>
            %broadcast_in_dim3A_1046 = vector.broadcast %squeeze3A_1045 : i32 to vector<16xi32>
            %add3A_1047 = arith.addi %add3A_1022, %broadcast_in_dim3A_1046 : vector<16xi32>
            %add3A_1048 = arith.constant 0 : i32
            %add3A_1049 = arith.addi %add3A_537, %add3A_1048 : i32
            %add3A_1050 = arith.constant 7 : i32
            %add3A_1051 = arith.addi %add3A_1049, %add3A_1050 : i32
            %mul3A_1052 = arith.constant 16 : i32
            %mul3A_1053 = arith.muli %add3A_1051, %mul3A_1052 : i32
            %add3A_1054 = arith.addi %mul3A_177, %mul3A_1053 : i32
            %add3A_1055 = arith.addi %add3A_87, %add3A_1054 : i32
            %add3A_1056 = vector.broadcast %add3A_1055 : i32 to vector<16xi32>
            %add3A_1057 = arith.addi %add3A_1056, %iota3A : vector<16xi32>
            %lt3A_1058 = arith.cmpf olt, %add3A_705, %while3A_533 : vector<16xf32>
            %jit3A_1059 = arith.constant 1 : i32
            %jit3A_1060 = arith.constant 0 : i32
            %broadcast_in_dim3A_1061 = vector.broadcast %jit3A_1059 : i32 to vector<16xi32>
            %broadcast_in_dim3A_1062 = vector.broadcast %jit3A_1060 : i32 to vector<16xi32>
            %select_n3A_1063 = arith.select %lt3A_1058, %broadcast_in_dim3A_1061, %broadcast_in_dim3A_1062 : vector<16xi1>, vector<16xi32>
            %broadcast_in_dim3A_1064 = arith.constant true
            %broadcast_in_dim3A_1065 = vector.broadcast %broadcast_in_dim3A_1064 : i1 to vector<16xi1>
            %masked_cumsum3A_1066 = tpu.scan <sum>, %select_n3A_1063 masked %broadcast_in_dim3A_1065 : vector<16xi32>, vector<16xi1> -> vector<16xi32>
            %add3A_1067 = arith.addi %add3A_1047, %masked_cumsum3A_1066 : vector<16xi32>
            %sub3A_1068 = arith.subi %add3A_1067, %select_n3A_1063 : vector<16xi32>
            tpu.vector_store_idx %arg17[%sub3A_1068], %add3A_705 masked %lt3A_1058 : memref<288xf32, #tpu.memory_space<vmem>>[vector<16xi32>], vector<16xf32>, vector<16xi1>
            tpu.vector_store_idx %arg18[%sub3A_1068], %add3A_1057 masked %lt3A_1058 : memref<288xi32, #tpu.memory_space<vmem>>[vector<16xi32>], vector<16xi32>, vector<16xi1>
            %slice3A_1069 = vector.extract_strided_slice %masked_cumsum3A_1066 {offsets = [15], sizes = [1], strides = [1]} : vector<16xi32> to vector<1xi32>
            %squeeze3A_1070 = vector.extract %slice3A_1069[0] : i32 from vector<1xi32>
            %broadcast_in_dim3A_1071 = vector.broadcast %squeeze3A_1070 : i32 to vector<16xi32>
            %add3A_1072 = arith.addi %add3A_1047, %broadcast_in_dim3A_1071 : vector<16xi32>
            %add3A_1073 = arith.constant 0 : i32
            %add3A_1074 = arith.addi %add3A_537, %add3A_1073 : i32
            %add3A_1075 = arith.constant 8 : i32
            %add3A_1076 = arith.addi %add3A_1074, %add3A_1075 : i32
            %mul3A_1077 = arith.constant 16 : i32
            %mul3A_1078 = arith.muli %add3A_1076, %mul3A_1077 : i32
            %add3A_1079 = arith.addi %mul3A_177, %mul3A_1078 : i32
            %add3A_1080 = arith.addi %add3A_87, %add3A_1079 : i32
            %add3A_1081 = vector.broadcast %add3A_1080 : i32 to vector<16xi32>
            %add3A_1082 = arith.addi %add3A_1081, %iota3A : vector<16xi32>
            %lt3A_1083 = arith.cmpf olt, %add3A_726, %while3A_533 : vector<16xf32>
            %jit3A_1084 = arith.constant 1 : i32
            %jit3A_1085 = arith.constant 0 : i32
            %broadcast_in_dim3A_1086 = vector.broadcast %jit3A_1084 : i32 to vector<16xi32>
            %broadcast_in_dim3A_1087 = vector.broadcast %jit3A_1085 : i32 to vector<16xi32>
            %select_n3A_1088 = arith.select %lt3A_1083, %broadcast_in_dim3A_1086, %broadcast_in_dim3A_1087 : vector<16xi1>, vector<16xi32>
            %broadcast_in_dim3A_1089 = arith.constant true
            %broadcast_in_dim3A_1090 = vector.broadcast %broadcast_in_dim3A_1089 : i1 to vector<16xi1>
            %masked_cumsum3A_1091 = tpu.scan <sum>, %select_n3A_1088 masked %broadcast_in_dim3A_1090 : vector<16xi32>, vector<16xi1> -> vector<16xi32>
            %add3A_1092 = arith.addi %add3A_1072, %masked_cumsum3A_1091 : vector<16xi32>
            %sub3A_1093 = arith.subi %add3A_1092, %select_n3A_1088 : vector<16xi32>
            tpu.vector_store_idx %arg17[%sub3A_1093], %add3A_726 masked %lt3A_1083 : memref<288xf32, #tpu.memory_space<vmem>>[vector<16xi32>], vector<16xf32>, vector<16xi1>
            tpu.vector_store_idx %arg18[%sub3A_1093], %add3A_1082 masked %lt3A_1083 : memref<288xi32, #tpu.memory_space<vmem>>[vector<16xi32>], vector<16xi32>, vector<16xi1>
            %slice3A_1094 = vector.extract_strided_slice %masked_cumsum3A_1091 {offsets = [15], sizes = [1], strides = [1]} : vector<16xi32> to vector<1xi32>
            %squeeze3A_1095 = vector.extract %slice3A_1094[0] : i32 from vector<1xi32>
            %broadcast_in_dim3A_1096 = vector.broadcast %squeeze3A_1095 : i32 to vector<16xi32>
            %add3A_1097 = arith.addi %add3A_1072, %broadcast_in_dim3A_1096 : vector<16xi32>
            %add3A_1098 = arith.constant 0 : i32
            %add3A_1099 = arith.addi %add3A_537, %add3A_1098 : i32
            %add3A_1100 = arith.constant 9 : i32
            %add3A_1101 = arith.addi %add3A_1099, %add3A_1100 : i32
            %mul3A_1102 = arith.constant 16 : i32
            %mul3A_1103 = arith.muli %add3A_1101, %mul3A_1102 : i32
            %add3A_1104 = arith.addi %mul3A_177, %mul3A_1103 : i32
            %add3A_1105 = arith.addi %add3A_87, %add3A_1104 : i32
            %add3A_1106 = vector.broadcast %add3A_1105 : i32 to vector<16xi32>
            %add3A_1107 = arith.addi %add3A_1106, %iota3A : vector<16xi32>
            %lt3A_1108 = arith.cmpf olt, %add3A_747, %while3A_533 : vector<16xf32>
            %jit3A_1109 = arith.constant 1 : i32
            %jit3A_1110 = arith.constant 0 : i32
            %broadcast_in_dim3A_1111 = vector.broadcast %jit3A_1109 : i32 to vector<16xi32>
            %broadcast_in_dim3A_1112 = vector.broadcast %jit3A_1110 : i32 to vector<16xi32>
            %select_n3A_1113 = arith.select %lt3A_1108, %broadcast_in_dim3A_1111, %broadcast_in_dim3A_1112 : vector<16xi1>, vector<16xi32>
            %broadcast_in_dim3A_1114 = arith.constant true
            %broadcast_in_dim3A_1115 = vector.broadcast %broadcast_in_dim3A_1114 : i1 to vector<16xi1>
            %masked_cumsum3A_1116 = tpu.scan <sum>, %select_n3A_1113 masked %broadcast_in_dim3A_1115 : vector<16xi32>, vector<16xi1> -> vector<16xi32>
            %add3A_1117 = arith.addi %add3A_1097, %masked_cumsum3A_1116 : vector<16xi32>
            %sub3A_1118 = arith.subi %add3A_1117, %select_n3A_1113 : vector<16xi32>
            tpu.vector_store_idx %arg17[%sub3A_1118], %add3A_747 masked %lt3A_1108 : memref<288xf32, #tpu.memory_space<vmem>>[vector<16xi32>], vector<16xf32>, vector<16xi1>
            tpu.vector_store_idx %arg18[%sub3A_1118], %add3A_1107 masked %lt3A_1108 : memref<288xi32, #tpu.memory_space<vmem>>[vector<16xi32>], vector<16xi32>, vector<16xi1>
            %slice3A_1119 = vector.extract_strided_slice %masked_cumsum3A_1116 {offsets = [15], sizes = [1], strides = [1]} : vector<16xi32> to vector<1xi32>
            %squeeze3A_1120 = vector.extract %slice3A_1119[0] : i32 from vector<1xi32>
            %broadcast_in_dim3A_1121 = vector.broadcast %squeeze3A_1120 : i32 to vector<16xi32>
            %add3A_1122 = arith.addi %add3A_1097, %broadcast_in_dim3A_1121 : vector<16xi32>
            %add3A_1123 = arith.constant 0 : i32
            %add3A_1124 = arith.addi %add3A_537, %add3A_1123 : i32
            %add3A_1125 = arith.constant 10 : i32
            %add3A_1126 = arith.addi %add3A_1124, %add3A_1125 : i32
            %mul3A_1127 = arith.constant 16 : i32
            %mul3A_1128 = arith.muli %add3A_1126, %mul3A_1127 : i32
            %add3A_1129 = arith.addi %mul3A_177, %mul3A_1128 : i32
            %add3A_1130 = arith.addi %add3A_87, %add3A_1129 : i32
            %add3A_1131 = vector.broadcast %add3A_1130 : i32 to vector<16xi32>
            %add3A_1132 = arith.addi %add3A_1131, %iota3A : vector<16xi32>
            %lt3A_1133 = arith.cmpf olt, %add3A_768, %while3A_533 : vector<16xf32>
            %jit3A_1134 = arith.constant 1 : i32
            %jit3A_1135 = arith.constant 0 : i32
            %broadcast_in_dim3A_1136 = vector.broadcast %jit3A_1134 : i32 to vector<16xi32>
            %broadcast_in_dim3A_1137 = vector.broadcast %jit3A_1135 : i32 to vector<16xi32>
            %select_n3A_1138 = arith.select %lt3A_1133, %broadcast_in_dim3A_1136, %broadcast_in_dim3A_1137 : vector<16xi1>, vector<16xi32>
            %broadcast_in_dim3A_1139 = arith.constant true
            %broadcast_in_dim3A_1140 = vector.broadcast %broadcast_in_dim3A_1139 : i1 to vector<16xi1>
            %masked_cumsum3A_1141 = tpu.scan <sum>, %select_n3A_1138 masked %broadcast_in_dim3A_1140 : vector<16xi32>, vector<16xi1> -> vector<16xi32>
            %add3A_1142 = arith.addi %add3A_1122, %masked_cumsum3A_1141 : vector<16xi32>
            %sub3A_1143 = arith.subi %add3A_1142, %select_n3A_1138 : vector<16xi32>
            tpu.vector_store_idx %arg17[%sub3A_1143], %add3A_768 masked %lt3A_1133 : memref<288xf32, #tpu.memory_space<vmem>>[vector<16xi32>], vector<16xf32>, vector<16xi1>
            tpu.vector_store_idx %arg18[%sub3A_1143], %add3A_1132 masked %lt3A_1133 : memref<288xi32, #tpu.memory_space<vmem>>[vector<16xi32>], vector<16xi32>, vector<16xi1>
            %slice3A_1144 = vector.extract_strided_slice %masked_cumsum3A_1141 {offsets = [15], sizes = [1], strides = [1]} : vector<16xi32> to vector<1xi32>
            %squeeze3A_1145 = vector.extract %slice3A_1144[0] : i32 from vector<1xi32>
            %broadcast_in_dim3A_1146 = vector.broadcast %squeeze3A_1145 : i32 to vector<16xi32>
            %add3A_1147 = arith.addi %add3A_1122, %broadcast_in_dim3A_1146 : vector<16xi32>
            %add3A_1148 = arith.constant 0 : i32
            %add3A_1149 = arith.addi %add3A_537, %add3A_1148 : i32
            %add3A_1150 = arith.constant 11 : i32
            %add3A_1151 = arith.addi %add3A_1149, %add3A_1150 : i32
            %mul3A_1152 = arith.constant 16 : i32
            %mul3A_1153 = arith.muli %add3A_1151, %mul3A_1152 : i32
            %add3A_1154 = arith.addi %mul3A_177, %mul3A_1153 : i32
            %add3A_1155 = arith.addi %add3A_87, %add3A_1154 : i32
            %add3A_1156 = vector.broadcast %add3A_1155 : i32 to vector<16xi32>
            %add3A_1157 = arith.addi %add3A_1156, %iota3A : vector<16xi32>
            %lt3A_1158 = arith.cmpf olt, %add3A_789, %while3A_533 : vector<16xf32>
            %jit3A_1159 = arith.constant 1 : i32
            %jit3A_1160 = arith.constant 0 : i32
            %broadcast_in_dim3A_1161 = vector.broadcast %jit3A_1159 : i32 to vector<16xi32>
            %broadcast_in_dim3A_1162 = vector.broadcast %jit3A_1160 : i32 to vector<16xi32>
            %select_n3A_1163 = arith.select %lt3A_1158, %broadcast_in_dim3A_1161, %broadcast_in_dim3A_1162 : vector<16xi1>, vector<16xi32>
            %broadcast_in_dim3A_1164 = arith.constant true
            %broadcast_in_dim3A_1165 = vector.broadcast %broadcast_in_dim3A_1164 : i1 to vector<16xi1>
            %masked_cumsum3A_1166 = tpu.scan <sum>, %select_n3A_1163 masked %broadcast_in_dim3A_1165 : vector<16xi32>, vector<16xi1> -> vector<16xi32>
            %add3A_1167 = arith.addi %add3A_1147, %masked_cumsum3A_1166 : vector<16xi32>
            %sub3A_1168 = arith.subi %add3A_1167, %select_n3A_1163 : vector<16xi32>
            tpu.vector_store_idx %arg17[%sub3A_1168], %add3A_789 masked %lt3A_1158 : memref<288xf32, #tpu.memory_space<vmem>>[vector<16xi32>], vector<16xf32>, vector<16xi1>
            tpu.vector_store_idx %arg18[%sub3A_1168], %add3A_1157 masked %lt3A_1158 : memref<288xi32, #tpu.memory_space<vmem>>[vector<16xi32>], vector<16xi32>, vector<16xi1>
            %slice3A_1169 = vector.extract_strided_slice %masked_cumsum3A_1166 {offsets = [15], sizes = [1], strides = [1]} : vector<16xi32> to vector<1xi32>
            %squeeze3A_1170 = vector.extract %slice3A_1169[0] : i32 from vector<1xi32>
            %broadcast_in_dim3A_1171 = vector.broadcast %squeeze3A_1170 : i32 to vector<16xi32>
            %add3A_1172 = arith.addi %add3A_1147, %broadcast_in_dim3A_1171 : vector<16xi32>
            %add3A_1173 = arith.constant 0 : i32
            %add3A_1174 = arith.addi %add3A_537, %add3A_1173 : i32
            %add3A_1175 = arith.constant 12 : i32
            %add3A_1176 = arith.addi %add3A_1174, %add3A_1175 : i32
            %mul3A_1177 = arith.constant 16 : i32
            %mul3A_1178 = arith.muli %add3A_1176, %mul3A_1177 : i32
            %add3A_1179 = arith.addi %mul3A_177, %mul3A_1178 : i32
            %add3A_1180 = arith.addi %add3A_87, %add3A_1179 : i32
            %add3A_1181 = vector.broadcast %add3A_1180 : i32 to vector<16xi32>
            %add3A_1182 = arith.addi %add3A_1181, %iota3A : vector<16xi32>
            %lt3A_1183 = arith.cmpf olt, %add3A_810, %while3A_533 : vector<16xf32>
            %jit3A_1184 = arith.constant 1 : i32
            %jit3A_1185 = arith.constant 0 : i32
            %broadcast_in_dim3A_1186 = vector.broadcast %jit3A_1184 : i32 to vector<16xi32>
            %broadcast_in_dim3A_1187 = vector.broadcast %jit3A_1185 : i32 to vector<16xi32>
            %select_n3A_1188 = arith.select %lt3A_1183, %broadcast_in_dim3A_1186, %broadcast_in_dim3A_1187 : vector<16xi1>, vector<16xi32>
            %broadcast_in_dim3A_1189 = arith.constant true
            %broadcast_in_dim3A_1190 = vector.broadcast %broadcast_in_dim3A_1189 : i1 to vector<16xi1>
            %masked_cumsum3A_1191 = tpu.scan <sum>, %select_n3A_1188 masked %broadcast_in_dim3A_1190 : vector<16xi32>, vector<16xi1> -> vector<16xi32>
            %add3A_1192 = arith.addi %add3A_1172, %masked_cumsum3A_1191 : vector<16xi32>
            %sub3A_1193 = arith.subi %add3A_1192, %select_n3A_1188 : vector<16xi32>
            tpu.vector_store_idx %arg17[%sub3A_1193], %add3A_810 masked %lt3A_1183 : memref<288xf32, #tpu.memory_space<vmem>>[vector<16xi32>], vector<16xf32>, vector<16xi1>
            tpu.vector_store_idx %arg18[%sub3A_1193], %add3A_1182 masked %lt3A_1183 : memref<288xi32, #tpu.memory_space<vmem>>[vector<16xi32>], vector<16xi32>, vector<16xi1>
            %slice3A_1194 = vector.extract_strided_slice %masked_cumsum3A_1191 {offsets = [15], sizes = [1], strides = [1]} : vector<16xi32> to vector<1xi32>
            %squeeze3A_1195 = vector.extract %slice3A_1194[0] : i32 from vector<1xi32>
            %broadcast_in_dim3A_1196 = vector.broadcast %squeeze3A_1195 : i32 to vector<16xi32>
            %add3A_1197 = arith.addi %add3A_1172, %broadcast_in_dim3A_1196 : vector<16xi32>
            %add3A_1198 = arith.constant 0 : i32
            %add3A_1199 = arith.addi %add3A_537, %add3A_1198 : i32
            %add3A_1200 = arith.constant 13 : i32
            %add3A_1201 = arith.addi %add3A_1199, %add3A_1200 : i32
            %mul3A_1202 = arith.constant 16 : i32
            %mul3A_1203 = arith.muli %add3A_1201, %mul3A_1202 : i32
            %add3A_1204 = arith.addi %mul3A_177, %mul3A_1203 : i32
            %add3A_1205 = arith.addi %add3A_87, %add3A_1204 : i32
            %add3A_1206 = vector.broadcast %add3A_1205 : i32 to vector<16xi32>
            %add3A_1207 = arith.addi %add3A_1206, %iota3A : vector<16xi32>
            %lt3A_1208 = arith.cmpf olt, %add3A_831, %while3A_533 : vector<16xf32>
            %jit3A_1209 = arith.constant 1 : i32
            %jit3A_1210 = arith.constant 0 : i32
            %broadcast_in_dim3A_1211 = vector.broadcast %jit3A_1209 : i32 to vector<16xi32>
            %broadcast_in_dim3A_1212 = vector.broadcast %jit3A_1210 : i32 to vector<16xi32>
            %select_n3A_1213 = arith.select %lt3A_1208, %broadcast_in_dim3A_1211, %broadcast_in_dim3A_1212 : vector<16xi1>, vector<16xi32>
            %broadcast_in_dim3A_1214 = arith.constant true
            %broadcast_in_dim3A_1215 = vector.broadcast %broadcast_in_dim3A_1214 : i1 to vector<16xi1>
            %masked_cumsum3A_1216 = tpu.scan <sum>, %select_n3A_1213 masked %broadcast_in_dim3A_1215 : vector<16xi32>, vector<16xi1> -> vector<16xi32>
            %add3A_1217 = arith.addi %add3A_1197, %masked_cumsum3A_1216 : vector<16xi32>
            %sub3A_1218 = arith.subi %add3A_1217, %select_n3A_1213 : vector<16xi32>
            tpu.vector_store_idx %arg17[%sub3A_1218], %add3A_831 masked %lt3A_1208 : memref<288xf32, #tpu.memory_space<vmem>>[vector<16xi32>], vector<16xf32>, vector<16xi1>
            tpu.vector_store_idx %arg18[%sub3A_1218], %add3A_1207 masked %lt3A_1208 : memref<288xi32, #tpu.memory_space<vmem>>[vector<16xi32>], vector<16xi32>, vector<16xi1>
            %slice3A_1219 = vector.extract_strided_slice %masked_cumsum3A_1216 {offsets = [15], sizes = [1], strides = [1]} : vector<16xi32> to vector<1xi32>
            %squeeze3A_1220 = vector.extract %slice3A_1219[0] : i32 from vector<1xi32>
            %broadcast_in_dim3A_1221 = vector.broadcast %squeeze3A_1220 : i32 to vector<16xi32>
            %add3A_1222 = arith.addi %add3A_1197, %broadcast_in_dim3A_1221 : vector<16xi32>
            %add3A_1223 = arith.constant 0 : i32
            %add3A_1224 = arith.addi %add3A_537, %add3A_1223 : i32
            %add3A_1225 = arith.constant 14 : i32
            %add3A_1226 = arith.addi %add3A_1224, %add3A_1225 : i32
            %mul3A_1227 = arith.constant 16 : i32
            %mul3A_1228 = arith.muli %add3A_1226, %mul3A_1227 : i32
            %add3A_1229 = arith.addi %mul3A_177, %mul3A_1228 : i32
            %add3A_1230 = arith.addi %add3A_87, %add3A_1229 : i32
            %add3A_1231 = vector.broadcast %add3A_1230 : i32 to vector<16xi32>
            %add3A_1232 = arith.addi %add3A_1231, %iota3A : vector<16xi32>
            %lt3A_1233 = arith.cmpf olt, %add3A_852, %while3A_533 : vector<16xf32>
            %jit3A_1234 = arith.constant 1 : i32
            %jit3A_1235 = arith.constant 0 : i32
            %broadcast_in_dim3A_1236 = vector.broadcast %jit3A_1234 : i32 to vector<16xi32>
            %broadcast_in_dim3A_1237 = vector.broadcast %jit3A_1235 : i32 to vector<16xi32>
            %select_n3A_1238 = arith.select %lt3A_1233, %broadcast_in_dim3A_1236, %broadcast_in_dim3A_1237 : vector<16xi1>, vector<16xi32>
            %broadcast_in_dim3A_1239 = arith.constant true
            %broadcast_in_dim3A_1240 = vector.broadcast %broadcast_in_dim3A_1239 : i1 to vector<16xi1>
            %masked_cumsum3A_1241 = tpu.scan <sum>, %select_n3A_1238 masked %broadcast_in_dim3A_1240 : vector<16xi32>, vector<16xi1> -> vector<16xi32>
            %add3A_1242 = arith.addi %add3A_1222, %masked_cumsum3A_1241 : vector<16xi32>
            %sub3A_1243 = arith.subi %add3A_1242, %select_n3A_1238 : vector<16xi32>
            tpu.vector_store_idx %arg17[%sub3A_1243], %add3A_852 masked %lt3A_1233 : memref<288xf32, #tpu.memory_space<vmem>>[vector<16xi32>], vector<16xf32>, vector<16xi1>
            tpu.vector_store_idx %arg18[%sub3A_1243], %add3A_1232 masked %lt3A_1233 : memref<288xi32, #tpu.memory_space<vmem>>[vector<16xi32>], vector<16xi32>, vector<16xi1>
            %slice3A_1244 = vector.extract_strided_slice %masked_cumsum3A_1241 {offsets = [15], sizes = [1], strides = [1]} : vector<16xi32> to vector<1xi32>
            %squeeze3A_1245 = vector.extract %slice3A_1244[0] : i32 from vector<1xi32>
            %broadcast_in_dim3A_1246 = vector.broadcast %squeeze3A_1245 : i32 to vector<16xi32>
            %add3A_1247 = arith.addi %add3A_1222, %broadcast_in_dim3A_1246 : vector<16xi32>
            %add3A_1248 = arith.constant 0 : i32
            %add3A_1249 = arith.addi %add3A_537, %add3A_1248 : i32
            %add3A_1250 = arith.constant 15 : i32
            %add3A_1251 = arith.addi %add3A_1249, %add3A_1250 : i32
            %mul3A_1252 = arith.constant 16 : i32
            %mul3A_1253 = arith.muli %add3A_1251, %mul3A_1252 : i32
            %add3A_1254 = arith.addi %mul3A_177, %mul3A_1253 : i32
            %add3A_1255 = arith.addi %add3A_87, %add3A_1254 : i32
            %add3A_1256 = vector.broadcast %add3A_1255 : i32 to vector<16xi32>
            %add3A_1257 = arith.addi %add3A_1256, %iota3A : vector<16xi32>
            %lt3A_1258 = arith.cmpf olt, %add3A_873, %while3A_533 : vector<16xf32>
            %jit3A_1259 = arith.constant 1 : i32
            %jit3A_1260 = arith.constant 0 : i32
            %broadcast_in_dim3A_1261 = vector.broadcast %jit3A_1259 : i32 to vector<16xi32>
            %broadcast_in_dim3A_1262 = vector.broadcast %jit3A_1260 : i32 to vector<16xi32>
            %select_n3A_1263 = arith.select %lt3A_1258, %broadcast_in_dim3A_1261, %broadcast_in_dim3A_1262 : vector<16xi1>, vector<16xi32>
            %broadcast_in_dim3A_1264 = arith.constant true
            %broadcast_in_dim3A_1265 = vector.broadcast %broadcast_in_dim3A_1264 : i1 to vector<16xi1>
            %masked_cumsum3A_1266 = tpu.scan <sum>, %select_n3A_1263 masked %broadcast_in_dim3A_1265 : vector<16xi32>, vector<16xi1> -> vector<16xi32>
            %add3A_1267 = arith.addi %add3A_1247, %masked_cumsum3A_1266 : vector<16xi32>
            %sub3A_1268 = arith.subi %add3A_1267, %select_n3A_1263 : vector<16xi32>
            tpu.vector_store_idx %arg17[%sub3A_1268], %add3A_873 masked %lt3A_1258 : memref<288xf32, #tpu.memory_space<vmem>>[vector<16xi32>], vector<16xf32>, vector<16xi1>
            tpu.vector_store_idx %arg18[%sub3A_1268], %add3A_1257 masked %lt3A_1258 : memref<288xi32, #tpu.memory_space<vmem>>[vector<16xi32>], vector<16xi32>, vector<16xi1>
            %slice3A_1269 = vector.extract_strided_slice %masked_cumsum3A_1266 {offsets = [15], sizes = [1], strides = [1]} : vector<16xi32> to vector<1xi32>
            %squeeze3A_1270 = vector.extract %slice3A_1269[0] : i32 from vector<1xi32>
            %broadcast_in_dim3A_1271 = vector.broadcast %squeeze3A_1270 : i32 to vector<16xi32>
            %add3A_1272 = arith.addi %add3A_1247, %broadcast_in_dim3A_1271 : vector<16xi32>
            %slice3A_1273 = vector.extract_strided_slice %add3A_1272 {offsets = [0], sizes = [1], strides = [1]} : vector<16xi32> to vector<1xi32>
            %squeeze3A_1274 = vector.extract %slice3A_1273[0] : i32 from vector<1xi32>
            %jit3A_1275 = arith.constant 16 : i32
            %div3A_1276 = arith.divsi %squeeze3A_1274, %jit3A_1275 : i32
            %sign3A_1277 = arith.constant 0 : i32
            %sign3A_1278 = arith.cmpi sgt, %squeeze3A_1274, %sign3A_1277 : i32
            %sign3A_1279 = arith.extui %sign3A_1278 : i1 to i32
            %sign3A_1280 = arith.constant 0 : i32
            %sign3A_1281 = arith.cmpi slt, %squeeze3A_1274, %sign3A_1280 : i32
            %sign3A_1282 = arith.extui %sign3A_1281 : i1 to i32
            %sign3A_1283 = arith.subi %sign3A_1279, %sign3A_1282 : i32
            %sign3A_1284 = arith.constant 0 : i32
            %sign3A_1285 = arith.cmpi sgt, %jit3A_1275, %sign3A_1284 : i32
            %sign3A_1286 = arith.extui %sign3A_1285 : i1 to i32
            %sign3A_1287 = arith.constant 0 : i32
            %sign3A_1288 = arith.cmpi slt, %jit3A_1275, %sign3A_1287 : i32
            %sign3A_1289 = arith.extui %sign3A_1288 : i1 to i32
            %sign3A_1290 = arith.subi %sign3A_1286, %sign3A_1289 : i32
            %ne3A_1291 = arith.cmpi ne, %sign3A_1283, %sign3A_1290 : i32
            %rem3A_1292 = arith.remsi %squeeze3A_1274, %jit3A_1275 : i32
            %ne3A_1293 = arith.constant 0 : i32
            %ne3A_1294 = arith.cmpi ne, %rem3A_1292, %ne3A_1293 : i32
            %and3A_1295 = arith.andi %ne3A_1291, %ne3A_1294 : i1
            %sub3A_1296 = arith.constant 1 : i32
            %sub3A_1297 = arith.subi %div3A_1276, %sub3A_1296 : i32
            %select_n3A_1298 = arith.select %and3A_1295, %sub3A_1297, %div3A_1276 : i32
            %while3A_1299 = arith.constant 0 : i32
            %while3A_1300 = arith.subi %select_n3A_1298, %while3A_1299 : i32
            %while3A_1301 = arith.addi %while3A_1299, %while3A_1300 : i32
            %while3A_1302 = arith.constant 1 : i32
            %while3A_1303 = arith.divsi %while3A_1300, %while3A_1302 : i32
            %while3A_1304 = arith.muli %while3A_1303, %while3A_1302 : i32
            %while3A_1305 = arith.addi %while3A_1299, %while3A_1304 : i32
            %while3A_1306 = arith.constant 1 : i32
            %while3A_1307:4 = scf.for %while3A_1329 = %while3A_1299 to %while3A_1305 step %while3A_1306 iter_args(%while3A_1330 = %while3A_529, %while3A_1331 = %while3A_530, %while3A_1332 = %while3A_531, %while3A_1333 = %while3A_532) -> (vector<16xf32>, vector<16xi32>, vector<16xf32>, vector<16xi32>)  : i32 {
              %mul3A_1334 = arith.constant 16 : i32
              %mul3A_1335 = arith.muli %while3A_1329, %mul3A_1334 : i32
              %get3A_1336 = arith.index_cast %mul3A_1335 : i32 to index
              %get3A_1337 = tpu.vector_load %arg17[%get3A_1336] {strides = array<i32>} : memref<288xf32, #tpu.memory_space<vmem>>, vector<16xf32>,
              %mul3A_1338 = arith.constant 16 : i32
              %mul3A_1339 = arith.muli %while3A_1329, %mul3A_1338 : i32
              %get3A_1340 = arith.index_cast %mul3A_1339 : i32 to index
              %get3A_1341 = tpu.vector_load %arg18[%get3A_1340] {strides = array<i32>} : memref<288xi32, #tpu.memory_space<vmem>>, vector<16xi32>,
              %masked_sort3A_1342 = arith.constant dense<true> : vector<16xi1>
              %masked_sort3A_1343, %masked_sort3A_1344, %masked_sort3A_1345 = tpu.sort %get3A_1337, %get3A_1341 masked %masked_sort3A_1342 : (vector<16xf32>, vector<16xi32>, vector<16xi1>) -> (vector<16xi1>, vector<16xf32>, vector<16xi32>)
              %rev3A_1346 = arith.constant 15 : i32
              %rev3A_1347 = vector.broadcast %rev3A_1346 : i32 to vector<16xi32>
              %rev3A_1348 = tpu.iota {dimensions = array<i32: 0>} : vector<16xi32>
              %rev3A_1349 = arith.subi %rev3A_1347, %rev3A_1348 : vector<16xi32>
              %rev3A_1350 = tpu.dynamic_gather %masked_sort3A_1344[%rev3A_1349] in [0] : vector<16xf32>, vector<16xi32> -> vector<16xf32>
              %rev3A_1351 = arith.constant 15 : i32
              %rev3A_1352 = vector.broadcast %rev3A_1351 : i32 to vector<16xi32>
              %rev3A_1353 = tpu.iota {dimensions = array<i32: 0>} : vector<16xi32>
              %rev3A_1354 = arith.subi %rev3A_1352, %rev3A_1353 : vector<16xi32>
              %rev3A_1355 = tpu.dynamic_gather %masked_sort3A_1345[%rev3A_1354] in [0] : vector<16xi32>, vector<16xi32> -> vector<16xi32>
              %le3A_1356 = arith.cmpf ole, %while3A_1332, %rev3A_1350 : vector<16xf32>
              %select_n3A_1357 = arith.select %le3A_1356, %while3A_1332, %rev3A_1350 : vector<16xi1>, vector<16xf32>
              %select_n3A_1358 = arith.select %le3A_1356, %while3A_1333, %rev3A_1355 : vector<16xi1>, vector<16xi32>
              %masked_sort3A_1359 = arith.constant dense<true> : vector<16xi1>
              %masked_sort3A_1360, %masked_sort3A_1361, %masked_sort3A_1362 = tpu.sort %select_n3A_1357, %select_n3A_1358 masked %masked_sort3A_1359 : (vector<16xf32>, vector<16xi32>, vector<16xi1>) -> (vector<16xi1>, vector<16xf32>, vector<16xi32>)
              %rev3A_1363 = arith.constant 15 : i32
              %rev3A_1364 = vector.broadcast %rev3A_1363 : i32 to vector<16xi32>
              %rev3A_1365 = tpu.iota {dimensions = array<i32: 0>} : vector<16xi32>
              %rev3A_1366 = arith.subi %rev3A_1364, %rev3A_1365 : vector<16xi32>
              %rev3A_1367 = tpu.dynamic_gather %masked_sort3A_1361[%rev3A_1366] in [0] : vector<16xf32>, vector<16xi32> -> vector<16xf32>
              %rev3A_1368 = arith.constant 15 : i32
              %rev3A_1369 = vector.broadcast %rev3A_1368 : i32 to vector<16xi32>
              %rev3A_1370 = tpu.iota {dimensions = array<i32: 0>} : vector<16xi32>
              %rev3A_1371 = arith.subi %rev3A_1369, %rev3A_1370 : vector<16xi32>
              %rev3A_1372 = tpu.dynamic_gather %masked_sort3A_1362[%rev3A_1371] in [0] : vector<16xi32>, vector<16xi32> -> vector<16xi32>
              %le3A_1373 = arith.cmpf ole, %while3A_1330, %rev3A_1367 : vector<16xf32>
              %select_n3A_1374 = arith.select %le3A_1373, %while3A_1330, %rev3A_1367 : vector<16xi1>, vector<16xf32>
              %select_n3A_1375 = arith.select %le3A_1373, %while3A_1331, %rev3A_1372 : vector<16xi1>, vector<16xi32>
              %select_n3A_1376 = arith.select %le3A_1373, %rev3A_1367, %while3A_1330 : vector<16xi1>, vector<16xf32>
              %select_n3A_1377 = arith.select %le3A_1373, %rev3A_1372, %while3A_1331 : vector<16xi1>, vector<16xi32>
              %masked_sort3A_1378 = arith.constant dense<true> : vector<16xi1>
              %masked_sort3A_1379, %masked_sort3A_1380, %masked_sort3A_1381 = tpu.sort %select_n3A_1374, %select_n3A_1375 masked %masked_sort3A_1378 : (vector<16xf32>, vector<16xi32>, vector<16xi1>) -> (vector<16xi1>, vector<16xf32>, vector<16xi32>)
              %masked_sort3A_1382 = arith.constant dense<true> : vector<16xi1>
              %masked_sort3A_1383, %masked_sort3A_1384, %masked_sort3A_1385 = tpu.sort %select_n3A_1376, %select_n3A_1377 masked %masked_sort3A_1382 : (vector<16xf32>, vector<16xi32>, vector<16xi1>) -> (vector<16xi1>, vector<16xf32>, vector<16xi32>)
              scf.yield %masked_sort3A_1380, %masked_sort3A_1381, %masked_sort3A_1384, %masked_sort3A_1385 : vector<16xf32>, vector<16xi32>, vector<16xf32>, vector<16xi32>
            }
            %while3A_1308 = arith.constant 1 : i32
            %while3A_1309:4 = scf.for %while3A_1329 = %while3A_1305 to %while3A_1301 step %while3A_1308 iter_args(%while3A_1330 = %while3A_1307#0, %while3A_1331 = %while3A_1307#1, %while3A_1332 = %while3A_1307#2, %while3A_1333 = %while3A_1307#3) -> (vector<16xf32>, vector<16xi32>, vector<16xf32>, vector<16xi32>)  : i32 {
              %mul3A_1334 = arith.constant 16 : i32
              %mul3A_1335 = arith.muli %while3A_1329, %mul3A_1334 : i32
              %get3A_1336 = arith.index_cast %mul3A_1335 : i32 to index
              %get3A_1337 = tpu.vector_load %arg17[%get3A_1336] {strides = array<i32>} : memref<288xf32, #tpu.memory_space<vmem>>, vector<16xf32>,
              %mul3A_1338 = arith.constant 16 : i32
              %mul3A_1339 = arith.muli %while3A_1329, %mul3A_1338 : i32
              %get3A_1340 = arith.index_cast %mul3A_1339 : i32 to index
              %get3A_1341 = tpu.vector_load %arg18[%get3A_1340] {strides = array<i32>} : memref<288xi32, #tpu.memory_space<vmem>>, vector<16xi32>,
              %masked_sort3A_1342 = arith.constant dense<true> : vector<16xi1>
              %masked_sort3A_1343, %masked_sort3A_1344, %masked_sort3A_1345 = tpu.sort %get3A_1337, %get3A_1341 masked %masked_sort3A_1342 : (vector<16xf32>, vector<16xi32>, vector<16xi1>) -> (vector<16xi1>, vector<16xf32>, vector<16xi32>)
              %rev3A_1346 = arith.constant 15 : i32
              %rev3A_1347 = vector.broadcast %rev3A_1346 : i32 to vector<16xi32>
              %rev3A_1348 = tpu.iota {dimensions = array<i32: 0>} : vector<16xi32>
              %rev3A_1349 = arith.subi %rev3A_1347, %rev3A_1348 : vector<16xi32>
              %rev3A_1350 = tpu.dynamic_gather %masked_sort3A_1344[%rev3A_1349] in [0] : vector<16xf32>, vector<16xi32> -> vector<16xf32>
              %rev3A_1351 = arith.constant 15 : i32
              %rev3A_1352 = vector.broadcast %rev3A_1351 : i32 to vector<16xi32>
              %rev3A_1353 = tpu.iota {dimensions = array<i32: 0>} : vector<16xi32>
              %rev3A_1354 = arith.subi %rev3A_1352, %rev3A_1353 : vector<16xi32>
              %rev3A_1355 = tpu.dynamic_gather %masked_sort3A_1345[%rev3A_1354] in [0] : vector<16xi32>, vector<16xi32> -> vector<16xi32>
              %le3A_1356 = arith.cmpf ole, %while3A_1332, %rev3A_1350 : vector<16xf32>
              %select_n3A_1357 = arith.select %le3A_1356, %while3A_1332, %rev3A_1350 : vector<16xi1>, vector<16xf32>
              %select_n3A_1358 = arith.select %le3A_1356, %while3A_1333, %rev3A_1355 : vector<16xi1>, vector<16xi32>
              %masked_sort3A_1359 = arith.constant dense<true> : vector<16xi1>
              %masked_sort3A_1360, %masked_sort3A_1361, %masked_sort3A_1362 = tpu.sort %select_n3A_1357, %select_n3A_1358 masked %masked_sort3A_1359 : (vector<16xf32>, vector<16xi32>, vector<16xi1>) -> (vector<16xi1>, vector<16xf32>, vector<16xi32>)
              %rev3A_1363 = arith.constant 15 : i32
              %rev3A_1364 = vector.broadcast %rev3A_1363 : i32 to vector<16xi32>
              %rev3A_1365 = tpu.iota {dimensions = array<i32: 0>} : vector<16xi32>
              %rev3A_1366 = arith.subi %rev3A_1364, %rev3A_1365 : vector<16xi32>
              %rev3A_1367 = tpu.dynamic_gather %masked_sort3A_1361[%rev3A_1366] in [0] : vector<16xf32>, vector<16xi32> -> vector<16xf32>
              %rev3A_1368 = arith.constant 15 : i32
              %rev3A_1369 = vector.broadcast %rev3A_1368 : i32 to vector<16xi32>
              %rev3A_1370 = tpu.iota {dimensions = array<i32: 0>} : vector<16xi32>
              %rev3A_1371 = arith.subi %rev3A_1369, %rev3A_1370 : vector<16xi32>
              %rev3A_1372 = tpu.dynamic_gather %masked_sort3A_1362[%rev3A_1371] in [0] : vector<16xi32>, vector<16xi32> -> vector<16xi32>
              %le3A_1373 = arith.cmpf ole, %while3A_1330, %rev3A_1367 : vector<16xf32>
              %select_n3A_1374 = arith.select %le3A_1373, %while3A_1330, %rev3A_1367 : vector<16xi1>, vector<16xf32>
              %select_n3A_1375 = arith.select %le3A_1373, %while3A_1331, %rev3A_1372 : vector<16xi1>, vector<16xi32>
              %select_n3A_1376 = arith.select %le3A_1373, %rev3A_1367, %while3A_1330 : vector<16xi1>, vector<16xf32>
              %select_n3A_1377 = arith.select %le3A_1373, %rev3A_1372, %while3A_1331 : vector<16xi1>, vector<16xi32>
              %masked_sort3A_1378 = arith.constant dense<true> : vector<16xi1>
              %masked_sort3A_1379, %masked_sort3A_1380, %masked_sort3A_1381 = tpu.sort %select_n3A_1374, %select_n3A_1375 masked %masked_sort3A_1378 : (vector<16xf32>, vector<16xi32>, vector<16xi1>) -> (vector<16xi1>, vector<16xf32>, vector<16xi32>)
              %masked_sort3A_1382 = arith.constant dense<true> : vector<16xi1>
              %masked_sort3A_1383, %masked_sort3A_1384, %masked_sort3A_1385 = tpu.sort %select_n3A_1376, %select_n3A_1377 masked %masked_sort3A_1382 : (vector<16xf32>, vector<16xi32>, vector<16xi1>) -> (vector<16xi1>, vector<16xf32>, vector<16xi32>)
              scf.yield %masked_sort3A_1380, %masked_sort3A_1381, %masked_sort3A_1384, %masked_sort3A_1385 : vector<16xf32>, vector<16xi32>, vector<16xf32>, vector<16xi32>
            }
            %mul3A_1310 = arith.constant 16 : i32
            %mul3A_1311 = arith.muli %select_n3A_1298, %mul3A_1310 : i32
            %sub3A_1312 = arith.subi %squeeze3A_1274, %mul3A_1311 : i32
            %mul3A_1313 = arith.constant 16 : i32
            %mul3A_1314 = arith.muli %select_n3A_1298, %mul3A_1313 : i32
            %get3A_1315 = arith.index_cast %mul3A_1314 : i32 to index
            %get3A_1316 = tpu.vector_load %arg17[%get3A_1315] {strides = array<i32>} : memref<288xf32, #tpu.memory_space<vmem>>, vector<16xf32>,
            %mul3A_1317 = arith.constant 16 : i32
            %mul3A_1318 = arith.muli %select_n3A_1298, %mul3A_1317 : i32
            %get3A_1319 = arith.index_cast %mul3A_1318 : i32 to index
            %get3A_1320 = tpu.vector_load %arg18[%get3A_1319] {strides = array<i32>} : memref<288xi32, #tpu.memory_space<vmem>>, vector<16xi32>,
            %swap3A_1321 = arith.constant 0 : index
            %swap3A_1322 = tpu.vector_load %arg17[%swap3A_1321] {strides = array<i32>} : memref<288xf32, #tpu.memory_space<vmem>>, vector<16xf32>,
            tpu.vector_store %arg17[%swap3A_1321], %get3A_1316 {strides = array<i32>} : memref<288xf32, #tpu.memory_space<vmem>>, vector<16xf32>,
            %swap3A_1323 = arith.constant 0 : index
            %swap3A_1324 = tpu.vector_load %arg18[%swap3A_1323] {strides = array<i32>} : memref<288xi32, #tpu.memory_space<vmem>>, vector<16xi32>,
            tpu.vector_store %arg18[%swap3A_1323], %get3A_1320 {strides = array<i32>} : memref<288xi32, #tpu.memory_space<vmem>>, vector<16xi32>,
            %slice3A_1325 = vector.extract_strided_slice %while3A_1309#2 {offsets = [3], sizes = [1], strides = [1]} : vector<16xf32> to vector<1xf32>
            %squeeze3A_1326 = vector.extract %slice3A_1325[0] : f32 from vector<1xf32>
            %broadcast_in_dim3A_1327 = vector.broadcast %squeeze3A_1326 : f32 to vector<16xf32>
            %broadcast_in_dim3A_1328 = vector.broadcast %sub3A_1312 : i32 to vector<16xi32>
            scf.yield %while3A_1309#0, %while3A_1309#1, %while3A_1309#2, %while3A_1309#3, %broadcast_in_dim3A_1327, %broadcast_in_dim3A_1328 : vector<16xf32>, vector<16xi32>, vector<16xf32>, vector<16xi32>, vector<16xf32>, vector<16xi32>
          }
          %while3A_381 = arith.constant 1 : i32
          %while3A_382:6 = scf.for %while3A_528 = %while3A_378 to %while3A_374 step %while3A_381 iter_args(%while3A_529 = %while3A_380#0, %while3A_530 = %while3A_380#1, %while3A_531 = %while3A_380#2, %while3A_532 = %while3A_380#3, %while3A_533 = %while3A_380#4, %while3A_534 = %while3A_380#5) -> (vector<16xf32>, vector<16xi32>, vector<16xf32>, vector<16xi32>, vector<16xf32>, vector<16xi32>)  : i32 {
            %mul3A_535 = arith.constant 16 : i32
            %mul3A_536 = arith.muli %while3A_528, %mul3A_535 : i32
            %add3A_537 = arith.addi %min3A_232, %mul3A_536 : i32
            %add3A_538 = arith.constant 0 : i32
            %add3A_539 = arith.addi %add3A_537, %add3A_538 : i32
            %add3A_540 = arith.constant 0 : i32
            %add3A_541 = arith.addi %add3A_539, %add3A_540 : i32
            %mul3A_542 = arith.constant 16 : i32
            %mul3A_543 = arith.muli %add3A_541, %mul3A_542 : i32
            %add3A_544 = arith.addi %mul3A_177, %mul3A_543 : i32
            %get3A_545 = arith.index_cast %add3A_544 : i32 to index
            %get3A_546 = tpu.vector_load %arg12[%get3A_545] {strides = array<i32>} : memref<8448xf32, #tpu.memory_space<vmem>>, vector<16xf32>,
            %sub3A_547 = arith.subf %get3A_546, %broadcast_in_dim3A_106 : vector<16xf32>
            %get3A_548 = arith.index_cast %add3A_544 : i32 to index
            %get3A_549 = tpu.vector_load %arg13[%get3A_548] {strides = array<i32>} : memref<8448xf32, #tpu.memory_space<vmem>>, vector<16xf32>,
            %sub3A_550 = arith.subf %get3A_549, %broadcast_in_dim3A_109 : vector<16xf32>
            %get3A_551 = arith.index_cast %add3A_544 : i32 to index
            %get3A_552 = tpu.vector_load %arg14[%get3A_551] {strides = array<i32>} : memref<8448xf32, #tpu.memory_space<vmem>>, vector<16xf32>,
            %sub3A_553 = arith.subf %get3A_552, %broadcast_in_dim3A_112 : vector<16xf32>
            %mul3A_554 = arith.mulf %sub3A_547, %sub3A_547 : vector<16xf32>
            %mul3A_555 = arith.mulf %sub3A_550, %sub3A_550 : vector<16xf32>
            %add3A_556 = arith.addf %mul3A_554, %mul3A_555 : vector<16xf32>
            %mul3A_557 = arith.mulf %sub3A_553, %sub3A_553 : vector<16xf32>
            %add3A_558 = arith.addf %add3A_556, %mul3A_557 : vector<16xf32>
            %add3A_559 = arith.constant 0 : i32
            %add3A_560 = arith.addi %add3A_537, %add3A_559 : i32
            %add3A_561 = arith.constant 1 : i32
            %add3A_562 = arith.addi %add3A_560, %add3A_561 : i32
            %mul3A_563 = arith.constant 16 : i32
            %mul3A_564 = arith.muli %add3A_562, %mul3A_563 : i32
            %add3A_565 = arith.addi %mul3A_177, %mul3A_564 : i32
            %get3A_566 = arith.index_cast %add3A_565 : i32 to index
            %get3A_567 = tpu.vector_load %arg12[%get3A_566] {strides = array<i32>} : memref<8448xf32, #tpu.memory_space<vmem>>, vector<16xf32>,
            %sub3A_568 = arith.subf %get3A_567, %broadcast_in_dim3A_106 : vector<16xf32>
            %get3A_569 = arith.index_cast %add3A_565 : i32 to index
            %get3A_570 = tpu.vector_load %arg13[%get3A_569] {strides = array<i32>} : memref<8448xf32, #tpu.memory_space<vmem>>, vector<16xf32>,
            %sub3A_571 = arith.subf %get3A_570, %broadcast_in_dim3A_109 : vector<16xf32>
            %get3A_572 = arith.index_cast %add3A_565 : i32 to index
            %get3A_573 = tpu.vector_load %arg14[%get3A_572] {strides = array<i32>} : memref<8448xf32, #tpu.memory_space<vmem>>, vector<16xf32>,
            %sub3A_574 = arith.subf %get3A_573, %broadcast_in_dim3A_112 : vector<16xf32>
            %mul3A_575 = arith.mulf %sub3A_568, %sub3A_568 : vector<16xf32>
            %mul3A_576 = arith.mulf %sub3A_571, %sub3A_571 : vector<16xf32>
            %add3A_577 = arith.addf %mul3A_575, %mul3A_576 : vector<16xf32>
            %mul3A_578 = arith.mulf %sub3A_574, %sub3A_574 : vector<16xf32>
            %add3A_579 = arith.addf %add3A_577, %mul3A_578 : vector<16xf32>
            %add3A_580 = arith.constant 0 : i32
            %add3A_581 = arith.addi %add3A_537, %add3A_580 : i32
            %add3A_582 = arith.constant 2 : i32
            %add3A_583 = arith.addi %add3A_581, %add3A_582 : i32
            %mul3A_584 = arith.constant 16 : i32
            %mul3A_585 = arith.muli %add3A_583, %mul3A_584 : i32
            %add3A_586 = arith.addi %mul3A_177, %mul3A_585 : i32
            %get3A_587 = arith.index_cast %add3A_586 : i32 to index
            %get3A_588 = tpu.vector_load %arg12[%get3A_587] {strides = array<i32>} : memref<8448xf32, #tpu.memory_space<vmem>>, vector<16xf32>,
            %sub3A_589 = arith.subf %get3A_588, %broadcast_in_dim3A_106 : vector<16xf32>
            %get3A_590 = arith.index_cast %add3A_586 : i32 to index
            %get3A_591 = tpu.vector_load %arg13[%get3A_590] {strides = array<i32>} : memref<8448xf32, #tpu.memory_space<vmem>>, vector<16xf32>,
            %sub3A_592 = arith.subf %get3A_591, %broadcast_in_dim3A_109 : vector<16xf32>
            %get3A_593 = arith.index_cast %add3A_586 : i32 to index
            %get3A_594 = tpu.vector_load %arg14[%get3A_593] {strides = array<i32>} : memref<8448xf32, #tpu.memory_space<vmem>>, vector<16xf32>,
            %sub3A_595 = arith.subf %get3A_594, %broadcast_in_dim3A_112 : vector<16xf32>
            %mul3A_596 = arith.mulf %sub3A_589, %sub3A_589 : vector<16xf32>
            %mul3A_597 = arith.mulf %sub3A_592, %sub3A_592 : vector<16xf32>
            %add3A_598 = arith.addf %mul3A_596, %mul3A_597 : vector<16xf32>
            %mul3A_599 = arith.mulf %sub3A_595, %sub3A_595 : vector<16xf32>
            %add3A_600 = arith.addf %add3A_598, %mul3A_599 : vector<16xf32>
            %add3A_601 = arith.constant 0 : i32
            %add3A_602 = arith.addi %add3A_537, %add3A_601 : i32
            %add3A_603 = arith.constant 3 : i32
            %add3A_604 = arith.addi %add3A_602, %add3A_603 : i32
            %mul3A_605 = arith.constant 16 : i32
            %mul3A_606 = arith.muli %add3A_604, %mul3A_605 : i32
            %add3A_607 = arith.addi %mul3A_177, %mul3A_606 : i32
            %get3A_608 = arith.index_cast %add3A_607 : i32 to index
            %get3A_609 = tpu.vector_load %arg12[%get3A_608] {strides = array<i32>} : memref<8448xf32, #tpu.memory_space<vmem>>, vector<16xf32>,
            %sub3A_610 = arith.subf %get3A_609, %broadcast_in_dim3A_106 : vector<16xf32>
            %get3A_611 = arith.index_cast %add3A_607 : i32 to index
            %get3A_612 = tpu.vector_load %arg13[%get3A_611] {strides = array<i32>} : memref<8448xf32, #tpu.memory_space<vmem>>, vector<16xf32>,
            %sub3A_613 = arith.subf %get3A_612, %broadcast_in_dim3A_109 : vector<16xf32>
            %get3A_614 = arith.index_cast %add3A_607 : i32 to index
            %get3A_615 = tpu.vector_load %arg14[%get3A_614] {strides = array<i32>} : memref<8448xf32, #tpu.memory_space<vmem>>, vector<16xf32>,
            %sub3A_616 = arith.subf %get3A_615, %broadcast_in_dim3A_112 : vector<16xf32>
            %mul3A_617 = arith.mulf %sub3A_610, %sub3A_610 : vector<16xf32>
            %mul3A_618 = arith.mulf %sub3A_613, %sub3A_613 : vector<16xf32>
            %add3A_619 = arith.addf %mul3A_617, %mul3A_618 : vector<16xf32>
            %mul3A_620 = arith.mulf %sub3A_616, %sub3A_616 : vector<16xf32>
            %add3A_621 = arith.addf %add3A_619, %mul3A_620 : vector<16xf32>
            %add3A_622 = arith.constant 0 : i32
            %add3A_623 = arith.addi %add3A_537, %add3A_622 : i32
            %add3A_624 = arith.constant 4 : i32
            %add3A_625 = arith.addi %add3A_623, %add3A_624 : i32
            %mul3A_626 = arith.constant 16 : i32
            %mul3A_627 = arith.muli %add3A_625, %mul3A_626 : i32
            %add3A_628 = arith.addi %mul3A_177, %mul3A_627 : i32
            %get3A_629 = arith.index_cast %add3A_628 : i32 to index
            %get3A_630 = tpu.vector_load %arg12[%get3A_629] {strides = array<i32>} : memref<8448xf32, #tpu.memory_space<vmem>>, vector<16xf32>,
            %sub3A_631 = arith.subf %get3A_630, %broadcast_in_dim3A_106 : vector<16xf32>
            %get3A_632 = arith.index_cast %add3A_628 : i32 to index
            %get3A_633 = tpu.vector_load %arg13[%get3A_632] {strides = array<i32>} : memref<8448xf32, #tpu.memory_space<vmem>>, vector<16xf32>,
            %sub3A_634 = arith.subf %get3A_633, %broadcast_in_dim3A_109 : vector<16xf32>
            %get3A_635 = arith.index_cast %add3A_628 : i32 to index
            %get3A_636 = tpu.vector_load %arg14[%get3A_635] {strides = array<i32>} : memref<8448xf32, #tpu.memory_space<vmem>>, vector<16xf32>,
            %sub3A_637 = arith.subf %get3A_636, %broadcast_in_dim3A_112 : vector<16xf32>
            %mul3A_638 = arith.mulf %sub3A_631, %sub3A_631 : vector<16xf32>
            %mul3A_639 = arith.mulf %sub3A_634, %sub3A_634 : vector<16xf32>
            %add3A_640 = arith.addf %mul3A_638, %mul3A_639 : vector<16xf32>
            %mul3A_641 = arith.mulf %sub3A_637, %sub3A_637 : vector<16xf32>
            %add3A_642 = arith.addf %add3A_640, %mul3A_641 : vector<16xf32>
            %add3A_643 = arith.constant 0 : i32
            %add3A_644 = arith.addi %add3A_537, %add3A_643 : i32
            %add3A_645 = arith.constant 5 : i32
            %add3A_646 = arith.addi %add3A_644, %add3A_645 : i32
            %mul3A_647 = arith.constant 16 : i32
            %mul3A_648 = arith.muli %add3A_646, %mul3A_647 : i32
            %add3A_649 = arith.addi %mul3A_177, %mul3A_648 : i32
            %get3A_650 = arith.index_cast %add3A_649 : i32 to index
            %get3A_651 = tpu.vector_load %arg12[%get3A_650] {strides = array<i32>} : memref<8448xf32, #tpu.memory_space<vmem>>, vector<16xf32>,
            %sub3A_652 = arith.subf %get3A_651, %broadcast_in_dim3A_106 : vector<16xf32>
            %get3A_653 = arith.index_cast %add3A_649 : i32 to index
            %get3A_654 = tpu.vector_load %arg13[%get3A_653] {strides = array<i32>} : memref<8448xf32, #tpu.memory_space<vmem>>, vector<16xf32>,
            %sub3A_655 = arith.subf %get3A_654, %broadcast_in_dim3A_109 : vector<16xf32>
            %get3A_656 = arith.index_cast %add3A_649 : i32 to index
            %get3A_657 = tpu.vector_load %arg14[%get3A_656] {strides = array<i32>} : memref<8448xf32, #tpu.memory_space<vmem>>, vector<16xf32>,
            %sub3A_658 = arith.subf %get3A_657, %broadcast_in_dim3A_112 : vector<16xf32>
            %mul3A_659 = arith.mulf %sub3A_652, %sub3A_652 : vector<16xf32>
            %mul3A_660 = arith.mulf %sub3A_655, %sub3A_655 : vector<16xf32>
            %add3A_661 = arith.addf %mul3A_659, %mul3A_660 : vector<16xf32>
            %mul3A_662 = arith.mulf %sub3A_658, %sub3A_658 : vector<16xf32>
            %add3A_663 = arith.addf %add3A_661, %mul3A_662 : vector<16xf32>
            %add3A_664 = arith.constant 0 : i32
            %add3A_665 = arith.addi %add3A_537, %add3A_664 : i32
            %add3A_666 = arith.constant 6 : i32
            %add3A_667 = arith.addi %add3A_665, %add3A_666 : i32
            %mul3A_668 = arith.constant 16 : i32
            %mul3A_669 = arith.muli %add3A_667, %mul3A_668 : i32
            %add3A_670 = arith.addi %mul3A_177, %mul3A_669 : i32
            %get3A_671 = arith.index_cast %add3A_670 : i32 to index
            %get3A_672 = tpu.vector_load %arg12[%get3A_671] {strides = array<i32>} : memref<8448xf32, #tpu.memory_space<vmem>>, vector<16xf32>,
            %sub3A_673 = arith.subf %get3A_672, %broadcast_in_dim3A_106 : vector<16xf32>
            %get3A_674 = arith.index_cast %add3A_670 : i32 to index
            %get3A_675 = tpu.vector_load %arg13[%get3A_674] {strides = array<i32>} : memref<8448xf32, #tpu.memory_space<vmem>>, vector<16xf32>,
            %sub3A_676 = arith.subf %get3A_675, %broadcast_in_dim3A_109 : vector<16xf32>
            %get3A_677 = arith.index_cast %add3A_670 : i32 to index
            %get3A_678 = tpu.vector_load %arg14[%get3A_677] {strides = array<i32>} : memref<8448xf32, #tpu.memory_space<vmem>>, vector<16xf32>,
            %sub3A_679 = arith.subf %get3A_678, %broadcast_in_dim3A_112 : vector<16xf32>
            %mul3A_680 = arith.mulf %sub3A_673, %sub3A_673 : vector<16xf32>
            %mul3A_681 = arith.mulf %sub3A_676, %sub3A_676 : vector<16xf32>
            %add3A_682 = arith.addf %mul3A_680, %mul3A_681 : vector<16xf32>
            %mul3A_683 = arith.mulf %sub3A_679, %sub3A_679 : vector<16xf32>
            %add3A_684 = arith.addf %add3A_682, %mul3A_683 : vector<16xf32>
            %add3A_685 = arith.constant 0 : i32
            %add3A_686 = arith.addi %add3A_537, %add3A_685 : i32
            %add3A_687 = arith.constant 7 : i32
            %add3A_688 = arith.addi %add3A_686, %add3A_687 : i32
            %mul3A_689 = arith.constant 16 : i32
            %mul3A_690 = arith.muli %add3A_688, %mul3A_689 : i32
            %add3A_691 = arith.addi %mul3A_177, %mul3A_690 : i32
            %get3A_692 = arith.index_cast %add3A_691 : i32 to index
            %get3A_693 = tpu.vector_load %arg12[%get3A_692] {strides = array<i32>} : memref<8448xf32, #tpu.memory_space<vmem>>, vector<16xf32>,
            %sub3A_694 = arith.subf %get3A_693, %broadcast_in_dim3A_106 : vector<16xf32>
            %get3A_695 = arith.index_cast %add3A_691 : i32 to index
            %get3A_696 = tpu.vector_load %arg13[%get3A_695] {strides = array<i32>} : memref<8448xf32, #tpu.memory_space<vmem>>, vector<16xf32>,
            %sub3A_697 = arith.subf %get3A_696, %broadcast_in_dim3A_109 : vector<16xf32>
            %get3A_698 = arith.index_cast %add3A_691 : i32 to index
            %get3A_699 = tpu.vector_load %arg14[%get3A_698] {strides = array<i32>} : memref<8448xf32, #tpu.memory_space<vmem>>, vector<16xf32>,
            %sub3A_700 = arith.subf %get3A_699, %broadcast_in_dim3A_112 : vector<16xf32>
            %mul3A_701 = arith.mulf %sub3A_694, %sub3A_694 : vector<16xf32>
            %mul3A_702 = arith.mulf %sub3A_697, %sub3A_697 : vector<16xf32>
            %add3A_703 = arith.addf %mul3A_701, %mul3A_702 : vector<16xf32>
            %mul3A_704 = arith.mulf %sub3A_700, %sub3A_700 : vector<16xf32>
            %add3A_705 = arith.addf %add3A_703, %mul3A_704 : vector<16xf32>
            %add3A_706 = arith.constant 0 : i32
            %add3A_707 = arith.addi %add3A_537, %add3A_706 : i32
            %add3A_708 = arith.constant 8 : i32
            %add3A_709 = arith.addi %add3A_707, %add3A_708 : i32
            %mul3A_710 = arith.constant 16 : i32
            %mul3A_711 = arith.muli %add3A_709, %mul3A_710 : i32
            %add3A_712 = arith.addi %mul3A_177, %mul3A_711 : i32
            %get3A_713 = arith.index_cast %add3A_712 : i32 to index
            %get3A_714 = tpu.vector_load %arg12[%get3A_713] {strides = array<i32>} : memref<8448xf32, #tpu.memory_space<vmem>>, vector<16xf32>,
            %sub3A_715 = arith.subf %get3A_714, %broadcast_in_dim3A_106 : vector<16xf32>
            %get3A_716 = arith.index_cast %add3A_712 : i32 to index
            %get3A_717 = tpu.vector_load %arg13[%get3A_716] {strides = array<i32>} : memref<8448xf32, #tpu.memory_space<vmem>>, vector<16xf32>,
            %sub3A_718 = arith.subf %get3A_717, %broadcast_in_dim3A_109 : vector<16xf32>
            %get3A_719 = arith.index_cast %add3A_712 : i32 to index
            %get3A_720 = tpu.vector_load %arg14[%get3A_719] {strides = array<i32>} : memref<8448xf32, #tpu.memory_space<vmem>>, vector<16xf32>,
            %sub3A_721 = arith.subf %get3A_720, %broadcast_in_dim3A_112 : vector<16xf32>
            %mul3A_722 = arith.mulf %sub3A_715, %sub3A_715 : vector<16xf32>
            %mul3A_723 = arith.mulf %sub3A_718, %sub3A_718 : vector<16xf32>
            %add3A_724 = arith.addf %mul3A_722, %mul3A_723 : vector<16xf32>
            %mul3A_725 = arith.mulf %sub3A_721, %sub3A_721 : vector<16xf32>
            %add3A_726 = arith.addf %add3A_724, %mul3A_725 : vector<16xf32>
            %add3A_727 = arith.constant 0 : i32
            %add3A_728 = arith.addi %add3A_537, %add3A_727 : i32
            %add3A_729 = arith.constant 9 : i32
            %add3A_730 = arith.addi %add3A_728, %add3A_729 : i32
            %mul3A_731 = arith.constant 16 : i32
            %mul3A_732 = arith.muli %add3A_730, %mul3A_731 : i32
            %add3A_733 = arith.addi %mul3A_177, %mul3A_732 : i32
            %get3A_734 = arith.index_cast %add3A_733 : i32 to index
            %get3A_735 = tpu.vector_load %arg12[%get3A_734] {strides = array<i32>} : memref<8448xf32, #tpu.memory_space<vmem>>, vector<16xf32>,
            %sub3A_736 = arith.subf %get3A_735, %broadcast_in_dim3A_106 : vector<16xf32>
            %get3A_737 = arith.index_cast %add3A_733 : i32 to index
            %get3A_738 = tpu.vector_load %arg13[%get3A_737] {strides = array<i32>} : memref<8448xf32, #tpu.memory_space<vmem>>, vector<16xf32>,
            %sub3A_739 = arith.subf %get3A_738, %broadcast_in_dim3A_109 : vector<16xf32>
            %get3A_740 = arith.index_cast %add3A_733 : i32 to index
            %get3A_741 = tpu.vector_load %arg14[%get3A_740] {strides = array<i32>} : memref<8448xf32, #tpu.memory_space<vmem>>, vector<16xf32>,
            %sub3A_742 = arith.subf %get3A_741, %broadcast_in_dim3A_112 : vector<16xf32>
            %mul3A_743 = arith.mulf %sub3A_736, %sub3A_736 : vector<16xf32>
            %mul3A_744 = arith.mulf %sub3A_739, %sub3A_739 : vector<16xf32>
            %add3A_745 = arith.addf %mul3A_743, %mul3A_744 : vector<16xf32>
            %mul3A_746 = arith.mulf %sub3A_742, %sub3A_742 : vector<16xf32>
            %add3A_747 = arith.addf %add3A_745, %mul3A_746 : vector<16xf32>
            %add3A_748 = arith.constant 0 : i32
            %add3A_749 = arith.addi %add3A_537, %add3A_748 : i32
            %add3A_750 = arith.constant 10 : i32
            %add3A_751 = arith.addi %add3A_749, %add3A_750 : i32
            %mul3A_752 = arith.constant 16 : i32
            %mul3A_753 = arith.muli %add3A_751, %mul3A_752 : i32
            %add3A_754 = arith.addi %mul3A_177, %mul3A_753 : i32
            %get3A_755 = arith.index_cast %add3A_754 : i32 to index
            %get3A_756 = tpu.vector_load %arg12[%get3A_755] {strides = array<i32>} : memref<8448xf32, #tpu.memory_space<vmem>>, vector<16xf32>,
            %sub3A_757 = arith.subf %get3A_756, %broadcast_in_dim3A_106 : vector<16xf32>
            %get3A_758 = arith.index_cast %add3A_754 : i32 to index
            %get3A_759 = tpu.vector_load %arg13[%get3A_758] {strides = array<i32>} : memref<8448xf32, #tpu.memory_space<vmem>>, vector<16xf32>,
            %sub3A_760 = arith.subf %get3A_759, %broadcast_in_dim3A_109 : vector<16xf32>
            %get3A_761 = arith.index_cast %add3A_754 : i32 to index
            %get3A_762 = tpu.vector_load %arg14[%get3A_761] {strides = array<i32>} : memref<8448xf32, #tpu.memory_space<vmem>>, vector<16xf32>,
            %sub3A_763 = arith.subf %get3A_762, %broadcast_in_dim3A_112 : vector<16xf32>
            %mul3A_764 = arith.mulf %sub3A_757, %sub3A_757 : vector<16xf32>
            %mul3A_765 = arith.mulf %sub3A_760, %sub3A_760 : vector<16xf32>
            %add3A_766 = arith.addf %mul3A_764, %mul3A_765 : vector<16xf32>
            %mul3A_767 = arith.mulf %sub3A_763, %sub3A_763 : vector<16xf32>
            %add3A_768 = arith.addf %add3A_766, %mul3A_767 : vector<16xf32>
            %add3A_769 = arith.constant 0 : i32
            %add3A_770 = arith.addi %add3A_537, %add3A_769 : i32
            %add3A_771 = arith.constant 11 : i32
            %add3A_772 = arith.addi %add3A_770, %add3A_771 : i32
            %mul3A_773 = arith.constant 16 : i32
            %mul3A_774 = arith.muli %add3A_772, %mul3A_773 : i32
            %add3A_775 = arith.addi %mul3A_177, %mul3A_774 : i32
            %get3A_776 = arith.index_cast %add3A_775 : i32 to index
            %get3A_777 = tpu.vector_load %arg12[%get3A_776] {strides = array<i32>} : memref<8448xf32, #tpu.memory_space<vmem>>, vector<16xf32>,
            %sub3A_778 = arith.subf %get3A_777, %broadcast_in_dim3A_106 : vector<16xf32>
            %get3A_779 = arith.index_cast %add3A_775 : i32 to index
            %get3A_780 = tpu.vector_load %arg13[%get3A_779] {strides = array<i32>} : memref<8448xf32, #tpu.memory_space<vmem>>, vector<16xf32>,
            %sub3A_781 = arith.subf %get3A_780, %broadcast_in_dim3A_109 : vector<16xf32>
            %get3A_782 = arith.index_cast %add3A_775 : i32 to index
            %get3A_783 = tpu.vector_load %arg14[%get3A_782] {strides = array<i32>} : memref<8448xf32, #tpu.memory_space<vmem>>, vector<16xf32>,
            %sub3A_784 = arith.subf %get3A_783, %broadcast_in_dim3A_112 : vector<16xf32>
            %mul3A_785 = arith.mulf %sub3A_778, %sub3A_778 : vector<16xf32>
            %mul3A_786 = arith.mulf %sub3A_781, %sub3A_781 : vector<16xf32>
            %add3A_787 = arith.addf %mul3A_785, %mul3A_786 : vector<16xf32>
            %mul3A_788 = arith.mulf %sub3A_784, %sub3A_784 : vector<16xf32>
            %add3A_789 = arith.addf %add3A_787, %mul3A_788 : vector<16xf32>
            %add3A_790 = arith.constant 0 : i32
            %add3A_791 = arith.addi %add3A_537, %add3A_790 : i32
            %add3A_792 = arith.constant 12 : i32
            %add3A_793 = arith.addi %add3A_791, %add3A_792 : i32
            %mul3A_794 = arith.constant 16 : i32
            %mul3A_795 = arith.muli %add3A_793, %mul3A_794 : i32
            %add3A_796 = arith.addi %mul3A_177, %mul3A_795 : i32
            %get3A_797 = arith.index_cast %add3A_796 : i32 to index
            %get3A_798 = tpu.vector_load %arg12[%get3A_797] {strides = array<i32>} : memref<8448xf32, #tpu.memory_space<vmem>>, vector<16xf32>,
            %sub3A_799 = arith.subf %get3A_798, %broadcast_in_dim3A_106 : vector<16xf32>
            %get3A_800 = arith.index_cast %add3A_796 : i32 to index
            %get3A_801 = tpu.vector_load %arg13[%get3A_800] {strides = array<i32>} : memref<8448xf32, #tpu.memory_space<vmem>>, vector<16xf32>,
            %sub3A_802 = arith.subf %get3A_801, %broadcast_in_dim3A_109 : vector<16xf32>
            %get3A_803 = arith.index_cast %add3A_796 : i32 to index
            %get3A_804 = tpu.vector_load %arg14[%get3A_803] {strides = array<i32>} : memref<8448xf32, #tpu.memory_space<vmem>>, vector<16xf32>,
            %sub3A_805 = arith.subf %get3A_804, %broadcast_in_dim3A_112 : vector<16xf32>
            %mul3A_806 = arith.mulf %sub3A_799, %sub3A_799 : vector<16xf32>
            %mul3A_807 = arith.mulf %sub3A_802, %sub3A_802 : vector<16xf32>
            %add3A_808 = arith.addf %mul3A_806, %mul3A_807 : vector<16xf32>
            %mul3A_809 = arith.mulf %sub3A_805, %sub3A_805 : vector<16xf32>
            %add3A_810 = arith.addf %add3A_808, %mul3A_809 : vector<16xf32>
            %add3A_811 = arith.constant 0 : i32
            %add3A_812 = arith.addi %add3A_537, %add3A_811 : i32
            %add3A_813 = arith.constant 13 : i32
            %add3A_814 = arith.addi %add3A_812, %add3A_813 : i32
            %mul3A_815 = arith.constant 16 : i32
            %mul3A_816 = arith.muli %add3A_814, %mul3A_815 : i32
            %add3A_817 = arith.addi %mul3A_177, %mul3A_816 : i32
            %get3A_818 = arith.index_cast %add3A_817 : i32 to index
            %get3A_819 = tpu.vector_load %arg12[%get3A_818] {strides = array<i32>} : memref<8448xf32, #tpu.memory_space<vmem>>, vector<16xf32>,
            %sub3A_820 = arith.subf %get3A_819, %broadcast_in_dim3A_106 : vector<16xf32>
            %get3A_821 = arith.index_cast %add3A_817 : i32 to index
            %get3A_822 = tpu.vector_load %arg13[%get3A_821] {strides = array<i32>} : memref<8448xf32, #tpu.memory_space<vmem>>, vector<16xf32>,
            %sub3A_823 = arith.subf %get3A_822, %broadcast_in_dim3A_109 : vector<16xf32>
            %get3A_824 = arith.index_cast %add3A_817 : i32 to index
            %get3A_825 = tpu.vector_load %arg14[%get3A_824] {strides = array<i32>} : memref<8448xf32, #tpu.memory_space<vmem>>, vector<16xf32>,
            %sub3A_826 = arith.subf %get3A_825, %broadcast_in_dim3A_112 : vector<16xf32>
            %mul3A_827 = arith.mulf %sub3A_820, %sub3A_820 : vector<16xf32>
            %mul3A_828 = arith.mulf %sub3A_823, %sub3A_823 : vector<16xf32>
            %add3A_829 = arith.addf %mul3A_827, %mul3A_828 : vector<16xf32>
            %mul3A_830 = arith.mulf %sub3A_826, %sub3A_826 : vector<16xf32>
            %add3A_831 = arith.addf %add3A_829, %mul3A_830 : vector<16xf32>
            %add3A_832 = arith.constant 0 : i32
            %add3A_833 = arith.addi %add3A_537, %add3A_832 : i32
            %add3A_834 = arith.constant 14 : i32
            %add3A_835 = arith.addi %add3A_833, %add3A_834 : i32
            %mul3A_836 = arith.constant 16 : i32
            %mul3A_837 = arith.muli %add3A_835, %mul3A_836 : i32
            %add3A_838 = arith.addi %mul3A_177, %mul3A_837 : i32
            %get3A_839 = arith.index_cast %add3A_838 : i32 to index
            %get3A_840 = tpu.vector_load %arg12[%get3A_839] {strides = array<i32>} : memref<8448xf32, #tpu.memory_space<vmem>>, vector<16xf32>,
            %sub3A_841 = arith.subf %get3A_840, %broadcast_in_dim3A_106 : vector<16xf32>
            %get3A_842 = arith.index_cast %add3A_838 : i32 to index
            %get3A_843 = tpu.vector_load %arg13[%get3A_842] {strides = array<i32>} : memref<8448xf32, #tpu.memory_space<vmem>>, vector<16xf32>,
            %sub3A_844 = arith.subf %get3A_843, %broadcast_in_dim3A_109 : vector<16xf32>
            %get3A_845 = arith.index_cast %add3A_838 : i32 to index
            %get3A_846 = tpu.vector_load %arg14[%get3A_845] {strides = array<i32>} : memref<8448xf32, #tpu.memory_space<vmem>>, vector<16xf32>,
            %sub3A_847 = arith.subf %get3A_846, %broadcast_in_dim3A_112 : vector<16xf32>
            %mul3A_848 = arith.mulf %sub3A_841, %sub3A_841 : vector<16xf32>
            %mul3A_849 = arith.mulf %sub3A_844, %sub3A_844 : vector<16xf32>
            %add3A_850 = arith.addf %mul3A_848, %mul3A_849 : vector<16xf32>
            %mul3A_851 = arith.mulf %sub3A_847, %sub3A_847 : vector<16xf32>
            %add3A_852 = arith.addf %add3A_850, %mul3A_851 : vector<16xf32>
            %add3A_853 = arith.constant 0 : i32
            %add3A_854 = arith.addi %add3A_537, %add3A_853 : i32
            %add3A_855 = arith.constant 15 : i32
            %add3A_856 = arith.addi %add3A_854, %add3A_855 : i32
            %mul3A_857 = arith.constant 16 : i32
            %mul3A_858 = arith.muli %add3A_856, %mul3A_857 : i32
            %add3A_859 = arith.addi %mul3A_177, %mul3A_858 : i32
            %get3A_860 = arith.index_cast %add3A_859 : i32 to index
            %get3A_861 = tpu.vector_load %arg12[%get3A_860] {strides = array<i32>} : memref<8448xf32, #tpu.memory_space<vmem>>, vector<16xf32>,
            %sub3A_862 = arith.subf %get3A_861, %broadcast_in_dim3A_106 : vector<16xf32>
            %get3A_863 = arith.index_cast %add3A_859 : i32 to index
            %get3A_864 = tpu.vector_load %arg13[%get3A_863] {strides = array<i32>} : memref<8448xf32, #tpu.memory_space<vmem>>, vector<16xf32>,
            %sub3A_865 = arith.subf %get3A_864, %broadcast_in_dim3A_109 : vector<16xf32>
            %get3A_866 = arith.index_cast %add3A_859 : i32 to index
            %get3A_867 = tpu.vector_load %arg14[%get3A_866] {strides = array<i32>} : memref<8448xf32, #tpu.memory_space<vmem>>, vector<16xf32>,
            %sub3A_868 = arith.subf %get3A_867, %broadcast_in_dim3A_112 : vector<16xf32>
            %mul3A_869 = arith.mulf %sub3A_862, %sub3A_862 : vector<16xf32>
            %mul3A_870 = arith.mulf %sub3A_865, %sub3A_865 : vector<16xf32>
            %add3A_871 = arith.addf %mul3A_869, %mul3A_870 : vector<16xf32>
            %mul3A_872 = arith.mulf %sub3A_868, %sub3A_868 : vector<16xf32>
            %add3A_873 = arith.addf %add3A_871, %mul3A_872 : vector<16xf32>
            %add3A_874 = arith.constant 0 : i32
            %add3A_875 = arith.addi %add3A_537, %add3A_874 : i32
            %add3A_876 = arith.constant 0 : i32
            %add3A_877 = arith.addi %add3A_875, %add3A_876 : i32
            %mul3A_878 = arith.constant 16 : i32
            %mul3A_879 = arith.muli %add3A_877, %mul3A_878 : i32
            %add3A_880 = arith.addi %mul3A_177, %mul3A_879 : i32
            %add3A_881 = arith.addi %add3A_87, %add3A_880 : i32
            %add3A_882 = vector.broadcast %add3A_881 : i32 to vector<16xi32>
            %add3A_883 = arith.addi %add3A_882, %iota3A : vector<16xi32>
            %lt3A_884 = arith.cmpf olt, %add3A_558, %while3A_533 : vector<16xf32>
            %jit3A_885 = arith.constant 1 : i32
            %jit3A_886 = arith.constant 0 : i32
            %broadcast_in_dim3A_887 = vector.broadcast %jit3A_885 : i32 to vector<16xi32>
            %broadcast_in_dim3A_888 = vector.broadcast %jit3A_886 : i32 to vector<16xi32>
            %select_n3A_889 = arith.select %lt3A_884, %broadcast_in_dim3A_887, %broadcast_in_dim3A_888 : vector<16xi1>, vector<16xi32>
            %broadcast_in_dim3A_890 = arith.constant true
            %broadcast_in_dim3A_891 = vector.broadcast %broadcast_in_dim3A_890 : i1 to vector<16xi1>
            %masked_cumsum3A = tpu.scan <sum>, %select_n3A_889 masked %broadcast_in_dim3A_891 : vector<16xi32>, vector<16xi1> -> vector<16xi32>
            %add3A_892 = arith.addi %while3A_534, %masked_cumsum3A : vector<16xi32>
            %sub3A_893 = arith.subi %add3A_892, %select_n3A_889 : vector<16xi32>
            tpu.vector_store_idx %arg17[%sub3A_893], %add3A_558 masked %lt3A_884 : memref<288xf32, #tpu.memory_space<vmem>>[vector<16xi32>], vector<16xf32>, vector<16xi1>
            tpu.vector_store_idx %arg18[%sub3A_893], %add3A_883 masked %lt3A_884 : memref<288xi32, #tpu.memory_space<vmem>>[vector<16xi32>], vector<16xi32>, vector<16xi1>
            %slice3A_894 = vector.extract_strided_slice %masked_cumsum3A {offsets = [15], sizes = [1], strides = [1]} : vector<16xi32> to vector<1xi32>
            %squeeze3A_895 = vector.extract %slice3A_894[0] : i32 from vector<1xi32>
            %broadcast_in_dim3A_896 = vector.broadcast %squeeze3A_895 : i32 to vector<16xi32>
            %add3A_897 = arith.addi %while3A_534, %broadcast_in_dim3A_896 : vector<16xi32>
            %add3A_898 = arith.constant 0 : i32
            %add3A_899 = arith.addi %add3A_537, %add3A_898 : i32
            %add3A_900 = arith.constant 1 : i32
            %add3A_901 = arith.addi %add3A_899, %add3A_900 : i32
            %mul3A_902 = arith.constant 16 : i32
            %mul3A_903 = arith.muli %add3A_901, %mul3A_902 : i32
            %add3A_904 = arith.addi %mul3A_177, %mul3A_903 : i32
            %add3A_905 = arith.addi %add3A_87, %add3A_904 : i32
            %add3A_906 = vector.broadcast %add3A_905 : i32 to vector<16xi32>
            %add3A_907 = arith.addi %add3A_906, %iota3A : vector<16xi32>
            %lt3A_908 = arith.cmpf olt, %add3A_579, %while3A_533 : vector<16xf32>
            %jit3A_909 = arith.constant 1 : i32
            %jit3A_910 = arith.constant 0 : i32
            %broadcast_in_dim3A_911 = vector.broadcast %jit3A_909 : i32 to vector<16xi32>
            %broadcast_in_dim3A_912 = vector.broadcast %jit3A_910 : i32 to vector<16xi32>
            %select_n3A_913 = arith.select %lt3A_908, %broadcast_in_dim3A_911, %broadcast_in_dim3A_912 : vector<16xi1>, vector<16xi32>
            %broadcast_in_dim3A_914 = arith.constant true
            %broadcast_in_dim3A_915 = vector.broadcast %broadcast_in_dim3A_914 : i1 to vector<16xi1>
            %masked_cumsum3A_916 = tpu.scan <sum>, %select_n3A_913 masked %broadcast_in_dim3A_915 : vector<16xi32>, vector<16xi1> -> vector<16xi32>
            %add3A_917 = arith.addi %add3A_897, %masked_cumsum3A_916 : vector<16xi32>
            %sub3A_918 = arith.subi %add3A_917, %select_n3A_913 : vector<16xi32>
            tpu.vector_store_idx %arg17[%sub3A_918], %add3A_579 masked %lt3A_908 : memref<288xf32, #tpu.memory_space<vmem>>[vector<16xi32>], vector<16xf32>, vector<16xi1>
            tpu.vector_store_idx %arg18[%sub3A_918], %add3A_907 masked %lt3A_908 : memref<288xi32, #tpu.memory_space<vmem>>[vector<16xi32>], vector<16xi32>, vector<16xi1>
            %slice3A_919 = vector.extract_strided_slice %masked_cumsum3A_916 {offsets = [15], sizes = [1], strides = [1]} : vector<16xi32> to vector<1xi32>
            %squeeze3A_920 = vector.extract %slice3A_919[0] : i32 from vector<1xi32>
            %broadcast_in_dim3A_921 = vector.broadcast %squeeze3A_920 : i32 to vector<16xi32>
            %add3A_922 = arith.addi %add3A_897, %broadcast_in_dim3A_921 : vector<16xi32>
            %add3A_923 = arith.constant 0 : i32
            %add3A_924 = arith.addi %add3A_537, %add3A_923 : i32
            %add3A_925 = arith.constant 2 : i32
            %add3A_926 = arith.addi %add3A_924, %add3A_925 : i32
            %mul3A_927 = arith.constant 16 : i32
            %mul3A_928 = arith.muli %add3A_926, %mul3A_927 : i32
            %add3A_929 = arith.addi %mul3A_177, %mul3A_928 : i32
            %add3A_930 = arith.addi %add3A_87, %add3A_929 : i32
            %add3A_931 = vector.broadcast %add3A_930 : i32 to vector<16xi32>
            %add3A_932 = arith.addi %add3A_931, %iota3A : vector<16xi32>
            %lt3A_933 = arith.cmpf olt, %add3A_600, %while3A_533 : vector<16xf32>
            %jit3A_934 = arith.constant 1 : i32
            %jit3A_935 = arith.constant 0 : i32
            %broadcast_in_dim3A_936 = vector.broadcast %jit3A_934 : i32 to vector<16xi32>
            %broadcast_in_dim3A_937 = vector.broadcast %jit3A_935 : i32 to vector<16xi32>
            %select_n3A_938 = arith.select %lt3A_933, %broadcast_in_dim3A_936, %broadcast_in_dim3A_937 : vector<16xi1>, vector<16xi32>
            %broadcast_in_dim3A_939 = arith.constant true
            %broadcast_in_dim3A_940 = vector.broadcast %broadcast_in_dim3A_939 : i1 to vector<16xi1>
            %masked_cumsum3A_941 = tpu.scan <sum>, %select_n3A_938 masked %broadcast_in_dim3A_940 : vector<16xi32>, vector<16xi1> -> vector<16xi32>
            %add3A_942 = arith.addi %add3A_922, %masked_cumsum3A_941 : vector<16xi32>
            %sub3A_943 = arith.subi %add3A_942, %select_n3A_938 : vector<16xi32>
            tpu.vector_store_idx %arg17[%sub3A_943], %add3A_600 masked %lt3A_933 : memref<288xf32, #tpu.memory_space<vmem>>[vector<16xi32>], vector<16xf32>, vector<16xi1>
            tpu.vector_store_idx %arg18[%sub3A_943], %add3A_932 masked %lt3A_933 : memref<288xi32, #tpu.memory_space<vmem>>[vector<16xi32>], vector<16xi32>, vector<16xi1>
            %slice3A_944 = vector.extract_strided_slice %masked_cumsum3A_941 {offsets = [15], sizes = [1], strides = [1]} : vector<16xi32> to vector<1xi32>
            %squeeze3A_945 = vector.extract %slice3A_944[0] : i32 from vector<1xi32>
            %broadcast_in_dim3A_946 = vector.broadcast %squeeze3A_945 : i32 to vector<16xi32>
            %add3A_947 = arith.addi %add3A_922, %broadcast_in_dim3A_946 : vector<16xi32>
            %add3A_948 = arith.constant 0 : i32
            %add3A_949 = arith.addi %add3A_537, %add3A_948 : i32
            %add3A_950 = arith.constant 3 : i32
            %add3A_951 = arith.addi %add3A_949, %add3A_950 : i32
            %mul3A_952 = arith.constant 16 : i32
            %mul3A_953 = arith.muli %add3A_951, %mul3A_952 : i32
            %add3A_954 = arith.addi %mul3A_177, %mul3A_953 : i32
            %add3A_955 = arith.addi %add3A_87, %add3A_954 : i32
            %add3A_956 = vector.broadcast %add3A_955 : i32 to vector<16xi32>
            %add3A_957 = arith.addi %add3A_956, %iota3A : vector<16xi32>
            %lt3A_958 = arith.cmpf olt, %add3A_621, %while3A_533 : vector<16xf32>
            %jit3A_959 = arith.constant 1 : i32
            %jit3A_960 = arith.constant 0 : i32
            %broadcast_in_dim3A_961 = vector.broadcast %jit3A_959 : i32 to vector<16xi32>
            %broadcast_in_dim3A_962 = vector.broadcast %jit3A_960 : i32 to vector<16xi32>
            %select_n3A_963 = arith.select %lt3A_958, %broadcast_in_dim3A_961, %broadcast_in_dim3A_962 : vector<16xi1>, vector<16xi32>
            %broadcast_in_dim3A_964 = arith.constant true
            %broadcast_in_dim3A_965 = vector.broadcast %broadcast_in_dim3A_964 : i1 to vector<16xi1>
            %masked_cumsum3A_966 = tpu.scan <sum>, %select_n3A_963 masked %broadcast_in_dim3A_965 : vector<16xi32>, vector<16xi1> -> vector<16xi32>
            %add3A_967 = arith.addi %add3A_947, %masked_cumsum3A_966 : vector<16xi32>
            %sub3A_968 = arith.subi %add3A_967, %select_n3A_963 : vector<16xi32>
            tpu.vector_store_idx %arg17[%sub3A_968], %add3A_621 masked %lt3A_958 : memref<288xf32, #tpu.memory_space<vmem>>[vector<16xi32>], vector<16xf32>, vector<16xi1>
            tpu.vector_store_idx %arg18[%sub3A_968], %add3A_957 masked %lt3A_958 : memref<288xi32, #tpu.memory_space<vmem>>[vector<16xi32>], vector<16xi32>, vector<16xi1>
            %slice3A_969 = vector.extract_strided_slice %masked_cumsum3A_966 {offsets = [15], sizes = [1], strides = [1]} : vector<16xi32> to vector<1xi32>
            %squeeze3A_970 = vector.extract %slice3A_969[0] : i32 from vector<1xi32>
            %broadcast_in_dim3A_971 = vector.broadcast %squeeze3A_970 : i32 to vector<16xi32>
            %add3A_972 = arith.addi %add3A_947, %broadcast_in_dim3A_971 : vector<16xi32>
            %add3A_973 = arith.constant 0 : i32
            %add3A_974 = arith.addi %add3A_537, %add3A_973 : i32
            %add3A_975 = arith.constant 4 : i32
            %add3A_976 = arith.addi %add3A_974, %add3A_975 : i32
            %mul3A_977 = arith.constant 16 : i32
            %mul3A_978 = arith.muli %add3A_976, %mul3A_977 : i32
            %add3A_979 = arith.addi %mul3A_177, %mul3A_978 : i32
            %add3A_980 = arith.addi %add3A_87, %add3A_979 : i32
            %add3A_981 = vector.broadcast %add3A_980 : i32 to vector<16xi32>
            %add3A_982 = arith.addi %add3A_981, %iota3A : vector<16xi32>
            %lt3A_983 = arith.cmpf olt, %add3A_642, %while3A_533 : vector<16xf32>
            %jit3A_984 = arith.constant 1 : i32
            %jit3A_985 = arith.constant 0 : i32
            %broadcast_in_dim3A_986 = vector.broadcast %jit3A_984 : i32 to vector<16xi32>
            %broadcast_in_dim3A_987 = vector.broadcast %jit3A_985 : i32 to vector<16xi32>
            %select_n3A_988 = arith.select %lt3A_983, %broadcast_in_dim3A_986, %broadcast_in_dim3A_987 : vector<16xi1>, vector<16xi32>
            %broadcast_in_dim3A_989 = arith.constant true
            %broadcast_in_dim3A_990 = vector.broadcast %broadcast_in_dim3A_989 : i1 to vector<16xi1>
            %masked_cumsum3A_991 = tpu.scan <sum>, %select_n3A_988 masked %broadcast_in_dim3A_990 : vector<16xi32>, vector<16xi1> -> vector<16xi32>
            %add3A_992 = arith.addi %add3A_972, %masked_cumsum3A_991 : vector<16xi32>
            %sub3A_993 = arith.subi %add3A_992, %select_n3A_988 : vector<16xi32>
            tpu.vector_store_idx %arg17[%sub3A_993], %add3A_642 masked %lt3A_983 : memref<288xf32, #tpu.memory_space<vmem>>[vector<16xi32>], vector<16xf32>, vector<16xi1>
            tpu.vector_store_idx %arg18[%sub3A_993], %add3A_982 masked %lt3A_983 : memref<288xi32, #tpu.memory_space<vmem>>[vector<16xi32>], vector<16xi32>, vector<16xi1>
            %slice3A_994 = vector.extract_strided_slice %masked_cumsum3A_991 {offsets = [15], sizes = [1], strides = [1]} : vector<16xi32> to vector<1xi32>
            %squeeze3A_995 = vector.extract %slice3A_994[0] : i32 from vector<1xi32>
            %broadcast_in_dim3A_996 = vector.broadcast %squeeze3A_995 : i32 to vector<16xi32>
            %add3A_997 = arith.addi %add3A_972, %broadcast_in_dim3A_996 : vector<16xi32>
            %add3A_998 = arith.constant 0 : i32
            %add3A_999 = arith.addi %add3A_537, %add3A_998 : i32
            %add3A_1000 = arith.constant 5 : i32
            %add3A_1001 = arith.addi %add3A_999, %add3A_1000 : i32
            %mul3A_1002 = arith.constant 16 : i32
            %mul3A_1003 = arith.muli %add3A_1001, %mul3A_1002 : i32
            %add3A_1004 = arith.addi %mul3A_177, %mul3A_1003 : i32
            %add3A_1005 = arith.addi %add3A_87, %add3A_1004 : i32
            %add3A_1006 = vector.broadcast %add3A_1005 : i32 to vector<16xi32>
            %add3A_1007 = arith.addi %add3A_1006, %iota3A : vector<16xi32>
            %lt3A_1008 = arith.cmpf olt, %add3A_663, %while3A_533 : vector<16xf32>
            %jit3A_1009 = arith.constant 1 : i32
            %jit3A_1010 = arith.constant 0 : i32
            %broadcast_in_dim3A_1011 = vector.broadcast %jit3A_1009 : i32 to vector<16xi32>
            %broadcast_in_dim3A_1012 = vector.broadcast %jit3A_1010 : i32 to vector<16xi32>
            %select_n3A_1013 = arith.select %lt3A_1008, %broadcast_in_dim3A_1011, %broadcast_in_dim3A_1012 : vector<16xi1>, vector<16xi32>
            %broadcast_in_dim3A_1014 = arith.constant true
            %broadcast_in_dim3A_1015 = vector.broadcast %broadcast_in_dim3A_1014 : i1 to vector<16xi1>
            %masked_cumsum3A_1016 = tpu.scan <sum>, %select_n3A_1013 masked %broadcast_in_dim3A_1015 : vector<16xi32>, vector<16xi1> -> vector<16xi32>
            %add3A_1017 = arith.addi %add3A_997, %masked_cumsum3A_1016 : vector<16xi32>
            %sub3A_1018 = arith.subi %add3A_1017, %select_n3A_1013 : vector<16xi32>
            tpu.vector_store_idx %arg17[%sub3A_1018], %add3A_663 masked %lt3A_1008 : memref<288xf32, #tpu.memory_space<vmem>>[vector<16xi32>], vector<16xf32>, vector<16xi1>
            tpu.vector_store_idx %arg18[%sub3A_1018], %add3A_1007 masked %lt3A_1008 : memref<288xi32, #tpu.memory_space<vmem>>[vector<16xi32>], vector<16xi32>, vector<16xi1>
            %slice3A_1019 = vector.extract_strided_slice %masked_cumsum3A_1016 {offsets = [15], sizes = [1], strides = [1]} : vector<16xi32> to vector<1xi32>
            %squeeze3A_1020 = vector.extract %slice3A_1019[0] : i32 from vector<1xi32>
            %broadcast_in_dim3A_1021 = vector.broadcast %squeeze3A_1020 : i32 to vector<16xi32>
            %add3A_1022 = arith.addi %add3A_997, %broadcast_in_dim3A_1021 : vector<16xi32>
            %add3A_1023 = arith.constant 0 : i32
            %add3A_1024 = arith.addi %add3A_537, %add3A_1023 : i32
            %add3A_1025 = arith.constant 6 : i32
            %add3A_1026 = arith.addi %add3A_1024, %add3A_1025 : i32
            %mul3A_1027 = arith.constant 16 : i32
            %mul3A_1028 = arith.muli %add3A_1026, %mul3A_1027 : i32
            %add3A_1029 = arith.addi %mul3A_177, %mul3A_1028 : i32
            %add3A_1030 = arith.addi %add3A_87, %add3A_1029 : i32
            %add3A_1031 = vector.broadcast %add3A_1030 : i32 to vector<16xi32>
            %add3A_1032 = arith.addi %add3A_1031, %iota3A : vector<16xi32>
            %lt3A_1033 = arith.cmpf olt, %add3A_684, %while3A_533 : vector<16xf32>
            %jit3A_1034 = arith.constant 1 : i32
            %jit3A_1035 = arith.constant 0 : i32
            %broadcast_in_dim3A_1036 = vector.broadcast %jit3A_1034 : i32 to vector<16xi32>
            %broadcast_in_dim3A_1037 = vector.broadcast %jit3A_1035 : i32 to vector<16xi32>
            %select_n3A_1038 = arith.select %lt3A_1033, %broadcast_in_dim3A_1036, %broadcast_in_dim3A_1037 : vector<16xi1>, vector<16xi32>
            %broadcast_in_dim3A_1039 = arith.constant true
            %broadcast_in_dim3A_1040 = vector.broadcast %broadcast_in_dim3A_1039 : i1 to vector<16xi1>
            %masked_cumsum3A_1041 = tpu.scan <sum>, %select_n3A_1038 masked %broadcast_in_dim3A_1040 : vector<16xi32>, vector<16xi1> -> vector<16xi32>
            %add3A_1042 = arith.addi %add3A_1022, %masked_cumsum3A_1041 : vector<16xi32>
            %sub3A_1043 = arith.subi %add3A_1042, %select_n3A_1038 : vector<16xi32>
            tpu.vector_store_idx %arg17[%sub3A_1043], %add3A_684 masked %lt3A_1033 : memref<288xf32, #tpu.memory_space<vmem>>[vector<16xi32>], vector<16xf32>, vector<16xi1>
            tpu.vector_store_idx %arg18[%sub3A_1043], %add3A_1032 masked %lt3A_1033 : memref<288xi32, #tpu.memory_space<vmem>>[vector<16xi32>], vector<16xi32>, vector<16xi1>
            %slice3A_1044 = vector.extract_strided_slice %masked_cumsum3A_1041 {offsets = [15], sizes = [1], strides = [1]} : vector<16xi32> to vector<1xi32>
            %squeeze3A_1045 = vector.extract %slice3A_1044[0] : i32 from vector<1xi32>
            %broadcast_in_dim3A_1046 = vector.broadcast %squeeze3A_1045 : i32 to vector<16xi32>
            %add3A_1047 = arith.addi %add3A_1022, %broadcast_in_dim3A_1046 : vector<16xi32>
            %add3A_1048 = arith.constant 0 : i32
            %add3A_1049 = arith.addi %add3A_537, %add3A_1048 : i32
            %add3A_1050 = arith.constant 7 : i32
            %add3A_1051 = arith.addi %add3A_1049, %add3A_1050 : i32
            %mul3A_1052 = arith.constant 16 : i32
            %mul3A_1053 = arith.muli %add3A_1051, %mul3A_1052 : i32
            %add3A_1054 = arith.addi %mul3A_177, %mul3A_1053 : i32
            %add3A_1055 = arith.addi %add3A_87, %add3A_1054 : i32
            %add3A_1056 = vector.broadcast %add3A_1055 : i32 to vector<16xi32>
            %add3A_1057 = arith.addi %add3A_1056, %iota3A : vector<16xi32>
            %lt3A_1058 = arith.cmpf olt, %add3A_705, %while3A_533 : vector<16xf32>
            %jit3A_1059 = arith.constant 1 : i32
            %jit3A_1060 = arith.constant 0 : i32
            %broadcast_in_dim3A_1061 = vector.broadcast %jit3A_1059 : i32 to vector<16xi32>
            %broadcast_in_dim3A_1062 = vector.broadcast %jit3A_1060 : i32 to vector<16xi32>
            %select_n3A_1063 = arith.select %lt3A_1058, %broadcast_in_dim3A_1061, %broadcast_in_dim3A_1062 : vector<16xi1>, vector<16xi32>
            %broadcast_in_dim3A_1064 = arith.constant true
            %broadcast_in_dim3A_1065 = vector.broadcast %broadcast_in_dim3A_1064 : i1 to vector<16xi1>
            %masked_cumsum3A_1066 = tpu.scan <sum>, %select_n3A_1063 masked %broadcast_in_dim3A_1065 : vector<16xi32>, vector<16xi1> -> vector<16xi32>
            %add3A_1067 = arith.addi %add3A_1047, %masked_cumsum3A_1066 : vector<16xi32>
            %sub3A_1068 = arith.subi %add3A_1067, %select_n3A_1063 : vector<16xi32>
            tpu.vector_store_idx %arg17[%sub3A_1068], %add3A_705 masked %lt3A_1058 : memref<288xf32, #tpu.memory_space<vmem>>[vector<16xi32>], vector<16xf32>, vector<16xi1>
            tpu.vector_store_idx %arg18[%sub3A_1068], %add3A_1057 masked %lt3A_1058 : memref<288xi32, #tpu.memory_space<vmem>>[vector<16xi32>], vector<16xi32>, vector<16xi1>
            %slice3A_1069 = vector.extract_strided_slice %masked_cumsum3A_1066 {offsets = [15], sizes = [1], strides = [1]} : vector<16xi32> to vector<1xi32>
            %squeeze3A_1070 = vector.extract %slice3A_1069[0] : i32 from vector<1xi32>
            %broadcast_in_dim3A_1071 = vector.broadcast %squeeze3A_1070 : i32 to vector<16xi32>
            %add3A_1072 = arith.addi %add3A_1047, %broadcast_in_dim3A_1071 : vector<16xi32>
            %add3A_1073 = arith.constant 0 : i32
            %add3A_1074 = arith.addi %add3A_537, %add3A_1073 : i32
            %add3A_1075 = arith.constant 8 : i32
            %add3A_1076 = arith.addi %add3A_1074, %add3A_1075 : i32
            %mul3A_1077 = arith.constant 16 : i32
            %mul3A_1078 = arith.muli %add3A_1076, %mul3A_1077 : i32
            %add3A_1079 = arith.addi %mul3A_177, %mul3A_1078 : i32
            %add3A_1080 = arith.addi %add3A_87, %add3A_1079 : i32
            %add3A_1081 = vector.broadcast %add3A_1080 : i32 to vector<16xi32>
            %add3A_1082 = arith.addi %add3A_1081, %iota3A : vector<16xi32>
            %lt3A_1083 = arith.cmpf olt, %add3A_726, %while3A_533 : vector<16xf32>
            %jit3A_1084 = arith.constant 1 : i32
            %jit3A_1085 = arith.constant 0 : i32
            %broadcast_in_dim3A_1086 = vector.broadcast %jit3A_1084 : i32 to vector<16xi32>
            %broadcast_in_dim3A_1087 = vector.broadcast %jit3A_1085 : i32 to vector<16xi32>
            %select_n3A_1088 = arith.select %lt3A_1083, %broadcast_in_dim3A_1086, %broadcast_in_dim3A_1087 : vector<16xi1>, vector<16xi32>
            %broadcast_in_dim3A_1089 = arith.constant true
            %broadcast_in_dim3A_1090 = vector.broadcast %broadcast_in_dim3A_1089 : i1 to vector<16xi1>
            %masked_cumsum3A_1091 = tpu.scan <sum>, %select_n3A_1088 masked %broadcast_in_dim3A_1090 : vector<16xi32>, vector<16xi1> -> vector<16xi32>
            %add3A_1092 = arith.addi %add3A_1072, %masked_cumsum3A_1091 : vector<16xi32>
            %sub3A_1093 = arith.subi %add3A_1092, %select_n3A_1088 : vector<16xi32>
            tpu.vector_store_idx %arg17[%sub3A_1093], %add3A_726 masked %lt3A_1083 : memref<288xf32, #tpu.memory_space<vmem>>[vector<16xi32>], vector<16xf32>, vector<16xi1>
            tpu.vector_store_idx %arg18[%sub3A_1093], %add3A_1082 masked %lt3A_1083 : memref<288xi32, #tpu.memory_space<vmem>>[vector<16xi32>], vector<16xi32>, vector<16xi1>
            %slice3A_1094 = vector.extract_strided_slice %masked_cumsum3A_1091 {offsets = [15], sizes = [1], strides = [1]} : vector<16xi32> to vector<1xi32>
            %squeeze3A_1095 = vector.extract %slice3A_1094[0] : i32 from vector<1xi32>
            %broadcast_in_dim3A_1096 = vector.broadcast %squeeze3A_1095 : i32 to vector<16xi32>
            %add3A_1097 = arith.addi %add3A_1072, %broadcast_in_dim3A_1096 : vector<16xi32>
            %add3A_1098 = arith.constant 0 : i32
            %add3A_1099 = arith.addi %add3A_537, %add3A_1098 : i32
            %add3A_1100 = arith.constant 9 : i32
            %add3A_1101 = arith.addi %add3A_1099, %add3A_1100 : i32
            %mul3A_1102 = arith.constant 16 : i32
            %mul3A_1103 = arith.muli %add3A_1101, %mul3A_1102 : i32
            %add3A_1104 = arith.addi %mul3A_177, %mul3A_1103 : i32
            %add3A_1105 = arith.addi %add3A_87, %add3A_1104 : i32
            %add3A_1106 = vector.broadcast %add3A_1105 : i32 to vector<16xi32>
            %add3A_1107 = arith.addi %add3A_1106, %iota3A : vector<16xi32>
            %lt3A_1108 = arith.cmpf olt, %add3A_747, %while3A_533 : vector<16xf32>
            %jit3A_1109 = arith.constant 1 : i32
            %jit3A_1110 = arith.constant 0 : i32
            %broadcast_in_dim3A_1111 = vector.broadcast %jit3A_1109 : i32 to vector<16xi32>
            %broadcast_in_dim3A_1112 = vector.broadcast %jit3A_1110 : i32 to vector<16xi32>
            %select_n3A_1113 = arith.select %lt3A_1108, %broadcast_in_dim3A_1111, %broadcast_in_dim3A_1112 : vector<16xi1>, vector<16xi32>
            %broadcast_in_dim3A_1114 = arith.constant true
            %broadcast_in_dim3A_1115 = vector.broadcast %broadcast_in_dim3A_1114 : i1 to vector<16xi1>
            %masked_cumsum3A_1116 = tpu.scan <sum>, %select_n3A_1113 masked %broadcast_in_dim3A_1115 : vector<16xi32>, vector<16xi1> -> vector<16xi32>
            %add3A_1117 = arith.addi %add3A_1097, %masked_cumsum3A_1116 : vector<16xi32>
            %sub3A_1118 = arith.subi %add3A_1117, %select_n3A_1113 : vector<16xi32>
            tpu.vector_store_idx %arg17[%sub3A_1118], %add3A_747 masked %lt3A_1108 : memref<288xf32, #tpu.memory_space<vmem>>[vector<16xi32>], vector<16xf32>, vector<16xi1>
            tpu.vector_store_idx %arg18[%sub3A_1118], %add3A_1107 masked %lt3A_1108 : memref<288xi32, #tpu.memory_space<vmem>>[vector<16xi32>], vector<16xi32>, vector<16xi1>
            %slice3A_1119 = vector.extract_strided_slice %masked_cumsum3A_1116 {offsets = [15], sizes = [1], strides = [1]} : vector<16xi32> to vector<1xi32>
            %squeeze3A_1120 = vector.extract %slice3A_1119[0] : i32 from vector<1xi32>
            %broadcast_in_dim3A_1121 = vector.broadcast %squeeze3A_1120 : i32 to vector<16xi32>
            %add3A_1122 = arith.addi %add3A_1097, %broadcast_in_dim3A_1121 : vector<16xi32>
            %add3A_1123 = arith.constant 0 : i32
            %add3A_1124 = arith.addi %add3A_537, %add3A_1123 : i32
            %add3A_1125 = arith.constant 10 : i32
            %add3A_1126 = arith.addi %add3A_1124, %add3A_1125 : i32
            %mul3A_1127 = arith.constant 16 : i32
            %mul3A_1128 = arith.muli %add3A_1126, %mul3A_1127 : i32
            %add3A_1129 = arith.addi %mul3A_177, %mul3A_1128 : i32
            %add3A_1130 = arith.addi %add3A_87, %add3A_1129 : i32
            %add3A_1131 = vector.broadcast %add3A_1130 : i32 to vector<16xi32>
            %add3A_1132 = arith.addi %add3A_1131, %iota3A : vector<16xi32>
            %lt3A_1133 = arith.cmpf olt, %add3A_768, %while3A_533 : vector<16xf32>
            %jit3A_1134 = arith.constant 1 : i32
            %jit3A_1135 = arith.constant 0 : i32
            %broadcast_in_dim3A_1136 = vector.broadcast %jit3A_1134 : i32 to vector<16xi32>
            %broadcast_in_dim3A_1137 = vector.broadcast %jit3A_1135 : i32 to vector<16xi32>
            %select_n3A_1138 = arith.select %lt3A_1133, %broadcast_in_dim3A_1136, %broadcast_in_dim3A_1137 : vector<16xi1>, vector<16xi32>
            %broadcast_in_dim3A_1139 = arith.constant true
            %broadcast_in_dim3A_1140 = vector.broadcast %broadcast_in_dim3A_1139 : i1 to vector<16xi1>
            %masked_cumsum3A_1141 = tpu.scan <sum>, %select_n3A_1138 masked %broadcast_in_dim3A_1140 : vector<16xi32>, vector<16xi1> -> vector<16xi32>
            %add3A_1142 = arith.addi %add3A_1122, %masked_cumsum3A_1141 : vector<16xi32>
            %sub3A_1143 = arith.subi %add3A_1142, %select_n3A_1138 : vector<16xi32>
            tpu.vector_store_idx %arg17[%sub3A_1143], %add3A_768 masked %lt3A_1133 : memref<288xf32, #tpu.memory_space<vmem>>[vector<16xi32>], vector<16xf32>, vector<16xi1>
            tpu.vector_store_idx %arg18[%sub3A_1143], %add3A_1132 masked %lt3A_1133 : memref<288xi32, #tpu.memory_space<vmem>>[vector<16xi32>], vector<16xi32>, vector<16xi1>
            %slice3A_1144 = vector.extract_strided_slice %masked_cumsum3A_1141 {offsets = [15], sizes = [1], strides = [1]} : vector<16xi32> to vector<1xi32>
            %squeeze3A_1145 = vector.extract %slice3A_1144[0] : i32 from vector<1xi32>
            %broadcast_in_dim3A_1146 = vector.broadcast %squeeze3A_1145 : i32 to vector<16xi32>
            %add3A_1147 = arith.addi %add3A_1122, %broadcast_in_dim3A_1146 : vector<16xi32>
            %add3A_1148 = arith.constant 0 : i32
            %add3A_1149 = arith.addi %add3A_537, %add3A_1148 : i32
            %add3A_1150 = arith.constant 11 : i32
            %add3A_1151 = arith.addi %add3A_1149, %add3A_1150 : i32
            %mul3A_1152 = arith.constant 16 : i32
            %mul3A_1153 = arith.muli %add3A_1151, %mul3A_1152 : i32
            %add3A_1154 = arith.addi %mul3A_177, %mul3A_1153 : i32
            %add3A_1155 = arith.addi %add3A_87, %add3A_1154 : i32
            %add3A_1156 = vector.broadcast %add3A_1155 : i32 to vector<16xi32>
            %add3A_1157 = arith.addi %add3A_1156, %iota3A : vector<16xi32>
            %lt3A_1158 = arith.cmpf olt, %add3A_789, %while3A_533 : vector<16xf32>
            %jit3A_1159 = arith.constant 1 : i32
            %jit3A_1160 = arith.constant 0 : i32
            %broadcast_in_dim3A_1161 = vector.broadcast %jit3A_1159 : i32 to vector<16xi32>
            %broadcast_in_dim3A_1162 = vector.broadcast %jit3A_1160 : i32 to vector<16xi32>
            %select_n3A_1163 = arith.select %lt3A_1158, %broadcast_in_dim3A_1161, %broadcast_in_dim3A_1162 : vector<16xi1>, vector<16xi32>
            %broadcast_in_dim3A_1164 = arith.constant true
            %broadcast_in_dim3A_1165 = vector.broadcast %broadcast_in_dim3A_1164 : i1 to vector<16xi1>
            %masked_cumsum3A_1166 = tpu.scan <sum>, %select_n3A_1163 masked %broadcast_in_dim3A_1165 : vector<16xi32>, vector<16xi1> -> vector<16xi32>
            %add3A_1167 = arith.addi %add3A_1147, %masked_cumsum3A_1166 : vector<16xi32>
            %sub3A_1168 = arith.subi %add3A_1167, %select_n3A_1163 : vector<16xi32>
            tpu.vector_store_idx %arg17[%sub3A_1168], %add3A_789 masked %lt3A_1158 : memref<288xf32, #tpu.memory_space<vmem>>[vector<16xi32>], vector<16xf32>, vector<16xi1>
            tpu.vector_store_idx %arg18[%sub3A_1168], %add3A_1157 masked %lt3A_1158 : memref<288xi32, #tpu.memory_space<vmem>>[vector<16xi32>], vector<16xi32>, vector<16xi1>
            %slice3A_1169 = vector.extract_strided_slice %masked_cumsum3A_1166 {offsets = [15], sizes = [1], strides = [1]} : vector<16xi32> to vector<1xi32>
            %squeeze3A_1170 = vector.extract %slice3A_1169[0] : i32 from vector<1xi32>
            %broadcast_in_dim3A_1171 = vector.broadcast %squeeze3A_1170 : i32 to vector<16xi32>
            %add3A_1172 = arith.addi %add3A_1147, %broadcast_in_dim3A_1171 : vector<16xi32>
            %add3A_1173 = arith.constant 0 : i32
            %add3A_1174 = arith.addi %add3A_537, %add3A_1173 : i32
            %add3A_1175 = arith.constant 12 : i32
            %add3A_1176 = arith.addi %add3A_1174, %add3A_1175 : i32
            %mul3A_1177 = arith.constant 16 : i32
            %mul3A_1178 = arith.muli %add3A_1176, %mul3A_1177 : i32
            %add3A_1179 = arith.addi %mul3A_177, %mul3A_1178 : i32
            %add3A_1180 = arith.addi %add3A_87, %add3A_1179 : i32
            %add3A_1181 = vector.broadcast %add3A_1180 : i32 to vector<16xi32>
            %add3A_1182 = arith.addi %add3A_1181, %iota3A : vector<16xi32>
            %lt3A_1183 = arith.cmpf olt, %add3A_810, %while3A_533 : vector<16xf32>
            %jit3A_1184 = arith.constant 1 : i32
            %jit3A_1185 = arith.constant 0 : i32
            %broadcast_in_dim3A_1186 = vector.broadcast %jit3A_1184 : i32 to vector<16xi32>
            %broadcast_in_dim3A_1187 = vector.broadcast %jit3A_1185 : i32 to vector<16xi32>
            %select_n3A_1188 = arith.select %lt3A_1183, %broadcast_in_dim3A_1186, %broadcast_in_dim3A_1187 : vector<16xi1>, vector<16xi32>
            %broadcast_in_dim3A_1189 = arith.constant true
            %broadcast_in_dim3A_1190 = vector.broadcast %broadcast_in_dim3A_1189 : i1 to vector<16xi1>
            %masked_cumsum3A_1191 = tpu.scan <sum>, %select_n3A_1188 masked %broadcast_in_dim3A_1190 : vector<16xi32>, vector<16xi1> -> vector<16xi32>
            %add3A_1192 = arith.addi %add3A_1172, %masked_cumsum3A_1191 : vector<16xi32>
            %sub3A_1193 = arith.subi %add3A_1192, %select_n3A_1188 : vector<16xi32>
            tpu.vector_store_idx %arg17[%sub3A_1193], %add3A_810 masked %lt3A_1183 : memref<288xf32, #tpu.memory_space<vmem>>[vector<16xi32>], vector<16xf32>, vector<16xi1>
            tpu.vector_store_idx %arg18[%sub3A_1193], %add3A_1182 masked %lt3A_1183 : memref<288xi32, #tpu.memory_space<vmem>>[vector<16xi32>], vector<16xi32>, vector<16xi1>
            %slice3A_1194 = vector.extract_strided_slice %masked_cumsum3A_1191 {offsets = [15], sizes = [1], strides = [1]} : vector<16xi32> to vector<1xi32>
            %squeeze3A_1195 = vector.extract %slice3A_1194[0] : i32 from vector<1xi32>
            %broadcast_in_dim3A_1196 = vector.broadcast %squeeze3A_1195 : i32 to vector<16xi32>
            %add3A_1197 = arith.addi %add3A_1172, %broadcast_in_dim3A_1196 : vector<16xi32>
            %add3A_1198 = arith.constant 0 : i32
            %add3A_1199 = arith.addi %add3A_537, %add3A_1198 : i32
            %add3A_1200 = arith.constant 13 : i32
            %add3A_1201 = arith.addi %add3A_1199, %add3A_1200 : i32
            %mul3A_1202 = arith.constant 16 : i32
            %mul3A_1203 = arith.muli %add3A_1201, %mul3A_1202 : i32
            %add3A_1204 = arith.addi %mul3A_177, %mul3A_1203 : i32
            %add3A_1205 = arith.addi %add3A_87, %add3A_1204 : i32
            %add3A_1206 = vector.broadcast %add3A_1205 : i32 to vector<16xi32>
            %add3A_1207 = arith.addi %add3A_1206, %iota3A : vector<16xi32>
            %lt3A_1208 = arith.cmpf olt, %add3A_831, %while3A_533 : vector<16xf32>
            %jit3A_1209 = arith.constant 1 : i32
            %jit3A_1210 = arith.constant 0 : i32
            %broadcast_in_dim3A_1211 = vector.broadcast %jit3A_1209 : i32 to vector<16xi32>
            %broadcast_in_dim3A_1212 = vector.broadcast %jit3A_1210 : i32 to vector<16xi32>
            %select_n3A_1213 = arith.select %lt3A_1208, %broadcast_in_dim3A_1211, %broadcast_in_dim3A_1212 : vector<16xi1>, vector<16xi32>
            %broadcast_in_dim3A_1214 = arith.constant true
            %broadcast_in_dim3A_1215 = vector.broadcast %broadcast_in_dim3A_1214 : i1 to vector<16xi1>
            %masked_cumsum3A_1216 = tpu.scan <sum>, %select_n3A_1213 masked %broadcast_in_dim3A_1215 : vector<16xi32>, vector<16xi1> -> vector<16xi32>
            %add3A_1217 = arith.addi %add3A_1197, %masked_cumsum3A_1216 : vector<16xi32>
            %sub3A_1218 = arith.subi %add3A_1217, %select_n3A_1213 : vector<16xi32>
            tpu.vector_store_idx %arg17[%sub3A_1218], %add3A_831 masked %lt3A_1208 : memref<288xf32, #tpu.memory_space<vmem>>[vector<16xi32>], vector<16xf32>, vector<16xi1>
            tpu.vector_store_idx %arg18[%sub3A_1218], %add3A_1207 masked %lt3A_1208 : memref<288xi32, #tpu.memory_space<vmem>>[vector<16xi32>], vector<16xi32>, vector<16xi1>
            %slice3A_1219 = vector.extract_strided_slice %masked_cumsum3A_1216 {offsets = [15], sizes = [1], strides = [1]} : vector<16xi32> to vector<1xi32>
            %squeeze3A_1220 = vector.extract %slice3A_1219[0] : i32 from vector<1xi32>
            %broadcast_in_dim3A_1221 = vector.broadcast %squeeze3A_1220 : i32 to vector<16xi32>
            %add3A_1222 = arith.addi %add3A_1197, %broadcast_in_dim3A_1221 : vector<16xi32>
            %add3A_1223 = arith.constant 0 : i32
            %add3A_1224 = arith.addi %add3A_537, %add3A_1223 : i32
            %add3A_1225 = arith.constant 14 : i32
            %add3A_1226 = arith.addi %add3A_1224, %add3A_1225 : i32
            %mul3A_1227 = arith.constant 16 : i32
            %mul3A_1228 = arith.muli %add3A_1226, %mul3A_1227 : i32
            %add3A_1229 = arith.addi %mul3A_177, %mul3A_1228 : i32
            %add3A_1230 = arith.addi %add3A_87, %add3A_1229 : i32
            %add3A_1231 = vector.broadcast %add3A_1230 : i32 to vector<16xi32>
            %add3A_1232 = arith.addi %add3A_1231, %iota3A : vector<16xi32>
            %lt3A_1233 = arith.cmpf olt, %add3A_852, %while3A_533 : vector<16xf32>
            %jit3A_1234 = arith.constant 1 : i32
            %jit3A_1235 = arith.constant 0 : i32
            %broadcast_in_dim3A_1236 = vector.broadcast %jit3A_1234 : i32 to vector<16xi32>
            %broadcast_in_dim3A_1237 = vector.broadcast %jit3A_1235 : i32 to vector<16xi32>
            %select_n3A_1238 = arith.select %lt3A_1233, %broadcast_in_dim3A_1236, %broadcast_in_dim3A_1237 : vector<16xi1>, vector<16xi32>
            %broadcast_in_dim3A_1239 = arith.constant true
            %broadcast_in_dim3A_1240 = vector.broadcast %broadcast_in_dim3A_1239 : i1 to vector<16xi1>
            %masked_cumsum3A_1241 = tpu.scan <sum>, %select_n3A_1238 masked %broadcast_in_dim3A_1240 : vector<16xi32>, vector<16xi1> -> vector<16xi32>
            %add3A_1242 = arith.addi %add3A_1222, %masked_cumsum3A_1241 : vector<16xi32>
            %sub3A_1243 = arith.subi %add3A_1242, %select_n3A_1238 : vector<16xi32>
            tpu.vector_store_idx %arg17[%sub3A_1243], %add3A_852 masked %lt3A_1233 : memref<288xf32, #tpu.memory_space<vmem>>[vector<16xi32>], vector<16xf32>, vector<16xi1>
            tpu.vector_store_idx %arg18[%sub3A_1243], %add3A_1232 masked %lt3A_1233 : memref<288xi32, #tpu.memory_space<vmem>>[vector<16xi32>], vector<16xi32>, vector<16xi1>
            %slice3A_1244 = vector.extract_strided_slice %masked_cumsum3A_1241 {offsets = [15], sizes = [1], strides = [1]} : vector<16xi32> to vector<1xi32>
            %squeeze3A_1245 = vector.extract %slice3A_1244[0] : i32 from vector<1xi32>
            %broadcast_in_dim3A_1246 = vector.broadcast %squeeze3A_1245 : i32 to vector<16xi32>
            %add3A_1247 = arith.addi %add3A_1222, %broadcast_in_dim3A_1246 : vector<16xi32>
            %add3A_1248 = arith.constant 0 : i32
            %add3A_1249 = arith.addi %add3A_537, %add3A_1248 : i32
            %add3A_1250 = arith.constant 15 : i32
            %add3A_1251 = arith.addi %add3A_1249, %add3A_1250 : i32
            %mul3A_1252 = arith.constant 16 : i32
            %mul3A_1253 = arith.muli %add3A_1251, %mul3A_1252 : i32
            %add3A_1254 = arith.addi %mul3A_177, %mul3A_1253 : i32
            %add3A_1255 = arith.addi %add3A_87, %add3A_1254 : i32
            %add3A_1256 = vector.broadcast %add3A_1255 : i32 to vector<16xi32>
            %add3A_1257 = arith.addi %add3A_1256, %iota3A : vector<16xi32>
            %lt3A_1258 = arith.cmpf olt, %add3A_873, %while3A_533 : vector<16xf32>
            %jit3A_1259 = arith.constant 1 : i32
            %jit3A_1260 = arith.constant 0 : i32
            %broadcast_in_dim3A_1261 = vector.broadcast %jit3A_1259 : i32 to vector<16xi32>
            %broadcast_in_dim3A_1262 = vector.broadcast %jit3A_1260 : i32 to vector<16xi32>
            %select_n3A_1263 = arith.select %lt3A_1258, %broadcast_in_dim3A_1261, %broadcast_in_dim3A_1262 : vector<16xi1>, vector<16xi32>
            %broadcast_in_dim3A_1264 = arith.constant true
            %broadcast_in_dim3A_1265 = vector.broadcast %broadcast_in_dim3A_1264 : i1 to vector<16xi1>
            %masked_cumsum3A_1266 = tpu.scan <sum>, %select_n3A_1263 masked %broadcast_in_dim3A_1265 : vector<16xi32>, vector<16xi1> -> vector<16xi32>
            %add3A_1267 = arith.addi %add3A_1247, %masked_cumsum3A_1266 : vector<16xi32>
            %sub3A_1268 = arith.subi %add3A_1267, %select_n3A_1263 : vector<16xi32>
            tpu.vector_store_idx %arg17[%sub3A_1268], %add3A_873 masked %lt3A_1258 : memref<288xf32, #tpu.memory_space<vmem>>[vector<16xi32>], vector<16xf32>, vector<16xi1>
            tpu.vector_store_idx %arg18[%sub3A_1268], %add3A_1257 masked %lt3A_1258 : memref<288xi32, #tpu.memory_space<vmem>>[vector<16xi32>], vector<16xi32>, vector<16xi1>
            %slice3A_1269 = vector.extract_strided_slice %masked_cumsum3A_1266 {offsets = [15], sizes = [1], strides = [1]} : vector<16xi32> to vector<1xi32>
            %squeeze3A_1270 = vector.extract %slice3A_1269[0] : i32 from vector<1xi32>
            %broadcast_in_dim3A_1271 = vector.broadcast %squeeze3A_1270 : i32 to vector<16xi32>
            %add3A_1272 = arith.addi %add3A_1247, %broadcast_in_dim3A_1271 : vector<16xi32>
            %slice3A_1273 = vector.extract_strided_slice %add3A_1272 {offsets = [0], sizes = [1], strides = [1]} : vector<16xi32> to vector<1xi32>
            %squeeze3A_1274 = vector.extract %slice3A_1273[0] : i32 from vector<1xi32>
            %jit3A_1275 = arith.constant 16 : i32
            %div3A_1276 = arith.divsi %squeeze3A_1274, %jit3A_1275 : i32
            %sign3A_1277 = arith.constant 0 : i32
            %sign3A_1278 = arith.cmpi sgt, %squeeze3A_1274, %sign3A_1277 : i32
            %sign3A_1279 = arith.extui %sign3A_1278 : i1 to i32
            %sign3A_1280 = arith.constant 0 : i32
            %sign3A_1281 = arith.cmpi slt, %squeeze3A_1274, %sign3A_1280 : i32
            %sign3A_1282 = arith.extui %sign3A_1281 : i1 to i32
            %sign3A_1283 = arith.subi %sign3A_1279, %sign3A_1282 : i32
            %sign3A_1284 = arith.constant 0 : i32
            %sign3A_1285 = arith.cmpi sgt, %jit3A_1275, %sign3A_1284 : i32
            %sign3A_1286 = arith.extui %sign3A_1285 : i1 to i32
            %sign3A_1287 = arith.constant 0 : i32
            %sign3A_1288 = arith.cmpi slt, %jit3A_1275, %sign3A_1287 : i32
            %sign3A_1289 = arith.extui %sign3A_1288 : i1 to i32
            %sign3A_1290 = arith.subi %sign3A_1286, %sign3A_1289 : i32
            %ne3A_1291 = arith.cmpi ne, %sign3A_1283, %sign3A_1290 : i32
            %rem3A_1292 = arith.remsi %squeeze3A_1274, %jit3A_1275 : i32
            %ne3A_1293 = arith.constant 0 : i32
            %ne3A_1294 = arith.cmpi ne, %rem3A_1292, %ne3A_1293 : i32
            %and3A_1295 = arith.andi %ne3A_1291, %ne3A_1294 : i1
            %sub3A_1296 = arith.constant 1 : i32
            %sub3A_1297 = arith.subi %div3A_1276, %sub3A_1296 : i32
            %select_n3A_1298 = arith.select %and3A_1295, %sub3A_1297, %div3A_1276 : i32
            %while3A_1299 = arith.constant 0 : i32
            %while3A_1300 = arith.subi %select_n3A_1298, %while3A_1299 : i32
            %while3A_1301 = arith.addi %while3A_1299, %while3A_1300 : i32
            %while3A_1302 = arith.constant 1 : i32
            %while3A_1303 = arith.divsi %while3A_1300, %while3A_1302 : i32
            %while3A_1304 = arith.muli %while3A_1303, %while3A_1302 : i32
            %while3A_1305 = arith.addi %while3A_1299, %while3A_1304 : i32
            %while3A_1306 = arith.constant 1 : i32
            %while3A_1307:4 = scf.for %while3A_1329 = %while3A_1299 to %while3A_1305 step %while3A_1306 iter_args(%while3A_1330 = %while3A_529, %while3A_1331 = %while3A_530, %while3A_1332 = %while3A_531, %while3A_1333 = %while3A_532) -> (vector<16xf32>, vector<16xi32>, vector<16xf32>, vector<16xi32>)  : i32 {
              %mul3A_1334 = arith.constant 16 : i32
              %mul3A_1335 = arith.muli %while3A_1329, %mul3A_1334 : i32
              %get3A_1336 = arith.index_cast %mul3A_1335 : i32 to index
              %get3A_1337 = tpu.vector_load %arg17[%get3A_1336] {strides = array<i32>} : memref<288xf32, #tpu.memory_space<vmem>>, vector<16xf32>,
              %mul3A_1338 = arith.constant 16 : i32
              %mul3A_1339 = arith.muli %while3A_1329, %mul3A_1338 : i32
              %get3A_1340 = arith.index_cast %mul3A_1339 : i32 to index
              %get3A_1341 = tpu.vector_load %arg18[%get3A_1340] {strides = array<i32>} : memref<288xi32, #tpu.memory_space<vmem>>, vector<16xi32>,
              %masked_sort3A_1342 = arith.constant dense<true> : vector<16xi1>
              %masked_sort3A_1343, %masked_sort3A_1344, %masked_sort3A_1345 = tpu.sort %get3A_1337, %get3A_1341 masked %masked_sort3A_1342 : (vector<16xf32>, vector<16xi32>, vector<16xi1>) -> (vector<16xi1>, vector<16xf32>, vector<16xi32>)
              %rev3A_1346 = arith.constant 15 : i32
              %rev3A_1347 = vector.broadcast %rev3A_1346 : i32 to vector<16xi32>
              %rev3A_1348 = tpu.iota {dimensions = array<i32: 0>} : vector<16xi32>
              %rev3A_1349 = arith.subi %rev3A_1347, %rev3A_1348 : vector<16xi32>
              %rev3A_1350 = tpu.dynamic_gather %masked_sort3A_1344[%rev3A_1349] in [0] : vector<16xf32>, vector<16xi32> -> vector<16xf32>
              %rev3A_1351 = arith.constant 15 : i32
              %rev3A_1352 = vector.broadcast %rev3A_1351 : i32 to vector<16xi32>
              %rev3A_1353 = tpu.iota {dimensions = array<i32: 0>} : vector<16xi32>
              %rev3A_1354 = arith.subi %rev3A_1352, %rev3A_1353 : vector<16xi32>
              %rev3A_1355 = tpu.dynamic_gather %masked_sort3A_1345[%rev3A_1354] in [0] : vector<16xi32>, vector<16xi32> -> vector<16xi32>
              %le3A_1356 = arith.cmpf ole, %while3A_1332, %rev3A_1350 : vector<16xf32>
              %select_n3A_1357 = arith.select %le3A_1356, %while3A_1332, %rev3A_1350 : vector<16xi1>, vector<16xf32>
              %select_n3A_1358 = arith.select %le3A_1356, %while3A_1333, %rev3A_1355 : vector<16xi1>, vector<16xi32>
              %masked_sort3A_1359 = arith.constant dense<true> : vector<16xi1>
              %masked_sort3A_1360, %masked_sort3A_1361, %masked_sort3A_1362 = tpu.sort %select_n3A_1357, %select_n3A_1358 masked %masked_sort3A_1359 : (vector<16xf32>, vector<16xi32>, vector<16xi1>) -> (vector<16xi1>, vector<16xf32>, vector<16xi32>)
              %rev3A_1363 = arith.constant 15 : i32
              %rev3A_1364 = vector.broadcast %rev3A_1363 : i32 to vector<16xi32>
              %rev3A_1365 = tpu.iota {dimensions = array<i32: 0>} : vector<16xi32>
              %rev3A_1366 = arith.subi %rev3A_1364, %rev3A_1365 : vector<16xi32>
              %rev3A_1367 = tpu.dynamic_gather %masked_sort3A_1361[%rev3A_1366] in [0] : vector<16xf32>, vector<16xi32> -> vector<16xf32>
              %rev3A_1368 = arith.constant 15 : i32
              %rev3A_1369 = vector.broadcast %rev3A_1368 : i32 to vector<16xi32>
              %rev3A_1370 = tpu.iota {dimensions = array<i32: 0>} : vector<16xi32>
              %rev3A_1371 = arith.subi %rev3A_1369, %rev3A_1370 : vector<16xi32>
              %rev3A_1372 = tpu.dynamic_gather %masked_sort3A_1362[%rev3A_1371] in [0] : vector<16xi32>, vector<16xi32> -> vector<16xi32>
              %le3A_1373 = arith.cmpf ole, %while3A_1330, %rev3A_1367 : vector<16xf32>
              %select_n3A_1374 = arith.select %le3A_1373, %while3A_1330, %rev3A_1367 : vector<16xi1>, vector<16xf32>
              %select_n3A_1375 = arith.select %le3A_1373, %while3A_1331, %rev3A_1372 : vector<16xi1>, vector<16xi32>
              %select_n3A_1376 = arith.select %le3A_1373, %rev3A_1367, %while3A_1330 : vector<16xi1>, vector<16xf32>
              %select_n3A_1377 = arith.select %le3A_1373, %rev3A_1372, %while3A_1331 : vector<16xi1>, vector<16xi32>
              %masked_sort3A_1378 = arith.constant dense<true> : vector<16xi1>
              %masked_sort3A_1379, %masked_sort3A_1380, %masked_sort3A_1381 = tpu.sort %select_n3A_1374, %select_n3A_1375 masked %masked_sort3A_1378 : (vector<16xf32>, vector<16xi32>, vector<16xi1>) -> (vector<16xi1>, vector<16xf32>, vector<16xi32>)
              %masked_sort3A_1382 = arith.constant dense<true> : vector<16xi1>
              %masked_sort3A_1383, %masked_sort3A_1384, %masked_sort3A_1385 = tpu.sort %select_n3A_1376, %select_n3A_1377 masked %masked_sort3A_1382 : (vector<16xf32>, vector<16xi32>, vector<16xi1>) -> (vector<16xi1>, vector<16xf32>, vector<16xi32>)
              scf.yield %masked_sort3A_1380, %masked_sort3A_1381, %masked_sort3A_1384, %masked_sort3A_1385 : vector<16xf32>, vector<16xi32>, vector<16xf32>, vector<16xi32>
            }
            %while3A_1308 = arith.constant 1 : i32
            %while3A_1309:4 = scf.for %while3A_1329 = %while3A_1305 to %while3A_1301 step %while3A_1308 iter_args(%while3A_1330 = %while3A_1307#0, %while3A_1331 = %while3A_1307#1, %while3A_1332 = %while3A_1307#2, %while3A_1333 = %while3A_1307#3) -> (vector<16xf32>, vector<16xi32>, vector<16xf32>, vector<16xi32>)  : i32 {
              %mul3A_1334 = arith.constant 16 : i32
              %mul3A_1335 = arith.muli %while3A_1329, %mul3A_1334 : i32
              %get3A_1336 = arith.index_cast %mul3A_1335 : i32 to index
              %get3A_1337 = tpu.vector_load %arg17[%get3A_1336] {strides = array<i32>} : memref<288xf32, #tpu.memory_space<vmem>>, vector<16xf32>,
              %mul3A_1338 = arith.constant 16 : i32
              %mul3A_1339 = arith.muli %while3A_1329, %mul3A_1338 : i32
              %get3A_1340 = arith.index_cast %mul3A_1339 : i32 to index
              %get3A_1341 = tpu.vector_load %arg18[%get3A_1340] {strides = array<i32>} : memref<288xi32, #tpu.memory_space<vmem>>, vector<16xi32>,
              %masked_sort3A_1342 = arith.constant dense<true> : vector<16xi1>
              %masked_sort3A_1343, %masked_sort3A_1344, %masked_sort3A_1345 = tpu.sort %get3A_1337, %get3A_1341 masked %masked_sort3A_1342 : (vector<16xf32>, vector<16xi32>, vector<16xi1>) -> (vector<16xi1>, vector<16xf32>, vector<16xi32>)
              %rev3A_1346 = arith.constant 15 : i32
              %rev3A_1347 = vector.broadcast %rev3A_1346 : i32 to vector<16xi32>
              %rev3A_1348 = tpu.iota {dimensions = array<i32: 0>} : vector<16xi32>
              %rev3A_1349 = arith.subi %rev3A_1347, %rev3A_1348 : vector<16xi32>
              %rev3A_1350 = tpu.dynamic_gather %masked_sort3A_1344[%rev3A_1349] in [0] : vector<16xf32>, vector<16xi32> -> vector<16xf32>
              %rev3A_1351 = arith.constant 15 : i32
              %rev3A_1352 = vector.broadcast %rev3A_1351 : i32 to vector<16xi32>
              %rev3A_1353 = tpu.iota {dimensions = array<i32: 0>} : vector<16xi32>
              %rev3A_1354 = arith.subi %rev3A_1352, %rev3A_1353 : vector<16xi32>
              %rev3A_1355 = tpu.dynamic_gather %masked_sort3A_1345[%rev3A_1354] in [0] : vector<16xi32>, vector<16xi32> -> vector<16xi32>
              %le3A_1356 = arith.cmpf ole, %while3A_1332, %rev3A_1350 : vector<16xf32>
              %select_n3A_1357 = arith.select %le3A_1356, %while3A_1332, %rev3A_1350 : vector<16xi1>, vector<16xf32>
              %select_n3A_1358 = arith.select %le3A_1356, %while3A_1333, %rev3A_1355 : vector<16xi1>, vector<16xi32>
              %masked_sort3A_1359 = arith.constant dense<true> : vector<16xi1>
              %masked_sort3A_1360, %masked_sort3A_1361, %masked_sort3A_1362 = tpu.sort %select_n3A_1357, %select_n3A_1358 masked %masked_sort3A_1359 : (vector<16xf32>, vector<16xi32>, vector<16xi1>) -> (vector<16xi1>, vector<16xf32>, vector<16xi32>)
              %rev3A_1363 = arith.constant 15 : i32
              %rev3A_1364 = vector.broadcast %rev3A_1363 : i32 to vector<16xi32>
              %rev3A_1365 = tpu.iota {dimensions = array<i32: 0>} : vector<16xi32>
              %rev3A_1366 = arith.subi %rev3A_1364, %rev3A_1365 : vector<16xi32>
              %rev3A_1367 = tpu.dynamic_gather %masked_sort3A_1361[%rev3A_1366] in [0] : vector<16xf32>, vector<16xi32> -> vector<16xf32>
              %rev3A_1368 = arith.constant 15 : i32
              %rev3A_1369 = vector.broadcast %rev3A_1368 : i32 to vector<16xi32>
              %rev3A_1370 = tpu.iota {dimensions = array<i32: 0>} : vector<16xi32>
              %rev3A_1371 = arith.subi %rev3A_1369, %rev3A_1370 : vector<16xi32>
              %rev3A_1372 = tpu.dynamic_gather %masked_sort3A_1362[%rev3A_1371] in [0] : vector<16xi32>, vector<16xi32> -> vector<16xi32>
              %le3A_1373 = arith.cmpf ole, %while3A_1330, %rev3A_1367 : vector<16xf32>
              %select_n3A_1374 = arith.select %le3A_1373, %while3A_1330, %rev3A_1367 : vector<16xi1>, vector<16xf32>
              %select_n3A_1375 = arith.select %le3A_1373, %while3A_1331, %rev3A_1372 : vector<16xi1>, vector<16xi32>
              %select_n3A_1376 = arith.select %le3A_1373, %rev3A_1367, %while3A_1330 : vector<16xi1>, vector<16xf32>
              %select_n3A_1377 = arith.select %le3A_1373, %rev3A_1372, %while3A_1331 : vector<16xi1>, vector<16xi32>
              %masked_sort3A_1378 = arith.constant dense<true> : vector<16xi1>
              %masked_sort3A_1379, %masked_sort3A_1380, %masked_sort3A_1381 = tpu.sort %select_n3A_1374, %select_n3A_1375 masked %masked_sort3A_1378 : (vector<16xf32>, vector<16xi32>, vector<16xi1>) -> (vector<16xi1>, vector<16xf32>, vector<16xi32>)
              %masked_sort3A_1382 = arith.constant dense<true> : vector<16xi1>
              %masked_sort3A_1383, %masked_sort3A_1384, %masked_sort3A_1385 = tpu.sort %select_n3A_1376, %select_n3A_1377 masked %masked_sort3A_1382 : (vector<16xf32>, vector<16xi32>, vector<16xi1>) -> (vector<16xi1>, vector<16xf32>, vector<16xi32>)
              scf.yield %masked_sort3A_1380, %masked_sort3A_1381, %masked_sort3A_1384, %masked_sort3A_1385 : vector<16xf32>, vector<16xi32>, vector<16xf32>, vector<16xi32>
            }
            %mul3A_1310 = arith.constant 16 : i32
            %mul3A_1311 = arith.muli %select_n3A_1298, %mul3A_1310 : i32
            %sub3A_1312 = arith.subi %squeeze3A_1274, %mul3A_1311 : i32
            %mul3A_1313 = arith.constant 16 : i32
            %mul3A_1314 = arith.muli %select_n3A_1298, %mul3A_1313 : i32
            %get3A_1315 = arith.index_cast %mul3A_1314 : i32 to index
            %get3A_1316 = tpu.vector_load %arg17[%get3A_1315] {strides = array<i32>} : memref<288xf32, #tpu.memory_space<vmem>>, vector<16xf32>,
            %mul3A_1317 = arith.constant 16 : i32
            %mul3A_1318 = arith.muli %select_n3A_1298, %mul3A_1317 : i32
            %get3A_1319 = arith.index_cast %mul3A_1318 : i32 to index
            %get3A_1320 = tpu.vector_load %arg18[%get3A_1319] {strides = array<i32>} : memref<288xi32, #tpu.memory_space<vmem>>, vector<16xi32>,
            %swap3A_1321 = arith.constant 0 : index
            %swap3A_1322 = tpu.vector_load %arg17[%swap3A_1321] {strides = array<i32>} : memref<288xf32, #tpu.memory_space<vmem>>, vector<16xf32>,
            tpu.vector_store %arg17[%swap3A_1321], %get3A_1316 {strides = array<i32>} : memref<288xf32, #tpu.memory_space<vmem>>, vector<16xf32>,
            %swap3A_1323 = arith.constant 0 : index
            %swap3A_1324 = tpu.vector_load %arg18[%swap3A_1323] {strides = array<i32>} : memref<288xi32, #tpu.memory_space<vmem>>, vector<16xi32>,
            tpu.vector_store %arg18[%swap3A_1323], %get3A_1320 {strides = array<i32>} : memref<288xi32, #tpu.memory_space<vmem>>, vector<16xi32>,
            %slice3A_1325 = vector.extract_strided_slice %while3A_1309#2 {offsets = [3], sizes = [1], strides = [1]} : vector<16xf32> to vector<1xf32>
            %squeeze3A_1326 = vector.extract %slice3A_1325[0] : f32 from vector<1xf32>
            %broadcast_in_dim3A_1327 = vector.broadcast %squeeze3A_1326 : f32 to vector<16xf32>
            %broadcast_in_dim3A_1328 = vector.broadcast %sub3A_1312 : i32 to vector<16xi32>
            scf.yield %while3A_1309#0, %while3A_1309#1, %while3A_1309#2, %while3A_1309#3, %broadcast_in_dim3A_1327, %broadcast_in_dim3A_1328 : vector<16xf32>, vector<16xi32>, vector<16xf32>, vector<16xi32>, vector<16xf32>, vector<16xi32>
          }
          %mul3A_383 = arith.constant 16 : i32
          %mul3A_384 = arith.muli %select_n3A_257, %mul3A_383 : i32
          %add3A_385 = arith.addi %min3A_232, %mul3A_384 : i32
          %while3A_386 = arith.subi %max3A_230, %add3A_385 : i32
          %while3A_387 = arith.addi %add3A_385, %while3A_386 : i32
          %while3A_388 = arith.constant 1 : i32
          %while3A_389 = arith.divsi %while3A_386, %while3A_388 : i32
          %while3A_390 = arith.muli %while3A_389, %while3A_388 : i32
          %while3A_391 = arith.addi %add3A_385, %while3A_390 : i32
          %while3A_392 = arith.constant 1 : i32
          %while3A_393 = scf.for %while3A_528 = %add3A_385 to %while3A_391 step %while3A_392 iter_args(%while3A_529 = %while3A_382#5) -> (vector<16xi32>)  : i32 {
            %mul3A_530 = arith.constant 16 : i32
            %mul3A_531 = arith.muli %while3A_528, %mul3A_530 : i32
            %add3A_532 = arith.addi %mul3A_177, %mul3A_531 : i32
            %add3A_533 = arith.addi %add3A_87, %add3A_532 : i32
            %add3A_534 = vector.broadcast %add3A_533 : i32 to vector<16xi32>
            %add3A_535 = arith.addi %add3A_534, %iota3A : vector<16xi32>
            %get3A_536 = arith.index_cast %add3A_532 : i32 to index
            %get3A_537 = tpu.vector_load %arg12[%get3A_536] {strides = array<i32>} : memref<8448xf32, #tpu.memory_space<vmem>>, vector<16xf32>,
            %sub3A_538 = arith.subf %get3A_537, %broadcast_in_dim3A_106 : vector<16xf32>
            %get3A_539 = arith.index_cast %add3A_532 : i32 to index
            %get3A_540 = tpu.vector_load %arg13[%get3A_539] {strides = array<i32>} : memref<8448xf32, #tpu.memory_space<vmem>>, vector<16xf32>,
            %sub3A_541 = arith.subf %get3A_540, %broadcast_in_dim3A_109 : vector<16xf32>
            %get3A_542 = arith.index_cast %add3A_532 : i32 to index
            %get3A_543 = tpu.vector_load %arg14[%get3A_542] {strides = array<i32>} : memref<8448xf32, #tpu.memory_space<vmem>>, vector<16xf32>,
            %sub3A_544 = arith.subf %get3A_543, %broadcast_in_dim3A_112 : vector<16xf32>
            %mul3A_545 = arith.mulf %sub3A_538, %sub3A_538 : vector<16xf32>
            %mul3A_546 = arith.mulf %sub3A_541, %sub3A_541 : vector<16xf32>
            %add3A_547 = arith.addf %mul3A_545, %mul3A_546 : vector<16xf32>
            %mul3A_548 = arith.mulf %sub3A_544, %sub3A_544 : vector<16xf32>
            %add3A_549 = arith.addf %add3A_547, %mul3A_548 : vector<16xf32>
            %lt3A_550 = arith.cmpf olt, %add3A_549, %while3A_382#4 : vector<16xf32>
            %jit3A_551 = arith.constant 1 : i32
            %jit3A_552 = arith.constant 0 : i32
            %broadcast_in_dim3A_553 = vector.broadcast %jit3A_551 : i32 to vector<16xi32>
            %broadcast_in_dim3A_554 = vector.broadcast %jit3A_552 : i32 to vector<16xi32>
            %select_n3A_555 = arith.select %lt3A_550, %broadcast_in_dim3A_553, %broadcast_in_dim3A_554 : vector<16xi1>, vector<16xi32>
            %broadcast_in_dim3A_556 = arith.constant true
            %broadcast_in_dim3A_557 = vector.broadcast %broadcast_in_dim3A_556 : i1 to vector<16xi1>
            %masked_cumsum3A = tpu.scan <sum>, %select_n3A_555 masked %broadcast_in_dim3A_557 : vector<16xi32>, vector<16xi1> -> vector<16xi32>
            %add3A_558 = arith.addi %while3A_529, %masked_cumsum3A : vector<16xi32>
            %sub3A_559 = arith.subi %add3A_558, %select_n3A_555 : vector<16xi32>
            tpu.vector_store_idx %arg17[%sub3A_559], %add3A_549 masked %lt3A_550 : memref<288xf32, #tpu.memory_space<vmem>>[vector<16xi32>], vector<16xf32>, vector<16xi1>
            tpu.vector_store_idx %arg18[%sub3A_559], %add3A_535 masked %lt3A_550 : memref<288xi32, #tpu.memory_space<vmem>>[vector<16xi32>], vector<16xi32>, vector<16xi1>
            %slice3A_560 = vector.extract_strided_slice %masked_cumsum3A {offsets = [15], sizes = [1], strides = [1]} : vector<16xi32> to vector<1xi32>
            %squeeze3A_561 = vector.extract %slice3A_560[0] : i32 from vector<1xi32>
            %broadcast_in_dim3A_562 = vector.broadcast %squeeze3A_561 : i32 to vector<16xi32>
            %add3A_563 = arith.addi %while3A_529, %broadcast_in_dim3A_562 : vector<16xi32>
            scf.yield %add3A_563 : vector<16xi32>
          }
          %while3A_394 = arith.constant 1 : i32
          %while3A_395 = scf.for %while3A_528 = %while3A_391 to %while3A_387 step %while3A_394 iter_args(%while3A_529 = %while3A_393) -> (vector<16xi32>)  : i32 {
            %mul3A_530 = arith.constant 16 : i32
            %mul3A_531 = arith.muli %while3A_528, %mul3A_530 : i32
            %add3A_532 = arith.addi %mul3A_177, %mul3A_531 : i32
            %add3A_533 = arith.addi %add3A_87, %add3A_532 : i32
            %add3A_534 = vector.broadcast %add3A_533 : i32 to vector<16xi32>
            %add3A_535 = arith.addi %add3A_534, %iota3A : vector<16xi32>
            %get3A_536 = arith.index_cast %add3A_532 : i32 to index
            %get3A_537 = tpu.vector_load %arg12[%get3A_536] {strides = array<i32>} : memref<8448xf32, #tpu.memory_space<vmem>>, vector<16xf32>,
            %sub3A_538 = arith.subf %get3A_537, %broadcast_in_dim3A_106 : vector<16xf32>
            %get3A_539 = arith.index_cast %add3A_532 : i32 to index
            %get3A_540 = tpu.vector_load %arg13[%get3A_539] {strides = array<i32>} : memref<8448xf32, #tpu.memory_space<vmem>>, vector<16xf32>,
            %sub3A_541 = arith.subf %get3A_540, %broadcast_in_dim3A_109 : vector<16xf32>
            %get3A_542 = arith.index_cast %add3A_532 : i32 to index
            %get3A_543 = tpu.vector_load %arg14[%get3A_542] {strides = array<i32>} : memref<8448xf32, #tpu.memory_space<vmem>>, vector<16xf32>,
            %sub3A_544 = arith.subf %get3A_543, %broadcast_in_dim3A_112 : vector<16xf32>
            %mul3A_545 = arith.mulf %sub3A_538, %sub3A_538 : vector<16xf32>
            %mul3A_546 = arith.mulf %sub3A_541, %sub3A_541 : vector<16xf32>
            %add3A_547 = arith.addf %mul3A_545, %mul3A_546 : vector<16xf32>
            %mul3A_548 = arith.mulf %sub3A_544, %sub3A_544 : vector<16xf32>
            %add3A_549 = arith.addf %add3A_547, %mul3A_548 : vector<16xf32>
            %lt3A_550 = arith.cmpf olt, %add3A_549, %while3A_382#4 : vector<16xf32>
            %jit3A_551 = arith.constant 1 : i32
            %jit3A_552 = arith.constant 0 : i32
            %broadcast_in_dim3A_553 = vector.broadcast %jit3A_551 : i32 to vector<16xi32>
            %broadcast_in_dim3A_554 = vector.broadcast %jit3A_552 : i32 to vector<16xi32>
            %select_n3A_555 = arith.select %lt3A_550, %broadcast_in_dim3A_553, %broadcast_in_dim3A_554 : vector<16xi1>, vector<16xi32>
            %broadcast_in_dim3A_556 = arith.constant true
            %broadcast_in_dim3A_557 = vector.broadcast %broadcast_in_dim3A_556 : i1 to vector<16xi1>
            %masked_cumsum3A = tpu.scan <sum>, %select_n3A_555 masked %broadcast_in_dim3A_557 : vector<16xi32>, vector<16xi1> -> vector<16xi32>
            %add3A_558 = arith.addi %while3A_529, %masked_cumsum3A : vector<16xi32>
            %sub3A_559 = arith.subi %add3A_558, %select_n3A_555 : vector<16xi32>
            tpu.vector_store_idx %arg17[%sub3A_559], %add3A_549 masked %lt3A_550 : memref<288xf32, #tpu.memory_space<vmem>>[vector<16xi32>], vector<16xf32>, vector<16xi1>
            tpu.vector_store_idx %arg18[%sub3A_559], %add3A_535 masked %lt3A_550 : memref<288xi32, #tpu.memory_space<vmem>>[vector<16xi32>], vector<16xi32>, vector<16xi1>
            %slice3A_560 = vector.extract_strided_slice %masked_cumsum3A {offsets = [15], sizes = [1], strides = [1]} : vector<16xi32> to vector<1xi32>
            %squeeze3A_561 = vector.extract %slice3A_560[0] : i32 from vector<1xi32>
            %broadcast_in_dim3A_562 = vector.broadcast %squeeze3A_561 : i32 to vector<16xi32>
            %add3A_563 = arith.addi %while3A_529, %broadcast_in_dim3A_562 : vector<16xi32>
            scf.yield %add3A_563 : vector<16xi32>
          }
          %slice3A_396 = vector.extract_strided_slice %while3A_395 {offsets = [0], sizes = [1], strides = [1]} : vector<16xi32> to vector<1xi32>
          %squeeze3A_397 = vector.extract %slice3A_396[0] : i32 from vector<1xi32>
          %jit3A_398 = arith.constant 16 : i32
          %div3A_399 = arith.divsi %squeeze3A_397, %jit3A_398 : i32
          %sign3A_400 = arith.constant 0 : i32
          %sign3A_401 = arith.cmpi sgt, %squeeze3A_397, %sign3A_400 : i32
          %sign3A_402 = arith.extui %sign3A_401 : i1 to i32
          %sign3A_403 = arith.constant 0 : i32
          %sign3A_404 = arith.cmpi slt, %squeeze3A_397, %sign3A_403 : i32
          %sign3A_405 = arith.extui %sign3A_404 : i1 to i32
          %sign3A_406 = arith.subi %sign3A_402, %sign3A_405 : i32
          %sign3A_407 = arith.constant 0 : i32
          %sign3A_408 = arith.cmpi sgt, %jit3A_398, %sign3A_407 : i32
          %sign3A_409 = arith.extui %sign3A_408 : i1 to i32
          %sign3A_410 = arith.constant 0 : i32
          %sign3A_411 = arith.cmpi slt, %jit3A_398, %sign3A_410 : i32
          %sign3A_412 = arith.extui %sign3A_411 : i1 to i32
          %sign3A_413 = arith.subi %sign3A_409, %sign3A_412 : i32
          %ne3A_414 = arith.cmpi ne, %sign3A_406, %sign3A_413 : i32
          %rem3A_415 = arith.remsi %squeeze3A_397, %jit3A_398 : i32
          %ne3A_416 = arith.constant 0 : i32
          %ne3A_417 = arith.cmpi ne, %rem3A_415, %ne3A_416 : i32
          %and3A_418 = arith.andi %ne3A_414, %ne3A_417 : i1
          %sub3A_419 = arith.constant 1 : i32
          %sub3A_420 = arith.subi %div3A_399, %sub3A_419 : i32
          %select_n3A_421 = arith.select %and3A_418, %sub3A_420, %div3A_399 : i32
          %while3A_422 = arith.constant 0 : i32
          %while3A_423 = arith.subi %select_n3A_421, %while3A_422 : i32
          %while3A_424 = arith.addi %while3A_422, %while3A_423 : i32
          %while3A_425 = arith.constant 1 : i32
          %while3A_426 = arith.divsi %while3A_423, %while3A_425 : i32
          %while3A_427 = arith.muli %while3A_426, %while3A_425 : i32
          %while3A_428 = arith.addi %while3A_422, %while3A_427 : i32
          %while3A_429 = arith.constant 1 : i32
          %while3A_430:4 = scf.for %while3A_528 = %while3A_422 to %while3A_428 step %while3A_429 iter_args(%while3A_529 = %while3A_382#0, %while3A_530 = %while3A_382#1, %while3A_531 = %while3A_382#2, %while3A_532 = %while3A_382#3) -> (vector<16xf32>, vector<16xi32>, vector<16xf32>, vector<16xi32>)  : i32 {
            %mul3A_533 = arith.constant 16 : i32
            %mul3A_534 = arith.muli %while3A_528, %mul3A_533 : i32
            %get3A_535 = arith.index_cast %mul3A_534 : i32 to index
            %get3A_536 = tpu.vector_load %arg17[%get3A_535] {strides = array<i32>} : memref<288xf32, #tpu.memory_space<vmem>>, vector<16xf32>,
            %mul3A_537 = arith.constant 16 : i32
            %mul3A_538 = arith.muli %while3A_528, %mul3A_537 : i32
            %get3A_539 = arith.index_cast %mul3A_538 : i32 to index
            %get3A_540 = tpu.vector_load %arg18[%get3A_539] {strides = array<i32>} : memref<288xi32, #tpu.memory_space<vmem>>, vector<16xi32>,
            %masked_sort3A_541 = arith.constant dense<true> : vector<16xi1>
            %masked_sort3A_542, %masked_sort3A_543, %masked_sort3A_544 = tpu.sort %get3A_536, %get3A_540 masked %masked_sort3A_541 : (vector<16xf32>, vector<16xi32>, vector<16xi1>) -> (vector<16xi1>, vector<16xf32>, vector<16xi32>)
            %rev3A_545 = arith.constant 15 : i32
            %rev3A_546 = vector.broadcast %rev3A_545 : i32 to vector<16xi32>
            %rev3A_547 = tpu.iota {dimensions = array<i32: 0>} : vector<16xi32>
            %rev3A_548 = arith.subi %rev3A_546, %rev3A_547 : vector<16xi32>
            %rev3A_549 = tpu.dynamic_gather %masked_sort3A_543[%rev3A_548] in [0] : vector<16xf32>, vector<16xi32> -> vector<16xf32>
            %rev3A_550 = arith.constant 15 : i32
            %rev3A_551 = vector.broadcast %rev3A_550 : i32 to vector<16xi32>
            %rev3A_552 = tpu.iota {dimensions = array<i32: 0>} : vector<16xi32>
            %rev3A_553 = arith.subi %rev3A_551, %rev3A_552 : vector<16xi32>
            %rev3A_554 = tpu.dynamic_gather %masked_sort3A_544[%rev3A_553] in [0] : vector<16xi32>, vector<16xi32> -> vector<16xi32>
            %le3A_555 = arith.cmpf ole, %while3A_531, %rev3A_549 : vector<16xf32>
            %select_n3A_556 = arith.select %le3A_555, %while3A_531, %rev3A_549 : vector<16xi1>, vector<16xf32>
            %select_n3A_557 = arith.select %le3A_555, %while3A_532, %rev3A_554 : vector<16xi1>, vector<16xi32>
            %masked_sort3A_558 = arith.constant dense<true> : vector<16xi1>
            %masked_sort3A_559, %masked_sort3A_560, %masked_sort3A_561 = tpu.sort %select_n3A_556, %select_n3A_557 masked %masked_sort3A_558 : (vector<16xf32>, vector<16xi32>, vector<16xi1>) -> (vector<16xi1>, vector<16xf32>, vector<16xi32>)
            %rev3A_562 = arith.constant 15 : i32
            %rev3A_563 = vector.broadcast %rev3A_562 : i32 to vector<16xi32>
            %rev3A_564 = tpu.iota {dimensions = array<i32: 0>} : vector<16xi32>
            %rev3A_565 = arith.subi %rev3A_563, %rev3A_564 : vector<16xi32>
            %rev3A_566 = tpu.dynamic_gather %masked_sort3A_560[%rev3A_565] in [0] : vector<16xf32>, vector<16xi32> -> vector<16xf32>
            %rev3A_567 = arith.constant 15 : i32
            %rev3A_568 = vector.broadcast %rev3A_567 : i32 to vector<16xi32>
            %rev3A_569 = tpu.iota {dimensions = array<i32: 0>} : vector<16xi32>
            %rev3A_570 = arith.subi %rev3A_568, %rev3A_569 : vector<16xi32>
            %rev3A_571 = tpu.dynamic_gather %masked_sort3A_561[%rev3A_570] in [0] : vector<16xi32>, vector<16xi32> -> vector<16xi32>
            %le3A_572 = arith.cmpf ole, %while3A_529, %rev3A_566 : vector<16xf32>
            %select_n3A_573 = arith.select %le3A_572, %while3A_529, %rev3A_566 : vector<16xi1>, vector<16xf32>
            %select_n3A_574 = arith.select %le3A_572, %while3A_530, %rev3A_571 : vector<16xi1>, vector<16xi32>
            %select_n3A_575 = arith.select %le3A_572, %rev3A_566, %while3A_529 : vector<16xi1>, vector<16xf32>
            %select_n3A_576 = arith.select %le3A_572, %rev3A_571, %while3A_530 : vector<16xi1>, vector<16xi32>
            %masked_sort3A_577 = arith.constant dense<true> : vector<16xi1>
            %masked_sort3A_578, %masked_sort3A_579, %masked_sort3A_580 = tpu.sort %select_n3A_573, %select_n3A_574 masked %masked_sort3A_577 : (vector<16xf32>, vector<16xi32>, vector<16xi1>) -> (vector<16xi1>, vector<16xf32>, vector<16xi32>)
            %masked_sort3A_581 = arith.constant dense<true> : vector<16xi1>
            %masked_sort3A_582, %masked_sort3A_583, %masked_sort3A_584 = tpu.sort %select_n3A_575, %select_n3A_576 masked %masked_sort3A_581 : (vector<16xf32>, vector<16xi32>, vector<16xi1>) -> (vector<16xi1>, vector<16xf32>, vector<16xi32>)
            scf.yield %masked_sort3A_579, %masked_sort3A_580, %masked_sort3A_583, %masked_sort3A_584 : vector<16xf32>, vector<16xi32>, vector<16xf32>, vector<16xi32>
          }
          %while3A_431 = arith.constant 1 : i32
          %while3A_432:4 = scf.for %while3A_528 = %while3A_428 to %while3A_424 step %while3A_431 iter_args(%while3A_529 = %while3A_430#0, %while3A_530 = %while3A_430#1, %while3A_531 = %while3A_430#2, %while3A_532 = %while3A_430#3) -> (vector<16xf32>, vector<16xi32>, vector<16xf32>, vector<16xi32>)  : i32 {
            %mul3A_533 = arith.constant 16 : i32
            %mul3A_534 = arith.muli %while3A_528, %mul3A_533 : i32
            %get3A_535 = arith.index_cast %mul3A_534 : i32 to index
            %get3A_536 = tpu.vector_load %arg17[%get3A_535] {strides = array<i32>} : memref<288xf32, #tpu.memory_space<vmem>>, vector<16xf32>,
            %mul3A_537 = arith.constant 16 : i32
            %mul3A_538 = arith.muli %while3A_528, %mul3A_537 : i32
            %get3A_539 = arith.index_cast %mul3A_538 : i32 to index
            %get3A_540 = tpu.vector_load %arg18[%get3A_539] {strides = array<i32>} : memref<288xi32, #tpu.memory_space<vmem>>, vector<16xi32>,
            %masked_sort3A_541 = arith.constant dense<true> : vector<16xi1>
            %masked_sort3A_542, %masked_sort3A_543, %masked_sort3A_544 = tpu.sort %get3A_536, %get3A_540 masked %masked_sort3A_541 : (vector<16xf32>, vector<16xi32>, vector<16xi1>) -> (vector<16xi1>, vector<16xf32>, vector<16xi32>)
            %rev3A_545 = arith.constant 15 : i32
            %rev3A_546 = vector.broadcast %rev3A_545 : i32 to vector<16xi32>
            %rev3A_547 = tpu.iota {dimensions = array<i32: 0>} : vector<16xi32>
            %rev3A_548 = arith.subi %rev3A_546, %rev3A_547 : vector<16xi32>
            %rev3A_549 = tpu.dynamic_gather %masked_sort3A_543[%rev3A_548] in [0] : vector<16xf32>, vector<16xi32> -> vector<16xf32>
            %rev3A_550 = arith.constant 15 : i32
            %rev3A_551 = vector.broadcast %rev3A_550 : i32 to vector<16xi32>
            %rev3A_552 = tpu.iota {dimensions = array<i32: 0>} : vector<16xi32>
            %rev3A_553 = arith.subi %rev3A_551, %rev3A_552 : vector<16xi32>
            %rev3A_554 = tpu.dynamic_gather %masked_sort3A_544[%rev3A_553] in [0] : vector<16xi32>, vector<16xi32> -> vector<16xi32>
            %le3A_555 = arith.cmpf ole, %while3A_531, %rev3A_549 : vector<16xf32>
            %select_n3A_556 = arith.select %le3A_555, %while3A_531, %rev3A_549 : vector<16xi1>, vector<16xf32>
            %select_n3A_557 = arith.select %le3A_555, %while3A_532, %rev3A_554 : vector<16xi1>, vector<16xi32>
            %masked_sort3A_558 = arith.constant dense<true> : vector<16xi1>
            %masked_sort3A_559, %masked_sort3A_560, %masked_sort3A_561 = tpu.sort %select_n3A_556, %select_n3A_557 masked %masked_sort3A_558 : (vector<16xf32>, vector<16xi32>, vector<16xi1>) -> (vector<16xi1>, vector<16xf32>, vector<16xi32>)
            %rev3A_562 = arith.constant 15 : i32
            %rev3A_563 = vector.broadcast %rev3A_562 : i32 to vector<16xi32>
            %rev3A_564 = tpu.iota {dimensions = array<i32: 0>} : vector<16xi32>
            %rev3A_565 = arith.subi %rev3A_563, %rev3A_564 : vector<16xi32>
            %rev3A_566 = tpu.dynamic_gather %masked_sort3A_560[%rev3A_565] in [0] : vector<16xf32>, vector<16xi32> -> vector<16xf32>
            %rev3A_567 = arith.constant 15 : i32
            %rev3A_568 = vector.broadcast %rev3A_567 : i32 to vector<16xi32>
            %rev3A_569 = tpu.iota {dimensions = array<i32: 0>} : vector<16xi32>
            %rev3A_570 = arith.subi %rev3A_568, %rev3A_569 : vector<16xi32>
            %rev3A_571 = tpu.dynamic_gather %masked_sort3A_561[%rev3A_570] in [0] : vector<16xi32>, vector<16xi32> -> vector<16xi32>
            %le3A_572 = arith.cmpf ole, %while3A_529, %rev3A_566 : vector<16xf32>
            %select_n3A_573 = arith.select %le3A_572, %while3A_529, %rev3A_566 : vector<16xi1>, vector<16xf32>
            %select_n3A_574 = arith.select %le3A_572, %while3A_530, %rev3A_571 : vector<16xi1>, vector<16xi32>
            %select_n3A_575 = arith.select %le3A_572, %rev3A_566, %while3A_529 : vector<16xi1>, vector<16xf32>
            %select_n3A_576 = arith.select %le3A_572, %rev3A_571, %while3A_530 : vector<16xi1>, vector<16xi32>
            %masked_sort3A_577 = arith.constant dense<true> : vector<16xi1>
            %masked_sort3A_578, %masked_sort3A_579, %masked_sort3A_580 = tpu.sort %select_n3A_573, %select_n3A_574 masked %masked_sort3A_577 : (vector<16xf32>, vector<16xi32>, vector<16xi1>) -> (vector<16xi1>, vector<16xf32>, vector<16xi32>)
            %masked_sort3A_581 = arith.constant dense<true> : vector<16xi1>
            %masked_sort3A_582, %masked_sort3A_583, %masked_sort3A_584 = tpu.sort %select_n3A_575, %select_n3A_576 masked %masked_sort3A_581 : (vector<16xf32>, vector<16xi32>, vector<16xi1>) -> (vector<16xi1>, vector<16xf32>, vector<16xi32>)
            scf.yield %masked_sort3A_579, %masked_sort3A_580, %masked_sort3A_583, %masked_sort3A_584 : vector<16xf32>, vector<16xi32>, vector<16xf32>, vector<16xi32>
          }
          %mul3A_433 = arith.constant 16 : i32
          %mul3A_434 = arith.muli %select_n3A_421, %mul3A_433 : i32
          %sub3A_435 = arith.subi %squeeze3A_397, %mul3A_434 : i32
          %mul3A_436 = arith.constant 16 : i32
          %mul3A_437 = arith.muli %select_n3A_421, %mul3A_436 : i32
          %get3A_438 = arith.index_cast %mul3A_437 : i32 to index
          %get3A_439 = tpu.vector_load %arg17[%get3A_438] {strides = array<i32>} : memref<288xf32, #tpu.memory_space<vmem>>, vector<16xf32>,
          %mul3A_440 = arith.constant 16 : i32
          %mul3A_441 = arith.muli %select_n3A_421, %mul3A_440 : i32
          %get3A_442 = arith.index_cast %mul3A_441 : i32 to index
          %get3A_443 = tpu.vector_load %arg18[%get3A_442] {strides = array<i32>} : memref<288xi32, #tpu.memory_space<vmem>>, vector<16xi32>,
          %swap3A_444 = arith.constant 0 : index
          %swap3A_445 = tpu.vector_load %arg17[%swap3A_444] {strides = array<i32>} : memref<288xf32, #tpu.memory_space<vmem>>, vector<16xf32>,
          tpu.vector_store %arg17[%swap3A_444], %get3A_439 {strides = array<i32>} : memref<288xf32, #tpu.memory_space<vmem>>, vector<16xf32>,
          %swap3A_446 = arith.constant 0 : index
          %swap3A_447 = tpu.vector_load %arg18[%swap3A_446] {strides = array<i32>} : memref<288xi32, #tpu.memory_space<vmem>>, vector<16xi32>,
          tpu.vector_store %arg18[%swap3A_446], %get3A_443 {strides = array<i32>} : memref<288xi32, #tpu.memory_space<vmem>>, vector<16xi32>,
          %slice3A_448 = vector.extract_strided_slice %while3A_432#2 {offsets = [3], sizes = [1], strides = [1]} : vector<16xf32> to vector<1xf32>
          %squeeze3A_449 = vector.extract %slice3A_448[0] : f32 from vector<1xf32>
          %broadcast_in_dim3A_450 = vector.broadcast %squeeze3A_449 : f32 to vector<16xf32>
          %broadcast_in_dim3A_451 = vector.broadcast %sub3A_435 : i32 to vector<16xi32>
          %slice3A_452 = vector.extract_strided_slice %broadcast_in_dim3A_451 {offsets = [0], sizes = [1], strides = [1]} : vector<16xi32> to vector<1xi32>
          %squeeze3A_453 = vector.extract %slice3A_452[0] : i32 from vector<1xi32>
          %broadcast_in_dim3A_454 = vector.broadcast %squeeze3A_453 : i32 to vector<16xi32>
          %lt3A_455 = arith.cmpi slt, %iota3A, %broadcast_in_dim3A_454 : vector<16xi32>
          %get3A_456 = arith.constant 0 : index
          %get3A_457 = tpu.vector_load %arg17[%get3A_456] {strides = array<i32>} : memref<288xf32, #tpu.memory_space<vmem>>, vector<16xf32>,
          %jit3A_458 = arith.constant 0x7F800000 : f32
          %broadcast_in_dim3A_459 = vector.broadcast %jit3A_458 : f32 to vector<16xf32>
          %select_n3A_460 = arith.select %lt3A_455, %get3A_457, %broadcast_in_dim3A_459 : vector<16xi1>, vector<16xf32>
          %get3A_461 = arith.constant 0 : index
          %get3A_462 = tpu.vector_load %arg18[%get3A_461] {strides = array<i32>} : memref<288xi32, #tpu.memory_space<vmem>>, vector<16xi32>,
          %jit3A_463 = arith.constant 0 : i32
          %broadcast_in_dim3A_464 = vector.broadcast %jit3A_463 : i32 to vector<16xi32>
          %select_n3A_465 = arith.select %lt3A_455, %get3A_462, %broadcast_in_dim3A_464 : vector<16xi1>, vector<16xi32>
          %masked_sort3A = arith.constant dense<true> : vector<16xi1>
          %masked_sort3A_466, %masked_sort3A_467, %masked_sort3A_468 = tpu.sort %select_n3A_460, %select_n3A_465 masked %masked_sort3A : (vector<16xf32>, vector<16xi32>, vector<16xi1>) -> (vector<16xi1>, vector<16xf32>, vector<16xi32>)
          %rev3A = arith.constant 15 : i32
          %rev3A_469 = vector.broadcast %rev3A : i32 to vector<16xi32>
          %rev3A_470 = tpu.iota {dimensions = array<i32: 0>} : vector<16xi32>
          %rev3A_471 = arith.subi %rev3A_469, %rev3A_470 : vector<16xi32>
          %rev3A_472 = tpu.dynamic_gather %masked_sort3A_467[%rev3A_471] in [0] : vector<16xf32>, vector<16xi32> -> vector<16xf32>
          %rev3A_473 = arith.constant 15 : i32
          %rev3A_474 = vector.broadcast %rev3A_473 : i32 to vector<16xi32>
          %rev3A_475 = tpu.iota {dimensions = array<i32: 0>} : vector<16xi32>
          %rev3A_476 = arith.subi %rev3A_474, %rev3A_475 : vector<16xi32>
          %rev3A_477 = tpu.dynamic_gather %masked_sort3A_468[%rev3A_476] in [0] : vector<16xi32>, vector<16xi32> -> vector<16xi32>
          %le3A = arith.cmpf ole, %while3A_432#2, %rev3A_472 : vector<16xf32>
          %select_n3A_478 = arith.select %le3A, %while3A_432#2, %rev3A_472 : vector<16xi1>, vector<16xf32>
          %select_n3A_479 = arith.select %le3A, %while3A_432#3, %rev3A_477 : vector<16xi1>, vector<16xi32>
          %masked_sort3A_480 = arith.constant dense<true> : vector<16xi1>
          %masked_sort3A_481, %masked_sort3A_482, %masked_sort3A_483 = tpu.sort %select_n3A_478, %select_n3A_479 masked %masked_sort3A_480 : (vector<16xf32>, vector<16xi32>, vector<16xi1>) -> (vector<16xi1>, vector<16xf32>, vector<16xi32>)
          %rev3A_484 = arith.constant 15 : i32
          %rev3A_485 = vector.broadcast %rev3A_484 : i32 to vector<16xi32>
          %rev3A_486 = tpu.iota {dimensions = array<i32: 0>} : vector<16xi32>
          %rev3A_487 = arith.subi %rev3A_485, %rev3A_486 : vector<16xi32>
          %rev3A_488 = tpu.dynamic_gather %masked_sort3A_482[%rev3A_487] in [0] : vector<16xf32>, vector<16xi32> -> vector<16xf32>
          %rev3A_489 = arith.constant 15 : i32
          %rev3A_490 = vector.broadcast %rev3A_489 : i32 to vector<16xi32>
          %rev3A_491 = tpu.iota {dimensions = array<i32: 0>} : vector<16xi32>
          %rev3A_492 = arith.subi %rev3A_490, %rev3A_491 : vector<16xi32>
          %rev3A_493 = tpu.dynamic_gather %masked_sort3A_483[%rev3A_492] in [0] : vector<16xi32>, vector<16xi32> -> vector<16xi32>
          %le3A_494 = arith.cmpf ole, %while3A_432#0, %rev3A_488 : vector<16xf32>
          %select_n3A_495 = arith.select %le3A_494, %while3A_432#0, %rev3A_488 : vector<16xi1>, vector<16xf32>
          %select_n3A_496 = arith.select %le3A_494, %while3A_432#1, %rev3A_493 : vector<16xi1>, vector<16xi32>
          %select_n3A_497 = arith.select %le3A_494, %rev3A_488, %while3A_432#0 : vector<16xi1>, vector<16xf32>
          %select_n3A_498 = arith.select %le3A_494, %rev3A_493, %while3A_432#1 : vector<16xi1>, vector<16xi32>
          %masked_sort3A_499 = arith.constant dense<true> : vector<16xi1>
          %masked_sort3A_500, %masked_sort3A_501, %masked_sort3A_502 = tpu.sort %select_n3A_495, %select_n3A_496 masked %masked_sort3A_499 : (vector<16xf32>, vector<16xi32>, vector<16xi1>) -> (vector<16xi1>, vector<16xf32>, vector<16xi32>)
          %masked_sort3A_503 = arith.constant dense<true> : vector<16xi1>
          %masked_sort3A_504, %masked_sort3A_505, %masked_sort3A_506 = tpu.sort %select_n3A_497, %select_n3A_498 masked %masked_sort3A_503 : (vector<16xf32>, vector<16xi32>, vector<16xi1>) -> (vector<16xi1>, vector<16xf32>, vector<16xi32>)
          %mul3A_507 = arith.constant 32 : i32
          %mul3A_508 = arith.muli %mul3A_507, %scan3A_98 : i32
          %swap3A_509 = arith.index_cast %mul3A_508 : i32 to index
          %swap3A_510 = tpu.vector_load %arg15[%swap3A_509] {strides = array<i32>} : memref<12544xf32, #tpu.memory_space<vmem>>, vector<16xf32>,
          tpu.vector_store %arg15[%swap3A_509], %masked_sort3A_501 {strides = array<i32>} : memref<12544xf32, #tpu.memory_space<vmem>>, vector<16xf32>,
          %mul3A_511 = arith.constant 32 : i32
          %mul3A_512 = arith.muli %mul3A_511, %scan3A_98 : i32
          %add3A_513 = arith.constant 16 : i32
          %add3A_514 = arith.addi %mul3A_512, %add3A_513 : i32
          %swap3A_515 = arith.index_cast %add3A_514 : i32 to index
          %swap3A_516 = tpu.vector_load %arg15[%swap3A_515] {strides = array<i32>} : memref<12544xf32, #tpu.memory_space<vmem>>, vector<16xf32>,
          tpu.vector_store %arg15[%swap3A_515], %masked_sort3A_505 {strides = array<i32>} : memref<12544xf32, #tpu.memory_space<vmem>>, vector<16xf32>,
          %mul3A_517 = arith.constant 32 : i32
          %mul3A_518 = arith.muli %mul3A_517, %scan3A_98 : i32
          %swap3A_519 = arith.index_cast %mul3A_518 : i32 to index
          %swap3A_520 = tpu.vector_load %arg16[%swap3A_519] {strides = array<i32>} : memref<12544xi32, #tpu.memory_space<vmem>>, vector<16xi32>,
          tpu.vector_store %arg16[%swap3A_519], %masked_sort3A_502 {strides = array<i32>} : memref<12544xi32, #tpu.memory_space<vmem>>, vector<16xi32>,
          %mul3A_521 = arith.constant 32 : i32
          %mul3A_522 = arith.muli %mul3A_521, %scan3A_98 : i32
          %add3A_523 = arith.constant 16 : i32
          %add3A_524 = arith.addi %mul3A_522, %add3A_523 : i32
          %swap3A_525 = arith.index_cast %add3A_524 : i32 to index
          %swap3A_526 = tpu.vector_load %arg16[%swap3A_525] {strides = array<i32>} : memref<12544xi32, #tpu.memory_space<vmem>>, vector<16xi32>,
          tpu.vector_store %arg16[%swap3A_525], %masked_sort3A_506 {strides = array<i32>} : memref<12544xi32, #tpu.memory_space<vmem>>, vector<16xi32>,
          %scan3A_527 = arith.constant 0 : i32
          scf.yield %scan3A_527 : i32
        }
        %scan3A_97 = arith.constant 392 : i32
      }
      %mul3A_81 = arith.constant 32 : i32
      %mul3A_82 = arith.muli %mul3A_81, %mul3A_13 : i32
      "tpu.region"() ({
        %run_scoped3A = tpu.sem_alloc : memref<!tpu.dma_semaphore, #tpu.memory_space<semaphore_mem>>
        %dma_start3A = arith.constant 0 : i32
        %dma_start3A_84 = tpu.memref_slice %arg16[%dma_start3A] : memref<12544xi32, #tpu.memory_space<vmem>> -> memref<12544xi32, #tpu.memory_space<vmem>>
        %dma_start3A_85 = tpu.memref_slice %arg8[%mul3A_82] : memref<1605632xi32, #tpu.memory_space<hbm>> -> memref<12544xi32, #tpu.memory_space<hbm>>
        %dma_start3A_86 = tpu.memref_slice %arg8[%mul3A_82] : memref<1605632xi32, #tpu.memory_space<hbm>> -> memref<12544xi32, #tpu.memory_space<hbm>>
        %dma_start3A_87 = arith.constant 0 : i32
        %dma_start3A_88 = tpu.memref_slice %arg16[%dma_start3A_87] : memref<12544xi32, #tpu.memory_space<vmem>> -> memref<12544xi32, #tpu.memory_space<vmem>>
        tpu.enqueue_dma source(%dma_start3A_88 : memref<12544xi32, #tpu.memory_space<vmem>>) target(%dma_start3A_86 : memref<12544xi32, #tpu.memory_space<hbm>>) target_semaphore(%run_scoped3A : memref<!tpu.dma_semaphore, #tpu.memory_space<semaphore_mem>>)
        %dma_wait3A = arith.constant 0 : i32
        %dma_wait3A_89 = tpu.memref_slice %arg16[%dma_wait3A] : memref<12544xi32, #tpu.memory_space<vmem>> -> memref<12544xi32, #tpu.memory_space<vmem>>
        %dma_wait3A_90 = tpu.memref_slice %arg8[%mul3A_82] : memref<1605632xi32, #tpu.memory_space<hbm>> -> memref<12544xi32, #tpu.memory_space<hbm>>
        %dma_wait3A_91 = tpu.memref_slice %arg8[%mul3A_82] : memref<1605632xi32, #tpu.memory_space<hbm>> -> memref<12544xi32, #tpu.memory_space<hbm>>
        %dma_wait3A_92 = arith.constant 0 : i32
        %dma_wait3A_93 = tpu.memref_slice %arg16[%dma_wait3A_92] : memref<12544xi32, #tpu.memory_space<vmem>> -> memref<12544xi32, #tpu.memory_space<vmem>>
        tpu.wait_dma2 semaphore(%run_scoped3A : memref<!tpu.dma_semaphore, #tpu.memory_space<semaphore_mem>>) src(%dma_wait3A_93 : memref<12544xi32, #tpu.memory_space<vmem>>) dst(%dma_wait3A_91 : memref<12544xi32, #tpu.memory_space<hbm>>)
        tpu.yield
      }) : () -> ()
      %scan3A_83 = arith.constant 0 : i32
      scf.yield %scan3A_83 : i32
    }
    %scan3A_6 = arith.constant 4 : i32
    return
  }
}

</mosaic_0001>

<sc_bundles>
// kernel: kernel.3.cloned.1.call-start
scs
__scs_entry_jumppad:
0x0: {  	(pc) =	sbr.rel $0x88, $3  }
0x1: {  	(tag) =	ssettag $0x0;
	lr =	simm.s32 $0x1  }
0x2: {  	[smem:$0x3F9F] =	sst lr;
	_ =	strace $0xD0000000  }
0x3: {  	_ = 	snop  }
0x4: {  	_ = 	snop  }
0x5: {  	_ = 	snop  }
0x6: {  	_ = 	snop  }
0x7: {  	_ = 	snop  }
__scs_overlays_trampoline_lowered:
0x8: {  	[smem:$0x3FAE] =	sst s0  }
0x9: {  	[smem:$0x3FAF] =	sst s1  }
0xa: {  	[smem:$0x3FB0] =	sst s2  }
0xb: {  	[smem:$0x3FB1] =	sst s3  }
0xc: {  	[smem:$0x3FB2] =	sst s4  }
0xd: {  	[smem:$0x3FB3] =	sst s5  }
0xe: {  	[smem:$0x3FB4] =	sst s6  }
0xf: {  	[smem:$0x3FB5] =	sst s7  }
0x10: {  	[smem:$0x3FB6] =	sst s8  }
0x11: {  	[smem:$0x3FB7] =	sst s9;
	s0 =	simm.s32 @!p0 $0x0  }
0x12: {  	s1 =	sld [smem:$0x3F9D];
	s0 =	simm.s32 @p0 $0x1  }
0x13: {  	[smem:$0x3FB8] =	sst s0;
	s0 =	simm.s32 @!p1 $0x0  }
0x14: {  	s2 =	sld [smem:$0x3F9C];
	s0 =	simm.s32 @p1 $0x1  }
0x15: {  	[smem:$0x3FB9] =	sst s0;
	s0 =	simm.s32 @!p2 $0x0  }
0x16: {  	s3 =	sld [smem:$0x3FDB];
	s0 =	simm.s32 @p2 $0x1  }
0x17: {  	s4 =	simm.s32 $0x1BF5;
	[smem:$0x3FBB] =	sst s0  }
0x18: {  	s0 =	sld [smem:$0x3F9E];
	_ =	swait.ge [sflag:s4], $0x0  }
0x19: {  	s7 =	sld [smem:$0x3F9F]  }
0x1a: {  	s8 =	sadd.s32 $0xFFFFE003, lr  }
0x1b: {  	s9 =	sadd.s32 $0xFFFFFEF7, lr;
	s5 =	simm.s32 $0xFFFFFFFF;
	p2 =	slt.u32 s8, $0xFFFFF086  }
0x1c: {  	p1 =	slt.u32 s9, $0xF7A;
	s5 =	simm.s32 @!p2 $0x0  }
0x1d: {  	s5 =	simm.s32 @p1 $0x1;
	p0 =	seq.s32 s7, s2  }
0x1e: {  	s7 =	smul.u32 @!p0 $0xF7A, s2;
	p2 =	seq.s32 @!p0 s5, $0x0  }
0x1f: {  	s9 =	smul.u32 $0xF7A, s1;
	s8 =	simm.s32 @!p0 $0x1BF5;
	p2 =	por !p2, p0  }
0x20: {  	[sflag:s8] =	ssyncset.s32 @!p0 $0xFFFFF086;
	s6 =	sadd.s32 @!p0 s3, s7;
	s7 =	simm.s32 @!p0 $0x108  }
0x21: {  	s3 =	sadd.s32 s3, s9;
	s6 =	sadd.s32 @!p0 $0x88, s6;
	s7 =	simm.s32 @p2 $0x1082  }
0x22: {  	[simem:s7], [sflag:s8] =	dma.local @!p0 [hbm:s6], $0xF7A  }
0x23: {  	s9 =	sor.u32 $0xD0000000, s2;
	s6 =	simm.s32 $0x108;
	_ =	swait.ge @!p0 [sflag:s8], $0x0  }
0x24: {  	s3 =	sadd.s32 $0x88, s3;
	s6 =	simm.s32 @!p1 $0x1082;
	[sflag:s4] =	ssyncset.s32 $0xFFFFF086  }
0x25: {  	[simem:s6], [sflag:s4] =	dma.local [hbm:s3], $0xF7A  }
0x26: {  	[smem:$0x3F9F] =	sst s1;
	(tag) =	ssettag s2;
	_ =	strace s9  }
0x27: {  	s1 =	sld [smem:$0x3FAF]  }
0x28: {  	s2 =	sld [smem:$0x3FB0]  }
0x29: {  	s4 =	sld [smem:$0x3FB2]  }
0x2a: {  	p0 =	seq.s32 s5, $0x0;
	s5 =	sld [smem:$0x3FB3]  }
0x2b: {  	s6 =	sld [smem:$0x3FB4]  }
0x2c: {  	s7 =	sld [smem:$0x3FB5]  }
0x2d: {  	s3 =	simm.s32 $0x108;
	s8 =	sld [smem:$0x3FB6]  }
0x2e: {  	s3 =	simm.s32 @!p0 $0x1082;
	s9 =	sld [smem:$0x3FB7]  }
0x2f: {  	lr =	sadd.s32 s0, s3;
	s0 =	sld [smem:$0x3FAE]  }
0x30: {  	s3 =	sld [smem:$0x3FB1]  }
0x31: {  	[smem:$0x3FBA] =	sst s10  }
0x32: {  	s10 =	sld [smem:$0x3FB8];
	_ =	sdelay $0x3  }
0x33: {  	p0 =	seq.s32 s10, $0x1;
	s10 =	sld [smem:$0x3FBA];
	_ =	sdelay $0x3  }
0x34: {  	[smem:$0x3FBA] =	sst s10  }
0x35: {  	s10 =	sld [smem:$0x3FB9];
	_ =	sdelay $0x3  }
0x36: {  	p1 =	seq.s32 s10, $0x1;
	s10 =	sld [smem:$0x3FBA];
	_ =	sdelay $0x3  }
0x37: {  	[smem:$0x3FBA] =	sst s10  }
0x38: {  	s10 =	sld [smem:$0x3FBB]  }
0x39: {  	_ = 	snop;
	(pc) =	sbr.ind lr, $3  }
0x3a: {  	_ = 	snop  }
0x3b: {  	_ = 	snop  }
0x3c: {  	p2 =	seq.s32 s10, $0x1;
	s10 =	sld [smem:$0x3FBA]  }
0x3d: {  	_ =	shalt  }
0x3e: {  	_ =	shalt  }
0x3f: {  	_ =	shalt  }
0x40: {  	_ =	shalt  }
0x41: {  	_ =	shalt  }
0x42: {  	_ =	shalt  }
0x43: {  	_ =	shalt  }
0x44: {  	_ =	shalt  }
0x45: {  	_ =	shalt  }
0x46: {  	_ =	shalt  }
0x47: {  	_ =	shalt  }
0x48: {  	_ =	shalt  }
0x49: {  	_ =	shalt  }
0x4a: {  	_ =	shalt  }
0x4b: {  	_ =	shalt  }
0x4c: {  	_ =	shalt  }
0x4d: {  	_ =	shalt  }
0x4e: {  	_ =	shalt  }
0x4f: {  	_ =	shalt  }
0x50: {  	_ =	shalt  }
0x51: {  	_ =	shalt  }
0x52: {  	_ =	shalt  }
0x53: {  	_ =	shalt  }
0x54: {  	_ =	shalt  }
0x55: {  	_ =	shalt  }
0x56: {  	_ =	shalt  }
0x57: {  	_ =	shalt  }
0x58: {  	_ =	shalt  }
0x59: {  	_ =	shalt  }
0x5a: {  	_ =	shalt  }
0x5b: {  	_ =	shalt  }
0x5c: {  	_ =	shalt  }
0x5d: {  	_ =	shalt  }
0x5e: {  	_ =	shalt  }
0x5f: {  	_ =	shalt  }
0x60: {  	_ =	shalt  }
0x61: {  	_ =	shalt  }
0x62: {  	_ =	shalt  }
0x63: {  	_ =	shalt  }
0x64: {  	_ =	shalt  }
0x65: {  	_ =	shalt  }
0x66: {  	_ =	shalt  }
0x67: {  	_ =	shalt  }
0x68: {  	_ =	shalt  }
0x69: {  	_ =	shalt  }
0x6a: {  	_ =	shalt  }
0x6b: {  	_ =	shalt  }
0x6c: {  	_ =	shalt  }
0x6d: {  	_ =	shalt  }
0x6e: {  	_ =	shalt  }
0x6f: {  	_ =	shalt  }
0x70: {  	_ =	shalt  }
0x71: {  	_ =	shalt  }
0x72: {  	_ =	shalt  }
0x73: {  	_ =	shalt  }
0x74: {  	_ =	shalt  }
0x75: {  	_ =	shalt  }
0x76: {  	_ =	shalt  }
0x77: {  	_ =	shalt  }
0x78: {  	_ =	shalt  }
0x79: {  	_ =	shalt  }
0x7a: {  	_ =	shalt  }
0x7b: {  	_ =	shalt  }
0x7c: {  	_ =	shalt  }
0x7d: {  	_ =	shalt  }
0x7e: {  	_ =	shalt  }
0x7f: {  	_ =	shalt  }
0x80: {  	_ =	shalt  }
0x81: {  	_ =	shalt  }
0x82: {  	_ =	shalt  }
0x83: {  	_ =	shalt  }
0x84: {  	_ =	shalt  }
0x85: {  	_ =	shalt  }
0x86: {  	_ =	shalt  }
0x87: {  	_ =	shalt  }
.Lfunc_end0:
.L_simem_size_0:
called_computation_lowered:
.L_overlay_start_0:
0x88: {  	s2 =	sld [smem:$0x3FD9]  }
0x89: {  	s3 =	sld [smem:$0x3FFE];
	_ =	sdelay $0x1  }
0x8a: {  	s1 =	srdreg.scid  }
0x8b: {  	s0 =	sand.u32 $0x1, s1  }
0x8c: {  	s17 =	sshll.u32 s0, $0xA;
	s2 =	sadd.s32 s3, s2  }
0x8d: {  	s2 =	sadd.s32 s2, s17  }
0x8e: {  	[smem:$0x3FC6] =	sst s2  }
0x8f: {  	_ = 	snop  }
0x90: {  	s2 =	sld [smem:$0x3FD0];
	(tm) =	ssettm $0x1  }
0x91: {  	s18 =	sld [smem:$0x3FFB];
	_ =	sdelay $0x3  }
0x92: {  	_ =	strace s18  }
0x93: {  	s3 =	sld [smem:$0x3FFC];
	_ =	sdelay $0x3  }
0x94: {  	_ =	strace s3  }
0x95: {  	s3 =	sld [smem:$0x3FFD];
	_ =	sdelay $0x3  }
0x96: {  	_ =	strace s3  }
0x97: {  	_ =	strace $0x8FFFFFFF  }
0x98: {  	s19 =	sld [smem:$0x3FDB];
	_ =	sdelay $0x1  }
0x99: {  	s4 =	simm.s32 $_scs_section_size  }
0x9a: {  	s5 =	simm.s32 $_size__tile_overlayer_lowered;
	s6 =	simm.s32 $_tile_overlayer_lowered  }
0x9b: {  	s22 =	simm.s32 $0x1BFF;
	s21 =	sshll.u32 s6, $0x1;
	s3 =	sadd.s32 s4, s19  }
0x9c: {  	s7 =	simm.s32 $0x0;
	s20 =	sshll.u32 s5, $0x1;
	s5 =	sadd.s32 s21, s3  }
0x9d: {  	[timem:s7], [sflag:s22] =	dma.local [hbm:s5], s20  }
0x9e: {  	_ =	swait.ge [sflag:s22], s20  }
0x9f: {  	s4 =	ssub.s32 $0x0, s20;
	[sflag:s22] =	ssyncset.done $0x0  }
0xa0: {  	[sflag:s22] =	ssyncadd.s32 s4;
	_ =	sdelay $0x1  }
0xa1: {  	s23 =	simm.s32 $0x1B8B  }
0xa2: {  	_ =	swait.ge [sflag:s23], $0x1  }
0xa3: {  	[sflag:s23] =	ssyncset.done $0x0  }
0xa4: {  	s25 =	simm.s32 $0x1B8E;
	s24 =	sld [smem:$0x3FFE];
	[sflag:s23] =	ssyncadd.s32 $0xFFFFFFFF  }
0xa5: {  	s26 =	simm.s32 $execute0_lowered;
	[smem:$0x3FD2] =	sst s25  }
0xa6: {  	s5 =	sshll.u32 s26, $0x1;
	_ =	strace $0x80000046;
	[dreg:$0x1] =	wrdreg $0xFFFFFFFF  }
0xa7: {  	s28 =	simm.s32 $_size_execute0_lowered;
	s3 =	sadd.s32 s3, s5;
	[dreg:$0x0] =	wrdreg $0x0  }
0xa8: {  	s5 =	sshll.u32 s28, $0x1;
	[dreg:$0x2] =	wrdreg s3  }
0xa9: {  	[dreg:$0x3] =	wrdreg s5  }
0xaa: {  	[dreg:$0x4] =	wrdreg $0xC0  }
0xab: {  	_ =	task [dreg:s7], $0x5FFFF  }
0xac: {  	[dreg:$0x1] =	wrdreg $0xFFFFFFFF  }
0xad: {  	[dreg:$0x0] =	wrdreg $0x60  }
0xae: {  	[dreg:$0x2] =	wrdreg s2  }
0xaf: {  	[dreg:$0x3] =	wrdreg s24  }
0xb0: {  	[dreg:$0x4] =	wrdreg $0x9  }
0xb1: {  	_ =	task.clear_ibuf [dreg:s7], $0x5FFFF;
	_ =	strace $0x90000046  }
0xb2: {  	s29 =	simm.s32 $0x9;
	_ =	strace $0x80000048  }
0xb3: {  	_ =	swait.ge [sflag:s29], $0x1  }
0xb4: {  	[sflag:s29] =	ssyncadd.s32 $0xFFFFFFFF  }
0xb5: {  	_ =	strace $0x90000048  }
0xb6: {  	_ =	sfence  }
0xb7: {  	s30 =	sld [smem:$0x0];
	_ =	sdelay $0x2  }
0xb8: {  	s31 =	sshll.u32 s1, $0xD;
	s1 =	sshrl.u32 s1, $0x2  }
0xb9: {  	s3 =	sand.u32 $0x4000, s31;
	s1 =	sadd.s32 s1, s30  }
0xba: {  	s0 =	sor.u32 s3, s0;
	s1 =	sshll.u32 s1, $0x11  }
0xbb: {  	s0 =	sor.u32 s1, s0  }
0xbc: {  	s0 =	sadd.s32 $0x8F2B, s0  }
0xbd: {  	[sflag:s0] =	ssyncadd.remote.s32 $0x1  }
0xbe: {  	_ =	sfence.sel $0xFFFF  }
0xbf: {  	[dreg:$0x0] =	wrdreg $0xFFFFFFFF;
	(pc) =	sbr.abs _section_cstart, $3  }
0xc0: {  	[dreg:$0x1] =	wrdreg $0xFFFFFFFF  }
0xc1: {  	_ =	task.clear_ibuf [dreg:s7], $0x2FFFF;
	_ =	strace $0x9FFFFFFF  }
0xc2: {  	(tm) =	ssettm $0x7FFFFFFF  }
0xc3: {  	_ =	shalt  }
tec
execute0_lowered:
.L_overlay_start_1:
0x0: {  	(tag) =	ssettag $0x1  }
0x1: {  	s0 =	rddreg [dreg:$0x1];
	s1 =	simm.s32 $0x0  }
0x2: {  	s23 =	srdreg.scid;
	[smem:$0x7FF] =	sst s1;
	s2 =	sadd.s32 $0x8000, s0  }
0x3: {  	s24 =	sadd.s32 $0x6200, s0;
	_ =	strace $0x80000047;
	[dreg:$0x3] =	wrdreg s2  }
0x4: {  	s3 =	stileid.u32;
	s25 =	sadd.s32 $0x4400, s0;
	[dreg:$0x5] =	wrdreg s24  }
0x5: {  	s19 =	simm.s32 $0xCE00;
	s1 =	sand.u32 $0x1, s23;
	[dreg:$0x6] =	wrdreg s25  }
0x6: {  	s26 =	sadd.s32 $0x600, s0;
	s28 =	sadd.s32 $0x2600, s0;
	[dreg:$0x4] =	wrdreg s1  }
.Ltmp0:
0x7: {  	s1 =	ssub.s32 $0x2, s1;
	[dreg:$0x7] =	wrdreg s26;
	(pc) =	sbr.rel .LBB2_1-.Ltmp0, $4  }
0x8: {  	v0 =	vlaneseq.u32;
	s0 =	sadd.s32 $0x9E00, s0;
	[dreg:$0x8] =	wrdreg s28;
	s29 =	sshrl.u32 s1, $0x1  }
0x9: {  	s31 =	sshll.u32 s3, $0x1;
	v2 =	vmul.u32 $0xFFFFFFFF, v0;
	[dreg:$0x9] =	wrdreg s0;
	s30 =	ssub.s32 s1, s29  }
0xa: {  	s20 =	simm.s32 $0xCF80;
	[dreg:$0xa] =	wrdreg s31;
	s0 =	smax.u32 s30, $0x1  }
0xb: {  	v1 =	vimm.s32 $0x0;
	s3 =	simm.s32 $0x1;
	v2 =	vadd.s32 $0xF, v2;
	s1 =	simm.s32 $0x0;
	[dreg:$0xb] =	wrdreg s0  }
.LBB2_43:
0xc: {  	s1 =	rddreg [dreg:$0xc]  }
0xd: {  	s0 =	rddreg [dreg:$0xb];
	s1 =	sadd.s32 $0x1, s1  }
0xe: {  	p0 =	sne.s32 s1, s0  }
.Ltmp1:
0xf: {  	_ = 	snop;
	(pc) =	sbr.rel @!p0 .LBB2_44-.Ltmp1, $1  }
0x10: {  	_ =	sdelay $0x3  }
.LBB2_1:
.Ltmp2:
0x11: {  	(pc) =	sbr.rel .LBB2_2-.Ltmp2, $2  }
0x12: {  	_ =	sdelay $0x2  }
0x13: {  	[dreg:$0xc] =	wrdreg s1;
	s0 =	simm.s32 $0x0  }
.LBB2_42:
0x14: {  	s0 =	rddreg [dreg:$0xe]  }
0x15: {  	s0 =	smul.u32 $0x620, s0  }
0x16: {  	s1 =	rddreg [dreg:$0x9]  }
0x17: {  	s30 =	simm.s32 $0x0;
	s2 =	simm.s32 $0x9D00;
	s0 =	sadd.s32 s1, s0  }
0x18: {  	[hbm4b:s0+s30] =	stream.linear.scatter [tilespmem:s2], [sflag:$0x1], $0x3100, $0x38;
	[tilespmem:$0xD100] =	vst v63  }
0x19: {  	_ =	swait.ge [sflag:s3], $0x3100  }
0x1a: {  	s31 =	rddreg [dreg:$0xd]  }
0x1b: {  	s0 =	sadd.s32 $0x1, s31  }
0x1c: {  	p0 =	sne.s32 s0, $0x4  }
.Ltmp3:
0x1d: {  	_ = 	snop;
	(pc) =	sbr.rel @!p0 .LBB2_43-.Ltmp3, $3  }
0x1e: {  	_ =	sdelay $0x1  }
0x1f: {  	[sflag:s3] =	ssyncset.done $0x0  }
0x20: {  	[sflag:s3] =	ssyncadd.s32 $0xFFFFCF00  }
.LBB2_2:
0x21: {  	[dreg:$0xd] =	wrdreg s0  }
0x22: {  	s14 =	sshll.u32 s0, $0x5;
	s1 =	rddreg [dreg:$0xa]  }
0x23: {  	s15 =	rddreg [dreg:$0x4];
	s0 =	sor.u32 s14, s1  }
0x24: {  	s1 =	sor.u32 s15, s0  }
0x25: {  	s0 =	smul.u32 $0x93, s1  }
0x26: {  	s2 =	rddreg [dreg:$0x0];
	s5 =	simm.s32 $0x0  }
0x27: {  	[dreg:$0xe] =	wrdreg s1;
	s1 =	smul.u32 $0x188, s1;
	s0 =	sadd.s32 s2, s0  }
0x28: {  	[tilespmem:s5], [sflag:$0x1] =	stream.linear.gather [hbm4b:s0+s5], $0x498, $0x38;
	[tilespmem:$0xD100] =	vst v63  }
0x29: {  	_ =	swait.ge [sflag:s3], $0x498  }
0x2a: {  	s16 =	sshrl.u32 s1, $0x3;
	[sflag:s3] =	ssyncset.done $0x0;
	s17 =	rddreg [dreg:$0x7]  }
0x2b: {  	s4 =	simm.s32 $0x500;
	[sflag:s3] =	ssyncadd.s32 $0xFFFFFB68;
	s2 =	sadd.s32 s17, s16  }
0x2c: {  	[tilespmem:s4], [sflag:$0x1] =	stream.linear.gather [hbm4b:s2+s5], $0x188, $0x38;
	[tilespmem:$0xD100] =	vst v63  }
0x2d: {  	_ =	swait.ge [sflag:s3], $0x188  }
0x2e: {  	[sflag:s3] =	ssyncset.done $0x0;
	s18 =	rddreg [dreg:$0x8]  }
0x2f: {  	s21 =	simm.s32 $0x700;
	[sflag:s3] =	ssyncadd.s32 $0xFFFFFE78;
	s0 =	sadd.s32 s18, s16  }
0x30: {  	[tilespmem:s21], [sflag:$0x1] =	stream.linear.gather [hbm4b:s0+s5], $0x188, $0x38;
	[tilespmem:$0xD100] =	vst v63  }
0x31: {  	_ =	swait.ge [sflag:s3], $0x188  }
0x32: {  	[sflag:s3] =	ssyncset.done $0x0  }
0x33: {  	[sflag:s3] =	ssyncadd.s32 $0xFFFFFE78  }
0x34: {  	v3 =	vld [tilespmem:$0x500];
	_ =	sdelay $0x3  }
0x35: {  	s0 =	ssub.s32 $0xC350, s1  }
0x36: {  	p0 =	slt.s32 s0, $0x188;
	(v2sf) =	vpush v3, $0x0  }
0x37: {  	s0 =	simm.s32 @!p0 $0x188  }
0x38: {  	v3 =	vld [tilespmem:s0+$0x6FF];
	_ =	sdelay $0x4  }
0x39: {  	(v2sf) =	vpush v3, $0x0;
	_ =	sdelay $0x7  }
0x3a: {  	s22 =	spop (v2sf)  }
0x3b: {  	s23 =	sand.u32 $0xF, s22  }
0x3c: {  	s24 =	sshra.s32 s22, $0x1F;
	p4 =	slt.s32 s22, $0x1;
	p1 =	sne.s32 s23, $0x0  }
0x3d: {  	s25 =	sshrl.u32 s24, $0x1C;
	p0 =	por !p4, !p1  }
0x3e: {  	s1 =	simm.s32 $0x1;
	s0 =	sadd.s32 s25, s22;
	p0 =	por !p0, !p0  }
0x3f: {  	s0 =	sshrl.u32 s0, $0x4;
	s1 =	simm.s32 @!p0 $0x0  }
0x40: {  	s0 =	ssub.s32 s0, s1  }
0x41: {  	s26 =	spop (v2sf);
	s28 =	sshll.u32 s0, $0x4  }
0x42: {  	s0 =	ssub.s32 s26, s28  }
0x43: {  	s0 =	sadd.s32 $0x1FFF, s0  }
0x44: {  	s29 =	sand.u32 $0x1FFF, s0  }
0x45: {  	s30 =	sshra.s32 s0, $0x1F;
	p5 =	slt.s32 s0, $0x1;
	p6 =	sne.s32 s29, $0x0  }
0x46: {  	s31 =	sshrl.u32 s30, $0x13;
	p0 =	por !p5, !p6  }
0x47: {  	s1 =	simm.s32 $0x1;
	s0 =	sadd.s32 s31, s0;
	p0 =	por !p0, !p0  }
0x48: {  	s0 =	sshra.s32 s0, $0xD;
	s1 =	simm.s32 @!p0 $0x0  }
0x49: {  	s0 =	ssub.s32 s0, s1  }
0x4a: {  	p0 =	slt.s32 s0, $0x1  }
.Ltmp4:
0x4b: {  	_ = 	snop;
	(pc) =	sbr.rel @!p0 .LBB2_3-.Ltmp4, $4  }
.Ltmp5:
0x4c: {  	_ = 	snop;
	(pc) =	sbr.rel @p0 .LBB2_42-.Ltmp5, $4  }
0x4d: {  	[dreg:$0xf] =	wrdreg s28  }
0x4e: {  	[dreg:$0x11] =	wrdreg s28  }
0x4f: {  	s5 =	simm.s32 $0x0;
	[dreg:$0x10] =	wrdreg s0  }
0x50: {  	_ = 	snop  }
.LBB2_41:
0x51: {  	s5 =	rddreg [dreg:$0x12]  }
0x52: {  	s0 =	rddreg [dreg:$0x10];
	s5 =	sadd.s32 $0x1, s5  }
0x53: {  	p0 =	sne.s32 s5, s0  }
.Ltmp6:
0x54: {  	_ = 	snop;
	(pc) =	sbr.rel @!p0 .LBB2_42-.Ltmp6, $4  }
0x55: {  	_ = 	snop  }
0x56: {  	s31 =	rddreg [dreg:$0x11]  }
0x57: {  	s0 =	sadd.s32 $0x2000, s31  }
0x58: {  	s3 =	simm.s32 $0x1;
	[dreg:$0x11] =	wrdreg s0  }
.LBB2_3:
0x59: {  	s0 =	sshll.u32 s5, $0xD;
	s1 =	rddreg [dreg:$0xf]  }
0x5a: {  	s31 =	sadd.s32 s1, s0  }
0x5b: {  	s24 =	rddreg [dreg:$0x3];
	s0 =	sshrl.u32 s31, $0x3  }
0x5c: {  	s2 =	simm.s32 $0x900;
	s4 =	simm.s32 $0x0;
	s1 =	sadd.s32 s24, s0  }
0x5d: {  	[tilespmem:s2], [sflag:$0x1] =	stream.linear.gather [hbm4b:s1+s4], $0x2100, $0x38;
	[tilespmem:$0xD100] =	vst v63  }
0x5e: {  	_ =	swait.ge [sflag:s3], $0x2100  }
0x5f: {  	[sflag:s3] =	ssyncset.done $0x0;
	s25 =	rddreg [dreg:$0x5]  }
0x60: {  	s26 =	simm.s32 $0x2A00;
	[sflag:s3] =	ssyncadd.s32 $0xFFFFDF00;
	s1 =	sadd.s32 s25, s0  }
0x61: {  	[tilespmem:s26], [sflag:$0x1] =	stream.linear.gather [hbm4b:s1+s4], $0x2100, $0x38;
	[tilespmem:$0xD100] =	vst v63  }
0x62: {  	_ =	swait.ge [sflag:s3], $0x2100  }
0x63: {  	s29 =	simm.s32 $0x4B00;
	[sflag:s3] =	ssyncset.done $0x0;
	s28 =	rddreg [dreg:$0x6]  }
.Ltmp7:
0x64: {  	[sflag:s3] =	ssyncadd.s32 $0xFFFFDF00;
	s0 =	sadd.s32 s28, s0;
	(pc) =	sbr.rel .LBB2_4-.Ltmp7, $4  }
0x65: {  	[tilespmem:s29], [sflag:$0x1] =	stream.linear.gather [hbm4b:s0+s4], $0x2100, $0x38;
	[tilespmem:$0xD100] =	vst v63  }
0x66: {  	s30 =	sadd.s32 $0x2000, s31;
	_ =	swait.ge [sflag:s3], $0x2100  }
0x67: {  	p0 =	seq.s32 s5, $0x0;
	[dreg:$0x13] =	wrdreg s30;
	[sflag:s3] =	ssyncset.done $0x0  }
0x68: {  	s7 =	simm.s32 $0x0;
	[dreg:$0x12] =	wrdreg s5;
	[sflag:s3] =	ssyncadd.s32 $0xFFFFDF00  }
.LBB2_35:
0x69: {  	v5 =	vmov v8;
	v4 =	vmov v27  }
.LBB2_39:
0x6a: {  	_ =	sdelay $0x4  }
0x6b: {  	v6, v7, _ =	vpop @p1 (xrf1)  }
0x6c: {  	v6 =	vperm.xlane @p1 v6, v2  }
0x6d: {  	v7 =	vperm.xlane @p1 v7, v2  }
0x6e: {  	vm0 =	vle.f32 @p1 v5, v6  }
0x6f: {  	v10 =	vsel @p1 vm0, v6, v5;
	v11 =	vsel @p1 vm0, v7, v4  }
0x70: {  	(xrf1) =	vsort.ascd.msk.f32 @p1 $0xffff, v10, v11;
	_ =	sdelay $0xc  }
0x71: {  	v10, v11, _ =	vpop (xrf1)  }
0x72: {  	v10 =	vperm.xlane v10, v2;
	v12, v13, _ =	vpop @p1 (xrf1)  }
0x73: {  	v5 =	vsel @p1 vm0, v5, v6;
	v6 =	vperm.xlane v11, v2;
	v3 =	vpsel p1, v12, v3  }
0x74: {  	v4 =	vsel @p1 vm0, v4, v7;
	v7 =	vpsel p1, v13, v9;
	vm14 =	vle.f32 v3, v10  }
0x75: {  	(xrf1) =	vsort.ascd.msk.f32 @p1 $0xffff, v5, v4;
	v3 =	vsel vm14, v3, v10;
	v4 =	vsel vm14, v7, v6  }
0x76: {  	(xrf1) =	vsort.ascd.msk.f32 $0xffff, v3, v4;
	_ =	sdelay $0xc  }
0x77: {  	v3, v4, _ =	vpop @p1 (xrf1)  }
0x78: {  	v5, v6, _ =	vpop (xrf1)  }
0x79: {  	v5 =	vperm.xlane v5, v2  }
0x7a: {  	v3 =	vpsel p1, v3, v8;
	v6 =	vperm.xlane v6, v2  }
0x7b: {  	v4 =	vpsel p1, v4, v27;
	vm15 =	vle.f32 v3, v5  }
0x7c: {  	v7 =	vsel vm15, v5, v3;
	v8 =	vsel vm15, v6, v4  }
0x7d: {  	v3 =	vsel vm15, v3, v5;
	v4 =	vsel vm15, v4, v6;
	(xrf1) =	vsort.ascd.msk.f32 $0xffff, v7, v8  }
0x7e: {  	(xrf1) =	vsort.ascd.msk.f32 $0xffff, v3, v4;
	_ =	sdelay $0xc  }
0x7f: {  	v3, v9, _ =	vpop (xrf1)  }
0x80: {  	v8, v27, _ =	vpop (xrf1)  }
.LBB2_40:
0x81: {  	s0 =	sshll.u32 s2, $0x4  }
0x82: {  	v4 =	vld [tilespmem:s0+$0xCE00];
	_ =	sdelay $0x4  }
0x83: {  	v5 =	vld [tilespmem:s0+$0xCF80];
	[tilespmem:$0xCE00] =	vst v4  }
0x84: {  	v4 =	vld [tilespmem:$0xCE00];
	_ =	sdelay $0x1  }
0x85: {  	s0 =	ssub.s32 s1, s0  }
0x86: {  	v6 =	vmov s0  }
0x87: {  	vm0 =	vgt.s32 v6, v0  }
0x88: {  	v6 =	vnsel vm0, $0x0, v5;
	v4 =	vnsel vm0, $0x7F800000, v4  }
0x89: {  	(xrf1) =	vsort.ascd.msk.f32 $0xffff, v4, v6;
	_ =	sdelay $0xd  }
0x8a: {  	v4, v6, _ =	vpop (xrf1)  }
0x8b: {  	v4 =	vperm.xlane v4, v2  }
0x8c: {  	v6 =	vperm.xlane v6, v2  }
0x8d: {  	vm14 =	vle.f32 v3, v4  }
0x8e: {  	v3 =	vsel vm14, v3, v4;
	v60 =	vsel vm14, v9, v6  }
0x8f: {  	(xrf1) =	vsort.ascd.msk.f32 $0xffff, v3, v60;
	_ =	sdelay $0xd  }
0x90: {  	v3, v4, _ =	vpop (xrf1)  }
0x91: {  	v3 =	vperm.xlane v3, v2  }
0x92: {  	v4 =	vperm.xlane v4, v2  }
0x93: {  	vm15 =	vle.f32 v8, v3  }
0x94: {  	v61 =	vsel vm15, v8, v3;
	v7 =	vsel vm15, v27, v4  }
0x95: {  	v3 =	vsel vm15, v3, v8;
	v4 =	vsel vm15, v4, v27;
	(xrf1) =	vsort.ascd.msk.f32 $0xffff, v61, v7  }
0x96: {  	(xrf1) =	vsort.ascd.msk.f32 $0xffff, v3, v4;
	_ =	sdelay $0xa  }
0x97: {  	s7 =	sadd.s32 $0x1, s7  }
0x98: {  	p1 =	sne.s32 s7, $0x188  }
.Ltmp8:
0x99: {  	[tilespmem:$0xCF80] =	vst v5;
	v3, v4, _ =	vpop (xrf1);
	(pc) =	sbr.rel @!p1 .LBB2_41-.Ltmp8, $4  }
0x9a: {  	s30 =	sor.u32 $0x10, s6;
	v63, v62, _ =	vpop (xrf1);
	[tilespmem:s6+$0x6C00] =	vst v3  }
0x9b: {  	[tilespmem:s30+$0x6C00] =	vst v63  }
0x9c: {  	[tilespmem:s6+$0x9D00] =	vst v4  }
0x9d: {  	[tilespmem:s30+$0x9D00] =	vst v62  }
.LBB2_4:
0x9e: {  	v3 =	vld [tilespmem:s7+$0x500];
	_ =	sdelay $0x1  }
0x9f: {  	v4 =	vld [tilespmem:s7+$0x700];
	_ =	sdelay $0x2  }
0xa0: {  	(v2sf) =	vpush v3, $0x0;
	_ =	sdelay $0x1  }
0xa1: {  	(v2sf) =	vpush v4, $0x0;
	_ =	sdelay $0xc  }
0xa2: {  	s4 =	smul.u32 $0xC, s7;
	s5 =	smov.u32 s31;
	s0 =	spop (v2sf)  }
0xa3: {  	s1 =	rddreg [dreg:$0x13];
	s9 =	simm.s32 $0x1;
	p1 =	sgt.s32 s0, s31  }
0xa4: {  	s4 =	sshra.s32 s4, $0x2;
	s2 =	spop (v2sf);
	s5 =	smov.u32 @p1 s0  }
0xa5: {  	p1 =	slt.s32 s31, s0;
	s0 =	simm.s32 $0x1;
	p2 =	slt.s32 s2, s1  }
0xa6: {  	s6 =	ssub.s32 s5, s31;
	s0 =	simm.s32 @!p1 $0x0;
	s22 =	sand.u32 $0xF, s5  }
0xa7: {  	s1 =	smov.u32 @p2 s2;
	s3 =	sshra.s32 s6, $0x1F;
	p5 =	sne.s32 s22, $0x0  }
0xa8: {  	s24 =	sadd.s32 $0xF, s6;
	s28 =	ssub.s32 s1, s31;
	s0 =	sor.u32 s0, s3  }
0xa9: {  	s3 =	sshrl.u32 s3, $0x1C;
	s25 =	sand.u32 $0xF, s24;
	s8 =	sshra.s32 s24, $0x1F  }
0xaa: {  	p6 =	slt.s32 s24, $0x1;
	p4 =	sne.s32 s0, $0x1;
	s23 =	sadd.s32 s3, s6  }
0xab: {  	p3 =	sne.s32 s25, $0x0;
	s26 =	sshrl.u32 s8, $0x1C;
	p1 =	por !p5, !p4  }
0xac: {  	s8 =	simm.s32 $0x1;
	p2 =	por !p1, !p1;
	p1 =	por !p6, !p3  }
0xad: {  	s0 =	sshrl.u32 s23, $0x4;
	s2 =	sadd.s32 s26, s24;
	p1 =	por !p1, !p1  }
0xae: {  	s2 =	sshra.s32 s2, $0x4;
	s9 =	simm.s32 @!p2 $0x0;
	s8 =	simm.s32 @!p1 $0x0  }
0xaf: {  	[dreg:$0x15] =	wrdreg s2;
	s0 =	ssub.s32 s0, s9;
	s2 =	ssub.s32 s2, s8  }
0xb0: {  	p2 =	sge.s32 s6, s28;
	s0 =	sshll.u32 s0, $0x4;
	s14 =	sshll.u32 s2, $0x4  }
0xb1: {  	v3 =	vld [tilespmem:s4+$0x0];
	p3 =	sge.s32 @!p2 s0, s14  }
0xb2: {  	p4 =	por p3, p2  }
0xb3: {  	v7 =	vld @!p4 [tilespmem:s0+$0x900]  }
0xb4: {  	v8 =	vld @!p4 [tilespmem:s0+$0x2A00];
	_ =	sdelay $0x1  }
0xb5: {  	s10 =	sshll.u32 s7, $0x5;
	v4 =	vbroadcast v3, $0x0;
	v9 =	vld @!p4 [tilespmem:s0+$0x4B00]  }
0xb6: {  	v5 =	vbroadcast v3, $0x1;
	v6 =	vbroadcast v3, $0x2;
	v3 =	vld [tilespmem:s10+$0x6C10];
	_ =	sdelay $0x1  }
0xb7: {  	v7 =	vsub.f32 @!p4 v7, v4;
	v8 =	vsub.f32 @!p4 v8, v5;
	_ =	sdelay $0x1  }
0xb8: {  	v9 =	vsub.f32 @!p4 v9, v6;
	v7 =	vmul.f32 @!p4 v7, v7;
	v8 =	vmul.f32 @!p4 v8, v8  }
0xb9: {  	v3 =	vpsel p0, $0x7F800000, v3  }
0xba: {  	s0 =	sadd.s32 @!p4 s31, s0;
	v10 =	vlaneseq.u32 @!p4;
	v7 =	vadd.f32 @!p4 v8, v7;
	v8 =	vmul.f32 @!p4 v9, v9  }
0xbb: {  	v12 =	vmov s5;
	v13 =	vmov s1;
	v14 =	vor.u32 @!p4 s0, v10  }
0xbc: {  	vm0 =	vge.s32 @!p4 v14, v12;
	vm1 =	vlt.s32 @!p4 v14, v13;
	v7 =	vadd.f32 @!p4 v8, v7  }
0xbd: {  	v10 =	vbroadcast v3, $0x3;
	vm0 =	vmand @!p4 vm0, vm1  }
0xbe: {  	v8 =	vnsel @!p4 vm0, $0x7F800000, v7  }
0xbf: {  	v7 =	vimm.s32 @!p4 $0x0;
	vm0 =	vlt.f32 @!p4 v8, v10  }
0xc0: {  	v7 =	vsel @!p4 vm0, $0x1, v7  }
0xc1: {  	(xrf0) =	vadd.scan.msk.s32 @!p4 $0xffff, v7;
	_ =	sdelay $0x1  }
0xc2: {  	p5 =	sne.s32 s1, s31;
	s0 =	simm.s32 $0x1  }
0xc3: {  	s29 =	sshra.s32 s28, $0x1F;
	s0 =	simm.s32 @!p5 $0x0  }
0xc4: {  	s1 =	sand.u32 $0xF, s1;
	s0 =	sor.u32 s0, s29  }
0xc5: {  	p6 =	sne.s32 s1, $0x0;
	p5 =	sne.s32 s0, $0x1  }
0xc6: {  	s30 =	sshrl.u32 s29, $0x1C;
	p5 =	por !p6, !p5;
	v15, _, _ =	vpop @!p4 (xrf0)  }
0xc7: {  	s1 =	simm.s32 $0x1;
	s0 =	sadd.s32 s30, s28;
	p5 =	por !p5, !p5;
	v16 =	vsub.s32 @!p4 v15, v7  }
0xc8: {  	s0 =	sshrl.u32 s0, $0x4;
	s1 =	simm.s32 @!p5 $0x0  }
0xc9: {  	s0 =	ssub.s32 s0, s1  }
0xca: {  	v11 =	vld [tilespmem:s10+$0x9D10];
	s0 =	sshll.u32 s0, $0x4  }
0xcb: {  	s4 =	smov.u32 s14;
	s1 =	simm.s32 @!p4 $0xCE00;
	v9 =	vld [tilespmem:s10+$0x9D00];
	p5 =	sgt.s32 s0, s14  }
0xcc: {  	s4 =	smov.u32 @p5 s0;
	v7 =	vld [tilespmem:s10+$0x6C00];
	[tilespmem:v16+s1+$0x0] =	vst.idx.msk @!p4 vm0, v8;
	s1 =	simm.s32 @!p4 $0xCF80  }
0xcd: {  	p5 =	sle.s32 s28, s4;
	[tilespmem:v16+s1+$0x0] =	vst.idx.msk @!p4 vm0, v14  }
0xce: {  	v8 =	vld @!p5 [tilespmem:s4+$0x900]  }
0xcf: {  	v14 =	vld @!p5 [tilespmem:s4+$0x2A00];
	_ =	sdelay $0x1  }
0xd0: {  	v16 =	vld @!p5 [tilespmem:s4+$0x4B00];
	_ =	sdelay $0x2  }
0xd1: {  	v8 =	vsub.f32 @!p5 v8, v4;
	v14 =	vsub.f32 @!p5 v14, v5;
	_ =	sdelay $0x1  }
0xd2: {  	v16 =	vsub.f32 @!p5 v16, v6;
	v8 =	vmul.f32 @!p5 v8, v8;
	v14 =	vmul.f32 @!p5 v14, v14;
	_ =	sdelay $0x1  }
0xd3: {  	v17 =	vlaneseq.u32 @!p5;
	s1 =	sadd.s32 @!p5 s31, s4;
	v8 =	vadd.f32 @!p5 v14, v8;
	v14 =	vmul.f32 @!p5 v16, v16  }
0xd4: {  	v16 =	vor.u32 @!p5 s1, v17  }
0xd5: {  	vm0 =	vge.s32 @!p5 v16, v12;
	vm1 =	vlt.s32 @!p5 v16, v13;
	v8 =	vadd.f32 @!p5 v14, v8  }
0xd6: {  	vm0 =	vmand @!p5 vm0, vm1  }
0xd7: {  	v8 =	vnsel @!p5 vm0, $0x7F800000, v8  }
0xd8: {  	v12 =	vimm.s32 @!p5 $0x0;
	vm0 =	vlt.f32 @!p5 v8, v10  }
0xd9: {  	v13 =	vsel @!p5 vm0, $0x1, v12  }
0xda: {  	(xrf0) =	vadd.scan.msk.s32 @!p5 $0xffff, v13;
	_ =	sdelay $0x1  }
0xdb: {  	v13 =	vbroadcast @!p4 v15, $0xF  }
0xdc: {  	p3 =	por !p3, p2  }
0xdd: {  	v13 =	vpsel !p3, $0x0, v13  }
0xde: {  	s0 =	ssub.s32 s0, s14;
	v12 =	vsel @!p5 vm0, $0xFFFFFFFF, v12;
	v13 =	vpsel p2, $0x0, v13  }
0xdf: {  	s0 =	sshra.s32 s0, $0x4;
	v12 =	vadd.s32 @!p5 v12, v13;
	v14, _, _ =	vpop @!p5 (xrf0)  }
0xe0: {  	s1 =	smov.u32 s0;
	p2 =	sgt.s32 s0, $0x0;
	v12 =	vadd.s32 @!p5 v14, v12  }
0xe1: {  	s1 =	simm.s32 @!p2 $0x0;
	p2 =	slt.s32 s0, $0x1  }
.Ltmp9:
0xe2: {  	_ = 	snop;
	(pc) =	sbr.rel @p2 .LBB2_11-.Ltmp9, $4  }
0xe3: {  	v14 =	vbroadcast @!p5 v14, $0xF  }
0xe4: {  	s3 =	simm.s32 @!p5 $0xCE00  }
0xe5: {  	[tilespmem:v12+s3+$0x0] =	vst.idx.msk @!p5 vm0, v8;
	s3 =	simm.s32 @!p5 $0xCF80;
	v8 =	vadd.s32 @!p5 v13, v14  }
0xe6: {  	s15 =	smin.u32 s1, $0x4;
	[tilespmem:v12+s3+$0x0] =	vst.idx.msk @!p5 vm0, v16;
	v8 =	vpsel p5, v13, v8  }
0xe7: {  	p3 =	sne.s32 s15, $0x1  }
.Ltmp10:
0xe8: {  	s0 =	sshll.u32 s2, $0x6;
	(pc) =	sbr.rel @!p3 .LBB2_6-.Ltmp10, $4  }
0xe9: {  	s3 =	sshra.s32 s0, $0x2  }
0xea: {  	s5 =	sadd.s32 $0x2A00, s3  }
0xeb: {  	s30 =	rddreg [dreg:$0x11];
	s9 =	sadd.s32 $0xFFFFFFFF, s15;
	s0 =	sadd.s32 $0x900, s3;
	v12 =	vld [tilespmem:s5+$0x0]  }
0xec: {  	p2 =	por $0x0, $0x0;
	s4 =	sadd.s32 $0x4B00, s3;
	s3 =	sadd.s32 s14, s30;
	v13 =	vld [tilespmem:s0+$0x0]  }
0xed: {  	_ = 	snop  }
0xee: {  	v14 =	vld [tilespmem:s4+$0x0];
	_ =	sdelay $0x2  }
0xef: {  	v12 =	vsub.f32 v12, v5;
	v13 =	vsub.f32 v13, v4;
	_ =	sdelay $0x1  }
0xf0: {  	v14 =	vsub.f32 v14, v6;
	v12 =	vmul.f32 v12, v12;
	v13 =	vmul.f32 v13, v13;
	_ =	sdelay $0x1  }
0xf1: {  	v12 =	vadd.f32 v12, v13;
	v13 =	vmul.f32 v14, v14;
	_ =	sdelay $0x1  }
0xf2: {  	v12 =	vadd.f32 v13, v12;
	_ =	sdelay $0x1  }
0xf3: {  	vm0 =	vlt.f32 v12, v10  }
0xf4: {  	v13 =	vsel vm0, $0x1, v1  }
0xf5: {  	(xrf0) =	vadd.scan.msk.s32 $0xffff, v13;
	_ =	sdelay $0x4  }
0xf6: {  	v13 =	vsel vm0, $0xFFFFFFFF, v1  }
0xf7: {  	v13 =	vadd.s32 v13, v8;
	v14, _, _ =	vpop (xrf0)  }
0xf8: {  	v13 =	vadd.s32 v14, v13;
	_ =	sdelay $0x3  }
0xf9: {  	p3 =	sne.s32 s9, $0x1  }
.Ltmp11:
0xfa: {  	[tilespmem:v13+s19+$0x0] =	vst.idx.msk vm0, v12;
	v12 =	vor.u32 s3, v0;
	(pc) =	sbr.rel @!p3 .LBB2_8-.Ltmp11, $4  }
0xfb: {  	s6 =	sadd.s32 $0x10, s5;
	[tilespmem:v13+s20+$0x0] =	vst.idx.msk vm0, v12  }
0xfc: {  	s8 =	sadd.s32 $0x10, s0;
	v14 =	vbroadcast v14, $0xF;
	v12 =	vld [tilespmem:s6+$0x0]  }
0xfd: {  	s0 =	sadd.s32 $0xFFFFFFFF, s9;
	v13 =	vld [tilespmem:s8+$0x0]  }
0xfe: {  	s4 =	sadd.s32 $0x10, s4;
	p2 =	por $0x1, $0x1;
	s5 =	smov.u32 s3;
	v8 =	vadd.s32 v8, v14  }
.LBB2_9:
0xff: {  	p3 =	sne.s32 s0, $0x1;
	v14 =	vld [tilespmem:s4+$0x0];
	_ =	sdelay $0x2  }
0x100: {  	v12 =	vsub.f32 v12, v5;
	v13 =	vsub.f32 v13, v4;
	_ =	sdelay $0x1  }
0x101: {  	v12 =	vmul.f32 v12, v12;
	v14 =	vsub.f32 v14, v6;
	v13 =	vmul.f32 v13, v13;
	_ =	sdelay $0x1  }
0x102: {  	v12 =	vadd.f32 v12, v13;
	v13 =	vmul.f32 v14, v14;
	_ =	sdelay $0x1  }
0x103: {  	v12 =	vadd.f32 v13, v12;
	_ =	sdelay $0x1  }
0x104: {  	vm0 =	vlt.f32 v12, v10  }
0x105: {  	v13 =	vsel vm0, $0xFFFFFFFF, v1;
	v14 =	vsel vm0, $0x1, v1  }
0x106: {  	(xrf0) =	vadd.scan.msk.s32 $0xffff, v14;
	_ =	sdelay $0x5  }
0x107: {  	v13 =	vadd.s32 v13, v8;
	v14, _, _ =	vpop (xrf0)  }
0x108: {  	v13 =	vadd.s32 v14, v13;
	v14 =	vbroadcast v14, $0xF;
	_ =	sdelay $0x1  }
0x109: {  	v8 =	vadd.s32 v8, v14;
	_ =	sdelay $0x1  }
0x10a: {  	s5 =	sadd.s32 $0x10, s5  }
.Ltmp12:
0x10b: {  	v14 =	vor.u32 s5, v0;
	[tilespmem:v13+s19+$0x0] =	vst.idx.msk vm0, v12;
	(pc) =	sbr.rel @p3 .LBB2_9-.Ltmp12, $4  }
0x10c: {  	s6 =	sadd.s32 $0x10, s6;
	[tilespmem:v13+s20+$0x0] =	vst.idx.msk vm0, v14  }
0x10d: {  	s8 =	sadd.s32 $0x10, s8;
	v12 =	vld [tilespmem:s6+$0x0]  }
0x10e: {  	v13 =	vld [tilespmem:s8+$0x0]  }
0x10f: {  	s0 =	sadd.s32 $0xFFFFFFFF, s0;
	s4 =	sadd.s32 $0x10, s4  }
.LBB2_10:
0x110: {  	v14 =	vld [tilespmem:s4+$0x0];
	_ =	sdelay $0x2  }
0x111: {  	v12 =	vsub.f32 v12, v5;
	v13 =	vsub.f32 v13, v4;
	_ =	sdelay $0x1  }
0x112: {  	v12 =	vmul.f32 v12, v12;
	v14 =	vsub.f32 v14, v6;
	v13 =	vmul.f32 v13, v13;
	_ =	sdelay $0x1  }
0x113: {  	v12 =	vadd.f32 v12, v13;
	v59 =	vmul.f32 v14, v14;
	_ =	sdelay $0x1  }
0x114: {  	v12 =	vadd.f32 v59, v12;
	_ =	sdelay $0x1  }
0x115: {  	vm0 =	vlt.f32 v12, v10  }
0x116: {  	v60 =	vsel vm0, $0x1, v1  }
0x117: {  	(xrf0) =	vadd.scan.msk.s32 $0xffff, v60;
	_ =	sdelay $0x4  }
0x118: {  	v61 =	vsel vm0, $0xFFFFFFFF, v1  }
0x119: {  	v13 =	vadd.s32 v61, v8;
	v62, _, _ =	vpop (xrf0)  }
0x11a: {  	v13 =	vadd.s32 v62, v13;
	_ =	sdelay $0x2  }
0x11b: {  	s0 =	sadd.s32 @p2 $0x10, s5  }
0x11c: {  	s3 =	smov.u32 @p2 s0;
	v14 =	vbroadcast v62, $0xF  }
0x11d: {  	v63 =	vor.u32 s3, v0;
	[tilespmem:v13+s19+$0x0] =	vst.idx.msk vm0, v12  }
0x11e: {  	v8 =	vadd.s32 v8, v14;
	[tilespmem:v13+s20+$0x0] =	vst.idx.msk vm0, v63  }
.LBB2_11:
0x11f: {  	(v2sf) =	vpush v8, $0x0;
	_ =	sdelay $0xe  }
0x120: {  	s3 =	spop (v2sf)  }
0x121: {  	s0 =	sand.u32 $0xF, s3  }
0x122: {  	s4 =	sshra.s32 s3, $0x1F;
	p2 =	slt.s32 s3, $0x1;
	p3 =	sne.s32 s0, $0x0  }
0x123: {  	s30 =	sshrl.u32 s4, $0x1C;
	p2 =	por !p2, !p3  }
0x124: {  	s4 =	simm.s32 $0x1;
	s0 =	sadd.s32 s30, s3;
	p2 =	por !p2, !p2  }
0x125: {  	s0 =	sshra.s32 s0, $0x4;
	s4 =	simm.s32 @!p2 $0x0  }
0x126: {  	s4 =	ssub.s32 s0, s4  }
0x127: {  	p2 =	slt.s32 s4, $0x1  }
.Ltmp13:
0x128: {  	_ = 	snop;
	(pc) =	sbr.rel @p2 .LBB2_18-.Ltmp13, $2  }
0x129: {  	_ =	sdelay $0x2  }
0x12a: {  	v8 =	vpsel p0, $0x7F800000, v7;
	v27 =	vpsel p0, $0x0, v9;
	v9 =	vpsel p0, $0x0, v11  }
0x12b: {  	s0 =	simm.s32 $0xCE00  }
0x12c: {  	s5 =	simm.s32 $0xCF80;
	v10 =	vld [tilespmem:s0+$0x0]  }
0x12d: {  	p3 =	sne.s32 s4, $0x1;
	v11 =	vld [tilespmem:s5+$0x0]  }
.Ltmp14:
0x12e: {  	_ = 	snop;
	(pc) =	sbr.rel @!p3 .LBB2_13-.Ltmp14, $2  }
0x12f: {  	_ =	sdelay $0x2  }
0x130: {  	p2 =	por $0x0, $0x0;
	s0 =	sadd.s32 $0xFFFFFFFF, s4;
	(xrf1) =	vsort.ascd.msk.f32 $0xffff, v10, v11  }
0x131: {  	_ =	sdelay $0xc  }
0x132: {  	v10, v11, _ =	vpop (xrf1)  }
0x133: {  	s5 =	simm.s32 $0xCE10;
	v10 =	vperm.xlane v10, v2  }
0x134: {  	s6 =	simm.s32 $0xCF90;
	v12 =	vld [tilespmem:s5+$0x0];
	v11 =	vperm.xlane v11, v2  }
0x135: {  	p3 =	sne.s32 s0, $0x1;
	v13 =	vld [tilespmem:s6+$0x0];
	vm0 =	vle.f32 v3, v10  }
.Ltmp15:
0x136: {  	v10 =	vsel vm0, v3, v10;
	v11 =	vsel vm0, v9, v11;
	(pc) =	sbr.rel @!p3 .LBB2_15-.Ltmp15, $2  }
0x137: {  	(xrf1) =	vsort.ascd.msk.f32 $0xffff, v10, v11;
	_ =	sdelay $0x2  }
0x138: {  	s8 =	sadd.s32 $0xFFFFFFFF, s0;
	p2 =	por $0x1, $0x1;
	(xrf1) =	vsort.ascd.msk.f32 $0xffff, v12, v13;
	v11 =	vmov v8;
	v10 =	vmov v27  }
.LBB2_16:
0x139: {  	_ = 	snop  }
0x13a: {  	p3 =	sne.s32 s8, $0x1;
	s8 =	sadd.s32 $0xFFFFFFFF, s8;
	_ =	sdelay $0x8  }
0x13b: {  	v12, v13, _ =	vpop (xrf1)  }
0x13c: {  	v12 =	vperm.xlane v12, v2  }
0x13d: {  	v13 =	vperm.xlane v13, v2  }
0x13e: {  	v14, v15, _ =	vpop (xrf1);
	vm0 =	vle.f32 v11, v12  }
0x13f: {  	v14 =	vperm.xlane v14, v2;
	v16 =	vsel vm0, v12, v11;
	v17 =	vsel vm0, v13, v10  }
0x140: {  	v11 =	vsel vm0, v11, v12;
	v10 =	vsel vm0, v10, v13;
	(xrf1) =	vsort.ascd.msk.f32 $0xffff, v16, v17  }
0x141: {  	(xrf1) =	vsort.ascd.msk.f32 $0xffff, v11, v10;
	_ =	sdelay $0xb  }
0x142: {  	s5 =	sadd.s32 $0x10, s5  }
0x143: {  	s6 =	sadd.s32 $0x10, s6;
	v13 =	vperm.xlane v15, v2;
	v12 =	vld [tilespmem:s5+$0x0];
	v15, v16, _ =	vpop (xrf1)  }
0x144: {  	v17 =	vld [tilespmem:s6+$0x0];
	vm0 =	vle.f32 v15, v14;
	v11, v10, _ =	vpop (xrf1)  }
.Ltmp16:
0x145: {  	v14 =	vsel vm0, v15, v14;
	v13 =	vsel vm0, v16, v13;
	(pc) =	sbr.rel @p3 .LBB2_16-.Ltmp16, $2  }
0x146: {  	(xrf1) =	vsort.ascd.msk.f32 $0xffff, v14, v13;
	_ =	sdelay $0x2  }
0x147: {  	(xrf1) =	vsort.ascd.msk.f32 $0xffff, v12, v17  }
.LBB2_17:
0x148: {  	_ =	sdelay $0x9  }
0x149: {  	v12, v13, _ =	vpop @p2 (xrf1)  }
0x14a: {  	v12 =	vperm.xlane @p2 v12, v2  }
0x14b: {  	v13 =	vperm.xlane @p2 v13, v2  }
0x14c: {  	vm0 =	vle.f32 @p2 v11, v12  }
0x14d: {  	v14 =	vsel @p2 vm0, v12, v11;
	v15 =	vsel @p2 vm0, v13, v10  }
0x14e: {  	(xrf1) =	vsort.ascd.msk.f32 @p2 $0xffff, v14, v15;
	_ =	sdelay $0xc  }
0x14f: {  	v14, v15, _ =	vpop (xrf1)  }
0x150: {  	v14 =	vperm.xlane v14, v2;
	v16, v17, _ =	vpop @p2 (xrf1)  }
0x151: {  	v11 =	vsel @p2 vm0, v11, v12;
	v63 =	vperm.xlane v15, v2;
	v3 =	vpsel p2, v16, v3  }
0x152: {  	v10 =	vsel @p2 vm0, v10, v13;
	v9 =	vpsel p2, v17, v9;
	vm14 =	vle.f32 v3, v14  }
0x153: {  	(xrf1) =	vsort.ascd.msk.f32 @p2 $0xffff, v11, v10;
	v3 =	vsel vm14, v3, v14;
	v9 =	vsel vm14, v9, v63  }
0x154: {  	(xrf1) =	vsort.ascd.msk.f32 $0xffff, v3, v9;
	_ =	sdelay $0xc  }
0x155: {  	v3, v9, _ =	vpop @p2 (xrf1)  }
0x156: {  	v10, v11, _ =	vpop (xrf1)  }
0x157: {  	v10 =	vperm.xlane v10, v2  }
0x158: {  	v3 =	vpsel p2, v3, v8;
	v8 =	vperm.xlane v11, v2  }
0x159: {  	v7 =	vpsel p2, v9, v27;
	vm15 =	vle.f32 v3, v10  }
0x15a: {  	v9 =	vsel vm15, v10, v3;
	v11 =	vsel vm15, v8, v7  }
0x15b: {  	v3 =	vsel vm15, v3, v10;
	v7 =	vsel vm15, v7, v8;
	(xrf1) =	vsort.ascd.msk.f32 $0xffff, v9, v11  }
0x15c: {  	(xrf1) =	vsort.ascd.msk.f32 $0xffff, v3, v7;
	_ =	sdelay $0xc  }
0x15d: {  	v3, v9, _ =	vpop (xrf1)  }
0x15e: {  	v8, v27, _ =	vpop (xrf1);
	v10 =	vbroadcast v3, $0x3  }
.LBB2_18:
0x15f: {  	s0 =	ssub.s32 s1, s15  }
0x160: {  	s5 =	sand.u32 $0xF, s0  }
0x161: {  	p2 =	slt.s32 s0, $0x1;
	p3 =	sne.s32 s5, $0x0  }
0x162: {  	p2 =	por !p2, !p3  }
0x163: {  	s5 =	simm.s32 $0x1;
	p2 =	por !p2, !p2  }
0x164: {  	s4 =	sshll.u32 s4, $0x4;
	s0 =	sshrl.u32 s0, $0x4;
	s5 =	simm.s32 @!p2 $0x0  }
0x165: {  	v11 =	vld [tilespmem:s4+$0xCE00];
	s21 =	ssub.s32 s0, s5  }
0x166: {  	v12 =	vld [tilespmem:s4+$0xCF80];
	p2 =	slt.s32 s21, $0x1  }
.Ltmp17:
0x167: {  	_ = 	snop;
	(pc) =	sbr.rel @p2 .LBB2_29-.Ltmp17, $3  }
0x168: {  	_ =	sdelay $0x1  }
0x169: {  	s30 =	ssub.s32 s3, s4;
	[tilespmem:$0xCE00] =	vst v11  }
0x16a: {  	[dreg:$0x14] =	wrdreg s10;
	v26 =	vmov s30;
	[tilespmem:$0xCF80] =	vst v12  }
0x16b: {  	s4 =	sadd.s32 $0x10, s14;
	s8 =	sadd.s32 $0x20, s14;
	s9 =	sadd.s32 $0x30, s14  }
.Ltmp18:
0x16c: {  	s10 =	sadd.s32 $0x40, s14;
	s11 =	sadd.s32 $0x50, s14;
	v18 =	vmov s14;
	v11 =	vmov s4;
	v12 =	vmov s8;
	(pc) =	sbr.rel .LBB2_20-.Ltmp18, $4  }
0x16d: {  	s24 =	sadd.s32 $0x60, s14;
	s23 =	sadd.s32 $0x70, s14;
	s16 =	sadd.s32 $0x90, s14;
	v13 =	vmov s9;
	v14 =	vmov s10;
	v15 =	vmov s11  }
0x16e: {  	s17 =	sadd.s32 $0xA0, s14;
	s18 =	sadd.s32 $0xB0, s14;
	s3 =	sadd.s32 $0xC0, s14;
	v16 =	vmov s24;
	v17 =	vmov s23;
	v19 =	vmov s16  }
0x16f: {  	s5 =	sadd.s32 $0xD0, s14;
	s6 =	sadd.s32 $0xE0, s14;
	s28 =	sadd.s32 $0xF0, s14;
	v20 =	vmov s17;
	v21 =	vmov s18;
	v22 =	vmov s3  }
0x170: {  	s26 =	simm.s32 $0x0;
	v23 =	vmov s5;
	v24 =	vmov s6;
	v25 =	vmov s28  }
.LBB2_21:
0x171: {  	v27 =	vmov v9;
	v9 =	vld [tilespmem:$0x1FFF0]  }
.LBB2_28:
0x172: {  	s0 =	sshll.u32 s25, $0x4  }
0x173: {  	s26 =	sadd.s32 $0x1, s26;
	v7 =	vld [tilespmem:s0+$0xCE00]  }
0x174: {  	v10 =	vld [tilespmem:s0+$0xCF80];
	p2 =	sne.s32 s26, s21  }
.Ltmp19:
0x175: {  	_ = 	snop;
	(pc) =	sbr.rel @!p2 .LBB2_29-.Ltmp19, $3  }
0x176: {  	_ =	sdelay $0x1  }
0x177: {  	s0 =	ssub.s32 s13, s0;
	[tilespmem:$0xCE00] =	vst v7  }
0x178: {  	v26 =	vmov s0;
	[tilespmem:$0xCF80] =	vst v10;
	v10 =	vbroadcast v3, $0x3  }
.LBB2_20:
0x179: {  	_ = 	snop  }
0x17a: {  	s0 =	sshll.u32 s26, $0x4  }
0x17b: {  	s0 =	sor.u32 s15, s0  }
0x17c: {  	s25 =	sshll.u32 s0, $0x4  }
0x17d: {  	v30 =	vld.idx.msk [tilespmem:v11+s25+$0x900 ss:$0x1], $0xffff  }
0x17e: {  	v31 =	vld.idx.msk [tilespmem:v11+s25+$0x2A00 ss:$0x1], $0xffff  }
0x17f: {  	v32 =	vld.idx.msk [tilespmem:v11+s25+$0x4B00 ss:$0x1], $0xffff  }
0x180: {  	v33 =	vld.idx.msk [tilespmem:v12+s25+$0x900 ss:$0x1], $0xffff  }
0x181: {  	v34 =	vld.idx.msk [tilespmem:v12+s25+$0x2A00 ss:$0x1], $0xffff  }
0x182: {  	v35 =	vld.idx.msk [tilespmem:v12+s25+$0x4B00 ss:$0x1], $0xffff  }
0x183: {  	v36 =	vld.idx.msk [tilespmem:v13+s25+$0x900 ss:$0x1], $0xffff  }
0x184: {  	v42 =	vld.idx.msk [tilespmem:v13+s25+$0x2A00 ss:$0x1], $0xffff  }
0x185: {  	v37 =	vld.idx.msk [tilespmem:v13+s25+$0x4B00 ss:$0x1], $0xffff  }
0x186: {  	v38 =	vld.idx.msk [tilespmem:v14+s25+$0x900 ss:$0x1], $0xffff  }
0x187: {  	v47 =	vld.idx.msk [tilespmem:v14+s25+$0x4B00 ss:$0x1], $0xffff  }
0x188: {  	v39 =	vld.idx.msk [tilespmem:v15+s25+$0x900 ss:$0x1], $0xffff  }
0x189: {  	v40 =	vld.idx.msk [tilespmem:v15+s25+$0x4B00 ss:$0x1], $0xffff;
	v30 =	vsub.f32 v30, v4;
	v31 =	vsub.f32 v31, v5  }
0x18a: {  	s13 =	sadd.s32 s2, s0;
	v56 =	vld.idx.msk [tilespmem:v16+s25+$0x4B00 ss:$0x1], $0xffff;
	v32 =	vsub.f32 v32, v6;
	v33 =	vsub.f32 v33, v4  }
0x18b: {  	s13 =	sshll.u32 s13, $0x4;
	v58 =	vld.idx.msk [tilespmem:v17+s25+$0x900 ss:$0x1], $0xffff;
	v34 =	vsub.f32 v34, v5;
	v46 =	vsub.f32 v35, v6  }
0x18c: {  	[tilespmem:$0x1FFF0] =	vst v9;
	v9 =	vmov v27;
	v27 =	vld [tilespmem:s13+$0x900];
	v36 =	vsub.f32 v36, v4;
	v50 =	vsub.f32 v37, v6  }
0x18d: {  	v28 =	vld [tilespmem:s13+$0x2A00];
	v38 =	vsub.f32 v38, v4;
	v35 =	vsub.f32 v47, v6  }
0x18e: {  	v29 =	vld [tilespmem:s13+$0x4B00];
	v57 =	vsub.f32 v39, v4;
	v61 =	vsub.f32 v40, v6  }
0x18f: {  	v60 =	vld.idx.msk [tilespmem:v17+s25+$0x2A00 ss:$0x1], $0xffff;
	v37 =	vsub.f32 v56, v6;
	v30 =	vmul.f32 v30, v30;
	v31 =	vmul.f32 v31, v31  }
0x190: {  	v45 =	vld.idx.msk [tilespmem:v14+s25+$0x2A00 ss:$0x1], $0xffff;
	v39 =	vsub.f32 v58, v4;
	v44 =	vmul.f32 v32, v32;
	v33 =	vmul.f32 v33, v33  }
0x191: {  	v49 =	vld.idx.msk [tilespmem:v15+s25+$0x2A00 ss:$0x1], $0xffff;
	v27 =	vsub.f32 v27, v4;
	v34 =	vmul.f32 v34, v34;
	v32 =	vmul.f32 v46, v46  }
0x192: {  	v54 =	vld.idx.msk [tilespmem:v16+s25+$0x2A00 ss:$0x1], $0xffff;
	v28 =	vsub.f32 v28, v5;
	v36 =	vmul.f32 v36, v36;
	v53 =	vmul.f32 v50, v50  }
0x193: {  	v29 =	vsub.f32 v29, v6;
	v55 =	vmul.f32 v38, v38;
	v59 =	vmul.f32 v35, v35  }
0x194: {  	v38 =	vmul.f32 v57, v57;
	v35 =	vsub.f32 v60, v5;
	v27 =	vmul.f32 v27, v27  }
0x195: {  	v62 =	vld.idx.msk [tilespmem:v17+s25+$0x4B00 ss:$0x1], $0xffff;
	v41 =	vmul.f32 v29, v29;
	v29 =	vsub.f32 v42, v5;
	v43 =	vadd.f32 v31, v30  }
0x196: {  	v46 =	vld.idx.msk [tilespmem:v18+s25+$0x2A80 ss:$0x1], $0xffff;
	v28 =	vmul.f32 v28, v28;
	v48 =	vadd.f32 v34, v33;
	v31 =	vsub.f32 v45, v5  }
0x197: {  	v56 =	vld.idx.msk [tilespmem:v20+s25+$0x2A00 ss:$0x1], $0xffff;
	v39 =	vmul.f32 v39, v39;
	v33 =	vsub.f32 v49, v5;
	v34 =	vsub.f32 v54, v5  }
0x198: {  	v42 =	vld.idx.msk [tilespmem:v18+s25+$0x980 ss:$0x1], $0xffff;
	v35 =	vmul.f32 v35, v35;
	v27 =	vadd.f32 v28, v27;
	v51 =	vmul.f32 v29, v29  }
0x199: {  	v28 =	vadd.f32 v44, v43;
	v29 =	vadd.f32 v32, v48;
	v31 =	vmul.f32 v31, v31;
	v48 =	vld.idx.msk [tilespmem:v18+s25+$0x4B80 ss:$0x1], $0xffff  }
0x19a: {  	v33 =	vmul.f32 v33, v33;
	v43 =	vld.idx.msk [tilespmem:v19+s25+$0x900 ss:$0x1], $0xffff;
	v54 =	vadd.f32 v35, v39;
	v27 =	vadd.f32 v41, v27  }
0x19b: {  	v50 =	vmul.f32 v37, v37;
	v44 =	vld.idx.msk [tilespmem:v20+s25+$0x900 ss:$0x1], $0xffff;
	v52 =	vadd.f32 v51, v36;
	v36 =	vsub.f32 v46, v5  }
0x19c: {  	v45 =	vmul.f32 v61, v61;
	v41 =	vld.idx.msk [tilespmem:v16+s25+$0x900 ss:$0x1], $0xffff;
	v31 =	vadd.f32 v31, v55;
	v63 =	vadd.f32 v33, v38  }
0x19d: {  	v34 =	vmul.f32 v34, v34;
	v51 =	vld.idx.msk [tilespmem:v19+s25+$0x2A00 ss:$0x1], $0xffff;
	v42 =	vsub.f32 v42, v4;
	v38 =	vsub.f32 v56, v5  }
0x19e: {  	v46 =	vld.idx.msk [tilespmem:v22+s25+$0x900 ss:$0x1], $0xffff;
	vm9 =	vlt.f32 v28, v10;
	vm10 =	vlt.f32 v29, v10;
	v30 =	vadd.f32 v53, v52  }
0x19f: {  	v52 =	vsub.f32 v62, v6;
	v53 =	vld.idx.msk [tilespmem:v19+s25+$0x4B00 ss:$0x1], $0xffff;
	v36 =	vmul.f32 v36, v36;
	vm8 =	vlt.f32 v27, v10  }
0x1a0: {  	v62 =	vld.idx.msk [tilespmem:v21+s25+$0x2A00 ss:$0x1], $0xffff;
	v31 =	vadd.f32 v59, v31;
	v32 =	vadd.f32 v45, v63;
	v58 =	vmul.f32 v42, v42  }
0x1a1: {  	v59 =	vld.idx.msk [tilespmem:v20+s25+$0x4B00 ss:$0x1], $0xffff;
	v38 =	vmul.f32 v38, v38;
	v57 =	vsub.f32 v48, v6;
	v43 =	vsub.f32 v43, v4  }
0x1a2: {  	v45 =	vld.idx.msk [tilespmem:v21+s25+$0x900 ss:$0x1], $0xffff;
	v55 =	vmul.f32 v52, v52;
	v44 =	vsub.f32 v44, v4;
	v41 =	vsub.f32 v41, v4  }
0x1a3: {  	vm14 =	vlt.f32 v30, v10;
	v37 =	vsub.f32 v51, v5;
	v60 =	vadd.f32 v36, v58  }
0x1a4: {  	v46 =	vsub.f32 v46, v4;
	vm12 =	vlt.f32 v31, v10;
	v61 =	vmul.f32 v57, v57  }
0x1a5: {  	v48 =	vld.idx.msk [tilespmem:v21+s25+$0x4B00 ss:$0x1], $0xffff;
	vm15 =	vlt.f32 v32, v10;
	v63 =	vmul.f32 v43, v43;
	v40 =	vsub.f32 v53, v6  }
0x1a6: {  	v47 =	vmul.f32 v41, v41;
	v39 =	vsub.f32 v62, v5;
	v35 =	vadd.f32 v61, v60  }
0x1a7: {  	v51 =	vld.idx.msk [tilespmem:v22+s25+$0x2A00 ss:$0x1], $0xffff;
	v53 =	vmul.f32 v44, v44;
	v52 =	vsub.f32 v59, v6;
	v45 =	vsub.f32 v45, v4  }
0x1a8: {  	v57 =	vld.idx.msk [tilespmem:v23+s25+$0x2A00 ss:$0x1], $0xffff;
	v37 =	vmul.f32 v37, v37;
	v49 =	vadd.f32 v34, v47;
	v34 =	vadd.f32 v55, v54  }
0x1a9: {  	v60 =	vld.idx.msk [tilespmem:v23+s25+$0x4B00 ss:$0x1], $0xffff;
	v55 =	vadd.f32 v38, v53;
	v39 =	vmul.f32 v39, v39;
	v53 =	vmul.f32 v46, v46  }
0x1aa: {  	v54 =	vld.idx.msk [tilespmem:v22+s25+$0x4B00 ss:$0x1], $0xffff;
	v58 =	vsub.f32 v48, v6;
	v56 =	vmul.f32 v52, v52;
	v59 =	vmul.f32 v45, v45  }
0x1ab: {  	v47 =	vld.idx.msk [tilespmem:v23+s25+$0x900 ss:$0x1], $0xffff;
	vm7 =	vlt.f32 v35, v10;
	v33 =	vadd.f32 v50, v49;
	v49 =	vadd.f32 v37, v63  }
0x1ac: {  	v48 =	vld.idx.msk [tilespmem:v24+s25+$0x900 ss:$0x1], $0xffff;
	v50 =	vmul.f32 v40, v40;
	v40 =	vsub.f32 v51, v5;
	v62 =	vmul.f32 v58, v58  }
0x1ad: {  	v41 =	vsub.f32 v57, v5;
	vm11 =	vlt.f32 v34, v10;
	v38 =	vadd.f32 v56, v55  }
0x1ae: {  	v63 =	vld.idx.msk [tilespmem:v24+s25+$0x2A00 ss:$0x1], $0xffff;
	v61 =	vadd.f32 v39, v59;
	v36 =	vadd.f32 v50, v49;
	v40 =	vmul.f32 v40, v40  }
0x1af: {  	v57 =	vld.idx.msk [tilespmem:v25+s25+$0x2A00 ss:$0x1], $0xffff;
	v41 =	vmul.f32 v41, v41;
	v59 =	vsub.f32 v60, v6;
	v52 =	vsub.f32 v54, v6  }
0x1b0: {  	v49 =	vld.idx.msk [tilespmem:v25+s25+$0x900 ss:$0x1], $0xffff;
	vm13 =	vlt.f32 v33, v10;
	v47 =	vsub.f32 v47, v4;
	v39 =	vadd.f32 v62, v61  }
0x1b1: {  	v60 =	vld.idx.msk [tilespmem:v25+s25+$0x4B00 ss:$0x1], $0xffff;
	v61 =	vsel vm8, $0x1, v1;
	v62 =	vsub.f32 v48, v4;
	vm5 =	vlt.f32 v38, v10  }
0x1b2: {  	v54 =	vld.idx.msk [tilespmem:v24+s25+$0x4B00 ss:$0x1], $0xffff;
	v55 =	vadd.f32 v40, v53;
	(xrf0) =	vadd.scan.msk.s32 $0xffff, v61;
	v40 =	vmul.f32 v59, v59;
	v61 =	vsel vm12, $0x1, v1  }
0x1b3: {  	vm6 =	vlt.f32 v36, v10;
	v56 =	vmul.f32 v52, v52;
	v58 =	vmul.f32 v47, v47  }
0x1b4: {  	v42 =	vsub.f32 v63, v5;
	v43 =	vsub.f32 v57, v5;
	v44 =	vmul.f32 v62, v62  }
0x1b5: {  	v52 =	vsel vm9, $0x1, v1;
	v57 =	vsel vm9, $0xFFFFFFFF, v1;
	v62 =	vsel vm10, $0xFFFFFFFF, v1  }
0x1b6: {  	vm4 =	vlt.f32 v39, v10;
	v63 =	vsub.f32 v49, v4;
	v42 =	vmul.f32 v42, v42  }
0x1b7: {  	(xrf0) =	vadd.scan.msk.s32 $0xffff, v52;
	v45 =	vsub.f32 v60, v6;
	v46 =	vsub.f32 v54, v6;
	v54 =	vsel vm10, $0x1, v1  }
0x1b8: {  	v43 =	vmul.f32 v43, v43;
	v60 =	vsel vm14, $0x1, v1;
	v47 =	vmul.f32 v63, v63;
	(xrf0) =	vadd.scan.msk.s32 $0xffff, v54  }
0x1b9: {  	v37 =	vadd.f32 v56, v55;
	v41 =	vadd.f32 v41, v58;
	v56 =	vsel vm8, $0xFFFFFFFF, v1;
	(xrf0) =	vadd.scan.msk.s32 $0xffff, v60  }
0x1ba: {  	v44 =	vadd.f32 v42, v44;
	v45 =	vmul.f32 v45, v45;
	v43 =	vadd.f32 v43, v47;
	(xrf0) =	vadd.scan.msk.s32 $0xffff, v61  }
0x1bb: {  	v42 =	vadd.f32 v40, v41;
	v54 =	vsel vm13, $0x1, v1;
	v46 =	vmul.f32 v46, v46;
	v53, _, _ =	vpop (xrf0)  }
0x1bc: {  	v55 =	vbroadcast v53, $0xF;
	v40 =	vadd.f32 v45, v43;
	v45 =	vadd.s32 v56, v26  }
0x1bd: {  	vm3 =	vlt.f32 v37, v10;
	v58, _, _ =	vpop (xrf0);
	v45 =	vadd.s32 v53, v45;
	v53 =	vsel vm15, $0x1, v1  }
0x1be: {  	v60 =	vsel vm4, $0x1, v1;
	v41 =	vadd.f32 v46, v44;
	v26 =	vadd.s32 v26, v55;
	v50, _, _ =	vpop (xrf0)  }
0x1bf: {  	v59 =	vbroadcast v58, $0xF;
	v56 =	vsel vm11, $0x1, v1;
	v44 =	vadd.s32 v57, v26;
	(xrf0) =	vadd.scan.msk.s32 $0xffff, v53;
	v51, _, _ =	vpop (xrf0)  }
0x1c0: {  	v57 =	vsel vm7, $0x1, v1;
	v44 =	vadd.s32 v58, v44;
	v52 =	vbroadcast v50, $0xF;
	(xrf0) =	vadd.scan.msk.s32 $0xffff, v54;
	v53, _, _ =	vpop (xrf0)  }
0x1c1: {  	v26 =	vadd.s32 v26, v59;
	v58 =	vsel vm6, $0x1, v1;
	(xrf0) =	vadd.scan.msk.s32 $0xffff, v56;
	v54 =	vbroadcast v53, $0xF  }
0x1c2: {  	v63 =	vadd.s32 v62, v26;
	v26 =	vadd.s32 v26, v52;
	v52 =	vbroadcast v51, $0xF;
	(xrf0) =	vadd.scan.msk.s32 $0xffff, v57  }
0x1c3: {  	v61 =	vsel vm3, $0x1, v1;
	v55 =	vsel vm14, $0xFFFFFFFF, v1;
	v59 =	vsel vm5, $0x1, v1;
	(xrf0) =	vadd.scan.msk.s32 $0xffff, v58  }
0x1c4: {  	v46 =	vadd.s32 v50, v63;
	v50 =	vadd.s32 v55, v26;
	v26 =	vadd.s32 v26, v52;
	(xrf0) =	vadd.scan.msk.s32 $0xffff, v59  }
0x1c5: {  	vm2 =	vlt.f32 v42, v10;
	vm0 =	vlt.f32 v41, v10;
	v52 =	vadd.s32 v26, v54;
	v54, _, _ =	vpop (xrf0);
	(xrf0) =	vadd.scan.msk.s32 $0xffff, v60  }
0x1c6: {  	vm1 =	vlt.f32 v40, v10;
	v62 =	vsel vm2, $0x1, v1;
	v55 =	vbroadcast v54, $0xF;
	v56, _, _ =	vpop (xrf0);
	(xrf0) =	vadd.scan.msk.s32 $0xffff, v61  }
0x1c7: {  	v48 =	vsel vm1, $0x1, v1;
	v63 =	vsel vm0, $0x1, v1;
	v57 =	vbroadcast v56, $0xF;
	v58, _, _ =	vpop (xrf0);
	(xrf0) =	vadd.scan.msk.s32 $0xffff, v62  }
0x1c8: {  	s22 =	sadd.s32 s25, s4;
	v50 =	vadd.s32 v51, v50;
	v10 =	vadd.s32 v52, v55;
	v55 =	vbroadcast v58, $0xF;
	v59, _, _ =	vpop (xrf0);
	(xrf0) =	vadd.scan.msk.s32 $0xffff, v63  }
0x1c9: {  	s0 =	sadd.s32 s31, s22;
	v61 =	vsel vm12, $0xFFFFFFFF, v1;
	v51 =	vadd.s32 v10, v57;
	v57 =	vbroadcast v59, $0xF;
	v60, _, _ =	vpop (xrf0);
	(xrf0) =	vadd.scan.msk.s32 $0xffff, v48  }
0x1ca: {  	s30 =	simm.s32 $0xCE00;
	s13 =	sadd.s32 s31, s13;
	v49 =	vor.u32 s0, v0;
	v48, _, _ =	vpop (xrf0);
	v55 =	vadd.s32 v51, v55;
	v62 =	vbroadcast v60, $0xF  }
0x1cb: {  	s29 =	simm.s32 $0xCF80;
	v43 =	vor.u32 s13, v0;
	[tilespmem:v45+s30+$0x0] =	vst.idx.msk vm8, v27;
	v63, _, _ =	vpop (xrf0);
	v27 =	vadd.s32 v55, v57;
	v57 =	vbroadcast v48, $0xF  }
0x1cc: {  	[tilespmem:v45+s29+$0x0] =	vst.idx.msk vm8, v43;
	v26 =	vadd.s32 v61, v26;
	v61, _, _ =	vpop (xrf0);
	v43 =	vadd.s32 v27, v62;
	v45 =	vbroadcast v63, $0xF  }
0x1cd: {  	[tilespmem:v44+s30+$0x0] =	vst.idx.msk vm9, v28;
	v26 =	vadd.s32 v53, v26;
	v53, _, _ =	vpop (xrf0);
	v57 =	vadd.s32 v43, v57;
	v62 =	vbroadcast v61, $0xF  }
0x1ce: {  	s12 =	sadd.s32 s25, s8;
	v28 =	vsel vm15, $0xFFFFFFFF, v1;
	[tilespmem:v44+s29+$0x0] =	vst.idx.msk vm9, v49;
	v7, _, _ =	vpop (xrf0);
	v44 =	vadd.s32 v57, v45;
	v45 =	vbroadcast v53, $0xF  }
0x1cf: {  	s13 =	sadd.s32 s31, s12;
	v28 =	vadd.s32 v28, v52;
	[tilespmem:v46+s30+$0x0] =	vst.idx.msk vm10, v29;
	v29 =	vadd.s32 v44, v62;
	v49 =	vbroadcast v7, $0xF;
	v52, _, _ =	vpop (xrf0)  }
0x1d0: {  	s22 =	sadd.s32 s25, s9;
	v47 =	vor.u32 s13, v0;
	v45 =	vadd.s32 v29, v45;
	v62 =	vbroadcast v52, $0xF  }
0x1d1: {  	s0 =	sadd.s32 s31, s22;
	v28 =	vadd.s32 v54, v28;
	v54 =	vsel vm13, $0xFFFFFFFF, v1;
	[tilespmem:v46+s29+$0x0] =	vst.idx.msk vm10, v47;
	v46 =	vadd.s32 v45, v49  }
0x1d2: {  	s12 =	sadd.s32 s25, s10;
	[tilespmem:v50+s30+$0x0] =	vst.idx.msk vm14, v30;
	v10 =	vadd.s32 v54, v10;
	v54 =	vor.u32 s0, v0;
	v47 =	vadd.s32 v46, v62  }
0x1d3: {  	s22 =	sadd.s32 s31, s12;
	[tilespmem:v50+s29+$0x0] =	vst.idx.msk vm14, v54;
	v10 =	vadd.s32 v56, v10;
	v56 =	vsel vm11, $0xFFFFFFFF, v1;
	(v2sf) =	vpush v47, $0x0  }
0x1d4: {  	s12 =	sadd.s32 s25, s11;
	v30 =	vadd.s32 v56, v51;
	[tilespmem:v26+s30+$0x0] =	vst.idx.msk vm12, v31;
	v62 =	vor.u32 s22, v0  }
0x1d5: {  	s22 =	sadd.s32 s31, s12;
	[tilespmem:v26+s29+$0x0] =	vst.idx.msk vm12, v62;
	v26 =	vadd.s32 v58, v30;
	v47 =	vsel vm7, $0xFFFFFFFF, v1  }
0x1d6: {  	s12 =	sadd.s32 s25, s24;
	v49 =	vor.u32 s22, v0;
	[tilespmem:v28+s30+$0x0] =	vst.idx.msk vm15, v32;
	v30 =	vadd.s32 v47, v55  }
0x1d7: {  	v51 =	vsel vm6, $0xFFFFFFFF, v1;
	s22 =	sadd.s32 s31, s12;
	[tilespmem:v28+s29+$0x0] =	vst.idx.msk vm15, v49;
	v50 =	vadd.s32 v59, v30  }
0x1d8: {  	v27 =	vadd.s32 v51, v27;
	s12 =	sadd.s32 s25, s23;
	v54 =	vor.u32 s22, v0;
	[tilespmem:v10+s30+$0x0] =	vst.idx.msk vm13, v33  }
0x1d9: {  	s22 =	sadd.s32 s25, s14;
	s13 =	sadd.s32 s31, s12;
	[tilespmem:v10+s29+$0x0] =	vst.idx.msk vm13, v54;
	v10 =	vadd.s32 v60, v27;
	v27 =	vsel vm5, $0xFFFFFFFF, v1  }
0x1da: {  	s0 =	sadd.s32 s31, s22;
	v55 =	vor.u32 s13, v0;
	[tilespmem:v26+s30+$0x0] =	vst.idx.msk vm11, v34;
	v27 =	vadd.s32 v27, v43  }
0x1db: {  	s0 =	sadd.s32 $0x80, s0;
	[tilespmem:v26+s29+$0x0] =	vst.idx.msk vm11, v55;
	v26 =	vadd.s32 v48, v27;
	v27 =	vsel vm4, $0xFFFFFFFF, v1  }
0x1dc: {  	s12 =	sadd.s32 s25, s16;
	v56 =	vor.u32 s0, v0;
	[tilespmem:v50+s30+$0x0] =	vst.idx.msk vm7, v35;
	v27 =	vadd.s32 v27, v57  }
0x1dd: {  	s22 =	sadd.s32 s31, s12;
	v57 =	vsel vm3, $0xFFFFFFFF, v1;
	[tilespmem:v50+s29+$0x0] =	vst.idx.msk vm7, v56;
	v27 =	vadd.s32 v63, v27  }
0x1de: {  	s12 =	sadd.s32 s25, s17;
	v58 =	vor.u32 s22, v0;
	v28 =	vadd.s32 v57, v44;
	[tilespmem:v10+s30+$0x0] =	vst.idx.msk vm6, v36  }
0x1df: {  	s22 =	sadd.s32 s31, s12;
	[tilespmem:v10+s29+$0x0] =	vst.idx.msk vm6, v58;
	v10 =	vadd.s32 v61, v28  }
0x1e0: {  	v59 =	vsel vm2, $0xFFFFFFFF, v1;
	s12 =	sadd.s32 s25, s18;
	v60 =	vor.u32 s22, v0;
	[tilespmem:v26+s30+$0x0] =	vst.idx.msk vm5, v38  }
0x1e1: {  	s22 =	sadd.s32 s31, s12;
	s12 =	sadd.s32 s25, s3;
	v28 =	vadd.s32 v59, v29;
	[tilespmem:v26+s29+$0x0] =	vst.idx.msk vm5, v60  }
0x1e2: {  	s0 =	sadd.s32 s25, s5;
	v62 =	vor.u32 s22, v0;
	s22 =	sadd.s32 s31, s12;
	v26 =	vadd.s32 v53, v28;
	[tilespmem:v27+s30+$0x0] =	vst.idx.msk vm4, v39;
	s13 =	spop (v2sf)  }
0x1e3: {  	s12 =	sadd.s32 s25, s6;
	s0 =	sadd.s32 s31, s0;
	v63 =	vor.u32 s22, v0;
	[tilespmem:v27+s29+$0x0] =	vst.idx.msk vm4, v62;
	v27 =	vsel vm1, $0xFFFFFFFF, v1;
	s22 =	sand.u32 $0xF, s13  }
0x1e4: {  	v61 =	vsel vm0, $0xFFFFFFFF, v1;
	[tilespmem:v10+s30+$0x0] =	vst.idx.msk vm3, v37;
	v27 =	vadd.s32 v27, v46;
	p3 =	slt.s32 s13, $0x1;
	p2 =	sne.s32 s22, $0x0;
	s22 =	sshra.s32 s13, $0x1F  }
0x1e5: {  	v28 =	vadd.s32 v61, v45;
	[tilespmem:v10+s29+$0x0] =	vst.idx.msk vm3, v63;
	v10 =	vadd.s32 v52, v27;
	v27 =	vor.u32 s0, v0;
	s0 =	sadd.s32 s31, s12;
	s22 =	sshrl.u32 s22, $0x1C;
	p2 =	por !p3, !p2  }
0x1e6: {  	v7 =	vadd.s32 v7, v28;
	s12 =	sadd.s32 s22, s13;
	p2 =	por !p2, !p2;
	s22 =	simm.s32 $0x1  }
0x1e7: {  	[tilespmem:v26+s30+$0x0] =	vst.idx.msk vm2, v42;
	s12 =	sshra.s32 s12, $0x4;
	s22 =	simm.s32 @!p2 $0x0  }
0x1e8: {  	[tilespmem:v26+s29+$0x0] =	vst.idx.msk vm2, v27;
	v26 =	vor.u32 s0, v0;
	s0 =	sadd.s32 s25, s28;
	s25 =	ssub.s32 s12, s22  }
0x1e9: {  	p2 =	slt.s32 s25, $0x1  }
.Ltmp20:
0x1ea: {  	_ = 	snop;
	(pc) =	sbr.rel @p2 .LBB2_21-.Ltmp20, $4  }
0x1eb: {  	[tilespmem:v7+s30+$0x0] =	vst.idx.msk vm0, v41  }
0x1ec: {  	s0 =	sadd.s32 s31, s0;
	[tilespmem:v7+s29+$0x0] =	vst.idx.msk vm0, v26  }
0x1ed: {  	v7 =	vor.u32 s0, v0;
	[tilespmem:v10+s30+$0x0] =	vst.idx.msk vm1, v40  }
0x1ee: {  	[tilespmem:v10+s29+$0x0] =	vst.idx.msk vm1, v7  }
0x1ef: {  	v7 =	vld [tilespmem:s30+$0x0]  }
0x1f0: {  	v10 =	vld [tilespmem:s29+$0x0];
	p3 =	sne.s32 s25, $0x1  }
.Ltmp21:
0x1f1: {  	_ = 	snop;
	(pc) =	sbr.rel @!p3 .LBB2_23-.Ltmp21, $2  }
0x1f2: {  	_ =	sdelay $0x2  }
0x1f3: {  	s0 =	sadd.s32 $0xFFFFFFFF, s25;
	p2 =	por $0x0, $0x0;
	v32 =	vmov v9;
	v33 =	vmov v8;
	(xrf1) =	vsort.ascd.msk.f32 $0xffff, v7, v10  }
0x1f4: {  	_ =	sdelay $0xb  }
0x1f5: {  	v8 =	vld [tilespmem:$0x1FFF0]  }
0x1f6: {  	v7, v10, _ =	vpop (xrf1)  }
0x1f7: {  	s30 =	sadd.s32 $0x10, s30;
	v7 =	vperm.xlane v7, v2  }
0x1f8: {  	s29 =	sadd.s32 $0x10, s29;
	v26 =	vld [tilespmem:s30+$0x0];
	v10 =	vperm.xlane v10, v2  }
0x1f9: {  	p3 =	sne.s32 s0, $0x1;
	v27 =	vld [tilespmem:s29+$0x0];
	vm0 =	vle.f32 v3, v7  }
.Ltmp22:
0x1fa: {  	v7 =	vsel vm0, v3, v7;
	v10 =	vsel vm0, v8, v10;
	(pc) =	sbr.rel @!p3 .LBB2_25-.Ltmp22, $2  }
0x1fb: {  	(xrf1) =	vsort.ascd.msk.f32 $0xffff, v7, v10;
	_ =	sdelay $0x2  }
0x1fc: {  	s0 =	sadd.s32 $0xFFFFFFFF, s0;
	p2 =	por $0x1, $0x1;
	(xrf1) =	vsort.ascd.msk.f32 $0xffff, v26, v27;
	v26 =	vmov v33;
	v10 =	vmov v32  }
.LBB2_26:
0x1fd: {  	_ = 	snop  }
0x1fe: {  	p3 =	sne.s32 s0, $0x1;
	s0 =	sadd.s32 $0xFFFFFFFF, s0;
	_ =	sdelay $0x8  }
0x1ff: {  	v7, v27, _ =	vpop (xrf1)  }
0x200: {  	v7 =	vperm.xlane v7, v2  }
0x201: {  	v27 =	vperm.xlane v27, v2  }
0x202: {  	v28, v29, _ =	vpop (xrf1);
	vm0 =	vle.f32 v26, v7  }
0x203: {  	v28 =	vperm.xlane v28, v2;
	v30 =	vsel vm0, v7, v26;
	v31 =	vsel vm0, v27, v10  }
0x204: {  	v7 =	vsel vm0, v26, v7;
	v10 =	vsel vm0, v10, v27;
	(xrf1) =	vsort.ascd.msk.f32 $0xffff, v30, v31  }
0x205: {  	(xrf1) =	vsort.ascd.msk.f32 $0xffff, v7, v10;
	_ =	sdelay $0xb  }
0x206: {  	s30 =	sadd.s32 $0x10, s30  }
0x207: {  	s29 =	sadd.s32 $0x10, s29;
	v27 =	vperm.xlane v29, v2;
	v7 =	vld [tilespmem:s30+$0x0];
	v29, v30, _ =	vpop (xrf1)  }
0x208: {  	v31 =	vld [tilespmem:s29+$0x0];
	vm0 =	vle.f32 v29, v28;
	v26, v10, _ =	vpop (xrf1)  }
.Ltmp23:
0x209: {  	v28 =	vsel vm0, v29, v28;
	v27 =	vsel vm0, v30, v27;
	(pc) =	sbr.rel @p3 .LBB2_26-.Ltmp23, $2  }
0x20a: {  	(xrf1) =	vsort.ascd.msk.f32 $0xffff, v28, v27;
	_ =	sdelay $0x2  }
0x20b: {  	(xrf1) =	vsort.ascd.msk.f32 $0xffff, v7, v31  }
.LBB2_27:
0x20c: {  	_ =	sdelay $0x9  }
0x20d: {  	v7, v27, _ =	vpop @p2 (xrf1)  }
0x20e: {  	v7 =	vperm.xlane @p2 v7, v2  }
0x20f: {  	v27 =	vperm.xlane @p2 v27, v2  }
0x210: {  	vm0 =	vle.f32 @p2 v26, v7  }
0x211: {  	v28 =	vsel @p2 vm0, v7, v26;
	v29 =	vsel @p2 vm0, v27, v10  }
0x212: {  	(xrf1) =	vsort.ascd.msk.f32 @p2 $0xffff, v28, v29;
	_ =	sdelay $0xc  }
0x213: {  	v28, v29, _ =	vpop (xrf1)  }
0x214: {  	v28 =	vperm.xlane v28, v2;
	v30, v31, _ =	vpop @p2 (xrf1)  }
0x215: {  	v7 =	vsel @p2 vm0, v26, v7;
	v26 =	vperm.xlane v29, v2;
	v3 =	vpsel p2, v30, v3  }
0x216: {  	v10 =	vsel @p2 vm0, v10, v27;
	v9 =	vpsel p2, v31, v8;
	vm14 =	vle.f32 v3, v28  }
0x217: {  	(xrf1) =	vsort.ascd.msk.f32 @p2 $0xffff, v7, v10;
	v3 =	vsel vm14, v3, v28;
	v7 =	vsel vm14, v9, v26  }
0x218: {  	(xrf1) =	vsort.ascd.msk.f32 $0xffff, v3, v7;
	_ =	sdelay $0xc  }
0x219: {  	v3, v7, _ =	vpop @p2 (xrf1)  }
0x21a: {  	v9, v10, _ =	vpop (xrf1)  }
0x21b: {  	v9 =	vperm.xlane v9, v2  }
0x21c: {  	v3 =	vpsel p2, v3, v33;
	v8 =	vperm.xlane v10, v2  }
0x21d: {  	v7 =	vpsel p2, v7, v32;
	vm15 =	vle.f32 v3, v9  }
0x21e: {  	v10 =	vsel vm15, v9, v3;
	v26 =	vsel vm15, v8, v7  }
0x21f: {  	v3 =	vsel vm15, v3, v9;
	v7 =	vsel vm15, v7, v8;
	(xrf1) =	vsort.ascd.msk.f32 $0xffff, v10, v26  }
0x220: {  	(xrf1) =	vsort.ascd.msk.f32 $0xffff, v3, v7;
	_ =	sdelay $0x9  }
.Ltmp24:
0x221: {  	_ = 	snop;
	(pc) =	sbr.rel .LBB2_28-.Ltmp24, $3  }
0x222: {  	_ =	sdelay $0x1  }
0x223: {  	v3, v9, _ =	vpop (xrf1)  }
0x224: {  	v8, v27, _ =	vpop (xrf1)  }
.LBB2_23:
.Ltmp25:
0x225: {  	(pc) =	sbr.rel .LBB2_27-.Ltmp25, $2  }
0x226: {  	_ =	sdelay $0x2  }
0x227: {  	v26 =	vmov v33;
	v10 =	vmov v32;
	v8 =	vld [tilespmem:$0x1FFF0]  }
.LBB2_25:
.Ltmp26:
0x228: {  	(pc) =	sbr.rel .LBB2_27-.Ltmp26, $2  }
0x229: {  	_ =	sdelay $0x2  }
0x22a: {  	v26 =	vmov v33;
	v10 =	vmov v32  }
.LBB2_29:
0x22b: {  	s2 =	sshll.u32 s21, $0x4  }
0x22c: {  	s0 =	sor.u32 s15, s2  }
0x22d: {  	p2 =	sge.s32 s0, s1  }
.Ltmp27:
0x22e: {  	_ = 	snop;
	(pc) =	sbr.rel @p2 .LBB2_30-.Ltmp27, $1  }
0x22f: {  	_ =	sdelay $0x3  }
0x230: {  	s4 =	rddreg [dreg:$0x15]  }
0x231: {  	s3 =	simm.s32 $0xFFFFFFFF;
	s4 =	sadd.s32 s15, s4  }
0x232: {  	s3 =	simm.s32 @!p1 $0x0;
	s2 =	sadd.s32 s2, s4  }
0x233: {  	s4 =	sadd.s32 s3, s2  }
0x234: {  	s2 =	sshll.u32 s4, $0x6  }
0x235: {  	s30 =	sshra.s32 s2, $0x2  }
0x236: {  	s6 =	sadd.s32 $0x2A00, s30  }
0x237: {  	s2 =	sadd.s32 $0x900, s30;
	v7 =	vld [tilespmem:s6+$0x0]  }
0x238: {  	v11 =	vld [tilespmem:s2+$0x0]  }
0x239: {  	s3 =	sadd.s32 $0x4B00, s30  }
0x23a: {  	v12 =	vld [tilespmem:s3+$0x0];
	_ =	sdelay $0x2  }
0x23b: {  	v11 =	vsub.f32 v11, v4;
	v7 =	vsub.f32 v7, v5;
	_ =	sdelay $0x1  }
0x23c: {  	v12 =	vsub.f32 v12, v6;
	v11 =	vmul.f32 v11, v11;
	v7 =	vmul.f32 v7, v7;
	_ =	sdelay $0x1  }
0x23d: {  	v7 =	vadd.f32 v7, v11;
	v11 =	vmul.f32 v12, v12;
	_ =	sdelay $0x1  }
0x23e: {  	v7 =	vadd.f32 v11, v7;
	_ =	sdelay $0x1  }
0x23f: {  	vm0 =	vlt.f32 v7, v10  }
0x240: {  	v11 =	vsel vm0, $0x1, v1  }
0x241: {  	(xrf0) =	vadd.scan.msk.s32 $0xffff, v11;
	_ =	sdelay $0x4  }
0x242: {  	v11 =	vsel vm0, $0xFFFFFFFF, v1  }
0x243: {  	s5 =	rddreg [dreg:$0x11];
	s4 =	sshll.u32 s4, $0x4;
	v11 =	vadd.s32 v11, v26;
	v63, _, _ =	vpop (xrf0)  }
0x244: {  	s4 =	sadd.s32 s4, s5;
	s5 =	sadd.s32 $0x1, s0;
	v11 =	vadd.s32 v63, v11  }
0x245: {  	p1 =	slt.s32 s5, s1  }
.Ltmp28:
0x246: {  	_ = 	snop;
	(pc) =	sbr.rel @!p1 .LBB2_33-.Ltmp28, $4  }
0x247: {  	_ = 	snop  }
0x248: {  	v12 =	vbroadcast v63, $0xF  }
0x249: {  	[tilespmem:v11+s19+$0x0] =	vst.idx.msk vm0, v7;
	v7 =	vor.u32 s4, v0  }
0x24a: {  	s0 =	sadd.s32 $0x10, s6;
	s6 =	rddreg [dreg:$0x14];
	v26 =	vadd.s32 v26, v12;
	[tilespmem:v11+s20+$0x0] =	vst.idx.msk vm0, v7  }
.LBB2_32:
0x24b: {  	v7 =	vld [tilespmem:s0+$0x0];
	s2 =	sadd.s32 $0x10, s2  }
0x24c: {  	v11 =	vld [tilespmem:s2+$0x0]  }
0x24d: {  	s5 =	sadd.s32 $0x1, s5;
	s3 =	sadd.s32 $0x10, s3  }
0x24e: {  	p1 =	slt.s32 s5, s1;
	v12 =	vld [tilespmem:s3+$0x0];
	_ =	sdelay $0x2  }
0x24f: {  	v7 =	vsub.f32 v7, v5;
	v11 =	vsub.f32 v11, v4;
	_ =	sdelay $0x1  }
0x250: {  	v7 =	vmul.f32 v7, v7;
	v12 =	vsub.f32 v12, v6;
	v11 =	vmul.f32 v11, v11;
	_ =	sdelay $0x1  }
0x251: {  	v7 =	vadd.f32 v7, v11;
	v11 =	vmul.f32 v12, v12;
	_ =	sdelay $0x1  }
0x252: {  	v7 =	vadd.f32 v11, v7;
	_ =	sdelay $0x1  }
0x253: {  	vm0 =	vlt.f32 v7, v10  }
0x254: {  	v11 =	vsel vm0, $0xFFFFFFFF, v1;
	v12 =	vsel vm0, $0x1, v1  }
0x255: {  	(xrf0) =	vadd.scan.msk.s32 $0xffff, v12;
	_ =	sdelay $0x5  }
0x256: {  	v11 =	vadd.s32 v11, v26;
	v12, _, _ =	vpop (xrf0)  }
0x257: {  	v11 =	vadd.s32 v12, v11;
	v12 =	vbroadcast v12, $0xF;
	_ =	sdelay $0x1  }
.Ltmp29:
0x258: {  	v26 =	vadd.s32 v26, v12;
	(pc) =	sbr.rel @p1 .LBB2_32-.Ltmp29, $4  }
0x259: {  	_ = 	snop  }
0x25a: {  	s4 =	sadd.s32 $0x10, s4  }
0x25b: {  	v12 =	vor.u32 s4, v0;
	[tilespmem:v11+s19+$0x0] =	vst.idx.msk vm0, v7  }
0x25c: {  	s0 =	sadd.s32 $0x10, s0;
	[tilespmem:v11+s20+$0x0] =	vst.idx.msk vm0, v12  }
.Ltmp30:
0x25d: {  	_ = 	snop;
	(pc) =	sbr.rel .LBB2_33-.Ltmp30, $1  }
0x25e: {  	_ =	sdelay $0x3  }
.LBB2_30:
0x25f: {  	s6 =	rddreg [dreg:$0x14]  }
.LBB2_33:
0x260: {  	(v2sf) =	vpush v26, $0x0;
	_ =	sdelay $0xe  }
0x261: {  	s1 =	spop (v2sf)  }
0x262: {  	s0 =	sand.u32 $0xF, s1  }
0x263: {  	s2 =	sshra.s32 s1, $0x1F;
	p1 =	slt.s32 s1, $0x1;
	p2 =	sne.s32 s0, $0x0  }
0x264: {  	s30 =	sshrl.u32 s2, $0x1C;
	p1 =	por !p1, !p2  }
0x265: {  	s2 =	simm.s32 $0x1;
	s0 =	sadd.s32 s30, s1;
	p1 =	por !p1, !p1  }
0x266: {  	s0 =	sshra.s32 s0, $0x4;
	s2 =	simm.s32 @!p1 $0x0  }
0x267: {  	s2 =	ssub.s32 s0, s2  }
0x268: {  	p1 =	slt.s32 s2, $0x1  }
.Ltmp31:
0x269: {  	_ = 	snop;
	(pc) =	sbr.rel @p1 .LBB2_40-.Ltmp31, $1  }
0x26a: {  	_ =	sdelay $0x3  }
0x26b: {  	s0 =	simm.s32 $0xCE00  }
0x26c: {  	s3 =	simm.s32 $0xCF80;
	v4 =	vld [tilespmem:s0+$0x0]  }
0x26d: {  	p2 =	sne.s32 s2, $0x1;
	v5 =	vld [tilespmem:s3+$0x0]  }
.Ltmp32:
0x26e: {  	_ = 	snop;
	(pc) =	sbr.rel @!p2 .LBB2_35-.Ltmp32, $2  }
0x26f: {  	_ =	sdelay $0x2  }
0x270: {  	p1 =	por $0x0, $0x0;
	s0 =	sadd.s32 $0xFFFFFFFF, s2;
	(xrf1) =	vsort.ascd.msk.f32 $0xffff, v4, v5  }
0x271: {  	_ =	sdelay $0xc  }
0x272: {  	v4, v5, _ =	vpop (xrf1)  }
0x273: {  	v4 =	vperm.xlane v4, v2  }
0x274: {  	v5 =	vperm.xlane v5, v2  }
0x275: {  	vm0 =	vle.f32 v3, v4  }
0x276: {  	v4 =	vsel vm0, v3, v4;
	v5 =	vsel vm0, v9, v5  }
0x277: {  	s3 =	simm.s32 $0xCE10;
	(xrf1) =	vsort.ascd.msk.f32 $0xffff, v4, v5  }
0x278: {  	s4 =	simm.s32 $0xCF90;
	v6 =	vld [tilespmem:s3+$0x0]  }
0x279: {  	v7 =	vld [tilespmem:s4+$0x0]  }
0x27a: {  	p2 =	sne.s32 s0, $0x1  }
.Ltmp33:
0x27b: {  	_ = 	snop;
	(pc) =	sbr.rel @!p2 .LBB2_37-.Ltmp33, $3  }
0x27c: {  	_ =	sdelay $0x1  }
0x27d: {  	(xrf1) =	vsort.ascd.msk.f32 $0xffff, v6, v7  }
0x27e: {  	s0 =	sadd.s32 $0xFFFFFFFF, s0;
	p1 =	por $0x1, $0x1;
	v5 =	vmov v8;
	v4 =	vmov v27  }
.LBB2_38:
0x27f: {  	p2 =	sne.s32 s0, $0x1;
	s0 =	sadd.s32 $0xFFFFFFFF, s0;
	_ =	sdelay $0x8  }
0x280: {  	v6, v7, _ =	vpop (xrf1)  }
0x281: {  	v6 =	vperm.xlane v6, v2  }
0x282: {  	v7 =	vperm.xlane v7, v2  }
0x283: {  	v10, v11, _ =	vpop (xrf1);
	vm0 =	vle.f32 v5, v6  }
0x284: {  	v10 =	vperm.xlane v10, v2;
	v12 =	vsel vm0, v6, v5;
	v13 =	vsel vm0, v7, v4  }
0x285: {  	v5 =	vsel vm0, v5, v6;
	v4 =	vsel vm0, v4, v7;
	(xrf1) =	vsort.ascd.msk.f32 $0xffff, v12, v13  }
0x286: {  	(xrf1) =	vsort.ascd.msk.f32 $0xffff, v5, v4;
	_ =	sdelay $0xb  }
0x287: {  	s3 =	sadd.s32 $0x10, s3  }
0x288: {  	s4 =	sadd.s32 $0x10, s4;
	v7 =	vperm.xlane v11, v2;
	v6 =	vld [tilespmem:s3+$0x0];
	v11, v12, _ =	vpop (xrf1)  }
0x289: {  	v13 =	vld [tilespmem:s4+$0x0];
	vm0 =	vle.f32 v11, v10;
	v5, v4, _ =	vpop (xrf1)  }
.Ltmp34:
0x28a: {  	v10 =	vsel vm0, v11, v10;
	v7 =	vsel vm0, v12, v7;
	(pc) =	sbr.rel @p2 .LBB2_38-.Ltmp34, $2  }
0x28b: {  	(xrf1) =	vsort.ascd.msk.f32 $0xffff, v10, v7;
	_ =	sdelay $0x2  }
0x28c: {  	(xrf1) =	vsort.ascd.msk.f32 $0xffff, v6, v13  }
.Ltmp35:
0x28d: {  	_ = 	snop;
	(pc) =	sbr.rel .LBB2_39-.Ltmp35, $1  }
0x28e: {  	_ =	sdelay $0x3  }
.LBB2_6:
.Ltmp36:
0x28f: {  	(pc) =	sbr.rel .LBB2_10-.Ltmp36, $2  }
0x290: {  	_ =	sdelay $0x2  }
0x291: {  	s5 =	smov.u32 s3  }
.LBB2_13:
.Ltmp37:
0x292: {  	(pc) =	sbr.rel .LBB2_17-.Ltmp37, $2  }
0x293: {  	_ =	sdelay $0x2  }
0x294: {  	v11 =	vmov v8;
	v10 =	vmov v27  }
.LBB2_8:
.Ltmp38:
0x295: {  	(pc) =	sbr.rel .LBB2_10-.Ltmp38, $2  }
0x296: {  	_ =	sdelay $0x2  }
0x297: {  	s5 =	smov.u32 s3  }
.LBB2_15:
.Ltmp39:
0x298: {  	(pc) =	sbr.rel .LBB2_17-.Ltmp39, $2  }
0x299: {  	_ =	sdelay $0x2  }
0x29a: {  	v11 =	vmov v8;
	v10 =	vmov v27  }
.LBB2_37:
.Ltmp40:
0x29b: {  	(pc) =	sbr.rel .LBB2_39-.Ltmp40, $2  }
0x29c: {  	_ =	sdelay $0x2  }
0x29d: {  	v5 =	vmov v8;
	v4 =	vmov v27  }
.LBB2_44:
0x29e: {  	_ =	sfence.sel $0x180000  }
0x29f: {  	[bflag:$0x0] =	sbarrier.arrive $0xFFFF  }
0x2a0: {  	_ =	strace $0x90000047  }
0x2a1: {  	s0 =	stileid.u32;
	[bflag:$0x2] =	sbarrier.arrive $0xFFFF  }
0x2a2: {  	p0 =	sne.s32 s0, $0x0;
	s0 =	rddreg [dreg:$0x2]  }
0x2a3: {  	s0 =	sadd.s32 @!p0 $0x100000, s0  }
0x2a4: {  	[sflag:s0] =	ssyncadd.tile.s32 @!p0 $0x1;
	_ =	shalt  }
.Lfunc_end2:
_tile_overlayer_lowered:
.L_overlay_start_2:
0x2a5: {  	(tag) =	ssettag $0x2  }
0x2a6: {  	s0 =	rddreg [dreg:$0x0];
	s2 =	stileid.u32  }
0x2a7: {  	s1 =	rddreg [dreg:$0x1];
	p0 =	sne.s32 s2, $0x0  }
0x2a8: {  	s3 =	rddreg [dreg:$0x2];
	[bflag:$0x3] =	sbarrier.arrive $0xFFFF;
	s2 =	simm.s32 @!p0 $0x1C01  }
0x2a9: {  	[timem:s3], [sflag:s2] =	dma.local @!p0 [hbm:s0], s1  }
0x2aa: {  	s0 =	simm.s32 @!p0 $0x1  }
0x2ab: {  	_ =	swait.ge @!p0 [sflag:s0], s1  }
0x2ac: {  	s1 =	ssub.s32 @!p0 $0x0, s1;
	[sflag:s0] =	ssyncset.done @!p0 $0x0  }
0x2ad: {  	[sflag:s0] =	ssyncadd.s32 @!p0 s1  }
0x2ae: {  	[bflag:$0x3] =	sbarrier.arrive $0xFFFF  }
0x2af: {  	_ =	shalt  }

</sc_bundles>
